<compile_context>
chip_gen: v7x
topology: tpu7x:2x2x1
jax: 0.10.2.dev20260603
libtpu: 0.0.44.dev20260713+nightly
codegen_flags: <defaults>
</compile_context>

<pallas_src>
import functools

import jax
import jax.numpy as jnp
from jax import lax
from jax.experimental import pallas as pl
from jax.experimental.pallas import tpu as pltpu
from jax.experimental.pallas import tpu_sc as plsc

V = 1000
NC = 2
NS = 16
L = 16
NW = NC * NS
LSE_T = 7
LSE_L = 104


def _prep_body(tab_ref, out_ref):
    x = tab_ref[...]
    m = jnp.max(x, axis=1, keepdims=True)
    s = jnp.sum(jnp.exp(x - m), axis=1, keepdims=True)
    lse = m + jnp.log(s)
    for k in range(7):
        out_ref[:, k, :] = x[:, k * 128:(k + 1) * 128]
    out_ref[:, 7, 0:104] = x[:, 896:1000]
    out_ref[:, 7, 104:105] = lse
    out_ref[:, 7, 105:128] = jnp.zeros((V, 23), jnp.float32)


@functools.lru_cache(maxsize=None)
def _make_sc_gather(B):
    SPW = B // NW
    CH = 16
    NCH = SPW // CH
    mesh = plsc.VectorSubcoreMesh(core_axis_name="c", subcore_axis_name="s")

    @functools.partial(
        pl.kernel,
        mesh=mesh,
        compiler_params=pltpu.CompilerParams(
            use_tc_tiling_on_sc=True, disable_bounds_checks=True,
            needs_layout_passes=False),
        out_type=[
            jax.ShapeDtypeStruct((B, V), jnp.float32),
            jax.ShapeDtypeStruct((NW * 8, 128), jnp.float32),
        ],
        scratch_types=[
            pltpu.VMEM((SPW,), jnp.int32),
            pltpu.VMEM((SPW,), jnp.int32),
            pltpu.VMEM((CH, 8, 128), jnp.float32),
            pltpu.VMEM((CH, 8, 128), jnp.float32),
            pltpu.VMEM((CH, 8, 128), jnp.float32),
            pltpu.VMEM((CH, 8, 128), jnp.float32),
            pltpu.VMEM((8, 128), jnp.float32),
            pltpu.VMEM((L,), jnp.float32),
            pltpu.SemaphoreType.DMA,
            pltpu.SemaphoreType.DMA,
            pltpu.SemaphoreType.DMA,
            pltpu.SemaphoreType.DMA,
            pltpu.SemaphoreType.DMA,
            pltpu.SemaphoreType.DMA,
            pltpu.SemaphoreType.DMA,
            pltpu.SemaphoreType.DMA,
        ],
    )
    def sc_gather(tab3_hbm, ids_hbm, tgt_hbm, out_hbm, part_hbm,
                  ids_v, tgt_v, rows0, rows1, rows2, rows3, stage, acc_v,
                  g0, g1, g2, g3, w0, w1, w2, w3):
        wid = lax.axis_index("s") * NC + lax.axis_index("c")
        base = wid * SPW
        pltpu.sync_copy(ids_hbm.at[pl.ds(base, SPW)], ids_v)
        pltpu.sync_copy(tgt_hbm.at[pl.ds(base, SPW)], tgt_v)
        acc_v[...] = jnp.zeros((L,), jnp.float32)

        def start_gather(c, rows_b, gsem):
            h = pltpu.make_async_copy(
                tab3_hbm.at[ids_v.at[pl.ds(c * CH, CH)]], rows_b, gsem)
            h.start()
            return h

        def write_chunk(c, rows_b, wsem):
            r0 = base + c * CH
            zero = wid * 0
            hs = []
            for t in range(8):
                h = pltpu.make_async_copy(
                    rows_b.at[:, t, :],
                    out_hbm.at[pl.ds(r0, CH), pl.ds(zero + t * 128, 128)],
                    wsem)
                h.start()
                hs.append(h)
            return hs

        def loss_chunk(c, rows_b):
            for j in range(CH // L):
                rloc = lax.iota(jnp.int32, 16) + j * L
                t16 = tgt_v[pl.ds(c * CH + j * L, L)]
                lse16 = plsc.load_gather(
                    rows_b, [rloc, jnp.full((L,), LSE_T, jnp.int32),
                             jnp.full((L,), LSE_L, jnp.int32)])
                tv16 = plsc.load_gather(
                    rows_b, [rloc, lax.shift_right_logical(t16, 7),
                             lax.bitwise_and(t16, 127)])
                acc_v[...] = acc_v[...] + (lse16 - tv16)

        ROWS = (rows0, rows1, rows2, rows3)
        GS = (g0, g1, g2, g3)
        WS = (w0, w1, w2, w3)

        def drain_writes(buf, wsem):
            for _ in range(8):
                pltpu.make_async_copy(
                    buf.at[:, 0, :],
                    out_hbm.at[pl.ds(base, CH), pl.ds(0, 128)], wsem).wait()

        start_gather(0, rows0, g0)
        start_gather(1, rows1, g1)

        def body(g, carry):
            for b in range(4):
                c = 4 * g + b
                nb = (b + 2) % 4
                pltpu.make_async_copy(
                    tab3_hbm.at[ids_v.at[pl.ds(c * CH, CH)]], ROWS[b],
                    GS[b]).wait()
                write_chunk(c, ROWS[b], WS[b])

                @pl.when(c + 2 < NCH)
                def _start_next():
                    @pl.when(c - 2 >= 0)
                    def _drain_prev():
                        drain_writes(ROWS[nb], WS[nb])
                    start_gather(c + 2, ROWS[nb], GS[nb])
                loss_chunk(c, ROWS[b])
            return carry

        lax.fori_loop(0, NCH // 4, body, 0)
        for b in range(4):
            drain_writes(ROWS[b], WS[b])
        stage[0, pl.ds(0, L)] = acc_v[...]
        pltpu.sync_copy(stage, part_hbm.at[pl.ds(wid * 8, 8), :])

    return sc_gather


def kernel(input_ids, targets, token_embedding_table):
    B = input_ids.shape[0] * input_ids.shape[1]
    ids = input_ids.reshape(B).astype(jnp.int32)
    tgs = targets.reshape(B).astype(jnp.int32)
    tab3 = pl.pallas_call(
        _prep_body,
        out_shape=jax.ShapeDtypeStruct((V, 8, 128), jnp.float32),
    )(token_embedding_table)
    logits, parts = _make_sc_gather(B)(tab3, ids, tgs)
    loss = jnp.sum(parts[0::8, 0:L]) / B
    return logits, loss

# --- scband reference (transcript-rebuilt; emitter-appended) ---
"""Pipeline reference for scband-bigram-language-model-13400297963789 (READ-ONLY COPY).

The authoritative reference and input builder live on the scoring server;
editing this copy changes nothing except your own understanding.
"""

import jax, jax.numpy as jnp
import numpy as np

VOCAB = 1000
BATCH = 1024
CTX = 50

def setup_inputs(seed: int = 0) -> dict:
    key = jax.random.key(seed)
    k1, k2, k3 = jax.random.split(key, 3)
    input_ids = jax.random.randint(k1, (BATCH, CTX), 0, VOCAB)
    targets = jax.random.randint(k2, (BATCH, CTX), 0, VOCAB)
    token_embedding_table = jax.random.normal(k3, (VOCAB, VOCAB), dtype=jnp.float32)
    return {"input_ids": input_ids, "targets": targets, "token_embedding_table": token_embedding_table}

def reference(input_ids, targets, token_embedding_table):
    # Embedding lookup: each token maps to a row of next-token logits.
    logits = jnp.take(token_embedding_table, input_ids, axis=0)  # (B, T, V)
    B, T, V = logits.shape
    logits2 = logits.reshape(B * T, V)
    targets2 = targets.reshape(B * T)
    # Cross-entropy loss (mean reduction), faithful to F.cross_entropy.
    logp = jax.nn.log_softmax(logits2, axis=-1)
    nll = -jnp.take_along_axis(logp, targets2[:, None], axis=1)[:, 0]
    loss = jnp.mean(nll)
    return (logits2, loss)

if __name__ == "__main__":
    import jax
    _d = setup_inputs()
    print(jax.jit(kernel)(*tuple(_d.values())))

</pallas_src>

<mosaic_0001>
#map = affine_map<(d0, d1) -> (0, 0, 0)>
#map1 = affine_map<(d0, d1) -> (0)>
#map2 = affine_map<(d0, d1) -> (0, 0)>
module attributes {stable_mosaic.version = 14 : i64} {
  func.func @sc_gather(%arg0: i32, %arg1: i32, %arg2: memref<1000x8x128xf32, #tpu.memory_space<hbm>>, %arg3: memref<51200xi32, #tpu.memory_space<hbm>>, %arg4: memref<51200xi32, #tpu.memory_space<hbm>>, %arg5: memref<51200x1000xf32, #tpu.memory_space<hbm>>, %arg6: memref<256x128xf32, #tpu.memory_space<hbm>>, %arg7: memref<1600xi32, #tpu.memory_space<vmem>>, %arg8: memref<1600xi32, #tpu.memory_space<vmem>>, %arg9: memref<16x8x128xf32, #tpu.memory_space<vmem>>, %arg10: memref<16x8x128xf32, #tpu.memory_space<vmem>>, %arg11: memref<16x8x128xf32, #tpu.memory_space<vmem>>, %arg12: memref<16x8x128xf32, #tpu.memory_space<vmem>>, %arg13: memref<8x128xf32, #tpu.memory_space<vmem>>, %arg14: memref<16xf32, #tpu.memory_space<vmem>>, %arg15: memref<!tpu.dma_semaphore, #tpu.memory_space<semaphore_mem>>, %arg16: memref<!tpu.dma_semaphore, #tpu.memory_space<semaphore_mem>>, %arg17: memref<!tpu.dma_semaphore, #tpu.memory_space<semaphore_mem>>, %arg18: memref<!tpu.dma_semaphore, #tpu.memory_space<semaphore_mem>>, %arg19: memref<!tpu.dma_semaphore, #tpu.memory_space<semaphore_mem>>, %arg20: memref<!tpu.dma_semaphore, #tpu.memory_space<semaphore_mem>>, %arg21: memref<!tpu.dma_semaphore, #tpu.memory_space<semaphore_mem>>, %arg22: memref<!tpu.dma_semaphore, #tpu.memory_space<semaphore_mem>>) attributes {dimension_semantics = [#tpu.dimension_semantics<core_parallel>, #tpu.dimension_semantics<subcore_parallel>], iteration_bounds = array<i64: 2, 16>, scalar_prefetch = 0 : i64, scratch_operands = 16 : i64, tpu.core_type = #tpu.core_type<sc_vector_subcore>, window_params = [{transform_indices = #map}, {transform_indices = #map1}, {transform_indices = #map1}, {transform_indices = #map2}, {transform_indices = #map2}]} {
    %mul3A = arith.constant 2 : i32
    %mul3A_0 = arith.muli %arg1, %mul3A : i32
    %add3A = arith.addi %mul3A_0, %arg0 : i32
    %mul3A_1 = arith.constant 1600 : i32
    %mul3A_2 = arith.muli %add3A, %mul3A_1 : i32
    "tpu.region"() ({
      %run_scoped3A = tpu.sem_alloc : memref<!tpu.dma_semaphore, #tpu.memory_space<semaphore_mem>>
      %dma_start3A_443 = tpu.memref_slice %arg3[%mul3A_2] : memref<51200xi32, #tpu.memory_space<hbm>> -> memref<1600xi32, #tpu.memory_space<hbm>>
      %dma_start3A_444 = tpu.memref_slice %arg3[%mul3A_2] : memref<51200xi32, #tpu.memory_space<hbm>> -> memref<1600xi32, #tpu.memory_space<hbm>>
      tpu.enqueue_dma source(%dma_start3A_444 : memref<1600xi32, #tpu.memory_space<hbm>>) target(%arg7 : memref<1600xi32, #tpu.memory_space<vmem>>) target_semaphore(%run_scoped3A : memref<!tpu.dma_semaphore, #tpu.memory_space<semaphore_mem>>)
      %dma_wait3A_445 = tpu.memref_slice %arg3[%mul3A_2] : memref<51200xi32, #tpu.memory_space<hbm>> -> memref<1600xi32, #tpu.memory_space<hbm>>
      %dma_wait3A_446 = tpu.memref_slice %arg3[%mul3A_2] : memref<51200xi32, #tpu.memory_space<hbm>> -> memref<1600xi32, #tpu.memory_space<hbm>>
      tpu.wait_dma2 semaphore(%run_scoped3A : memref<!tpu.dma_semaphore, #tpu.memory_space<semaphore_mem>>) src(%dma_wait3A_446 : memref<1600xi32, #tpu.memory_space<hbm>>) dst(%arg7 : memref<1600xi32, #tpu.memory_space<vmem>>)
      tpu.yield
    }) : () -> ()
    "tpu.region"() ({
      %run_scoped3A = tpu.sem_alloc : memref<!tpu.dma_semaphore, #tpu.memory_space<semaphore_mem>>
      %dma_start3A_443 = tpu.memref_slice %arg4[%mul3A_2] : memref<51200xi32, #tpu.memory_space<hbm>> -> memref<1600xi32, #tpu.memory_space<hbm>>
      %dma_start3A_444 = tpu.memref_slice %arg4[%mul3A_2] : memref<51200xi32, #tpu.memory_space<hbm>> -> memref<1600xi32, #tpu.memory_space<hbm>>
      tpu.enqueue_dma source(%dma_start3A_444 : memref<1600xi32, #tpu.memory_space<hbm>>) target(%arg8 : memref<1600xi32, #tpu.memory_space<vmem>>) target_semaphore(%run_scoped3A : memref<!tpu.dma_semaphore, #tpu.memory_space<semaphore_mem>>)
      %dma_wait3A_445 = tpu.memref_slice %arg4[%mul3A_2] : memref<51200xi32, #tpu.memory_space<hbm>> -> memref<1600xi32, #tpu.memory_space<hbm>>
      %dma_wait3A_446 = tpu.memref_slice %arg4[%mul3A_2] : memref<51200xi32, #tpu.memory_space<hbm>> -> memref<1600xi32, #tpu.memory_space<hbm>>
      tpu.wait_dma2 semaphore(%run_scoped3A : memref<!tpu.dma_semaphore, #tpu.memory_space<semaphore_mem>>) src(%dma_wait3A_446 : memref<1600xi32, #tpu.memory_space<hbm>>) dst(%arg8 : memref<1600xi32, #tpu.memory_space<vmem>>)
      tpu.yield
    }) : () -> ()
    %broadcast_in_dim3A = arith.constant 0.000000e+00 : f32
    %broadcast_in_dim3A_3 = vector.broadcast %broadcast_in_dim3A : f32 to vector<16xf32>
    %swap3A = arith.constant 0 : index
    %swap3A_4 = tpu.vector_load %arg14[%swap3A] {strides = array<i32>} : memref<16xf32, #tpu.memory_space<vmem>>, vector<16xf32>,
    tpu.vector_store %arg14[%swap3A], %broadcast_in_dim3A_3 {strides = array<i32>} : memref<16xf32, #tpu.memory_space<vmem>>, vector<16xf32>,
    %dma_start3A = arith.constant 0 : i32
    %dma_start3A_5 = tpu.memref_slice %arg7[%dma_start3A] : memref<1600xi32, #tpu.memory_space<vmem>> -> memref<16xi32, #tpu.memory_space<vmem>>
    %dma_start3A_6 = arith.constant 0 : i32
    %dma_start3A_7 = arith.constant 0 : i32
    %dma_start3A_8 = arith.constant 0 : i32
    %dma_start3A_9 = tpu.memref_slice %arg2[%dma_start3A_6, %dma_start3A_7, %dma_start3A_8] : memref<1000x8x128xf32, #tpu.memory_space<hbm>> -> memref<1000x8x128xf32, #tpu.memory_space<hbm>>
    tpu.enqueue_indirect_dma source(%dma_start3A_9 : memref<1000x8x128xf32, #tpu.memory_space<hbm>>) target(%arg9 : memref<16x8x128xf32, #tpu.memory_space<vmem>>) offsets(%dma_start3A_5 : memref<16xi32, #tpu.memory_space<vmem>>) semaphore(%arg15 : memref<!tpu.dma_semaphore, #tpu.memory_space<semaphore_mem>>)
    %dma_start3A_10 = arith.constant 16 : i32
    %dma_start3A_11 = tpu.memref_slice %arg7[%dma_start3A_10] : memref<1600xi32, #tpu.memory_space<vmem>> -> memref<16xi32, #tpu.memory_space<vmem>>
    %dma_start3A_12 = arith.constant 0 : i32
    %dma_start3A_13 = arith.constant 0 : i32
    %dma_start3A_14 = arith.constant 0 : i32
    %dma_start3A_15 = tpu.memref_slice %arg2[%dma_start3A_12, %dma_start3A_13, %dma_start3A_14] : memref<1000x8x128xf32, #tpu.memory_space<hbm>> -> memref<1000x8x128xf32, #tpu.memory_space<hbm>>
    tpu.enqueue_indirect_dma source(%dma_start3A_15 : memref<1000x8x128xf32, #tpu.memory_space<hbm>>) target(%arg10 : memref<16x8x128xf32, #tpu.memory_space<vmem>>) offsets(%dma_start3A_11 : memref<16xi32, #tpu.memory_space<vmem>>) semaphore(%arg16 : memref<!tpu.dma_semaphore, #tpu.memory_space<semaphore_mem>>)
    %scan3A = arith.constant 0 : i32
    %scan3A_16 = arith.constant 0 : i32
    %scan3A_17 = arith.constant 25 : i32
    %scan3A_18 = arith.addi %scan3A_16, %scan3A_17 : i32
    %scan3A_19 = arith.constant 1 : i32
    scf.for %scan3A_443 = %scan3A_16 to %scan3A_18 step %scan3A_19  : i32 {
      %mul3A_444 = arith.constant 4 : i32
      %mul3A_445 = arith.muli %mul3A_444, %scan3A_443 : i32
      %add3A_446 = arith.constant 0 : i32
      %add3A_447 = arith.addi %mul3A_445, %add3A_446 : i32
      %mul3A_448 = arith.constant 16 : i32
      %mul3A_449 = arith.muli %add3A_447, %mul3A_448 : i32
      %dma_wait3A_450 = tpu.memref_slice %arg7[%mul3A_449] : memref<1600xi32, #tpu.memory_space<vmem>> -> memref<16xi32, #tpu.memory_space<vmem>>
      %dma_wait3A_451 = arith.constant 0 : i32
      %dma_wait3A_452 = arith.constant 0 : i32
      %dma_wait3A_453 = arith.constant 0 : i32
      %dma_wait3A_454 = tpu.memref_slice %arg2[%dma_wait3A_451, %dma_wait3A_452, %dma_wait3A_453] : memref<1000x8x128xf32, #tpu.memory_space<hbm>> -> memref<1000x8x128xf32, #tpu.memory_space<hbm>>
      tpu.wait_indirect_dma semaphore(%arg15 : memref<!tpu.dma_semaphore, #tpu.memory_space<semaphore_mem>>) src(%dma_wait3A_454 : memref<1000x8x128xf32, #tpu.memory_space<hbm>>) dst(%arg9 : memref<16x8x128xf32, #tpu.memory_space<vmem>>)
      %mul3A_455 = arith.constant 16 : i32
      %mul3A_456 = arith.muli %add3A_447, %mul3A_455 : i32
      %add3A_457 = arith.addi %mul3A_2, %mul3A_456 : i32
      %mul3A_458 = arith.constant 0 : i32
      %mul3A_459 = arith.muli %add3A, %mul3A_458 : i32
      %add3A_460 = arith.constant 0 : i32
      %add3A_461 = arith.addi %mul3A_459, %add3A_460 : i32
      %dma_start3A_462 = arith.constant 0 : i32
      %dma_start3A_463 = arith.constant 0 : i32
      %dma_start3A_464 = arith.constant 0 : i32
      %dma_start3A_465 = tpu.memref_slice %arg9[%dma_start3A_463, %dma_start3A_462, %dma_start3A_464] : memref<16x8x128xf32, #tpu.memory_space<vmem>> -> memref<16x1x128xf32, #tpu.memory_space<vmem>>
      %dma_start3A_466 = tpu.memref_squeeze %dma_start3A_465 : memref<16x1x128xf32, #tpu.memory_space<vmem>> -> memref<16x128xf32, #tpu.memory_space<vmem>>
      %dma_start3A_467 = tpu.memref_slice %arg5[%add3A_457, %add3A_461] : memref<51200x1000xf32, #tpu.memory_space<hbm>> -> memref<16x128xf32, #tpu.memory_space<hbm>>
      %dma_start3A_468 = tpu.memref_slice %arg5[%add3A_457, %add3A_461] : memref<51200x1000xf32, #tpu.memory_space<hbm>> -> memref<16x128xf32, #tpu.memory_space<hbm>>
      %dma_start3A_469 = arith.constant 0 : i32
      %dma_start3A_470 = arith.constant 0 : i32
      %dma_start3A_471 = tpu.memref_slice %arg9[%dma_start3A_469, %dma_start3A_462, %dma_start3A_470] : memref<16x8x128xf32, #tpu.memory_space<vmem>> -> memref<16x1x128xf32, #tpu.memory_space<vmem>>
      %dma_start3A_472 = tpu.memref_squeeze %dma_start3A_471 : memref<16x1x128xf32, #tpu.memory_space<vmem>> -> memref<16x128xf32, #tpu.memory_space<vmem>>
      tpu.enqueue_dma source(%dma_start3A_472 : memref<16x128xf32, #tpu.memory_space<vmem>>) target(%dma_start3A_468 : memref<16x128xf32, #tpu.memory_space<hbm>>) target_semaphore(%arg19 : memref<!tpu.dma_semaphore, #tpu.memory_space<semaphore_mem>>)
      %add3A_473 = arith.constant 128 : i32
      %add3A_474 = arith.addi %mul3A_459, %add3A_473 : i32
      %dma_start3A_475 = arith.constant 1 : i32
      %dma_start3A_476 = arith.constant 0 : i32
      %dma_start3A_477 = arith.constant 0 : i32
      %dma_start3A_478 = tpu.memref_slice %arg9[%dma_start3A_476, %dma_start3A_475, %dma_start3A_477] : memref<16x8x128xf32, #tpu.memory_space<vmem>> -> memref<16x1x128xf32, #tpu.memory_space<vmem>>
      %dma_start3A_479 = tpu.memref_squeeze %dma_start3A_478 : memref<16x1x128xf32, #tpu.memory_space<vmem>> -> memref<16x128xf32, #tpu.memory_space<vmem>>
      %dma_start3A_480 = tpu.memref_slice %arg5[%add3A_457, %add3A_474] : memref<51200x1000xf32, #tpu.memory_space<hbm>> -> memref<16x128xf32, #tpu.memory_space<hbm>>
      %dma_start3A_481 = tpu.memref_slice %arg5[%add3A_457, %add3A_474] : memref<51200x1000xf32, #tpu.memory_space<hbm>> -> memref<16x128xf32, #tpu.memory_space<hbm>>
      %dma_start3A_482 = arith.constant 0 : i32
      %dma_start3A_483 = arith.constant 0 : i32
      %dma_start3A_484 = tpu.memref_slice %arg9[%dma_start3A_482, %dma_start3A_475, %dma_start3A_483] : memref<16x8x128xf32, #tpu.memory_space<vmem>> -> memref<16x1x128xf32, #tpu.memory_space<vmem>>
      %dma_start3A_485 = tpu.memref_squeeze %dma_start3A_484 : memref<16x1x128xf32, #tpu.memory_space<vmem>> -> memref<16x128xf32, #tpu.memory_space<vmem>>
      tpu.enqueue_dma source(%dma_start3A_485 : memref<16x128xf32, #tpu.memory_space<vmem>>) target(%dma_start3A_481 : memref<16x128xf32, #tpu.memory_space<hbm>>) target_semaphore(%arg19 : memref<!tpu.dma_semaphore, #tpu.memory_space<semaphore_mem>>)
      %add3A_486 = arith.constant 256 : i32
      %add3A_487 = arith.addi %mul3A_459, %add3A_486 : i32
      %dma_start3A_488 = arith.constant 2 : i32
      %dma_start3A_489 = arith.constant 0 : i32
      %dma_start3A_490 = arith.constant 0 : i32
      %dma_start3A_491 = tpu.memref_slice %arg9[%dma_start3A_489, %dma_start3A_488, %dma_start3A_490] : memref<16x8x128xf32, #tpu.memory_space<vmem>> -> memref<16x1x128xf32, #tpu.memory_space<vmem>>
      %dma_start3A_492 = tpu.memref_squeeze %dma_start3A_491 : memref<16x1x128xf32, #tpu.memory_space<vmem>> -> memref<16x128xf32, #tpu.memory_space<vmem>>
      %dma_start3A_493 = tpu.memref_slice %arg5[%add3A_457, %add3A_487] : memref<51200x1000xf32, #tpu.memory_space<hbm>> -> memref<16x128xf32, #tpu.memory_space<hbm>>
      %dma_start3A_494 = tpu.memref_slice %arg5[%add3A_457, %add3A_487] : memref<51200x1000xf32, #tpu.memory_space<hbm>> -> memref<16x128xf32, #tpu.memory_space<hbm>>
      %dma_start3A_495 = arith.constant 0 : i32
      %dma_start3A_496 = arith.constant 0 : i32
      %dma_start3A_497 = tpu.memref_slice %arg9[%dma_start3A_495, %dma_start3A_488, %dma_start3A_496] : memref<16x8x128xf32, #tpu.memory_space<vmem>> -> memref<16x1x128xf32, #tpu.memory_space<vmem>>
      %dma_start3A_498 = tpu.memref_squeeze %dma_start3A_497 : memref<16x1x128xf32, #tpu.memory_space<vmem>> -> memref<16x128xf32, #tpu.memory_space<vmem>>
      tpu.enqueue_dma source(%dma_start3A_498 : memref<16x128xf32, #tpu.memory_space<vmem>>) target(%dma_start3A_494 : memref<16x128xf32, #tpu.memory_space<hbm>>) target_semaphore(%arg19 : memref<!tpu.dma_semaphore, #tpu.memory_space<semaphore_mem>>)
      %add3A_499 = arith.constant 384 : i32
      %add3A_500 = arith.addi %mul3A_459, %add3A_499 : i32
      %dma_start3A_501 = arith.constant 3 : i32
      %dma_start3A_502 = arith.constant 0 : i32
      %dma_start3A_503 = arith.constant 0 : i32
      %dma_start3A_504 = tpu.memref_slice %arg9[%dma_start3A_502, %dma_start3A_501, %dma_start3A_503] : memref<16x8x128xf32, #tpu.memory_space<vmem>> -> memref<16x1x128xf32, #tpu.memory_space<vmem>>
      %dma_start3A_505 = tpu.memref_squeeze %dma_start3A_504 : memref<16x1x128xf32, #tpu.memory_space<vmem>> -> memref<16x128xf32, #tpu.memory_space<vmem>>
      %dma_start3A_506 = tpu.memref_slice %arg5[%add3A_457, %add3A_500] : memref<51200x1000xf32, #tpu.memory_space<hbm>> -> memref<16x128xf32, #tpu.memory_space<hbm>>
      %dma_start3A_507 = tpu.memref_slice %arg5[%add3A_457, %add3A_500] : memref<51200x1000xf32, #tpu.memory_space<hbm>> -> memref<16x128xf32, #tpu.memory_space<hbm>>
      %dma_start3A_508 = arith.constant 0 : i32
      %dma_start3A_509 = arith.constant 0 : i32
      %dma_start3A_510 = tpu.memref_slice %arg9[%dma_start3A_508, %dma_start3A_501, %dma_start3A_509] : memref<16x8x128xf32, #tpu.memory_space<vmem>> -> memref<16x1x128xf32, #tpu.memory_space<vmem>>
      %dma_start3A_511 = tpu.memref_squeeze %dma_start3A_510 : memref<16x1x128xf32, #tpu.memory_space<vmem>> -> memref<16x128xf32, #tpu.memory_space<vmem>>
      tpu.enqueue_dma source(%dma_start3A_511 : memref<16x128xf32, #tpu.memory_space<vmem>>) target(%dma_start3A_507 : memref<16x128xf32, #tpu.memory_space<hbm>>) target_semaphore(%arg19 : memref<!tpu.dma_semaphore, #tpu.memory_space<semaphore_mem>>)
      %add3A_512 = arith.constant 512 : i32
      %add3A_513 = arith.addi %mul3A_459, %add3A_512 : i32
      %dma_start3A_514 = arith.constant 4 : i32
      %dma_start3A_515 = arith.constant 0 : i32
      %dma_start3A_516 = arith.constant 0 : i32
      %dma_start3A_517 = tpu.memref_slice %arg9[%dma_start3A_515, %dma_start3A_514, %dma_start3A_516] : memref<16x8x128xf32, #tpu.memory_space<vmem>> -> memref<16x1x128xf32, #tpu.memory_space<vmem>>
      %dma_start3A_518 = tpu.memref_squeeze %dma_start3A_517 : memref<16x1x128xf32, #tpu.memory_space<vmem>> -> memref<16x128xf32, #tpu.memory_space<vmem>>
      %dma_start3A_519 = tpu.memref_slice %arg5[%add3A_457, %add3A_513] : memref<51200x1000xf32, #tpu.memory_space<hbm>> -> memref<16x128xf32, #tpu.memory_space<hbm>>
      %dma_start3A_520 = tpu.memref_slice %arg5[%add3A_457, %add3A_513] : memref<51200x1000xf32, #tpu.memory_space<hbm>> -> memref<16x128xf32, #tpu.memory_space<hbm>>
      %dma_start3A_521 = arith.constant 0 : i32
      %dma_start3A_522 = arith.constant 0 : i32
      %dma_start3A_523 = tpu.memref_slice %arg9[%dma_start3A_521, %dma_start3A_514, %dma_start3A_522] : memref<16x8x128xf32, #tpu.memory_space<vmem>> -> memref<16x1x128xf32, #tpu.memory_space<vmem>>
      %dma_start3A_524 = tpu.memref_squeeze %dma_start3A_523 : memref<16x1x128xf32, #tpu.memory_space<vmem>> -> memref<16x128xf32, #tpu.memory_space<vmem>>
      tpu.enqueue_dma source(%dma_start3A_524 : memref<16x128xf32, #tpu.memory_space<vmem>>) target(%dma_start3A_520 : memref<16x128xf32, #tpu.memory_space<hbm>>) target_semaphore(%arg19 : memref<!tpu.dma_semaphore, #tpu.memory_space<semaphore_mem>>)
      %add3A_525 = arith.constant 640 : i32
      %add3A_526 = arith.addi %mul3A_459, %add3A_525 : i32
      %dma_start3A_527 = arith.constant 5 : i32
      %dma_start3A_528 = arith.constant 0 : i32
      %dma_start3A_529 = arith.constant 0 : i32
      %dma_start3A_530 = tpu.memref_slice %arg9[%dma_start3A_528, %dma_start3A_527, %dma_start3A_529] : memref<16x8x128xf32, #tpu.memory_space<vmem>> -> memref<16x1x128xf32, #tpu.memory_space<vmem>>
      %dma_start3A_531 = tpu.memref_squeeze %dma_start3A_530 : memref<16x1x128xf32, #tpu.memory_space<vmem>> -> memref<16x128xf32, #tpu.memory_space<vmem>>
      %dma_start3A_532 = tpu.memref_slice %arg5[%add3A_457, %add3A_526] : memref<51200x1000xf32, #tpu.memory_space<hbm>> -> memref<16x128xf32, #tpu.memory_space<hbm>>
      %dma_start3A_533 = tpu.memref_slice %arg5[%add3A_457, %add3A_526] : memref<51200x1000xf32, #tpu.memory_space<hbm>> -> memref<16x128xf32, #tpu.memory_space<hbm>>
      %dma_start3A_534 = arith.constant 0 : i32
      %dma_start3A_535 = arith.constant 0 : i32
      %dma_start3A_536 = tpu.memref_slice %arg9[%dma_start3A_534, %dma_start3A_527, %dma_start3A_535] : memref<16x8x128xf32, #tpu.memory_space<vmem>> -> memref<16x1x128xf32, #tpu.memory_space<vmem>>
      %dma_start3A_537 = tpu.memref_squeeze %dma_start3A_536 : memref<16x1x128xf32, #tpu.memory_space<vmem>> -> memref<16x128xf32, #tpu.memory_space<vmem>>
      tpu.enqueue_dma source(%dma_start3A_537 : memref<16x128xf32, #tpu.memory_space<vmem>>) target(%dma_start3A_533 : memref<16x128xf32, #tpu.memory_space<hbm>>) target_semaphore(%arg19 : memref<!tpu.dma_semaphore, #tpu.memory_space<semaphore_mem>>)
      %add3A_538 = arith.constant 768 : i32
      %add3A_539 = arith.addi %mul3A_459, %add3A_538 : i32
      %dma_start3A_540 = arith.constant 6 : i32
      %dma_start3A_541 = arith.constant 0 : i32
      %dma_start3A_542 = arith.constant 0 : i32
      %dma_start3A_543 = tpu.memref_slice %arg9[%dma_start3A_541, %dma_start3A_540, %dma_start3A_542] : memref<16x8x128xf32, #tpu.memory_space<vmem>> -> memref<16x1x128xf32, #tpu.memory_space<vmem>>
      %dma_start3A_544 = tpu.memref_squeeze %dma_start3A_543 : memref<16x1x128xf32, #tpu.memory_space<vmem>> -> memref<16x128xf32, #tpu.memory_space<vmem>>
      %dma_start3A_545 = tpu.memref_slice %arg5[%add3A_457, %add3A_539] : memref<51200x1000xf32, #tpu.memory_space<hbm>> -> memref<16x128xf32, #tpu.memory_space<hbm>>
      %dma_start3A_546 = tpu.memref_slice %arg5[%add3A_457, %add3A_539] : memref<51200x1000xf32, #tpu.memory_space<hbm>> -> memref<16x128xf32, #tpu.memory_space<hbm>>
      %dma_start3A_547 = arith.constant 0 : i32
      %dma_start3A_548 = arith.constant 0 : i32
      %dma_start3A_549 = tpu.memref_slice %arg9[%dma_start3A_547, %dma_start3A_540, %dma_start3A_548] : memref<16x8x128xf32, #tpu.memory_space<vmem>> -> memref<16x1x128xf32, #tpu.memory_space<vmem>>
      %dma_start3A_550 = tpu.memref_squeeze %dma_start3A_549 : memref<16x1x128xf32, #tpu.memory_space<vmem>> -> memref<16x128xf32, #tpu.memory_space<vmem>>
      tpu.enqueue_dma source(%dma_start3A_550 : memref<16x128xf32, #tpu.memory_space<vmem>>) target(%dma_start3A_546 : memref<16x128xf32, #tpu.memory_space<hbm>>) target_semaphore(%arg19 : memref<!tpu.dma_semaphore, #tpu.memory_space<semaphore_mem>>)
      %add3A_551 = arith.constant 896 : i32
      %add3A_552 = arith.addi %mul3A_459, %add3A_551 : i32
      %dma_start3A_553 = arith.constant 7 : i32
      %dma_start3A_554 = arith.constant 0 : i32
      %dma_start3A_555 = arith.constant 0 : i32
      %dma_start3A_556 = tpu.memref_slice %arg9[%dma_start3A_554, %dma_start3A_553, %dma_start3A_555] : memref<16x8x128xf32, #tpu.memory_space<vmem>> -> memref<16x1x128xf32, #tpu.memory_space<vmem>>
      %dma_start3A_557 = tpu.memref_squeeze %dma_start3A_556 : memref<16x1x128xf32, #tpu.memory_space<vmem>> -> memref<16x128xf32, #tpu.memory_space<vmem>>
      %dma_start3A_558 = tpu.memref_slice %arg5[%add3A_457, %add3A_552] : memref<51200x1000xf32, #tpu.memory_space<hbm>> -> memref<16x128xf32, #tpu.memory_space<hbm>>
      %dma_start3A_559 = tpu.memref_slice %arg5[%add3A_457, %add3A_552] : memref<51200x1000xf32, #tpu.memory_space<hbm>> -> memref<16x128xf32, #tpu.memory_space<hbm>>
      %dma_start3A_560 = arith.constant 0 : i32
      %dma_start3A_561 = arith.constant 0 : i32
      %dma_start3A_562 = tpu.memref_slice %arg9[%dma_start3A_560, %dma_start3A_553, %dma_start3A_561] : memref<16x8x128xf32, #tpu.memory_space<vmem>> -> memref<16x1x128xf32, #tpu.memory_space<vmem>>
      %dma_start3A_563 = tpu.memref_squeeze %dma_start3A_562 : memref<16x1x128xf32, #tpu.memory_space<vmem>> -> memref<16x128xf32, #tpu.memory_space<vmem>>
      tpu.enqueue_dma source(%dma_start3A_563 : memref<16x128xf32, #tpu.memory_space<vmem>>) target(%dma_start3A_559 : memref<16x128xf32, #tpu.memory_space<hbm>>) target_semaphore(%arg19 : memref<!tpu.dma_semaphore, #tpu.memory_space<semaphore_mem>>)
      %add3A_564 = arith.constant 2 : i32
      %add3A_565 = arith.addi %add3A_447, %add3A_564 : i32
      %lt3A = arith.constant 100 : i32
      %lt3A_566 = arith.cmpi slt, %add3A_565, %lt3A : i32
      %convert_element_type3A = arith.extui %lt3A_566 : i1 to i32
      %cond3A = arith.constant 0 : i32
      %cond3A_567 = arith.cmpi ne, %convert_element_type3A, %cond3A : i32
      scf.if %cond3A_567 {
        %sub3A_1056 = arith.constant 2 : i32
        %sub3A_1057 = arith.subi %add3A_447, %sub3A_1056 : i32
        %ge3A = arith.constant 0 : i32
        %ge3A_1058 = arith.cmpi sge, %sub3A_1057, %ge3A : i32
        %convert_element_type3A_1059 = arith.extui %ge3A_1058 : i1 to i32
        %cond3A_1060 = arith.constant 0 : i32
        %cond3A_1061 = arith.cmpi ne, %convert_element_type3A_1059, %cond3A_1060 : i32
        scf.if %cond3A_1061 {
          %dma_wait3A_1071 = arith.constant 0 : i32
          %dma_wait3A_1072 = arith.constant 0 : i32
          %dma_wait3A_1073 = arith.constant 0 : i32
          %dma_wait3A_1074 = tpu.memref_slice %arg11[%dma_wait3A_1072, %dma_wait3A_1071, %dma_wait3A_1073] : memref<16x8x128xf32, #tpu.memory_space<vmem>> -> memref<16x1x128xf32, #tpu.memory_space<vmem>>
          %dma_wait3A_1075 = tpu.memref_squeeze %dma_wait3A_1074 : memref<16x1x128xf32, #tpu.memory_space<vmem>> -> memref<16x128xf32, #tpu.memory_space<vmem>>
          %dma_wait3A_1076 = arith.constant 0 : i32
          %dma_wait3A_1077 = tpu.memref_slice %arg5[%mul3A_2, %dma_wait3A_1076] : memref<51200x1000xf32, #tpu.memory_space<hbm>> -> memref<16x128xf32, #tpu.memory_space<hbm>>
          %dma_wait3A_1078 = arith.constant 0 : i32
          %dma_wait3A_1079 = tpu.memref_slice %arg5[%mul3A_2, %dma_wait3A_1078] : memref<51200x1000xf32, #tpu.memory_space<hbm>> -> memref<16x128xf32, #tpu.memory_space<hbm>>
          %dma_wait3A_1080 = arith.constant 0 : i32
          %dma_wait3A_1081 = arith.constant 0 : i32
          %dma_wait3A_1082 = tpu.memref_slice %arg11[%dma_wait3A_1080, %dma_wait3A_1071, %dma_wait3A_1081] : memref<16x8x128xf32, #tpu.memory_space<vmem>> -> memref<16x1x128xf32, #tpu.memory_space<vmem>>
          %dma_wait3A_1083 = tpu.memref_squeeze %dma_wait3A_1082 : memref<16x1x128xf32, #tpu.memory_space<vmem>> -> memref<16x128xf32, #tpu.memory_space<vmem>>
          tpu.wait_dma2 semaphore(%arg21 : memref<!tpu.dma_semaphore, #tpu.memory_space<semaphore_mem>>) src(%dma_wait3A_1083 : memref<16x128xf32, #tpu.memory_space<vmem>>) dst(%dma_wait3A_1079 : memref<16x128xf32, #tpu.memory_space<hbm>>)
          %dma_wait3A_1084 = arith.constant 0 : i32
          %dma_wait3A_1085 = arith.constant 0 : i32
          %dma_wait3A_1086 = arith.constant 0 : i32
          %dma_wait3A_1087 = tpu.memref_slice %arg11[%dma_wait3A_1085, %dma_wait3A_1084, %dma_wait3A_1086] : memref<16x8x128xf32, #tpu.memory_space<vmem>> -> memref<16x1x128xf32, #tpu.memory_space<vmem>>
          %dma_wait3A_1088 = tpu.memref_squeeze %dma_wait3A_1087 : memref<16x1x128xf32, #tpu.memory_space<vmem>> -> memref<16x128xf32, #tpu.memory_space<vmem>>
          %dma_wait3A_1089 = arith.constant 0 : i32
          %dma_wait3A_1090 = tpu.memref_slice %arg5[%mul3A_2, %dma_wait3A_1089] : memref<51200x1000xf32, #tpu.memory_space<hbm>> -> memref<16x128xf32, #tpu.memory_space<hbm>>
          %dma_wait3A_1091 = arith.constant 0 : i32
          %dma_wait3A_1092 = tpu.memref_slice %arg5[%mul3A_2, %dma_wait3A_1091] : memref<51200x1000xf32, #tpu.memory_space<hbm>> -> memref<16x128xf32, #tpu.memory_space<hbm>>
          %dma_wait3A_1093 = arith.constant 0 : i32
          %dma_wait3A_1094 = arith.constant 0 : i32
          %dma_wait3A_1095 = tpu.memref_slice %arg11[%dma_wait3A_1093, %dma_wait3A_1084, %dma_wait3A_1094] : memref<16x8x128xf32, #tpu.memory_space<vmem>> -> memref<16x1x128xf32, #tpu.memory_space<vmem>>
          %dma_wait3A_1096 = tpu.memref_squeeze %dma_wait3A_1095 : memref<16x1x128xf32, #tpu.memory_space<vmem>> -> memref<16x128xf32, #tpu.memory_space<vmem>>
          tpu.wait_dma2 semaphore(%arg21 : memref<!tpu.dma_semaphore, #tpu.memory_space<semaphore_mem>>) src(%dma_wait3A_1096 : memref<16x128xf32, #tpu.memory_space<vmem>>) dst(%dma_wait3A_1092 : memref<16x128xf32, #tpu.memory_space<hbm>>)
          %dma_wait3A_1097 = arith.constant 0 : i32
          %dma_wait3A_1098 = arith.constant 0 : i32
          %dma_wait3A_1099 = arith.constant 0 : i32
          %dma_wait3A_1100 = tpu.memref_slice %arg11[%dma_wait3A_1098, %dma_wait3A_1097, %dma_wait3A_1099] : memref<16x8x128xf32, #tpu.memory_space<vmem>> -> memref<16x1x128xf32, #tpu.memory_space<vmem>>
          %dma_wait3A_1101 = tpu.memref_squeeze %dma_wait3A_1100 : memref<16x1x128xf32, #tpu.memory_space<vmem>> -> memref<16x128xf32, #tpu.memory_space<vmem>>
          %dma_wait3A_1102 = arith.constant 0 : i32
          %dma_wait3A_1103 = tpu.memref_slice %arg5[%mul3A_2, %dma_wait3A_1102] : memref<51200x1000xf32, #tpu.memory_space<hbm>> -> memref<16x128xf32, #tpu.memory_space<hbm>>
          %dma_wait3A_1104 = arith.constant 0 : i32
          %dma_wait3A_1105 = tpu.memref_slice %arg5[%mul3A_2, %dma_wait3A_1104] : memref<51200x1000xf32, #tpu.memory_space<hbm>> -> memref<16x128xf32, #tpu.memory_space<hbm>>
          %dma_wait3A_1106 = arith.constant 0 : i32
          %dma_wait3A_1107 = arith.constant 0 : i32
          %dma_wait3A_1108 = tpu.memref_slice %arg11[%dma_wait3A_1106, %dma_wait3A_1097, %dma_wait3A_1107] : memref<16x8x128xf32, #tpu.memory_space<vmem>> -> memref<16x1x128xf32, #tpu.memory_space<vmem>>
          %dma_wait3A_1109 = tpu.memref_squeeze %dma_wait3A_1108 : memref<16x1x128xf32, #tpu.memory_space<vmem>> -> memref<16x128xf32, #tpu.memory_space<vmem>>
          tpu.wait_dma2 semaphore(%arg21 : memref<!tpu.dma_semaphore, #tpu.memory_space<semaphore_mem>>) src(%dma_wait3A_1109 : memref<16x128xf32, #tpu.memory_space<vmem>>) dst(%dma_wait3A_1105 : memref<16x128xf32, #tpu.memory_space<hbm>>)
          %dma_wait3A_1110 = arith.constant 0 : i32
          %dma_wait3A_1111 = arith.constant 0 : i32
          %dma_wait3A_1112 = arith.constant 0 : i32
          %dma_wait3A_1113 = tpu.memref_slice %arg11[%dma_wait3A_1111, %dma_wait3A_1110, %dma_wait3A_1112] : memref<16x8x128xf32, #tpu.memory_space<vmem>> -> memref<16x1x128xf32, #tpu.memory_space<vmem>>
          %dma_wait3A_1114 = tpu.memref_squeeze %dma_wait3A_1113 : memref<16x1x128xf32, #tpu.memory_space<vmem>> -> memref<16x128xf32, #tpu.memory_space<vmem>>
          %dma_wait3A_1115 = arith.constant 0 : i32
          %dma_wait3A_1116 = tpu.memref_slice %arg5[%mul3A_2, %dma_wait3A_1115] : memref<51200x1000xf32, #tpu.memory_space<hbm>> -> memref<16x128xf32, #tpu.memory_space<hbm>>
          %dma_wait3A_1117 = arith.constant 0 : i32
          %dma_wait3A_1118 = tpu.memref_slice %arg5[%mul3A_2, %dma_wait3A_1117] : memref<51200x1000xf32, #tpu.memory_space<hbm>> -> memref<16x128xf32, #tpu.memory_space<hbm>>
          %dma_wait3A_1119 = arith.constant 0 : i32
          %dma_wait3A_1120 = arith.constant 0 : i32
          %dma_wait3A_1121 = tpu.memref_slice %arg11[%dma_wait3A_1119, %dma_wait3A_1110, %dma_wait3A_1120] : memref<16x8x128xf32, #tpu.memory_space<vmem>> -> memref<16x1x128xf32, #tpu.memory_space<vmem>>
          %dma_wait3A_1122 = tpu.memref_squeeze %dma_wait3A_1121 : memref<16x1x128xf32, #tpu.memory_space<vmem>> -> memref<16x128xf32, #tpu.memory_space<vmem>>
          tpu.wait_dma2 semaphore(%arg21 : memref<!tpu.dma_semaphore, #tpu.memory_space<semaphore_mem>>) src(%dma_wait3A_1122 : memref<16x128xf32, #tpu.memory_space<vmem>>) dst(%dma_wait3A_1118 : memref<16x128xf32, #tpu.memory_space<hbm>>)
          %dma_wait3A_1123 = arith.constant 0 : i32
          %dma_wait3A_1124 = arith.constant 0 : i32
          %dma_wait3A_1125 = arith.constant 0 : i32
          %dma_wait3A_1126 = tpu.memref_slice %arg11[%dma_wait3A_1124, %dma_wait3A_1123, %dma_wait3A_1125] : memref<16x8x128xf32, #tpu.memory_space<vmem>> -> memref<16x1x128xf32, #tpu.memory_space<vmem>>
          %dma_wait3A_1127 = tpu.memref_squeeze %dma_wait3A_1126 : memref<16x1x128xf32, #tpu.memory_space<vmem>> -> memref<16x128xf32, #tpu.memory_space<vmem>>
          %dma_wait3A_1128 = arith.constant 0 : i32
          %dma_wait3A_1129 = tpu.memref_slice %arg5[%mul3A_2, %dma_wait3A_1128] : memref<51200x1000xf32, #tpu.memory_space<hbm>> -> memref<16x128xf32, #tpu.memory_space<hbm>>
          %dma_wait3A_1130 = arith.constant 0 : i32
          %dma_wait3A_1131 = tpu.memref_slice %arg5[%mul3A_2, %dma_wait3A_1130] : memref<51200x1000xf32, #tpu.memory_space<hbm>> -> memref<16x128xf32, #tpu.memory_space<hbm>>
          %dma_wait3A_1132 = arith.constant 0 : i32
          %dma_wait3A_1133 = arith.constant 0 : i32
          %dma_wait3A_1134 = tpu.memref_slice %arg11[%dma_wait3A_1132, %dma_wait3A_1123, %dma_wait3A_1133] : memref<16x8x128xf32, #tpu.memory_space<vmem>> -> memref<16x1x128xf32, #tpu.memory_space<vmem>>
          %dma_wait3A_1135 = tpu.memref_squeeze %dma_wait3A_1134 : memref<16x1x128xf32, #tpu.memory_space<vmem>> -> memref<16x128xf32, #tpu.memory_space<vmem>>
          tpu.wait_dma2 semaphore(%arg21 : memref<!tpu.dma_semaphore, #tpu.memory_space<semaphore_mem>>) src(%dma_wait3A_1135 : memref<16x128xf32, #tpu.memory_space<vmem>>) dst(%dma_wait3A_1131 : memref<16x128xf32, #tpu.memory_space<hbm>>)
          %dma_wait3A_1136 = arith.constant 0 : i32
          %dma_wait3A_1137 = arith.constant 0 : i32
          %dma_wait3A_1138 = arith.constant 0 : i32
          %dma_wait3A_1139 = tpu.memref_slice %arg11[%dma_wait3A_1137, %dma_wait3A_1136, %dma_wait3A_1138] : memref<16x8x128xf32, #tpu.memory_space<vmem>> -> memref<16x1x128xf32, #tpu.memory_space<vmem>>
          %dma_wait3A_1140 = tpu.memref_squeeze %dma_wait3A_1139 : memref<16x1x128xf32, #tpu.memory_space<vmem>> -> memref<16x128xf32, #tpu.memory_space<vmem>>
          %dma_wait3A_1141 = arith.constant 0 : i32
          %dma_wait3A_1142 = tpu.memref_slice %arg5[%mul3A_2, %dma_wait3A_1141] : memref<51200x1000xf32, #tpu.memory_space<hbm>> -> memref<16x128xf32, #tpu.memory_space<hbm>>
          %dma_wait3A_1143 = arith.constant 0 : i32
          %dma_wait3A_1144 = tpu.memref_slice %arg5[%mul3A_2, %dma_wait3A_1143] : memref<51200x1000xf32, #tpu.memory_space<hbm>> -> memref<16x128xf32, #tpu.memory_space<hbm>>
          %dma_wait3A_1145 = arith.constant 0 : i32
          %dma_wait3A_1146 = arith.constant 0 : i32
          %dma_wait3A_1147 = tpu.memref_slice %arg11[%dma_wait3A_1145, %dma_wait3A_1136, %dma_wait3A_1146] : memref<16x8x128xf32, #tpu.memory_space<vmem>> -> memref<16x1x128xf32, #tpu.memory_space<vmem>>
          %dma_wait3A_1148 = tpu.memref_squeeze %dma_wait3A_1147 : memref<16x1x128xf32, #tpu.memory_space<vmem>> -> memref<16x128xf32, #tpu.memory_space<vmem>>
          tpu.wait_dma2 semaphore(%arg21 : memref<!tpu.dma_semaphore, #tpu.memory_space<semaphore_mem>>) src(%dma_wait3A_1148 : memref<16x128xf32, #tpu.memory_space<vmem>>) dst(%dma_wait3A_1144 : memref<16x128xf32, #tpu.memory_space<hbm>>)
          %dma_wait3A_1149 = arith.constant 0 : i32
          %dma_wait3A_1150 = arith.constant 0 : i32
          %dma_wait3A_1151 = arith.constant 0 : i32
          %dma_wait3A_1152 = tpu.memref_slice %arg11[%dma_wait3A_1150, %dma_wait3A_1149, %dma_wait3A_1151] : memref<16x8x128xf32, #tpu.memory_space<vmem>> -> memref<16x1x128xf32, #tpu.memory_space<vmem>>
          %dma_wait3A_1153 = tpu.memref_squeeze %dma_wait3A_1152 : memref<16x1x128xf32, #tpu.memory_space<vmem>> -> memref<16x128xf32, #tpu.memory_space<vmem>>
          %dma_wait3A_1154 = arith.constant 0 : i32
          %dma_wait3A_1155 = tpu.memref_slice %arg5[%mul3A_2, %dma_wait3A_1154] : memref<51200x1000xf32, #tpu.memory_space<hbm>> -> memref<16x128xf32, #tpu.memory_space<hbm>>
          %dma_wait3A_1156 = arith.constant 0 : i32
          %dma_wait3A_1157 = tpu.memref_slice %arg5[%mul3A_2, %dma_wait3A_1156] : memref<51200x1000xf32, #tpu.memory_space<hbm>> -> memref<16x128xf32, #tpu.memory_space<hbm>>
          %dma_wait3A_1158 = arith.constant 0 : i32
          %dma_wait3A_1159 = arith.constant 0 : i32
          %dma_wait3A_1160 = tpu.memref_slice %arg11[%dma_wait3A_1158, %dma_wait3A_1149, %dma_wait3A_1159] : memref<16x8x128xf32, #tpu.memory_space<vmem>> -> memref<16x1x128xf32, #tpu.memory_space<vmem>>
          %dma_wait3A_1161 = tpu.memref_squeeze %dma_wait3A_1160 : memref<16x1x128xf32, #tpu.memory_space<vmem>> -> memref<16x128xf32, #tpu.memory_space<vmem>>
          tpu.wait_dma2 semaphore(%arg21 : memref<!tpu.dma_semaphore, #tpu.memory_space<semaphore_mem>>) src(%dma_wait3A_1161 : memref<16x128xf32, #tpu.memory_space<vmem>>) dst(%dma_wait3A_1157 : memref<16x128xf32, #tpu.memory_space<hbm>>)
          %dma_wait3A_1162 = arith.constant 0 : i32
          %dma_wait3A_1163 = arith.constant 0 : i32
          %dma_wait3A_1164 = arith.constant 0 : i32
          %dma_wait3A_1165 = tpu.memref_slice %arg11[%dma_wait3A_1163, %dma_wait3A_1162, %dma_wait3A_1164] : memref<16x8x128xf32, #tpu.memory_space<vmem>> -> memref<16x1x128xf32, #tpu.memory_space<vmem>>
          %dma_wait3A_1166 = tpu.memref_squeeze %dma_wait3A_1165 : memref<16x1x128xf32, #tpu.memory_space<vmem>> -> memref<16x128xf32, #tpu.memory_space<vmem>>
          %dma_wait3A_1167 = arith.constant 0 : i32
          %dma_wait3A_1168 = tpu.memref_slice %arg5[%mul3A_2, %dma_wait3A_1167] : memref<51200x1000xf32, #tpu.memory_space<hbm>> -> memref<16x128xf32, #tpu.memory_space<hbm>>
          %dma_wait3A_1169 = arith.constant 0 : i32
          %dma_wait3A_1170 = tpu.memref_slice %arg5[%mul3A_2, %dma_wait3A_1169] : memref<51200x1000xf32, #tpu.memory_space<hbm>> -> memref<16x128xf32, #tpu.memory_space<hbm>>
          %dma_wait3A_1171 = arith.constant 0 : i32
          %dma_wait3A_1172 = arith.constant 0 : i32
          %dma_wait3A_1173 = tpu.memref_slice %arg11[%dma_wait3A_1171, %dma_wait3A_1162, %dma_wait3A_1172] : memref<16x8x128xf32, #tpu.memory_space<vmem>> -> memref<16x1x128xf32, #tpu.memory_space<vmem>>
          %dma_wait3A_1174 = tpu.memref_squeeze %dma_wait3A_1173 : memref<16x1x128xf32, #tpu.memory_space<vmem>> -> memref<16x128xf32, #tpu.memory_space<vmem>>
          tpu.wait_dma2 semaphore(%arg21 : memref<!tpu.dma_semaphore, #tpu.memory_space<semaphore_mem>>) src(%dma_wait3A_1174 : memref<16x128xf32, #tpu.memory_space<vmem>>) dst(%dma_wait3A_1170 : memref<16x128xf32, #tpu.memory_space<hbm>>)
        } else {
        }
        %add3A_1062 = arith.constant 2 : i32
        %add3A_1063 = arith.addi %add3A_447, %add3A_1062 : i32
        %mul3A_1064 = arith.constant 16 : i32
        %mul3A_1065 = arith.muli %add3A_1063, %mul3A_1064 : i32
        %dma_start3A_1066 = tpu.memref_slice %arg7[%mul3A_1065] : memref<1600xi32, #tpu.memory_space<vmem>> -> memref<16xi32, #tpu.memory_space<vmem>>
        %dma_start3A_1067 = arith.constant 0 : i32
        %dma_start3A_1068 = arith.constant 0 : i32
        %dma_start3A_1069 = arith.constant 0 : i32
        %dma_start3A_1070 = tpu.memref_slice %arg2[%dma_start3A_1067, %dma_start3A_1068, %dma_start3A_1069] : memref<1000x8x128xf32, #tpu.memory_space<hbm>> -> memref<1000x8x128xf32, #tpu.memory_space<hbm>>
        tpu.enqueue_indirect_dma source(%dma_start3A_1070 : memref<1000x8x128xf32, #tpu.memory_space<hbm>>) target(%arg11 : memref<16x8x128xf32, #tpu.memory_space<vmem>>) offsets(%dma_start3A_1066 : memref<16xi32, #tpu.memory_space<vmem>>) semaphore(%arg17 : memref<!tpu.dma_semaphore, #tpu.memory_space<semaphore_mem>>)
      } else {
      }
      %iota3A = tpu.iota {dimensions = array<i32: 0>} : vector<16xi32>
      %add3A_568 = arith.constant 0 : i32
      %add3A_569 = vector.broadcast %add3A_568 : i32 to vector<16xi32>
      %add3A_570 = arith.addi %iota3A, %add3A_569 : vector<16xi32>
      %mul3A_571 = arith.constant 16 : i32
      %mul3A_572 = arith.muli %add3A_447, %mul3A_571 : i32
      %add3A_573 = arith.constant 0 : i32
      %add3A_574 = arith.addi %mul3A_572, %add3A_573 : i32
      %get3A_575 = arith.index_cast %add3A_574 : i32 to index
      %get3A_576 = tpu.vector_load %arg8[%get3A_575] {strides = array<i32>} : memref<1600xi32, #tpu.memory_space<vmem>>, vector<16xi32>,
      %broadcast_in_dim3A_577 = arith.constant 7 : i32
      %broadcast_in_dim3A_578 = vector.broadcast %broadcast_in_dim3A_577 : i32 to vector<16xi32>
      %broadcast_in_dim3A_579 = arith.constant 104 : i32
      %broadcast_in_dim3A_580 = vector.broadcast %broadcast_in_dim3A_579 : i32 to vector<16xi32>
      %gather3A = tpu.vector_load_idx %arg9[%add3A_570, %broadcast_in_dim3A_578, %broadcast_in_dim3A_580] : memref<16x8x128xf32, #tpu.memory_space<vmem>>[vector<16xi32>, vector<16xi32>, vector<16xi32>], vector<16xf32>,
      %shift_right_logical3A = arith.constant 7 : i32
      %shift_right_logical3A_581 = vector.broadcast %shift_right_logical3A : i32 to vector<16xi32>
      %shift_right_logical3A_582 = arith.shrui %get3A_576, %shift_right_logical3A_581 : vector<16xi32>
      %and3A = arith.constant 127 : i32
      %and3A_583 = vector.broadcast %and3A : i32 to vector<16xi32>
      %and3A_584 = arith.andi %get3A_576, %and3A_583 : vector<16xi32>
      %gather3A_585 = tpu.vector_load_idx %arg9[%add3A_570, %shift_right_logical3A_582, %and3A_584] : memref<16x8x128xf32, #tpu.memory_space<vmem>>[vector<16xi32>, vector<16xi32>, vector<16xi32>], vector<16xf32>,
      %get3A_586 = arith.constant 0 : index
      %get3A_587 = tpu.vector_load %arg14[%get3A_586] {strides = array<i32>} : memref<16xf32, #tpu.memory_space<vmem>>, vector<16xf32>,
      %sub3A = arith.subf %gather3A, %gather3A_585 : vector<16xf32>
      %add3A_588 = arith.addf %get3A_587, %sub3A : vector<16xf32>
      %swap3A_589 = arith.constant 0 : index
      %swap3A_590 = tpu.vector_load %arg14[%swap3A_589] {strides = array<i32>} : memref<16xf32, #tpu.memory_space<vmem>>, vector<16xf32>,
      tpu.vector_store %arg14[%swap3A_589], %add3A_588 {strides = array<i32>} : memref<16xf32, #tpu.memory_space<vmem>>, vector<16xf32>,
      %mul3A_591 = arith.constant 4 : i32
      %mul3A_592 = arith.muli %mul3A_591, %scan3A_443 : i32
      %add3A_593 = arith.constant 1 : i32
      %add3A_594 = arith.addi %mul3A_592, %add3A_593 : i32
      %mul3A_595 = arith.constant 16 : i32
      %mul3A_596 = arith.muli %add3A_594, %mul3A_595 : i32
      %dma_wait3A_597 = tpu.memref_slice %arg7[%mul3A_596] : memref<1600xi32, #tpu.memory_space<vmem>> -> memref<16xi32, #tpu.memory_space<vmem>>
      %dma_wait3A_598 = arith.constant 0 : i32
      %dma_wait3A_599 = arith.constant 0 : i32
      %dma_wait3A_600 = arith.constant 0 : i32
      %dma_wait3A_601 = tpu.memref_slice %arg2[%dma_wait3A_598, %dma_wait3A_599, %dma_wait3A_600] : memref<1000x8x128xf32, #tpu.memory_space<hbm>> -> memref<1000x8x128xf32, #tpu.memory_space<hbm>>
      tpu.wait_indirect_dma semaphore(%arg16 : memref<!tpu.dma_semaphore, #tpu.memory_space<semaphore_mem>>) src(%dma_wait3A_601 : memref<1000x8x128xf32, #tpu.memory_space<hbm>>) dst(%arg10 : memref<16x8x128xf32, #tpu.memory_space<vmem>>)
      %mul3A_602 = arith.constant 16 : i32
      %mul3A_603 = arith.muli %add3A_594, %mul3A_602 : i32
      %add3A_604 = arith.addi %mul3A_2, %mul3A_603 : i32
      %mul3A_605 = arith.constant 0 : i32
      %mul3A_606 = arith.muli %add3A, %mul3A_605 : i32
      %add3A_607 = arith.constant 0 : i32
      %add3A_608 = arith.addi %mul3A_606, %add3A_607 : i32
      %dma_start3A_609 = arith.constant 0 : i32
      %dma_start3A_610 = arith.constant 0 : i32
      %dma_start3A_611 = arith.constant 0 : i32
      %dma_start3A_612 = tpu.memref_slice %arg10[%dma_start3A_610, %dma_start3A_609, %dma_start3A_611] : memref<16x8x128xf32, #tpu.memory_space<vmem>> -> memref<16x1x128xf32, #tpu.memory_space<vmem>>
      %dma_start3A_613 = tpu.memref_squeeze %dma_start3A_612 : memref<16x1x128xf32, #tpu.memory_space<vmem>> -> memref<16x128xf32, #tpu.memory_space<vmem>>
      %dma_start3A_614 = tpu.memref_slice %arg5[%add3A_604, %add3A_608] : memref<51200x1000xf32, #tpu.memory_space<hbm>> -> memref<16x128xf32, #tpu.memory_space<hbm>>
      %dma_start3A_615 = tpu.memref_slice %arg5[%add3A_604, %add3A_608] : memref<51200x1000xf32, #tpu.memory_space<hbm>> -> memref<16x128xf32, #tpu.memory_space<hbm>>
      %dma_start3A_616 = arith.constant 0 : i32
      %dma_start3A_617 = arith.constant 0 : i32
      %dma_start3A_618 = tpu.memref_slice %arg10[%dma_start3A_616, %dma_start3A_609, %dma_start3A_617] : memref<16x8x128xf32, #tpu.memory_space<vmem>> -> memref<16x1x128xf32, #tpu.memory_space<vmem>>
      %dma_start3A_619 = tpu.memref_squeeze %dma_start3A_618 : memref<16x1x128xf32, #tpu.memory_space<vmem>> -> memref<16x128xf32, #tpu.memory_space<vmem>>
      tpu.enqueue_dma source(%dma_start3A_619 : memref<16x128xf32, #tpu.memory_space<vmem>>) target(%dma_start3A_615 : memref<16x128xf32, #tpu.memory_space<hbm>>) target_semaphore(%arg20 : memref<!tpu.dma_semaphore, #tpu.memory_space<semaphore_mem>>)
      %add3A_620 = arith.constant 128 : i32
      %add3A_621 = arith.addi %mul3A_606, %add3A_620 : i32
      %dma_start3A_622 = arith.constant 1 : i32
      %dma_start3A_623 = arith.constant 0 : i32
      %dma_start3A_624 = arith.constant 0 : i32
      %dma_start3A_625 = tpu.memref_slice %arg10[%dma_start3A_623, %dma_start3A_622, %dma_start3A_624] : memref<16x8x128xf32, #tpu.memory_space<vmem>> -> memref<16x1x128xf32, #tpu.memory_space<vmem>>
      %dma_start3A_626 = tpu.memref_squeeze %dma_start3A_625 : memref<16x1x128xf32, #tpu.memory_space<vmem>> -> memref<16x128xf32, #tpu.memory_space<vmem>>
      %dma_start3A_627 = tpu.memref_slice %arg5[%add3A_604, %add3A_621] : memref<51200x1000xf32, #tpu.memory_space<hbm>> -> memref<16x128xf32, #tpu.memory_space<hbm>>
      %dma_start3A_628 = tpu.memref_slice %arg5[%add3A_604, %add3A_621] : memref<51200x1000xf32, #tpu.memory_space<hbm>> -> memref<16x128xf32, #tpu.memory_space<hbm>>
      %dma_start3A_629 = arith.constant 0 : i32
      %dma_start3A_630 = arith.constant 0 : i32
      %dma_start3A_631 = tpu.memref_slice %arg10[%dma_start3A_629, %dma_start3A_622, %dma_start3A_630] : memref<16x8x128xf32, #tpu.memory_space<vmem>> -> memref<16x1x128xf32, #tpu.memory_space<vmem>>
      %dma_start3A_632 = tpu.memref_squeeze %dma_start3A_631 : memref<16x1x128xf32, #tpu.memory_space<vmem>> -> memref<16x128xf32, #tpu.memory_space<vmem>>
      tpu.enqueue_dma source(%dma_start3A_632 : memref<16x128xf32, #tpu.memory_space<vmem>>) target(%dma_start3A_628 : memref<16x128xf32, #tpu.memory_space<hbm>>) target_semaphore(%arg20 : memref<!tpu.dma_semaphore, #tpu.memory_space<semaphore_mem>>)
      %add3A_633 = arith.constant 256 : i32
      %add3A_634 = arith.addi %mul3A_606, %add3A_633 : i32
      %dma_start3A_635 = arith.constant 2 : i32
      %dma_start3A_636 = arith.constant 0 : i32
      %dma_start3A_637 = arith.constant 0 : i32
      %dma_start3A_638 = tpu.memref_slice %arg10[%dma_start3A_636, %dma_start3A_635, %dma_start3A_637] : memref<16x8x128xf32, #tpu.memory_space<vmem>> -> memref<16x1x128xf32, #tpu.memory_space<vmem>>
      %dma_start3A_639 = tpu.memref_squeeze %dma_start3A_638 : memref<16x1x128xf32, #tpu.memory_space<vmem>> -> memref<16x128xf32, #tpu.memory_space<vmem>>
      %dma_start3A_640 = tpu.memref_slice %arg5[%add3A_604, %add3A_634] : memref<51200x1000xf32, #tpu.memory_space<hbm>> -> memref<16x128xf32, #tpu.memory_space<hbm>>
      %dma_start3A_641 = tpu.memref_slice %arg5[%add3A_604, %add3A_634] : memref<51200x1000xf32, #tpu.memory_space<hbm>> -> memref<16x128xf32, #tpu.memory_space<hbm>>
      %dma_start3A_642 = arith.constant 0 : i32
      %dma_start3A_643 = arith.constant 0 : i32
      %dma_start3A_644 = tpu.memref_slice %arg10[%dma_start3A_642, %dma_start3A_635, %dma_start3A_643] : memref<16x8x128xf32, #tpu.memory_space<vmem>> -> memref<16x1x128xf32, #tpu.memory_space<vmem>>
      %dma_start3A_645 = tpu.memref_squeeze %dma_start3A_644 : memref<16x1x128xf32, #tpu.memory_space<vmem>> -> memref<16x128xf32, #tpu.memory_space<vmem>>
      tpu.enqueue_dma source(%dma_start3A_645 : memref<16x128xf32, #tpu.memory_space<vmem>>) target(%dma_start3A_641 : memref<16x128xf32, #tpu.memory_space<hbm>>) target_semaphore(%arg20 : memref<!tpu.dma_semaphore, #tpu.memory_space<semaphore_mem>>)
      %add3A_646 = arith.constant 384 : i32
      %add3A_647 = arith.addi %mul3A_606, %add3A_646 : i32
      %dma_start3A_648 = arith.constant 3 : i32
      %dma_start3A_649 = arith.constant 0 : i32
      %dma_start3A_650 = arith.constant 0 : i32
      %dma_start3A_651 = tpu.memref_slice %arg10[%dma_start3A_649, %dma_start3A_648, %dma_start3A_650] : memref<16x8x128xf32, #tpu.memory_space<vmem>> -> memref<16x1x128xf32, #tpu.memory_space<vmem>>
      %dma_start3A_652 = tpu.memref_squeeze %dma_start3A_651 : memref<16x1x128xf32, #tpu.memory_space<vmem>> -> memref<16x128xf32, #tpu.memory_space<vmem>>
      %dma_start3A_653 = tpu.memref_slice %arg5[%add3A_604, %add3A_647] : memref<51200x1000xf32, #tpu.memory_space<hbm>> -> memref<16x128xf32, #tpu.memory_space<hbm>>
      %dma_start3A_654 = tpu.memref_slice %arg5[%add3A_604, %add3A_647] : memref<51200x1000xf32, #tpu.memory_space<hbm>> -> memref<16x128xf32, #tpu.memory_space<hbm>>
      %dma_start3A_655 = arith.constant 0 : i32
      %dma_start3A_656 = arith.constant 0 : i32
      %dma_start3A_657 = tpu.memref_slice %arg10[%dma_start3A_655, %dma_start3A_648, %dma_start3A_656] : memref<16x8x128xf32, #tpu.memory_space<vmem>> -> memref<16x1x128xf32, #tpu.memory_space<vmem>>
      %dma_start3A_658 = tpu.memref_squeeze %dma_start3A_657 : memref<16x1x128xf32, #tpu.memory_space<vmem>> -> memref<16x128xf32, #tpu.memory_space<vmem>>
      tpu.enqueue_dma source(%dma_start3A_658 : memref<16x128xf32, #tpu.memory_space<vmem>>) target(%dma_start3A_654 : memref<16x128xf32, #tpu.memory_space<hbm>>) target_semaphore(%arg20 : memref<!tpu.dma_semaphore, #tpu.memory_space<semaphore_mem>>)
      %add3A_659 = arith.constant 512 : i32
      %add3A_660 = arith.addi %mul3A_606, %add3A_659 : i32
      %dma_start3A_661 = arith.constant 4 : i32
      %dma_start3A_662 = arith.constant 0 : i32
      %dma_start3A_663 = arith.constant 0 : i32
      %dma_start3A_664 = tpu.memref_slice %arg10[%dma_start3A_662, %dma_start3A_661, %dma_start3A_663] : memref<16x8x128xf32, #tpu.memory_space<vmem>> -> memref<16x1x128xf32, #tpu.memory_space<vmem>>
      %dma_start3A_665 = tpu.memref_squeeze %dma_start3A_664 : memref<16x1x128xf32, #tpu.memory_space<vmem>> -> memref<16x128xf32, #tpu.memory_space<vmem>>
      %dma_start3A_666 = tpu.memref_slice %arg5[%add3A_604, %add3A_660] : memref<51200x1000xf32, #tpu.memory_space<hbm>> -> memref<16x128xf32, #tpu.memory_space<hbm>>
      %dma_start3A_667 = tpu.memref_slice %arg5[%add3A_604, %add3A_660] : memref<51200x1000xf32, #tpu.memory_space<hbm>> -> memref<16x128xf32, #tpu.memory_space<hbm>>
      %dma_start3A_668 = arith.constant 0 : i32
      %dma_start3A_669 = arith.constant 0 : i32
      %dma_start3A_670 = tpu.memref_slice %arg10[%dma_start3A_668, %dma_start3A_661, %dma_start3A_669] : memref<16x8x128xf32, #tpu.memory_space<vmem>> -> memref<16x1x128xf32, #tpu.memory_space<vmem>>
      %dma_start3A_671 = tpu.memref_squeeze %dma_start3A_670 : memref<16x1x128xf32, #tpu.memory_space<vmem>> -> memref<16x128xf32, #tpu.memory_space<vmem>>
      tpu.enqueue_dma source(%dma_start3A_671 : memref<16x128xf32, #tpu.memory_space<vmem>>) target(%dma_start3A_667 : memref<16x128xf32, #tpu.memory_space<hbm>>) target_semaphore(%arg20 : memref<!tpu.dma_semaphore, #tpu.memory_space<semaphore_mem>>)
      %add3A_672 = arith.constant 640 : i32
      %add3A_673 = arith.addi %mul3A_606, %add3A_672 : i32
      %dma_start3A_674 = arith.constant 5 : i32
      %dma_start3A_675 = arith.constant 0 : i32
      %dma_start3A_676 = arith.constant 0 : i32
      %dma_start3A_677 = tpu.memref_slice %arg10[%dma_start3A_675, %dma_start3A_674, %dma_start3A_676] : memref<16x8x128xf32, #tpu.memory_space<vmem>> -> memref<16x1x128xf32, #tpu.memory_space<vmem>>
      %dma_start3A_678 = tpu.memref_squeeze %dma_start3A_677 : memref<16x1x128xf32, #tpu.memory_space<vmem>> -> memref<16x128xf32, #tpu.memory_space<vmem>>
      %dma_start3A_679 = tpu.memref_slice %arg5[%add3A_604, %add3A_673] : memref<51200x1000xf32, #tpu.memory_space<hbm>> -> memref<16x128xf32, #tpu.memory_space<hbm>>
      %dma_start3A_680 = tpu.memref_slice %arg5[%add3A_604, %add3A_673] : memref<51200x1000xf32, #tpu.memory_space<hbm>> -> memref<16x128xf32, #tpu.memory_space<hbm>>
      %dma_start3A_681 = arith.constant 0 : i32
      %dma_start3A_682 = arith.constant 0 : i32
      %dma_start3A_683 = tpu.memref_slice %arg10[%dma_start3A_681, %dma_start3A_674, %dma_start3A_682] : memref<16x8x128xf32, #tpu.memory_space<vmem>> -> memref<16x1x128xf32, #tpu.memory_space<vmem>>
      %dma_start3A_684 = tpu.memref_squeeze %dma_start3A_683 : memref<16x1x128xf32, #tpu.memory_space<vmem>> -> memref<16x128xf32, #tpu.memory_space<vmem>>
      tpu.enqueue_dma source(%dma_start3A_684 : memref<16x128xf32, #tpu.memory_space<vmem>>) target(%dma_start3A_680 : memref<16x128xf32, #tpu.memory_space<hbm>>) target_semaphore(%arg20 : memref<!tpu.dma_semaphore, #tpu.memory_space<semaphore_mem>>)
      %add3A_685 = arith.constant 768 : i32
      %add3A_686 = arith.addi %mul3A_606, %add3A_685 : i32
      %dma_start3A_687 = arith.constant 6 : i32
      %dma_start3A_688 = arith.constant 0 : i32
      %dma_start3A_689 = arith.constant 0 : i32
      %dma_start3A_690 = tpu.memref_slice %arg10[%dma_start3A_688, %dma_start3A_687, %dma_start3A_689] : memref<16x8x128xf32, #tpu.memory_space<vmem>> -> memref<16x1x128xf32, #tpu.memory_space<vmem>>
      %dma_start3A_691 = tpu.memref_squeeze %dma_start3A_690 : memref<16x1x128xf32, #tpu.memory_space<vmem>> -> memref<16x128xf32, #tpu.memory_space<vmem>>
      %dma_start3A_692 = tpu.memref_slice %arg5[%add3A_604, %add3A_686] : memref<51200x1000xf32, #tpu.memory_space<hbm>> -> memref<16x128xf32, #tpu.memory_space<hbm>>
      %dma_start3A_693 = tpu.memref_slice %arg5[%add3A_604, %add3A_686] : memref<51200x1000xf32, #tpu.memory_space<hbm>> -> memref<16x128xf32, #tpu.memory_space<hbm>>
      %dma_start3A_694 = arith.constant 0 : i32
      %dma_start3A_695 = arith.constant 0 : i32
      %dma_start3A_696 = tpu.memref_slice %arg10[%dma_start3A_694, %dma_start3A_687, %dma_start3A_695] : memref<16x8x128xf32, #tpu.memory_space<vmem>> -> memref<16x1x128xf32, #tpu.memory_space<vmem>>
      %dma_start3A_697 = tpu.memref_squeeze %dma_start3A_696 : memref<16x1x128xf32, #tpu.memory_space<vmem>> -> memref<16x128xf32, #tpu.memory_space<vmem>>
      tpu.enqueue_dma source(%dma_start3A_697 : memref<16x128xf32, #tpu.memory_space<vmem>>) target(%dma_start3A_693 : memref<16x128xf32, #tpu.memory_space<hbm>>) target_semaphore(%arg20 : memref<!tpu.dma_semaphore, #tpu.memory_space<semaphore_mem>>)
      %add3A_698 = arith.constant 896 : i32
      %add3A_699 = arith.addi %mul3A_606, %add3A_698 : i32
      %dma_start3A_700 = arith.constant 7 : i32
      %dma_start3A_701 = arith.constant 0 : i32
      %dma_start3A_702 = arith.constant 0 : i32
      %dma_start3A_703 = tpu.memref_slice %arg10[%dma_start3A_701, %dma_start3A_700, %dma_start3A_702] : memref<16x8x128xf32, #tpu.memory_space<vmem>> -> memref<16x1x128xf32, #tpu.memory_space<vmem>>
      %dma_start3A_704 = tpu.memref_squeeze %dma_start3A_703 : memref<16x1x128xf32, #tpu.memory_space<vmem>> -> memref<16x128xf32, #tpu.memory_space<vmem>>
      %dma_start3A_705 = tpu.memref_slice %arg5[%add3A_604, %add3A_699] : memref<51200x1000xf32, #tpu.memory_space<hbm>> -> memref<16x128xf32, #tpu.memory_space<hbm>>
      %dma_start3A_706 = tpu.memref_slice %arg5[%add3A_604, %add3A_699] : memref<51200x1000xf32, #tpu.memory_space<hbm>> -> memref<16x128xf32, #tpu.memory_space<hbm>>
      %dma_start3A_707 = arith.constant 0 : i32
      %dma_start3A_708 = arith.constant 0 : i32
      %dma_start3A_709 = tpu.memref_slice %arg10[%dma_start3A_707, %dma_start3A_700, %dma_start3A_708] : memref<16x8x128xf32, #tpu.memory_space<vmem>> -> memref<16x1x128xf32, #tpu.memory_space<vmem>>
      %dma_start3A_710 = tpu.memref_squeeze %dma_start3A_709 : memref<16x1x128xf32, #tpu.memory_space<vmem>> -> memref<16x128xf32, #tpu.memory_space<vmem>>
      tpu.enqueue_dma source(%dma_start3A_710 : memref<16x128xf32, #tpu.memory_space<vmem>>) target(%dma_start3A_706 : memref<16x128xf32, #tpu.memory_space<hbm>>) target_semaphore(%arg20 : memref<!tpu.dma_semaphore, #tpu.memory_space<semaphore_mem>>)
      %add3A_711 = arith.constant 2 : i32
      %add3A_712 = arith.addi %add3A_594, %add3A_711 : i32
      %lt3A_713 = arith.constant 100 : i32
      %lt3A_714 = arith.cmpi slt, %add3A_712, %lt3A_713 : i32
      %convert_element_type3A_715 = arith.extui %lt3A_714 : i1 to i32
      %cond3A_716 = arith.constant 0 : i32
      %cond3A_717 = arith.cmpi ne, %convert_element_type3A_715, %cond3A_716 : i32
      scf.if %cond3A_717 {
        %sub3A_1056 = arith.constant 2 : i32
        %sub3A_1057 = arith.subi %add3A_594, %sub3A_1056 : i32
        %ge3A = arith.constant 0 : i32
        %ge3A_1058 = arith.cmpi sge, %sub3A_1057, %ge3A : i32
        %convert_element_type3A_1059 = arith.extui %ge3A_1058 : i1 to i32
        %cond3A_1060 = arith.constant 0 : i32
        %cond3A_1061 = arith.cmpi ne, %convert_element_type3A_1059, %cond3A_1060 : i32
        scf.if %cond3A_1061 {
          %dma_wait3A_1071 = arith.constant 0 : i32
          %dma_wait3A_1072 = arith.constant 0 : i32
          %dma_wait3A_1073 = arith.constant 0 : i32
          %dma_wait3A_1074 = tpu.memref_slice %arg12[%dma_wait3A_1072, %dma_wait3A_1071, %dma_wait3A_1073] : memref<16x8x128xf32, #tpu.memory_space<vmem>> -> memref<16x1x128xf32, #tpu.memory_space<vmem>>
          %dma_wait3A_1075 = tpu.memref_squeeze %dma_wait3A_1074 : memref<16x1x128xf32, #tpu.memory_space<vmem>> -> memref<16x128xf32, #tpu.memory_space<vmem>>
          %dma_wait3A_1076 = arith.constant 0 : i32
          %dma_wait3A_1077 = tpu.memref_slice %arg5[%mul3A_2, %dma_wait3A_1076] : memref<51200x1000xf32, #tpu.memory_space<hbm>> -> memref<16x128xf32, #tpu.memory_space<hbm>>
          %dma_wait3A_1078 = arith.constant 0 : i32
          %dma_wait3A_1079 = tpu.memref_slice %arg5[%mul3A_2, %dma_wait3A_1078] : memref<51200x1000xf32, #tpu.memory_space<hbm>> -> memref<16x128xf32, #tpu.memory_space<hbm>>
          %dma_wait3A_1080 = arith.constant 0 : i32
          %dma_wait3A_1081 = arith.constant 0 : i32
          %dma_wait3A_1082 = tpu.memref_slice %arg12[%dma_wait3A_1080, %dma_wait3A_1071, %dma_wait3A_1081] : memref<16x8x128xf32, #tpu.memory_space<vmem>> -> memref<16x1x128xf32, #tpu.memory_space<vmem>>
          %dma_wait3A_1083 = tpu.memref_squeeze %dma_wait3A_1082 : memref<16x1x128xf32, #tpu.memory_space<vmem>> -> memref<16x128xf32, #tpu.memory_space<vmem>>
          tpu.wait_dma2 semaphore(%arg22 : memref<!tpu.dma_semaphore, #tpu.memory_space<semaphore_mem>>) src(%dma_wait3A_1083 : memref<16x128xf32, #tpu.memory_space<vmem>>) dst(%dma_wait3A_1079 : memref<16x128xf32, #tpu.memory_space<hbm>>)
          %dma_wait3A_1084 = arith.constant 0 : i32
          %dma_wait3A_1085 = arith.constant 0 : i32
          %dma_wait3A_1086 = arith.constant 0 : i32
          %dma_wait3A_1087 = tpu.memref_slice %arg12[%dma_wait3A_1085, %dma_wait3A_1084, %dma_wait3A_1086] : memref<16x8x128xf32, #tpu.memory_space<vmem>> -> memref<16x1x128xf32, #tpu.memory_space<vmem>>
          %dma_wait3A_1088 = tpu.memref_squeeze %dma_wait3A_1087 : memref<16x1x128xf32, #tpu.memory_space<vmem>> -> memref<16x128xf32, #tpu.memory_space<vmem>>
          %dma_wait3A_1089 = arith.constant 0 : i32
          %dma_wait3A_1090 = tpu.memref_slice %arg5[%mul3A_2, %dma_wait3A_1089] : memref<51200x1000xf32, #tpu.memory_space<hbm>> -> memref<16x128xf32, #tpu.memory_space<hbm>>
          %dma_wait3A_1091 = arith.constant 0 : i32
          %dma_wait3A_1092 = tpu.memref_slice %arg5[%mul3A_2, %dma_wait3A_1091] : memref<51200x1000xf32, #tpu.memory_space<hbm>> -> memref<16x128xf32, #tpu.memory_space<hbm>>
          %dma_wait3A_1093 = arith.constant 0 : i32
          %dma_wait3A_1094 = arith.constant 0 : i32
          %dma_wait3A_1095 = tpu.memref_slice %arg12[%dma_wait3A_1093, %dma_wait3A_1084, %dma_wait3A_1094] : memref<16x8x128xf32, #tpu.memory_space<vmem>> -> memref<16x1x128xf32, #tpu.memory_space<vmem>>
          %dma_wait3A_1096 = tpu.memref_squeeze %dma_wait3A_1095 : memref<16x1x128xf32, #tpu.memory_space<vmem>> -> memref<16x128xf32, #tpu.memory_space<vmem>>
          tpu.wait_dma2 semaphore(%arg22 : memref<!tpu.dma_semaphore, #tpu.memory_space<semaphore_mem>>) src(%dma_wait3A_1096 : memref<16x128xf32, #tpu.memory_space<vmem>>) dst(%dma_wait3A_1092 : memref<16x128xf32, #tpu.memory_space<hbm>>)
          %dma_wait3A_1097 = arith.constant 0 : i32
          %dma_wait3A_1098 = arith.constant 0 : i32
          %dma_wait3A_1099 = arith.constant 0 : i32
          %dma_wait3A_1100 = tpu.memref_slice %arg12[%dma_wait3A_1098, %dma_wait3A_1097, %dma_wait3A_1099] : memref<16x8x128xf32, #tpu.memory_space<vmem>> -> memref<16x1x128xf32, #tpu.memory_space<vmem>>
          %dma_wait3A_1101 = tpu.memref_squeeze %dma_wait3A_1100 : memref<16x1x128xf32, #tpu.memory_space<vmem>> -> memref<16x128xf32, #tpu.memory_space<vmem>>
          %dma_wait3A_1102 = arith.constant 0 : i32
          %dma_wait3A_1103 = tpu.memref_slice %arg5[%mul3A_2, %dma_wait3A_1102] : memref<51200x1000xf32, #tpu.memory_space<hbm>> -> memref<16x128xf32, #tpu.memory_space<hbm>>
          %dma_wait3A_1104 = arith.constant 0 : i32
          %dma_wait3A_1105 = tpu.memref_slice %arg5[%mul3A_2, %dma_wait3A_1104] : memref<51200x1000xf32, #tpu.memory_space<hbm>> -> memref<16x128xf32, #tpu.memory_space<hbm>>
          %dma_wait3A_1106 = arith.constant 0 : i32
          %dma_wait3A_1107 = arith.constant 0 : i32
          %dma_wait3A_1108 = tpu.memref_slice %arg12[%dma_wait3A_1106, %dma_wait3A_1097, %dma_wait3A_1107] : memref<16x8x128xf32, #tpu.memory_space<vmem>> -> memref<16x1x128xf32, #tpu.memory_space<vmem>>
          %dma_wait3A_1109 = tpu.memref_squeeze %dma_wait3A_1108 : memref<16x1x128xf32, #tpu.memory_space<vmem>> -> memref<16x128xf32, #tpu.memory_space<vmem>>
          tpu.wait_dma2 semaphore(%arg22 : memref<!tpu.dma_semaphore, #tpu.memory_space<semaphore_mem>>) src(%dma_wait3A_1109 : memref<16x128xf32, #tpu.memory_space<vmem>>) dst(%dma_wait3A_1105 : memref<16x128xf32, #tpu.memory_space<hbm>>)
          %dma_wait3A_1110 = arith.constant 0 : i32
          %dma_wait3A_1111 = arith.constant 0 : i32
          %dma_wait3A_1112 = arith.constant 0 : i32
          %dma_wait3A_1113 = tpu.memref_slice %arg12[%dma_wait3A_1111, %dma_wait3A_1110, %dma_wait3A_1112] : memref<16x8x128xf32, #tpu.memory_space<vmem>> -> memref<16x1x128xf32, #tpu.memory_space<vmem>>
          %dma_wait3A_1114 = tpu.memref_squeeze %dma_wait3A_1113 : memref<16x1x128xf32, #tpu.memory_space<vmem>> -> memref<16x128xf32, #tpu.memory_space<vmem>>
          %dma_wait3A_1115 = arith.constant 0 : i32
          %dma_wait3A_1116 = tpu.memref_slice %arg5[%mul3A_2, %dma_wait3A_1115] : memref<51200x1000xf32, #tpu.memory_space<hbm>> -> memref<16x128xf32, #tpu.memory_space<hbm>>
          %dma_wait3A_1117 = arith.constant 0 : i32
          %dma_wait3A_1118 = tpu.memref_slice %arg5[%mul3A_2, %dma_wait3A_1117] : memref<51200x1000xf32, #tpu.memory_space<hbm>> -> memref<16x128xf32, #tpu.memory_space<hbm>>
          %dma_wait3A_1119 = arith.constant 0 : i32
          %dma_wait3A_1120 = arith.constant 0 : i32
          %dma_wait3A_1121 = tpu.memref_slice %arg12[%dma_wait3A_1119, %dma_wait3A_1110, %dma_wait3A_1120] : memref<16x8x128xf32, #tpu.memory_space<vmem>> -> memref<16x1x128xf32, #tpu.memory_space<vmem>>
          %dma_wait3A_1122 = tpu.memref_squeeze %dma_wait3A_1121 : memref<16x1x128xf32, #tpu.memory_space<vmem>> -> memref<16x128xf32, #tpu.memory_space<vmem>>
          tpu.wait_dma2 semaphore(%arg22 : memref<!tpu.dma_semaphore, #tpu.memory_space<semaphore_mem>>) src(%dma_wait3A_1122 : memref<16x128xf32, #tpu.memory_space<vmem>>) dst(%dma_wait3A_1118 : memref<16x128xf32, #tpu.memory_space<hbm>>)
          %dma_wait3A_1123 = arith.constant 0 : i32
          %dma_wait3A_1124 = arith.constant 0 : i32
          %dma_wait3A_1125 = arith.constant 0 : i32
          %dma_wait3A_1126 = tpu.memref_slice %arg12[%dma_wait3A_1124, %dma_wait3A_1123, %dma_wait3A_1125] : memref<16x8x128xf32, #tpu.memory_space<vmem>> -> memref<16x1x128xf32, #tpu.memory_space<vmem>>
          %dma_wait3A_1127 = tpu.memref_squeeze %dma_wait3A_1126 : memref<16x1x128xf32, #tpu.memory_space<vmem>> -> memref<16x128xf32, #tpu.memory_space<vmem>>
          %dma_wait3A_1128 = arith.constant 0 : i32
          %dma_wait3A_1129 = tpu.memref_slice %arg5[%mul3A_2, %dma_wait3A_1128] : memref<51200x1000xf32, #tpu.memory_space<hbm>> -> memref<16x128xf32, #tpu.memory_space<hbm>>
          %dma_wait3A_1130 = arith.constant 0 : i32
          %dma_wait3A_1131 = tpu.memref_slice %arg5[%mul3A_2, %dma_wait3A_1130] : memref<51200x1000xf32, #tpu.memory_space<hbm>> -> memref<16x128xf32, #tpu.memory_space<hbm>>
          %dma_wait3A_1132 = arith.constant 0 : i32
          %dma_wait3A_1133 = arith.constant 0 : i32
          %dma_wait3A_1134 = tpu.memref_slice %arg12[%dma_wait3A_1132, %dma_wait3A_1123, %dma_wait3A_1133] : memref<16x8x128xf32, #tpu.memory_space<vmem>> -> memref<16x1x128xf32, #tpu.memory_space<vmem>>
          %dma_wait3A_1135 = tpu.memref_squeeze %dma_wait3A_1134 : memref<16x1x128xf32, #tpu.memory_space<vmem>> -> memref<16x128xf32, #tpu.memory_space<vmem>>
          tpu.wait_dma2 semaphore(%arg22 : memref<!tpu.dma_semaphore, #tpu.memory_space<semaphore_mem>>) src(%dma_wait3A_1135 : memref<16x128xf32, #tpu.memory_space<vmem>>) dst(%dma_wait3A_1131 : memref<16x128xf32, #tpu.memory_space<hbm>>)
          %dma_wait3A_1136 = arith.constant 0 : i32
          %dma_wait3A_1137 = arith.constant 0 : i32
          %dma_wait3A_1138 = arith.constant 0 : i32
          %dma_wait3A_1139 = tpu.memref_slice %arg12[%dma_wait3A_1137, %dma_wait3A_1136, %dma_wait3A_1138] : memref<16x8x128xf32, #tpu.memory_space<vmem>> -> memref<16x1x128xf32, #tpu.memory_space<vmem>>
          %dma_wait3A_1140 = tpu.memref_squeeze %dma_wait3A_1139 : memref<16x1x128xf32, #tpu.memory_space<vmem>> -> memref<16x128xf32, #tpu.memory_space<vmem>>
          %dma_wait3A_1141 = arith.constant 0 : i32
          %dma_wait3A_1142 = tpu.memref_slice %arg5[%mul3A_2, %dma_wait3A_1141] : memref<51200x1000xf32, #tpu.memory_space<hbm>> -> memref<16x128xf32, #tpu.memory_space<hbm>>
          %dma_wait3A_1143 = arith.constant 0 : i32
          %dma_wait3A_1144 = tpu.memref_slice %arg5[%mul3A_2, %dma_wait3A_1143] : memref<51200x1000xf32, #tpu.memory_space<hbm>> -> memref<16x128xf32, #tpu.memory_space<hbm>>
          %dma_wait3A_1145 = arith.constant 0 : i32
          %dma_wait3A_1146 = arith.constant 0 : i32
          %dma_wait3A_1147 = tpu.memref_slice %arg12[%dma_wait3A_1145, %dma_wait3A_1136, %dma_wait3A_1146] : memref<16x8x128xf32, #tpu.memory_space<vmem>> -> memref<16x1x128xf32, #tpu.memory_space<vmem>>
          %dma_wait3A_1148 = tpu.memref_squeeze %dma_wait3A_1147 : memref<16x1x128xf32, #tpu.memory_space<vmem>> -> memref<16x128xf32, #tpu.memory_space<vmem>>
          tpu.wait_dma2 semaphore(%arg22 : memref<!tpu.dma_semaphore, #tpu.memory_space<semaphore_mem>>) src(%dma_wait3A_1148 : memref<16x128xf32, #tpu.memory_space<vmem>>) dst(%dma_wait3A_1144 : memref<16x128xf32, #tpu.memory_space<hbm>>)
          %dma_wait3A_1149 = arith.constant 0 : i32
          %dma_wait3A_1150 = arith.constant 0 : i32
          %dma_wait3A_1151 = arith.constant 0 : i32
          %dma_wait3A_1152 = tpu.memref_slice %arg12[%dma_wait3A_1150, %dma_wait3A_1149, %dma_wait3A_1151] : memref<16x8x128xf32, #tpu.memory_space<vmem>> -> memref<16x1x128xf32, #tpu.memory_space<vmem>>
          %dma_wait3A_1153 = tpu.memref_squeeze %dma_wait3A_1152 : memref<16x1x128xf32, #tpu.memory_space<vmem>> -> memref<16x128xf32, #tpu.memory_space<vmem>>
          %dma_wait3A_1154 = arith.constant 0 : i32
          %dma_wait3A_1155 = tpu.memref_slice %arg5[%mul3A_2, %dma_wait3A_1154] : memref<51200x1000xf32, #tpu.memory_space<hbm>> -> memref<16x128xf32, #tpu.memory_space<hbm>>
          %dma_wait3A_1156 = arith.constant 0 : i32
          %dma_wait3A_1157 = tpu.memref_slice %arg5[%mul3A_2, %dma_wait3A_1156] : memref<51200x1000xf32, #tpu.memory_space<hbm>> -> memref<16x128xf32, #tpu.memory_space<hbm>>
          %dma_wait3A_1158 = arith.constant 0 : i32
          %dma_wait3A_1159 = arith.constant 0 : i32
          %dma_wait3A_1160 = tpu.memref_slice %arg12[%dma_wait3A_1158, %dma_wait3A_1149, %dma_wait3A_1159] : memref<16x8x128xf32, #tpu.memory_space<vmem>> -> memref<16x1x128xf32, #tpu.memory_space<vmem>>
          %dma_wait3A_1161 = tpu.memref_squeeze %dma_wait3A_1160 : memref<16x1x128xf32, #tpu.memory_space<vmem>> -> memref<16x128xf32, #tpu.memory_space<vmem>>
          tpu.wait_dma2 semaphore(%arg22 : memref<!tpu.dma_semaphore, #tpu.memory_space<semaphore_mem>>) src(%dma_wait3A_1161 : memref<16x128xf32, #tpu.memory_space<vmem>>) dst(%dma_wait3A_1157 : memref<16x128xf32, #tpu.memory_space<hbm>>)
          %dma_wait3A_1162 = arith.constant 0 : i32
          %dma_wait3A_1163 = arith.constant 0 : i32
          %dma_wait3A_1164 = arith.constant 0 : i32
          %dma_wait3A_1165 = tpu.memref_slice %arg12[%dma_wait3A_1163, %dma_wait3A_1162, %dma_wait3A_1164] : memref<16x8x128xf32, #tpu.memory_space<vmem>> -> memref<16x1x128xf32, #tpu.memory_space<vmem>>
          %dma_wait3A_1166 = tpu.memref_squeeze %dma_wait3A_1165 : memref<16x1x128xf32, #tpu.memory_space<vmem>> -> memref<16x128xf32, #tpu.memory_space<vmem>>
          %dma_wait3A_1167 = arith.constant 0 : i32
          %dma_wait3A_1168 = tpu.memref_slice %arg5[%mul3A_2, %dma_wait3A_1167] : memref<51200x1000xf32, #tpu.memory_space<hbm>> -> memref<16x128xf32, #tpu.memory_space<hbm>>
          %dma_wait3A_1169 = arith.constant 0 : i32
          %dma_wait3A_1170 = tpu.memref_slice %arg5[%mul3A_2, %dma_wait3A_1169] : memref<51200x1000xf32, #tpu.memory_space<hbm>> -> memref<16x128xf32, #tpu.memory_space<hbm>>
          %dma_wait3A_1171 = arith.constant 0 : i32
          %dma_wait3A_1172 = arith.constant 0 : i32
          %dma_wait3A_1173 = tpu.memref_slice %arg12[%dma_wait3A_1171, %dma_wait3A_1162, %dma_wait3A_1172] : memref<16x8x128xf32, #tpu.memory_space<vmem>> -> memref<16x1x128xf32, #tpu.memory_space<vmem>>
          %dma_wait3A_1174 = tpu.memref_squeeze %dma_wait3A_1173 : memref<16x1x128xf32, #tpu.memory_space<vmem>> -> memref<16x128xf32, #tpu.memory_space<vmem>>
          tpu.wait_dma2 semaphore(%arg22 : memref<!tpu.dma_semaphore, #tpu.memory_space<semaphore_mem>>) src(%dma_wait3A_1174 : memref<16x128xf32, #tpu.memory_space<vmem>>) dst(%dma_wait3A_1170 : memref<16x128xf32, #tpu.memory_space<hbm>>)
        } else {
        }
        %add3A_1062 = arith.constant 2 : i32
        %add3A_1063 = arith.addi %add3A_594, %add3A_1062 : i32
        %mul3A_1064 = arith.constant 16 : i32
        %mul3A_1065 = arith.muli %add3A_1063, %mul3A_1064 : i32
        %dma_start3A_1066 = tpu.memref_slice %arg7[%mul3A_1065] : memref<1600xi32, #tpu.memory_space<vmem>> -> memref<16xi32, #tpu.memory_space<vmem>>
        %dma_start3A_1067 = arith.constant 0 : i32
        %dma_start3A_1068 = arith.constant 0 : i32
        %dma_start3A_1069 = arith.constant 0 : i32
        %dma_start3A_1070 = tpu.memref_slice %arg2[%dma_start3A_1067, %dma_start3A_1068, %dma_start3A_1069] : memref<1000x8x128xf32, #tpu.memory_space<hbm>> -> memref<1000x8x128xf32, #tpu.memory_space<hbm>>
        tpu.enqueue_indirect_dma source(%dma_start3A_1070 : memref<1000x8x128xf32, #tpu.memory_space<hbm>>) target(%arg12 : memref<16x8x128xf32, #tpu.memory_space<vmem>>) offsets(%dma_start3A_1066 : memref<16xi32, #tpu.memory_space<vmem>>) semaphore(%arg18 : memref<!tpu.dma_semaphore, #tpu.memory_space<semaphore_mem>>)
      } else {
      }
      %iota3A_718 = tpu.iota {dimensions = array<i32: 0>} : vector<16xi32>
      %add3A_719 = arith.constant 0 : i32
      %add3A_720 = vector.broadcast %add3A_719 : i32 to vector<16xi32>
      %add3A_721 = arith.addi %iota3A_718, %add3A_720 : vector<16xi32>
      %mul3A_722 = arith.constant 16 : i32
      %mul3A_723 = arith.muli %add3A_594, %mul3A_722 : i32
      %add3A_724 = arith.constant 0 : i32
      %add3A_725 = arith.addi %mul3A_723, %add3A_724 : i32
      %get3A_726 = arith.index_cast %add3A_725 : i32 to index
      %get3A_727 = tpu.vector_load %arg8[%get3A_726] {strides = array<i32>} : memref<1600xi32, #tpu.memory_space<vmem>>, vector<16xi32>,
      %broadcast_in_dim3A_728 = arith.constant 7 : i32
      %broadcast_in_dim3A_729 = vector.broadcast %broadcast_in_dim3A_728 : i32 to vector<16xi32>
      %broadcast_in_dim3A_730 = arith.constant 104 : i32
      %broadcast_in_dim3A_731 = vector.broadcast %broadcast_in_dim3A_730 : i32 to vector<16xi32>
      %gather3A_732 = tpu.vector_load_idx %arg10[%add3A_721, %broadcast_in_dim3A_729, %broadcast_in_dim3A_731] : memref<16x8x128xf32, #tpu.memory_space<vmem>>[vector<16xi32>, vector<16xi32>, vector<16xi32>], vector<16xf32>,
      %shift_right_logical3A_733 = arith.constant 7 : i32
      %shift_right_logical3A_734 = vector.broadcast %shift_right_logical3A_733 : i32 to vector<16xi32>
      %shift_right_logical3A_735 = arith.shrui %get3A_727, %shift_right_logical3A_734 : vector<16xi32>
      %and3A_736 = arith.constant 127 : i32
      %and3A_737 = vector.broadcast %and3A_736 : i32 to vector<16xi32>
      %and3A_738 = arith.andi %get3A_727, %and3A_737 : vector<16xi32>
      %gather3A_739 = tpu.vector_load_idx %arg10[%add3A_721, %shift_right_logical3A_735, %and3A_738] : memref<16x8x128xf32, #tpu.memory_space<vmem>>[vector<16xi32>, vector<16xi32>, vector<16xi32>], vector<16xf32>,
      %get3A_740 = arith.constant 0 : index
      %get3A_741 = tpu.vector_load %arg14[%get3A_740] {strides = array<i32>} : memref<16xf32, #tpu.memory_space<vmem>>, vector<16xf32>,
      %sub3A_742 = arith.subf %gather3A_732, %gather3A_739 : vector<16xf32>
      %add3A_743 = arith.addf %get3A_741, %sub3A_742 : vector<16xf32>
      %swap3A_744 = arith.constant 0 : index
      %swap3A_745 = tpu.vector_load %arg14[%swap3A_744] {strides = array<i32>} : memref<16xf32, #tpu.memory_space<vmem>>, vector<16xf32>,
      tpu.vector_store %arg14[%swap3A_744], %add3A_743 {strides = array<i32>} : memref<16xf32, #tpu.memory_space<vmem>>, vector<16xf32>,
      %mul3A_746 = arith.constant 4 : i32
      %mul3A_747 = arith.muli %mul3A_746, %scan3A_443 : i32
      %add3A_748 = arith.constant 2 : i32
      %add3A_749 = arith.addi %mul3A_747, %add3A_748 : i32
      %mul3A_750 = arith.constant 16 : i32
      %mul3A_751 = arith.muli %add3A_749, %mul3A_750 : i32
      %dma_wait3A_752 = tpu.memref_slice %arg7[%mul3A_751] : memref<1600xi32, #tpu.memory_space<vmem>> -> memref<16xi32, #tpu.memory_space<vmem>>
      %dma_wait3A_753 = arith.constant 0 : i32
      %dma_wait3A_754 = arith.constant 0 : i32
      %dma_wait3A_755 = arith.constant 0 : i32
      %dma_wait3A_756 = tpu.memref_slice %arg2[%dma_wait3A_753, %dma_wait3A_754, %dma_wait3A_755] : memref<1000x8x128xf32, #tpu.memory_space<hbm>> -> memref<1000x8x128xf32, #tpu.memory_space<hbm>>
      tpu.wait_indirect_dma semaphore(%arg17 : memref<!tpu.dma_semaphore, #tpu.memory_space<semaphore_mem>>) src(%dma_wait3A_756 : memref<1000x8x128xf32, #tpu.memory_space<hbm>>) dst(%arg11 : memref<16x8x128xf32, #tpu.memory_space<vmem>>)
      %mul3A_757 = arith.constant 16 : i32
      %mul3A_758 = arith.muli %add3A_749, %mul3A_757 : i32
      %add3A_759 = arith.addi %mul3A_2, %mul3A_758 : i32
      %mul3A_760 = arith.constant 0 : i32
      %mul3A_761 = arith.muli %add3A, %mul3A_760 : i32
      %add3A_762 = arith.constant 0 : i32
      %add3A_763 = arith.addi %mul3A_761, %add3A_762 : i32
      %dma_start3A_764 = arith.constant 0 : i32
      %dma_start3A_765 = arith.constant 0 : i32
      %dma_start3A_766 = arith.constant 0 : i32
      %dma_start3A_767 = tpu.memref_slice %arg11[%dma_start3A_765, %dma_start3A_764, %dma_start3A_766] : memref<16x8x128xf32, #tpu.memory_space<vmem>> -> memref<16x1x128xf32, #tpu.memory_space<vmem>>
      %dma_start3A_768 = tpu.memref_squeeze %dma_start3A_767 : memref<16x1x128xf32, #tpu.memory_space<vmem>> -> memref<16x128xf32, #tpu.memory_space<vmem>>
      %dma_start3A_769 = tpu.memref_slice %arg5[%add3A_759, %add3A_763] : memref<51200x1000xf32, #tpu.memory_space<hbm>> -> memref<16x128xf32, #tpu.memory_space<hbm>>
      %dma_start3A_770 = tpu.memref_slice %arg5[%add3A_759, %add3A_763] : memref<51200x1000xf32, #tpu.memory_space<hbm>> -> memref<16x128xf32, #tpu.memory_space<hbm>>
      %dma_start3A_771 = arith.constant 0 : i32
      %dma_start3A_772 = arith.constant 0 : i32
      %dma_start3A_773 = tpu.memref_slice %arg11[%dma_start3A_771, %dma_start3A_764, %dma_start3A_772] : memref<16x8x128xf32, #tpu.memory_space<vmem>> -> memref<16x1x128xf32, #tpu.memory_space<vmem>>
      %dma_start3A_774 = tpu.memref_squeeze %dma_start3A_773 : memref<16x1x128xf32, #tpu.memory_space<vmem>> -> memref<16x128xf32, #tpu.memory_space<vmem>>
      tpu.enqueue_dma source(%dma_start3A_774 : memref<16x128xf32, #tpu.memory_space<vmem>>) target(%dma_start3A_770 : memref<16x128xf32, #tpu.memory_space<hbm>>) target_semaphore(%arg21 : memref<!tpu.dma_semaphore, #tpu.memory_space<semaphore_mem>>)
      %add3A_775 = arith.constant 128 : i32
      %add3A_776 = arith.addi %mul3A_761, %add3A_775 : i32
      %dma_start3A_777 = arith.constant 1 : i32
      %dma_start3A_778 = arith.constant 0 : i32
      %dma_start3A_779 = arith.constant 0 : i32
      %dma_start3A_780 = tpu.memref_slice %arg11[%dma_start3A_778, %dma_start3A_777, %dma_start3A_779] : memref<16x8x128xf32, #tpu.memory_space<vmem>> -> memref<16x1x128xf32, #tpu.memory_space<vmem>>
      %dma_start3A_781 = tpu.memref_squeeze %dma_start3A_780 : memref<16x1x128xf32, #tpu.memory_space<vmem>> -> memref<16x128xf32, #tpu.memory_space<vmem>>
      %dma_start3A_782 = tpu.memref_slice %arg5[%add3A_759, %add3A_776] : memref<51200x1000xf32, #tpu.memory_space<hbm>> -> memref<16x128xf32, #tpu.memory_space<hbm>>
      %dma_start3A_783 = tpu.memref_slice %arg5[%add3A_759, %add3A_776] : memref<51200x1000xf32, #tpu.memory_space<hbm>> -> memref<16x128xf32, #tpu.memory_space<hbm>>
      %dma_start3A_784 = arith.constant 0 : i32
      %dma_start3A_785 = arith.constant 0 : i32
      %dma_start3A_786 = tpu.memref_slice %arg11[%dma_start3A_784, %dma_start3A_777, %dma_start3A_785] : memref<16x8x128xf32, #tpu.memory_space<vmem>> -> memref<16x1x128xf32, #tpu.memory_space<vmem>>
      %dma_start3A_787 = tpu.memref_squeeze %dma_start3A_786 : memref<16x1x128xf32, #tpu.memory_space<vmem>> -> memref<16x128xf32, #tpu.memory_space<vmem>>
      tpu.enqueue_dma source(%dma_start3A_787 : memref<16x128xf32, #tpu.memory_space<vmem>>) target(%dma_start3A_783 : memref<16x128xf32, #tpu.memory_space<hbm>>) target_semaphore(%arg21 : memref<!tpu.dma_semaphore, #tpu.memory_space<semaphore_mem>>)
      %add3A_788 = arith.constant 256 : i32
      %add3A_789 = arith.addi %mul3A_761, %add3A_788 : i32
      %dma_start3A_790 = arith.constant 2 : i32
      %dma_start3A_791 = arith.constant 0 : i32
      %dma_start3A_792 = arith.constant 0 : i32
      %dma_start3A_793 = tpu.memref_slice %arg11[%dma_start3A_791, %dma_start3A_790, %dma_start3A_792] : memref<16x8x128xf32, #tpu.memory_space<vmem>> -> memref<16x1x128xf32, #tpu.memory_space<vmem>>
      %dma_start3A_794 = tpu.memref_squeeze %dma_start3A_793 : memref<16x1x128xf32, #tpu.memory_space<vmem>> -> memref<16x128xf32, #tpu.memory_space<vmem>>
      %dma_start3A_795 = tpu.memref_slice %arg5[%add3A_759, %add3A_789] : memref<51200x1000xf32, #tpu.memory_space<hbm>> -> memref<16x128xf32, #tpu.memory_space<hbm>>
      %dma_start3A_796 = tpu.memref_slice %arg5[%add3A_759, %add3A_789] : memref<51200x1000xf32, #tpu.memory_space<hbm>> -> memref<16x128xf32, #tpu.memory_space<hbm>>
      %dma_start3A_797 = arith.constant 0 : i32
      %dma_start3A_798 = arith.constant 0 : i32
      %dma_start3A_799 = tpu.memref_slice %arg11[%dma_start3A_797, %dma_start3A_790, %dma_start3A_798] : memref<16x8x128xf32, #tpu.memory_space<vmem>> -> memref<16x1x128xf32, #tpu.memory_space<vmem>>
      %dma_start3A_800 = tpu.memref_squeeze %dma_start3A_799 : memref<16x1x128xf32, #tpu.memory_space<vmem>> -> memref<16x128xf32, #tpu.memory_space<vmem>>
      tpu.enqueue_dma source(%dma_start3A_800 : memref<16x128xf32, #tpu.memory_space<vmem>>) target(%dma_start3A_796 : memref<16x128xf32, #tpu.memory_space<hbm>>) target_semaphore(%arg21 : memref<!tpu.dma_semaphore, #tpu.memory_space<semaphore_mem>>)
      %add3A_801 = arith.constant 384 : i32
      %add3A_802 = arith.addi %mul3A_761, %add3A_801 : i32
      %dma_start3A_803 = arith.constant 3 : i32
      %dma_start3A_804 = arith.constant 0 : i32
      %dma_start3A_805 = arith.constant 0 : i32
      %dma_start3A_806 = tpu.memref_slice %arg11[%dma_start3A_804, %dma_start3A_803, %dma_start3A_805] : memref<16x8x128xf32, #tpu.memory_space<vmem>> -> memref<16x1x128xf32, #tpu.memory_space<vmem>>
      %dma_start3A_807 = tpu.memref_squeeze %dma_start3A_806 : memref<16x1x128xf32, #tpu.memory_space<vmem>> -> memref<16x128xf32, #tpu.memory_space<vmem>>
      %dma_start3A_808 = tpu.memref_slice %arg5[%add3A_759, %add3A_802] : memref<51200x1000xf32, #tpu.memory_space<hbm>> -> memref<16x128xf32, #tpu.memory_space<hbm>>
      %dma_start3A_809 = tpu.memref_slice %arg5[%add3A_759, %add3A_802] : memref<51200x1000xf32, #tpu.memory_space<hbm>> -> memref<16x128xf32, #tpu.memory_space<hbm>>
      %dma_start3A_810 = arith.constant 0 : i32
      %dma_start3A_811 = arith.constant 0 : i32
      %dma_start3A_812 = tpu.memref_slice %arg11[%dma_start3A_810, %dma_start3A_803, %dma_start3A_811] : memref<16x8x128xf32, #tpu.memory_space<vmem>> -> memref<16x1x128xf32, #tpu.memory_space<vmem>>
      %dma_start3A_813 = tpu.memref_squeeze %dma_start3A_812 : memref<16x1x128xf32, #tpu.memory_space<vmem>> -> memref<16x128xf32, #tpu.memory_space<vmem>>
      tpu.enqueue_dma source(%dma_start3A_813 : memref<16x128xf32, #tpu.memory_space<vmem>>) target(%dma_start3A_809 : memref<16x128xf32, #tpu.memory_space<hbm>>) target_semaphore(%arg21 : memref<!tpu.dma_semaphore, #tpu.memory_space<semaphore_mem>>)
      %add3A_814 = arith.constant 512 : i32
      %add3A_815 = arith.addi %mul3A_761, %add3A_814 : i32
      %dma_start3A_816 = arith.constant 4 : i32
      %dma_start3A_817 = arith.constant 0 : i32
      %dma_start3A_818 = arith.constant 0 : i32
      %dma_start3A_819 = tpu.memref_slice %arg11[%dma_start3A_817, %dma_start3A_816, %dma_start3A_818] : memref<16x8x128xf32, #tpu.memory_space<vmem>> -> memref<16x1x128xf32, #tpu.memory_space<vmem>>
      %dma_start3A_820 = tpu.memref_squeeze %dma_start3A_819 : memref<16x1x128xf32, #tpu.memory_space<vmem>> -> memref<16x128xf32, #tpu.memory_space<vmem>>
      %dma_start3A_821 = tpu.memref_slice %arg5[%add3A_759, %add3A_815] : memref<51200x1000xf32, #tpu.memory_space<hbm>> -> memref<16x128xf32, #tpu.memory_space<hbm>>
      %dma_start3A_822 = tpu.memref_slice %arg5[%add3A_759, %add3A_815] : memref<51200x1000xf32, #tpu.memory_space<hbm>> -> memref<16x128xf32, #tpu.memory_space<hbm>>
      %dma_start3A_823 = arith.constant 0 : i32
      %dma_start3A_824 = arith.constant 0 : i32
      %dma_start3A_825 = tpu.memref_slice %arg11[%dma_start3A_823, %dma_start3A_816, %dma_start3A_824] : memref<16x8x128xf32, #tpu.memory_space<vmem>> -> memref<16x1x128xf32, #tpu.memory_space<vmem>>
      %dma_start3A_826 = tpu.memref_squeeze %dma_start3A_825 : memref<16x1x128xf32, #tpu.memory_space<vmem>> -> memref<16x128xf32, #tpu.memory_space<vmem>>
      tpu.enqueue_dma source(%dma_start3A_826 : memref<16x128xf32, #tpu.memory_space<vmem>>) target(%dma_start3A_822 : memref<16x128xf32, #tpu.memory_space<hbm>>) target_semaphore(%arg21 : memref<!tpu.dma_semaphore, #tpu.memory_space<semaphore_mem>>)
      %add3A_827 = arith.constant 640 : i32
      %add3A_828 = arith.addi %mul3A_761, %add3A_827 : i32
      %dma_start3A_829 = arith.constant 5 : i32
      %dma_start3A_830 = arith.constant 0 : i32
      %dma_start3A_831 = arith.constant 0 : i32
      %dma_start3A_832 = tpu.memref_slice %arg11[%dma_start3A_830, %dma_start3A_829, %dma_start3A_831] : memref<16x8x128xf32, #tpu.memory_space<vmem>> -> memref<16x1x128xf32, #tpu.memory_space<vmem>>
      %dma_start3A_833 = tpu.memref_squeeze %dma_start3A_832 : memref<16x1x128xf32, #tpu.memory_space<vmem>> -> memref<16x128xf32, #tpu.memory_space<vmem>>
      %dma_start3A_834 = tpu.memref_slice %arg5[%add3A_759, %add3A_828] : memref<51200x1000xf32, #tpu.memory_space<hbm>> -> memref<16x128xf32, #tpu.memory_space<hbm>>
      %dma_start3A_835 = tpu.memref_slice %arg5[%add3A_759, %add3A_828] : memref<51200x1000xf32, #tpu.memory_space<hbm>> -> memref<16x128xf32, #tpu.memory_space<hbm>>
      %dma_start3A_836 = arith.constant 0 : i32
      %dma_start3A_837 = arith.constant 0 : i32
      %dma_start3A_838 = tpu.memref_slice %arg11[%dma_start3A_836, %dma_start3A_829, %dma_start3A_837] : memref<16x8x128xf32, #tpu.memory_space<vmem>> -> memref<16x1x128xf32, #tpu.memory_space<vmem>>
      %dma_start3A_839 = tpu.memref_squeeze %dma_start3A_838 : memref<16x1x128xf32, #tpu.memory_space<vmem>> -> memref<16x128xf32, #tpu.memory_space<vmem>>
      tpu.enqueue_dma source(%dma_start3A_839 : memref<16x128xf32, #tpu.memory_space<vmem>>) target(%dma_start3A_835 : memref<16x128xf32, #tpu.memory_space<hbm>>) target_semaphore(%arg21 : memref<!tpu.dma_semaphore, #tpu.memory_space<semaphore_mem>>)
      %add3A_840 = arith.constant 768 : i32
      %add3A_841 = arith.addi %mul3A_761, %add3A_840 : i32
      %dma_start3A_842 = arith.constant 6 : i32
      %dma_start3A_843 = arith.constant 0 : i32
      %dma_start3A_844 = arith.constant 0 : i32
      %dma_start3A_845 = tpu.memref_slice %arg11[%dma_start3A_843, %dma_start3A_842, %dma_start3A_844] : memref<16x8x128xf32, #tpu.memory_space<vmem>> -> memref<16x1x128xf32, #tpu.memory_space<vmem>>
      %dma_start3A_846 = tpu.memref_squeeze %dma_start3A_845 : memref<16x1x128xf32, #tpu.memory_space<vmem>> -> memref<16x128xf32, #tpu.memory_space<vmem>>
      %dma_start3A_847 = tpu.memref_slice %arg5[%add3A_759, %add3A_841] : memref<51200x1000xf32, #tpu.memory_space<hbm>> -> memref<16x128xf32, #tpu.memory_space<hbm>>
      %dma_start3A_848 = tpu.memref_slice %arg5[%add3A_759, %add3A_841] : memref<51200x1000xf32, #tpu.memory_space<hbm>> -> memref<16x128xf32, #tpu.memory_space<hbm>>
      %dma_start3A_849 = arith.constant 0 : i32
      %dma_start3A_850 = arith.constant 0 : i32
      %dma_start3A_851 = tpu.memref_slice %arg11[%dma_start3A_849, %dma_start3A_842, %dma_start3A_850] : memref<16x8x128xf32, #tpu.memory_space<vmem>> -> memref<16x1x128xf32, #tpu.memory_space<vmem>>
      %dma_start3A_852 = tpu.memref_squeeze %dma_start3A_851 : memref<16x1x128xf32, #tpu.memory_space<vmem>> -> memref<16x128xf32, #tpu.memory_space<vmem>>
      tpu.enqueue_dma source(%dma_start3A_852 : memref<16x128xf32, #tpu.memory_space<vmem>>) target(%dma_start3A_848 : memref<16x128xf32, #tpu.memory_space<hbm>>) target_semaphore(%arg21 : memref<!tpu.dma_semaphore, #tpu.memory_space<semaphore_mem>>)
      %add3A_853 = arith.constant 896 : i32
      %add3A_854 = arith.addi %mul3A_761, %add3A_853 : i32
      %dma_start3A_855 = arith.constant 7 : i32
      %dma_start3A_856 = arith.constant 0 : i32
      %dma_start3A_857 = arith.constant 0 : i32
      %dma_start3A_858 = tpu.memref_slice %arg11[%dma_start3A_856, %dma_start3A_855, %dma_start3A_857] : memref<16x8x128xf32, #tpu.memory_space<vmem>> -> memref<16x1x128xf32, #tpu.memory_space<vmem>>
      %dma_start3A_859 = tpu.memref_squeeze %dma_start3A_858 : memref<16x1x128xf32, #tpu.memory_space<vmem>> -> memref<16x128xf32, #tpu.memory_space<vmem>>
      %dma_start3A_860 = tpu.memref_slice %arg5[%add3A_759, %add3A_854] : memref<51200x1000xf32, #tpu.memory_space<hbm>> -> memref<16x128xf32, #tpu.memory_space<hbm>>
      %dma_start3A_861 = tpu.memref_slice %arg5[%add3A_759, %add3A_854] : memref<51200x1000xf32, #tpu.memory_space<hbm>> -> memref<16x128xf32, #tpu.memory_space<hbm>>
      %dma_start3A_862 = arith.constant 0 : i32
      %dma_start3A_863 = arith.constant 0 : i32
      %dma_start3A_864 = tpu.memref_slice %arg11[%dma_start3A_862, %dma_start3A_855, %dma_start3A_863] : memref<16x8x128xf32, #tpu.memory_space<vmem>> -> memref<16x1x128xf32, #tpu.memory_space<vmem>>
      %dma_start3A_865 = tpu.memref_squeeze %dma_start3A_864 : memref<16x1x128xf32, #tpu.memory_space<vmem>> -> memref<16x128xf32, #tpu.memory_space<vmem>>
      tpu.enqueue_dma source(%dma_start3A_865 : memref<16x128xf32, #tpu.memory_space<vmem>>) target(%dma_start3A_861 : memref<16x128xf32, #tpu.memory_space<hbm>>) target_semaphore(%arg21 : memref<!tpu.dma_semaphore, #tpu.memory_space<semaphore_mem>>)
      %add3A_866 = arith.constant 2 : i32
      %add3A_867 = arith.addi %add3A_749, %add3A_866 : i32
      %lt3A_868 = arith.constant 100 : i32
      %lt3A_869 = arith.cmpi slt, %add3A_867, %lt3A_868 : i32
      %convert_element_type3A_870 = arith.extui %lt3A_869 : i1 to i32
      %cond3A_871 = arith.constant 0 : i32
      %cond3A_872 = arith.cmpi ne, %convert_element_type3A_870, %cond3A_871 : i32
      scf.if %cond3A_872 {
        %sub3A_1056 = arith.constant 2 : i32
        %sub3A_1057 = arith.subi %add3A_749, %sub3A_1056 : i32
        %ge3A = arith.constant 0 : i32
        %ge3A_1058 = arith.cmpi sge, %sub3A_1057, %ge3A : i32
        %convert_element_type3A_1059 = arith.extui %ge3A_1058 : i1 to i32
        %cond3A_1060 = arith.constant 0 : i32
        %cond3A_1061 = arith.cmpi ne, %convert_element_type3A_1059, %cond3A_1060 : i32
        scf.if %cond3A_1061 {
          %dma_wait3A_1071 = arith.constant 0 : i32
          %dma_wait3A_1072 = arith.constant 0 : i32
          %dma_wait3A_1073 = arith.constant 0 : i32
          %dma_wait3A_1074 = tpu.memref_slice %arg9[%dma_wait3A_1072, %dma_wait3A_1071, %dma_wait3A_1073] : memref<16x8x128xf32, #tpu.memory_space<vmem>> -> memref<16x1x128xf32, #tpu.memory_space<vmem>>
          %dma_wait3A_1075 = tpu.memref_squeeze %dma_wait3A_1074 : memref<16x1x128xf32, #tpu.memory_space<vmem>> -> memref<16x128xf32, #tpu.memory_space<vmem>>
          %dma_wait3A_1076 = arith.constant 0 : i32
          %dma_wait3A_1077 = tpu.memref_slice %arg5[%mul3A_2, %dma_wait3A_1076] : memref<51200x1000xf32, #tpu.memory_space<hbm>> -> memref<16x128xf32, #tpu.memory_space<hbm>>
          %dma_wait3A_1078 = arith.constant 0 : i32
          %dma_wait3A_1079 = tpu.memref_slice %arg5[%mul3A_2, %dma_wait3A_1078] : memref<51200x1000xf32, #tpu.memory_space<hbm>> -> memref<16x128xf32, #tpu.memory_space<hbm>>
          %dma_wait3A_1080 = arith.constant 0 : i32
          %dma_wait3A_1081 = arith.constant 0 : i32
          %dma_wait3A_1082 = tpu.memref_slice %arg9[%dma_wait3A_1080, %dma_wait3A_1071, %dma_wait3A_1081] : memref<16x8x128xf32, #tpu.memory_space<vmem>> -> memref<16x1x128xf32, #tpu.memory_space<vmem>>
          %dma_wait3A_1083 = tpu.memref_squeeze %dma_wait3A_1082 : memref<16x1x128xf32, #tpu.memory_space<vmem>> -> memref<16x128xf32, #tpu.memory_space<vmem>>
          tpu.wait_dma2 semaphore(%arg19 : memref<!tpu.dma_semaphore, #tpu.memory_space<semaphore_mem>>) src(%dma_wait3A_1083 : memref<16x128xf32, #tpu.memory_space<vmem>>) dst(%dma_wait3A_1079 : memref<16x128xf32, #tpu.memory_space<hbm>>)
          %dma_wait3A_1084 = arith.constant 0 : i32
          %dma_wait3A_1085 = arith.constant 0 : i32
          %dma_wait3A_1086 = arith.constant 0 : i32
          %dma_wait3A_1087 = tpu.memref_slice %arg9[%dma_wait3A_1085, %dma_wait3A_1084, %dma_wait3A_1086] : memref<16x8x128xf32, #tpu.memory_space<vmem>> -> memref<16x1x128xf32, #tpu.memory_space<vmem>>
          %dma_wait3A_1088 = tpu.memref_squeeze %dma_wait3A_1087 : memref<16x1x128xf32, #tpu.memory_space<vmem>> -> memref<16x128xf32, #tpu.memory_space<vmem>>
          %dma_wait3A_1089 = arith.constant 0 : i32
          %dma_wait3A_1090 = tpu.memref_slice %arg5[%mul3A_2, %dma_wait3A_1089] : memref<51200x1000xf32, #tpu.memory_space<hbm>> -> memref<16x128xf32, #tpu.memory_space<hbm>>
          %dma_wait3A_1091 = arith.constant 0 : i32
          %dma_wait3A_1092 = tpu.memref_slice %arg5[%mul3A_2, %dma_wait3A_1091] : memref<51200x1000xf32, #tpu.memory_space<hbm>> -> memref<16x128xf32, #tpu.memory_space<hbm>>
          %dma_wait3A_1093 = arith.constant 0 : i32
          %dma_wait3A_1094 = arith.constant 0 : i32
          %dma_wait3A_1095 = tpu.memref_slice %arg9[%dma_wait3A_1093, %dma_wait3A_1084, %dma_wait3A_1094] : memref<16x8x128xf32, #tpu.memory_space<vmem>> -> memref<16x1x128xf32, #tpu.memory_space<vmem>>
          %dma_wait3A_1096 = tpu.memref_squeeze %dma_wait3A_1095 : memref<16x1x128xf32, #tpu.memory_space<vmem>> -> memref<16x128xf32, #tpu.memory_space<vmem>>
          tpu.wait_dma2 semaphore(%arg19 : memref<!tpu.dma_semaphore, #tpu.memory_space<semaphore_mem>>) src(%dma_wait3A_1096 : memref<16x128xf32, #tpu.memory_space<vmem>>) dst(%dma_wait3A_1092 : memref<16x128xf32, #tpu.memory_space<hbm>>)
          %dma_wait3A_1097 = arith.constant 0 : i32
          %dma_wait3A_1098 = arith.constant 0 : i32
          %dma_wait3A_1099 = arith.constant 0 : i32
          %dma_wait3A_1100 = tpu.memref_slice %arg9[%dma_wait3A_1098, %dma_wait3A_1097, %dma_wait3A_1099] : memref<16x8x128xf32, #tpu.memory_space<vmem>> -> memref<16x1x128xf32, #tpu.memory_space<vmem>>
          %dma_wait3A_1101 = tpu.memref_squeeze %dma_wait3A_1100 : memref<16x1x128xf32, #tpu.memory_space<vmem>> -> memref<16x128xf32, #tpu.memory_space<vmem>>
          %dma_wait3A_1102 = arith.constant 0 : i32
          %dma_wait3A_1103 = tpu.memref_slice %arg5[%mul3A_2, %dma_wait3A_1102] : memref<51200x1000xf32, #tpu.memory_space<hbm>> -> memref<16x128xf32, #tpu.memory_space<hbm>>
          %dma_wait3A_1104 = arith.constant 0 : i32
          %dma_wait3A_1105 = tpu.memref_slice %arg5[%mul3A_2, %dma_wait3A_1104] : memref<51200x1000xf32, #tpu.memory_space<hbm>> -> memref<16x128xf32, #tpu.memory_space<hbm>>
          %dma_wait3A_1106 = arith.constant 0 : i32
          %dma_wait3A_1107 = arith.constant 0 : i32
          %dma_wait3A_1108 = tpu.memref_slice %arg9[%dma_wait3A_1106, %dma_wait3A_1097, %dma_wait3A_1107] : memref<16x8x128xf32, #tpu.memory_space<vmem>> -> memref<16x1x128xf32, #tpu.memory_space<vmem>>
          %dma_wait3A_1109 = tpu.memref_squeeze %dma_wait3A_1108 : memref<16x1x128xf32, #tpu.memory_space<vmem>> -> memref<16x128xf32, #tpu.memory_space<vmem>>
          tpu.wait_dma2 semaphore(%arg19 : memref<!tpu.dma_semaphore, #tpu.memory_space<semaphore_mem>>) src(%dma_wait3A_1109 : memref<16x128xf32, #tpu.memory_space<vmem>>) dst(%dma_wait3A_1105 : memref<16x128xf32, #tpu.memory_space<hbm>>)
          %dma_wait3A_1110 = arith.constant 0 : i32
          %dma_wait3A_1111 = arith.constant 0 : i32
          %dma_wait3A_1112 = arith.constant 0 : i32
          %dma_wait3A_1113 = tpu.memref_slice %arg9[%dma_wait3A_1111, %dma_wait3A_1110, %dma_wait3A_1112] : memref<16x8x128xf32, #tpu.memory_space<vmem>> -> memref<16x1x128xf32, #tpu.memory_space<vmem>>
          %dma_wait3A_1114 = tpu.memref_squeeze %dma_wait3A_1113 : memref<16x1x128xf32, #tpu.memory_space<vmem>> -> memref<16x128xf32, #tpu.memory_space<vmem>>
          %dma_wait3A_1115 = arith.constant 0 : i32
          %dma_wait3A_1116 = tpu.memref_slice %arg5[%mul3A_2, %dma_wait3A_1115] : memref<51200x1000xf32, #tpu.memory_space<hbm>> -> memref<16x128xf32, #tpu.memory_space<hbm>>
          %dma_wait3A_1117 = arith.constant 0 : i32
          %dma_wait3A_1118 = tpu.memref_slice %arg5[%mul3A_2, %dma_wait3A_1117] : memref<51200x1000xf32, #tpu.memory_space<hbm>> -> memref<16x128xf32, #tpu.memory_space<hbm>>
          %dma_wait3A_1119 = arith.constant 0 : i32
          %dma_wait3A_1120 = arith.constant 0 : i32
          %dma_wait3A_1121 = tpu.memref_slice %arg9[%dma_wait3A_1119, %dma_wait3A_1110, %dma_wait3A_1120] : memref<16x8x128xf32, #tpu.memory_space<vmem>> -> memref<16x1x128xf32, #tpu.memory_space<vmem>>
          %dma_wait3A_1122 = tpu.memref_squeeze %dma_wait3A_1121 : memref<16x1x128xf32, #tpu.memory_space<vmem>> -> memref<16x128xf32, #tpu.memory_space<vmem>>
          tpu.wait_dma2 semaphore(%arg19 : memref<!tpu.dma_semaphore, #tpu.memory_space<semaphore_mem>>) src(%dma_wait3A_1122 : memref<16x128xf32, #tpu.memory_space<vmem>>) dst(%dma_wait3A_1118 : memref<16x128xf32, #tpu.memory_space<hbm>>)
          %dma_wait3A_1123 = arith.constant 0 : i32
          %dma_wait3A_1124 = arith.constant 0 : i32
          %dma_wait3A_1125 = arith.constant 0 : i32
          %dma_wait3A_1126 = tpu.memref_slice %arg9[%dma_wait3A_1124, %dma_wait3A_1123, %dma_wait3A_1125] : memref<16x8x128xf32, #tpu.memory_space<vmem>> -> memref<16x1x128xf32, #tpu.memory_space<vmem>>
          %dma_wait3A_1127 = tpu.memref_squeeze %dma_wait3A_1126 : memref<16x1x128xf32, #tpu.memory_space<vmem>> -> memref<16x128xf32, #tpu.memory_space<vmem>>
          %dma_wait3A_1128 = arith.constant 0 : i32
          %dma_wait3A_1129 = tpu.memref_slice %arg5[%mul3A_2, %dma_wait3A_1128] : memref<51200x1000xf32, #tpu.memory_space<hbm>> -> memref<16x128xf32, #tpu.memory_space<hbm>>
          %dma_wait3A_1130 = arith.constant 0 : i32
          %dma_wait3A_1131 = tpu.memref_slice %arg5[%mul3A_2, %dma_wait3A_1130] : memref<51200x1000xf32, #tpu.memory_space<hbm>> -> memref<16x128xf32, #tpu.memory_space<hbm>>
          %dma_wait3A_1132 = arith.constant 0 : i32
          %dma_wait3A_1133 = arith.constant 0 : i32
          %dma_wait3A_1134 = tpu.memref_slice %arg9[%dma_wait3A_1132, %dma_wait3A_1123, %dma_wait3A_1133] : memref<16x8x128xf32, #tpu.memory_space<vmem>> -> memref<16x1x128xf32, #tpu.memory_space<vmem>>
          %dma_wait3A_1135 = tpu.memref_squeeze %dma_wait3A_1134 : memref<16x1x128xf32, #tpu.memory_space<vmem>> -> memref<16x128xf32, #tpu.memory_space<vmem>>
          tpu.wait_dma2 semaphore(%arg19 : memref<!tpu.dma_semaphore, #tpu.memory_space<semaphore_mem>>) src(%dma_wait3A_1135 : memref<16x128xf32, #tpu.memory_space<vmem>>) dst(%dma_wait3A_1131 : memref<16x128xf32, #tpu.memory_space<hbm>>)
          %dma_wait3A_1136 = arith.constant 0 : i32
          %dma_wait3A_1137 = arith.constant 0 : i32
          %dma_wait3A_1138 = arith.constant 0 : i32
          %dma_wait3A_1139 = tpu.memref_slice %arg9[%dma_wait3A_1137, %dma_wait3A_1136, %dma_wait3A_1138] : memref<16x8x128xf32, #tpu.memory_space<vmem>> -> memref<16x1x128xf32, #tpu.memory_space<vmem>>
          %dma_wait3A_1140 = tpu.memref_squeeze %dma_wait3A_1139 : memref<16x1x128xf32, #tpu.memory_space<vmem>> -> memref<16x128xf32, #tpu.memory_space<vmem>>
          %dma_wait3A_1141 = arith.constant 0 : i32
          %dma_wait3A_1142 = tpu.memref_slice %arg5[%mul3A_2, %dma_wait3A_1141] : memref<51200x1000xf32, #tpu.memory_space<hbm>> -> memref<16x128xf32, #tpu.memory_space<hbm>>
          %dma_wait3A_1143 = arith.constant 0 : i32
          %dma_wait3A_1144 = tpu.memref_slice %arg5[%mul3A_2, %dma_wait3A_1143] : memref<51200x1000xf32, #tpu.memory_space<hbm>> -> memref<16x128xf32, #tpu.memory_space<hbm>>
          %dma_wait3A_1145 = arith.constant 0 : i32
          %dma_wait3A_1146 = arith.constant 0 : i32
          %dma_wait3A_1147 = tpu.memref_slice %arg9[%dma_wait3A_1145, %dma_wait3A_1136, %dma_wait3A_1146] : memref<16x8x128xf32, #tpu.memory_space<vmem>> -> memref<16x1x128xf32, #tpu.memory_space<vmem>>
          %dma_wait3A_1148 = tpu.memref_squeeze %dma_wait3A_1147 : memref<16x1x128xf32, #tpu.memory_space<vmem>> -> memref<16x128xf32, #tpu.memory_space<vmem>>
          tpu.wait_dma2 semaphore(%arg19 : memref<!tpu.dma_semaphore, #tpu.memory_space<semaphore_mem>>) src(%dma_wait3A_1148 : memref<16x128xf32, #tpu.memory_space<vmem>>) dst(%dma_wait3A_1144 : memref<16x128xf32, #tpu.memory_space<hbm>>)
          %dma_wait3A_1149 = arith.constant 0 : i32
          %dma_wait3A_1150 = arith.constant 0 : i32
          %dma_wait3A_1151 = arith.constant 0 : i32
          %dma_wait3A_1152 = tpu.memref_slice %arg9[%dma_wait3A_1150, %dma_wait3A_1149, %dma_wait3A_1151] : memref<16x8x128xf32, #tpu.memory_space<vmem>> -> memref<16x1x128xf32, #tpu.memory_space<vmem>>
          %dma_wait3A_1153 = tpu.memref_squeeze %dma_wait3A_1152 : memref<16x1x128xf32, #tpu.memory_space<vmem>> -> memref<16x128xf32, #tpu.memory_space<vmem>>
          %dma_wait3A_1154 = arith.constant 0 : i32
          %dma_wait3A_1155 = tpu.memref_slice %arg5[%mul3A_2, %dma_wait3A_1154] : memref<51200x1000xf32, #tpu.memory_space<hbm>> -> memref<16x128xf32, #tpu.memory_space<hbm>>
          %dma_wait3A_1156 = arith.constant 0 : i32
          %dma_wait3A_1157 = tpu.memref_slice %arg5[%mul3A_2, %dma_wait3A_1156] : memref<51200x1000xf32, #tpu.memory_space<hbm>> -> memref<16x128xf32, #tpu.memory_space<hbm>>
          %dma_wait3A_1158 = arith.constant 0 : i32
          %dma_wait3A_1159 = arith.constant 0 : i32
          %dma_wait3A_1160 = tpu.memref_slice %arg9[%dma_wait3A_1158, %dma_wait3A_1149, %dma_wait3A_1159] : memref<16x8x128xf32, #tpu.memory_space<vmem>> -> memref<16x1x128xf32, #tpu.memory_space<vmem>>
          %dma_wait3A_1161 = tpu.memref_squeeze %dma_wait3A_1160 : memref<16x1x128xf32, #tpu.memory_space<vmem>> -> memref<16x128xf32, #tpu.memory_space<vmem>>
          tpu.wait_dma2 semaphore(%arg19 : memref<!tpu.dma_semaphore, #tpu.memory_space<semaphore_mem>>) src(%dma_wait3A_1161 : memref<16x128xf32, #tpu.memory_space<vmem>>) dst(%dma_wait3A_1157 : memref<16x128xf32, #tpu.memory_space<hbm>>)
          %dma_wait3A_1162 = arith.constant 0 : i32
          %dma_wait3A_1163 = arith.constant 0 : i32
          %dma_wait3A_1164 = arith.constant 0 : i32
          %dma_wait3A_1165 = tpu.memref_slice %arg9[%dma_wait3A_1163, %dma_wait3A_1162, %dma_wait3A_1164] : memref<16x8x128xf32, #tpu.memory_space<vmem>> -> memref<16x1x128xf32, #tpu.memory_space<vmem>>
          %dma_wait3A_1166 = tpu.memref_squeeze %dma_wait3A_1165 : memref<16x1x128xf32, #tpu.memory_space<vmem>> -> memref<16x128xf32, #tpu.memory_space<vmem>>
          %dma_wait3A_1167 = arith.constant 0 : i32
          %dma_wait3A_1168 = tpu.memref_slice %arg5[%mul3A_2, %dma_wait3A_1167] : memref<51200x1000xf32, #tpu.memory_space<hbm>> -> memref<16x128xf32, #tpu.memory_space<hbm>>
          %dma_wait3A_1169 = arith.constant 0 : i32
          %dma_wait3A_1170 = tpu.memref_slice %arg5[%mul3A_2, %dma_wait3A_1169] : memref<51200x1000xf32, #tpu.memory_space<hbm>> -> memref<16x128xf32, #tpu.memory_space<hbm>>
          %dma_wait3A_1171 = arith.constant 0 : i32
          %dma_wait3A_1172 = arith.constant 0 : i32
          %dma_wait3A_1173 = tpu.memref_slice %arg9[%dma_wait3A_1171, %dma_wait3A_1162, %dma_wait3A_1172] : memref<16x8x128xf32, #tpu.memory_space<vmem>> -> memref<16x1x128xf32, #tpu.memory_space<vmem>>
          %dma_wait3A_1174 = tpu.memref_squeeze %dma_wait3A_1173 : memref<16x1x128xf32, #tpu.memory_space<vmem>> -> memref<16x128xf32, #tpu.memory_space<vmem>>
          tpu.wait_dma2 semaphore(%arg19 : memref<!tpu.dma_semaphore, #tpu.memory_space<semaphore_mem>>) src(%dma_wait3A_1174 : memref<16x128xf32, #tpu.memory_space<vmem>>) dst(%dma_wait3A_1170 : memref<16x128xf32, #tpu.memory_space<hbm>>)
        } else {
        }
        %add3A_1062 = arith.constant 2 : i32
        %add3A_1063 = arith.addi %add3A_749, %add3A_1062 : i32
        %mul3A_1064 = arith.constant 16 : i32
        %mul3A_1065 = arith.muli %add3A_1063, %mul3A_1064 : i32
        %dma_start3A_1066 = tpu.memref_slice %arg7[%mul3A_1065] : memref<1600xi32, #tpu.memory_space<vmem>> -> memref<16xi32, #tpu.memory_space<vmem>>
        %dma_start3A_1067 = arith.constant 0 : i32
        %dma_start3A_1068 = arith.constant 0 : i32
        %dma_start3A_1069 = arith.constant 0 : i32
        %dma_start3A_1070 = tpu.memref_slice %arg2[%dma_start3A_1067, %dma_start3A_1068, %dma_start3A_1069] : memref<1000x8x128xf32, #tpu.memory_space<hbm>> -> memref<1000x8x128xf32, #tpu.memory_space<hbm>>
        tpu.enqueue_indirect_dma source(%dma_start3A_1070 : memref<1000x8x128xf32, #tpu.memory_space<hbm>>) target(%arg9 : memref<16x8x128xf32, #tpu.memory_space<vmem>>) offsets(%dma_start3A_1066 : memref<16xi32, #tpu.memory_space<vmem>>) semaphore(%arg15 : memref<!tpu.dma_semaphore, #tpu.memory_space<semaphore_mem>>)
      } else {
      }
      %iota3A_873 = tpu.iota {dimensions = array<i32: 0>} : vector<16xi32>
      %add3A_874 = arith.constant 0 : i32
      %add3A_875 = vector.broadcast %add3A_874 : i32 to vector<16xi32>
      %add3A_876 = arith.addi %iota3A_873, %add3A_875 : vector<16xi32>
      %mul3A_877 = arith.constant 16 : i32
      %mul3A_878 = arith.muli %add3A_749, %mul3A_877 : i32
      %add3A_879 = arith.constant 0 : i32
      %add3A_880 = arith.addi %mul3A_878, %add3A_879 : i32
      %get3A_881 = arith.index_cast %add3A_880 : i32 to index
      %get3A_882 = tpu.vector_load %arg8[%get3A_881] {strides = array<i32>} : memref<1600xi32, #tpu.memory_space<vmem>>, vector<16xi32>,
      %broadcast_in_dim3A_883 = arith.constant 7 : i32
      %broadcast_in_dim3A_884 = vector.broadcast %broadcast_in_dim3A_883 : i32 to vector<16xi32>
      %broadcast_in_dim3A_885 = arith.constant 104 : i32
      %broadcast_in_dim3A_886 = vector.broadcast %broadcast_in_dim3A_885 : i32 to vector<16xi32>
      %gather3A_887 = tpu.vector_load_idx %arg11[%add3A_876, %broadcast_in_dim3A_884, %broadcast_in_dim3A_886] : memref<16x8x128xf32, #tpu.memory_space<vmem>>[vector<16xi32>, vector<16xi32>, vector<16xi32>], vector<16xf32>,
      %shift_right_logical3A_888 = arith.constant 7 : i32
      %shift_right_logical3A_889 = vector.broadcast %shift_right_logical3A_888 : i32 to vector<16xi32>
      %shift_right_logical3A_890 = arith.shrui %get3A_882, %shift_right_logical3A_889 : vector<16xi32>
      %and3A_891 = arith.constant 127 : i32
      %and3A_892 = vector.broadcast %and3A_891 : i32 to vector<16xi32>
      %and3A_893 = arith.andi %get3A_882, %and3A_892 : vector<16xi32>
      %gather3A_894 = tpu.vector_load_idx %arg11[%add3A_876, %shift_right_logical3A_890, %and3A_893] : memref<16x8x128xf32, #tpu.memory_space<vmem>>[vector<16xi32>, vector<16xi32>, vector<16xi32>], vector<16xf32>,
      %get3A_895 = arith.constant 0 : index
      %get3A_896 = tpu.vector_load %arg14[%get3A_895] {strides = array<i32>} : memref<16xf32, #tpu.memory_space<vmem>>, vector<16xf32>,
      %sub3A_897 = arith.subf %gather3A_887, %gather3A_894 : vector<16xf32>
      %add3A_898 = arith.addf %get3A_896, %sub3A_897 : vector<16xf32>
      %swap3A_899 = arith.constant 0 : index
      %swap3A_900 = tpu.vector_load %arg14[%swap3A_899] {strides = array<i32>} : memref<16xf32, #tpu.memory_space<vmem>>, vector<16xf32>,
      tpu.vector_store %arg14[%swap3A_899], %add3A_898 {strides = array<i32>} : memref<16xf32, #tpu.memory_space<vmem>>, vector<16xf32>,
      %mul3A_901 = arith.constant 4 : i32
      %mul3A_902 = arith.muli %mul3A_901, %scan3A_443 : i32
      %add3A_903 = arith.constant 3 : i32
      %add3A_904 = arith.addi %mul3A_902, %add3A_903 : i32
      %mul3A_905 = arith.constant 16 : i32
      %mul3A_906 = arith.muli %add3A_904, %mul3A_905 : i32
      %dma_wait3A_907 = tpu.memref_slice %arg7[%mul3A_906] : memref<1600xi32, #tpu.memory_space<vmem>> -> memref<16xi32, #tpu.memory_space<vmem>>
      %dma_wait3A_908 = arith.constant 0 : i32
      %dma_wait3A_909 = arith.constant 0 : i32
      %dma_wait3A_910 = arith.constant 0 : i32
      %dma_wait3A_911 = tpu.memref_slice %arg2[%dma_wait3A_908, %dma_wait3A_909, %dma_wait3A_910] : memref<1000x8x128xf32, #tpu.memory_space<hbm>> -> memref<1000x8x128xf32, #tpu.memory_space<hbm>>
      tpu.wait_indirect_dma semaphore(%arg18 : memref<!tpu.dma_semaphore, #tpu.memory_space<semaphore_mem>>) src(%dma_wait3A_911 : memref<1000x8x128xf32, #tpu.memory_space<hbm>>) dst(%arg12 : memref<16x8x128xf32, #tpu.memory_space<vmem>>)
      %mul3A_912 = arith.constant 16 : i32
      %mul3A_913 = arith.muli %add3A_904, %mul3A_912 : i32
      %add3A_914 = arith.addi %mul3A_2, %mul3A_913 : i32
      %mul3A_915 = arith.constant 0 : i32
      %mul3A_916 = arith.muli %add3A, %mul3A_915 : i32
      %add3A_917 = arith.constant 0 : i32
      %add3A_918 = arith.addi %mul3A_916, %add3A_917 : i32
      %dma_start3A_919 = arith.constant 0 : i32
      %dma_start3A_920 = arith.constant 0 : i32
      %dma_start3A_921 = arith.constant 0 : i32
      %dma_start3A_922 = tpu.memref_slice %arg12[%dma_start3A_920, %dma_start3A_919, %dma_start3A_921] : memref<16x8x128xf32, #tpu.memory_space<vmem>> -> memref<16x1x128xf32, #tpu.memory_space<vmem>>
      %dma_start3A_923 = tpu.memref_squeeze %dma_start3A_922 : memref<16x1x128xf32, #tpu.memory_space<vmem>> -> memref<16x128xf32, #tpu.memory_space<vmem>>
      %dma_start3A_924 = tpu.memref_slice %arg5[%add3A_914, %add3A_918] : memref<51200x1000xf32, #tpu.memory_space<hbm>> -> memref<16x128xf32, #tpu.memory_space<hbm>>
      %dma_start3A_925 = tpu.memref_slice %arg5[%add3A_914, %add3A_918] : memref<51200x1000xf32, #tpu.memory_space<hbm>> -> memref<16x128xf32, #tpu.memory_space<hbm>>
      %dma_start3A_926 = arith.constant 0 : i32
      %dma_start3A_927 = arith.constant 0 : i32
      %dma_start3A_928 = tpu.memref_slice %arg12[%dma_start3A_926, %dma_start3A_919, %dma_start3A_927] : memref<16x8x128xf32, #tpu.memory_space<vmem>> -> memref<16x1x128xf32, #tpu.memory_space<vmem>>
      %dma_start3A_929 = tpu.memref_squeeze %dma_start3A_928 : memref<16x1x128xf32, #tpu.memory_space<vmem>> -> memref<16x128xf32, #tpu.memory_space<vmem>>
      tpu.enqueue_dma source(%dma_start3A_929 : memref<16x128xf32, #tpu.memory_space<vmem>>) target(%dma_start3A_925 : memref<16x128xf32, #tpu.memory_space<hbm>>) target_semaphore(%arg22 : memref<!tpu.dma_semaphore, #tpu.memory_space<semaphore_mem>>)
      %add3A_930 = arith.constant 128 : i32
      %add3A_931 = arith.addi %mul3A_916, %add3A_930 : i32
      %dma_start3A_932 = arith.constant 1 : i32
      %dma_start3A_933 = arith.constant 0 : i32
      %dma_start3A_934 = arith.constant 0 : i32
      %dma_start3A_935 = tpu.memref_slice %arg12[%dma_start3A_933, %dma_start3A_932, %dma_start3A_934] : memref<16x8x128xf32, #tpu.memory_space<vmem>> -> memref<16x1x128xf32, #tpu.memory_space<vmem>>
      %dma_start3A_936 = tpu.memref_squeeze %dma_start3A_935 : memref<16x1x128xf32, #tpu.memory_space<vmem>> -> memref<16x128xf32, #tpu.memory_space<vmem>>
      %dma_start3A_937 = tpu.memref_slice %arg5[%add3A_914, %add3A_931] : memref<51200x1000xf32, #tpu.memory_space<hbm>> -> memref<16x128xf32, #tpu.memory_space<hbm>>
      %dma_start3A_938 = tpu.memref_slice %arg5[%add3A_914, %add3A_931] : memref<51200x1000xf32, #tpu.memory_space<hbm>> -> memref<16x128xf32, #tpu.memory_space<hbm>>
      %dma_start3A_939 = arith.constant 0 : i32
      %dma_start3A_940 = arith.constant 0 : i32
      %dma_start3A_941 = tpu.memref_slice %arg12[%dma_start3A_939, %dma_start3A_932, %dma_start3A_940] : memref<16x8x128xf32, #tpu.memory_space<vmem>> -> memref<16x1x128xf32, #tpu.memory_space<vmem>>
      %dma_start3A_942 = tpu.memref_squeeze %dma_start3A_941 : memref<16x1x128xf32, #tpu.memory_space<vmem>> -> memref<16x128xf32, #tpu.memory_space<vmem>>
      tpu.enqueue_dma source(%dma_start3A_942 : memref<16x128xf32, #tpu.memory_space<vmem>>) target(%dma_start3A_938 : memref<16x128xf32, #tpu.memory_space<hbm>>) target_semaphore(%arg22 : memref<!tpu.dma_semaphore, #tpu.memory_space<semaphore_mem>>)
      %add3A_943 = arith.constant 256 : i32
      %add3A_944 = arith.addi %mul3A_916, %add3A_943 : i32
      %dma_start3A_945 = arith.constant 2 : i32
      %dma_start3A_946 = arith.constant 0 : i32
      %dma_start3A_947 = arith.constant 0 : i32
      %dma_start3A_948 = tpu.memref_slice %arg12[%dma_start3A_946, %dma_start3A_945, %dma_start3A_947] : memref<16x8x128xf32, #tpu.memory_space<vmem>> -> memref<16x1x128xf32, #tpu.memory_space<vmem>>
      %dma_start3A_949 = tpu.memref_squeeze %dma_start3A_948 : memref<16x1x128xf32, #tpu.memory_space<vmem>> -> memref<16x128xf32, #tpu.memory_space<vmem>>
      %dma_start3A_950 = tpu.memref_slice %arg5[%add3A_914, %add3A_944] : memref<51200x1000xf32, #tpu.memory_space<hbm>> -> memref<16x128xf32, #tpu.memory_space<hbm>>
      %dma_start3A_951 = tpu.memref_slice %arg5[%add3A_914, %add3A_944] : memref<51200x1000xf32, #tpu.memory_space<hbm>> -> memref<16x128xf32, #tpu.memory_space<hbm>>
      %dma_start3A_952 = arith.constant 0 : i32
      %dma_start3A_953 = arith.constant 0 : i32
      %dma_start3A_954 = tpu.memref_slice %arg12[%dma_start3A_952, %dma_start3A_945, %dma_start3A_953] : memref<16x8x128xf32, #tpu.memory_space<vmem>> -> memref<16x1x128xf32, #tpu.memory_space<vmem>>
      %dma_start3A_955 = tpu.memref_squeeze %dma_start3A_954 : memref<16x1x128xf32, #tpu.memory_space<vmem>> -> memref<16x128xf32, #tpu.memory_space<vmem>>
      tpu.enqueue_dma source(%dma_start3A_955 : memref<16x128xf32, #tpu.memory_space<vmem>>) target(%dma_start3A_951 : memref<16x128xf32, #tpu.memory_space<hbm>>) target_semaphore(%arg22 : memref<!tpu.dma_semaphore, #tpu.memory_space<semaphore_mem>>)
      %add3A_956 = arith.constant 384 : i32
      %add3A_957 = arith.addi %mul3A_916, %add3A_956 : i32
      %dma_start3A_958 = arith.constant 3 : i32
      %dma_start3A_959 = arith.constant 0 : i32
      %dma_start3A_960 = arith.constant 0 : i32
      %dma_start3A_961 = tpu.memref_slice %arg12[%dma_start3A_959, %dma_start3A_958, %dma_start3A_960] : memref<16x8x128xf32, #tpu.memory_space<vmem>> -> memref<16x1x128xf32, #tpu.memory_space<vmem>>
      %dma_start3A_962 = tpu.memref_squeeze %dma_start3A_961 : memref<16x1x128xf32, #tpu.memory_space<vmem>> -> memref<16x128xf32, #tpu.memory_space<vmem>>
      %dma_start3A_963 = tpu.memref_slice %arg5[%add3A_914, %add3A_957] : memref<51200x1000xf32, #tpu.memory_space<hbm>> -> memref<16x128xf32, #tpu.memory_space<hbm>>
      %dma_start3A_964 = tpu.memref_slice %arg5[%add3A_914, %add3A_957] : memref<51200x1000xf32, #tpu.memory_space<hbm>> -> memref<16x128xf32, #tpu.memory_space<hbm>>
      %dma_start3A_965 = arith.constant 0 : i32
      %dma_start3A_966 = arith.constant 0 : i32
      %dma_start3A_967 = tpu.memref_slice %arg12[%dma_start3A_965, %dma_start3A_958, %dma_start3A_966] : memref<16x8x128xf32, #tpu.memory_space<vmem>> -> memref<16x1x128xf32, #tpu.memory_space<vmem>>
      %dma_start3A_968 = tpu.memref_squeeze %dma_start3A_967 : memref<16x1x128xf32, #tpu.memory_space<vmem>> -> memref<16x128xf32, #tpu.memory_space<vmem>>
      tpu.enqueue_dma source(%dma_start3A_968 : memref<16x128xf32, #tpu.memory_space<vmem>>) target(%dma_start3A_964 : memref<16x128xf32, #tpu.memory_space<hbm>>) target_semaphore(%arg22 : memref<!tpu.dma_semaphore, #tpu.memory_space<semaphore_mem>>)
      %add3A_969 = arith.constant 512 : i32
      %add3A_970 = arith.addi %mul3A_916, %add3A_969 : i32
      %dma_start3A_971 = arith.constant 4 : i32
      %dma_start3A_972 = arith.constant 0 : i32
      %dma_start3A_973 = arith.constant 0 : i32
      %dma_start3A_974 = tpu.memref_slice %arg12[%dma_start3A_972, %dma_start3A_971, %dma_start3A_973] : memref<16x8x128xf32, #tpu.memory_space<vmem>> -> memref<16x1x128xf32, #tpu.memory_space<vmem>>
      %dma_start3A_975 = tpu.memref_squeeze %dma_start3A_974 : memref<16x1x128xf32, #tpu.memory_space<vmem>> -> memref<16x128xf32, #tpu.memory_space<vmem>>
      %dma_start3A_976 = tpu.memref_slice %arg5[%add3A_914, %add3A_970] : memref<51200x1000xf32, #tpu.memory_space<hbm>> -> memref<16x128xf32, #tpu.memory_space<hbm>>
      %dma_start3A_977 = tpu.memref_slice %arg5[%add3A_914, %add3A_970] : memref<51200x1000xf32, #tpu.memory_space<hbm>> -> memref<16x128xf32, #tpu.memory_space<hbm>>
      %dma_start3A_978 = arith.constant 0 : i32
      %dma_start3A_979 = arith.constant 0 : i32
      %dma_start3A_980 = tpu.memref_slice %arg12[%dma_start3A_978, %dma_start3A_971, %dma_start3A_979] : memref<16x8x128xf32, #tpu.memory_space<vmem>> -> memref<16x1x128xf32, #tpu.memory_space<vmem>>
      %dma_start3A_981 = tpu.memref_squeeze %dma_start3A_980 : memref<16x1x128xf32, #tpu.memory_space<vmem>> -> memref<16x128xf32, #tpu.memory_space<vmem>>
      tpu.enqueue_dma source(%dma_start3A_981 : memref<16x128xf32, #tpu.memory_space<vmem>>) target(%dma_start3A_977 : memref<16x128xf32, #tpu.memory_space<hbm>>) target_semaphore(%arg22 : memref<!tpu.dma_semaphore, #tpu.memory_space<semaphore_mem>>)
      %add3A_982 = arith.constant 640 : i32
      %add3A_983 = arith.addi %mul3A_916, %add3A_982 : i32
      %dma_start3A_984 = arith.constant 5 : i32
      %dma_start3A_985 = arith.constant 0 : i32
      %dma_start3A_986 = arith.constant 0 : i32
      %dma_start3A_987 = tpu.memref_slice %arg12[%dma_start3A_985, %dma_start3A_984, %dma_start3A_986] : memref<16x8x128xf32, #tpu.memory_space<vmem>> -> memref<16x1x128xf32, #tpu.memory_space<vmem>>
      %dma_start3A_988 = tpu.memref_squeeze %dma_start3A_987 : memref<16x1x128xf32, #tpu.memory_space<vmem>> -> memref<16x128xf32, #tpu.memory_space<vmem>>
      %dma_start3A_989 = tpu.memref_slice %arg5[%add3A_914, %add3A_983] : memref<51200x1000xf32, #tpu.memory_space<hbm>> -> memref<16x128xf32, #tpu.memory_space<hbm>>
      %dma_start3A_990 = tpu.memref_slice %arg5[%add3A_914, %add3A_983] : memref<51200x1000xf32, #tpu.memory_space<hbm>> -> memref<16x128xf32, #tpu.memory_space<hbm>>
      %dma_start3A_991 = arith.constant 0 : i32
      %dma_start3A_992 = arith.constant 0 : i32
      %dma_start3A_993 = tpu.memref_slice %arg12[%dma_start3A_991, %dma_start3A_984, %dma_start3A_992] : memref<16x8x128xf32, #tpu.memory_space<vmem>> -> memref<16x1x128xf32, #tpu.memory_space<vmem>>
      %dma_start3A_994 = tpu.memref_squeeze %dma_start3A_993 : memref<16x1x128xf32, #tpu.memory_space<vmem>> -> memref<16x128xf32, #tpu.memory_space<vmem>>
      tpu.enqueue_dma source(%dma_start3A_994 : memref<16x128xf32, #tpu.memory_space<vmem>>) target(%dma_start3A_990 : memref<16x128xf32, #tpu.memory_space<hbm>>) target_semaphore(%arg22 : memref<!tpu.dma_semaphore, #tpu.memory_space<semaphore_mem>>)
      %add3A_995 = arith.constant 768 : i32
      %add3A_996 = arith.addi %mul3A_916, %add3A_995 : i32
      %dma_start3A_997 = arith.constant 6 : i32
      %dma_start3A_998 = arith.constant 0 : i32
      %dma_start3A_999 = arith.constant 0 : i32
      %dma_start3A_1000 = tpu.memref_slice %arg12[%dma_start3A_998, %dma_start3A_997, %dma_start3A_999] : memref<16x8x128xf32, #tpu.memory_space<vmem>> -> memref<16x1x128xf32, #tpu.memory_space<vmem>>
      %dma_start3A_1001 = tpu.memref_squeeze %dma_start3A_1000 : memref<16x1x128xf32, #tpu.memory_space<vmem>> -> memref<16x128xf32, #tpu.memory_space<vmem>>
      %dma_start3A_1002 = tpu.memref_slice %arg5[%add3A_914, %add3A_996] : memref<51200x1000xf32, #tpu.memory_space<hbm>> -> memref<16x128xf32, #tpu.memory_space<hbm>>
      %dma_start3A_1003 = tpu.memref_slice %arg5[%add3A_914, %add3A_996] : memref<51200x1000xf32, #tpu.memory_space<hbm>> -> memref<16x128xf32, #tpu.memory_space<hbm>>
      %dma_start3A_1004 = arith.constant 0 : i32
      %dma_start3A_1005 = arith.constant 0 : i32
      %dma_start3A_1006 = tpu.memref_slice %arg12[%dma_start3A_1004, %dma_start3A_997, %dma_start3A_1005] : memref<16x8x128xf32, #tpu.memory_space<vmem>> -> memref<16x1x128xf32, #tpu.memory_space<vmem>>
      %dma_start3A_1007 = tpu.memref_squeeze %dma_start3A_1006 : memref<16x1x128xf32, #tpu.memory_space<vmem>> -> memref<16x128xf32, #tpu.memory_space<vmem>>
      tpu.enqueue_dma source(%dma_start3A_1007 : memref<16x128xf32, #tpu.memory_space<vmem>>) target(%dma_start3A_1003 : memref<16x128xf32, #tpu.memory_space<hbm>>) target_semaphore(%arg22 : memref<!tpu.dma_semaphore, #tpu.memory_space<semaphore_mem>>)
      %add3A_1008 = arith.constant 896 : i32
      %add3A_1009 = arith.addi %mul3A_916, %add3A_1008 : i32
      %dma_start3A_1010 = arith.constant 7 : i32
      %dma_start3A_1011 = arith.constant 0 : i32
      %dma_start3A_1012 = arith.constant 0 : i32
      %dma_start3A_1013 = tpu.memref_slice %arg12[%dma_start3A_1011, %dma_start3A_1010, %dma_start3A_1012] : memref<16x8x128xf32, #tpu.memory_space<vmem>> -> memref<16x1x128xf32, #tpu.memory_space<vmem>>
      %dma_start3A_1014 = tpu.memref_squeeze %dma_start3A_1013 : memref<16x1x128xf32, #tpu.memory_space<vmem>> -> memref<16x128xf32, #tpu.memory_space<vmem>>
      %dma_start3A_1015 = tpu.memref_slice %arg5[%add3A_914, %add3A_1009] : memref<51200x1000xf32, #tpu.memory_space<hbm>> -> memref<16x128xf32, #tpu.memory_space<hbm>>
      %dma_start3A_1016 = tpu.memref_slice %arg5[%add3A_914, %add3A_1009] : memref<51200x1000xf32, #tpu.memory_space<hbm>> -> memref<16x128xf32, #tpu.memory_space<hbm>>
      %dma_start3A_1017 = arith.constant 0 : i32
      %dma_start3A_1018 = arith.constant 0 : i32
      %dma_start3A_1019 = tpu.memref_slice %arg12[%dma_start3A_1017, %dma_start3A_1010, %dma_start3A_1018] : memref<16x8x128xf32, #tpu.memory_space<vmem>> -> memref<16x1x128xf32, #tpu.memory_space<vmem>>
      %dma_start3A_1020 = tpu.memref_squeeze %dma_start3A_1019 : memref<16x1x128xf32, #tpu.memory_space<vmem>> -> memref<16x128xf32, #tpu.memory_space<vmem>>
      tpu.enqueue_dma source(%dma_start3A_1020 : memref<16x128xf32, #tpu.memory_space<vmem>>) target(%dma_start3A_1016 : memref<16x128xf32, #tpu.memory_space<hbm>>) target_semaphore(%arg22 : memref<!tpu.dma_semaphore, #tpu.memory_space<semaphore_mem>>)
      %add3A_1021 = arith.constant 2 : i32
      %add3A_1022 = arith.addi %add3A_904, %add3A_1021 : i32
      %lt3A_1023 = arith.constant 100 : i32
      %lt3A_1024 = arith.cmpi slt, %add3A_1022, %lt3A_1023 : i32
      %convert_element_type3A_1025 = arith.extui %lt3A_1024 : i1 to i32
      %cond3A_1026 = arith.constant 0 : i32
      %cond3A_1027 = arith.cmpi ne, %convert_element_type3A_1025, %cond3A_1026 : i32
      scf.if %cond3A_1027 {
        %sub3A_1056 = arith.constant 2 : i32
        %sub3A_1057 = arith.subi %add3A_904, %sub3A_1056 : i32
        %ge3A = arith.constant 0 : i32
        %ge3A_1058 = arith.cmpi sge, %sub3A_1057, %ge3A : i32
        %convert_element_type3A_1059 = arith.extui %ge3A_1058 : i1 to i32
        %cond3A_1060 = arith.constant 0 : i32
        %cond3A_1061 = arith.cmpi ne, %convert_element_type3A_1059, %cond3A_1060 : i32
        scf.if %cond3A_1061 {
          %dma_wait3A_1071 = arith.constant 0 : i32
          %dma_wait3A_1072 = arith.constant 0 : i32
          %dma_wait3A_1073 = arith.constant 0 : i32
          %dma_wait3A_1074 = tpu.memref_slice %arg10[%dma_wait3A_1072, %dma_wait3A_1071, %dma_wait3A_1073] : memref<16x8x128xf32, #tpu.memory_space<vmem>> -> memref<16x1x128xf32, #tpu.memory_space<vmem>>
          %dma_wait3A_1075 = tpu.memref_squeeze %dma_wait3A_1074 : memref<16x1x128xf32, #tpu.memory_space<vmem>> -> memref<16x128xf32, #tpu.memory_space<vmem>>
          %dma_wait3A_1076 = arith.constant 0 : i32
          %dma_wait3A_1077 = tpu.memref_slice %arg5[%mul3A_2, %dma_wait3A_1076] : memref<51200x1000xf32, #tpu.memory_space<hbm>> -> memref<16x128xf32, #tpu.memory_space<hbm>>
          %dma_wait3A_1078 = arith.constant 0 : i32
          %dma_wait3A_1079 = tpu.memref_slice %arg5[%mul3A_2, %dma_wait3A_1078] : memref<51200x1000xf32, #tpu.memory_space<hbm>> -> memref<16x128xf32, #tpu.memory_space<hbm>>
          %dma_wait3A_1080 = arith.constant 0 : i32
          %dma_wait3A_1081 = arith.constant 0 : i32
          %dma_wait3A_1082 = tpu.memref_slice %arg10[%dma_wait3A_1080, %dma_wait3A_1071, %dma_wait3A_1081] : memref<16x8x128xf32, #tpu.memory_space<vmem>> -> memref<16x1x128xf32, #tpu.memory_space<vmem>>
          %dma_wait3A_1083 = tpu.memref_squeeze %dma_wait3A_1082 : memref<16x1x128xf32, #tpu.memory_space<vmem>> -> memref<16x128xf32, #tpu.memory_space<vmem>>
          tpu.wait_dma2 semaphore(%arg20 : memref<!tpu.dma_semaphore, #tpu.memory_space<semaphore_mem>>) src(%dma_wait3A_1083 : memref<16x128xf32, #tpu.memory_space<vmem>>) dst(%dma_wait3A_1079 : memref<16x128xf32, #tpu.memory_space<hbm>>)
          %dma_wait3A_1084 = arith.constant 0 : i32
          %dma_wait3A_1085 = arith.constant 0 : i32
          %dma_wait3A_1086 = arith.constant 0 : i32
          %dma_wait3A_1087 = tpu.memref_slice %arg10[%dma_wait3A_1085, %dma_wait3A_1084, %dma_wait3A_1086] : memref<16x8x128xf32, #tpu.memory_space<vmem>> -> memref<16x1x128xf32, #tpu.memory_space<vmem>>
          %dma_wait3A_1088 = tpu.memref_squeeze %dma_wait3A_1087 : memref<16x1x128xf32, #tpu.memory_space<vmem>> -> memref<16x128xf32, #tpu.memory_space<vmem>>
          %dma_wait3A_1089 = arith.constant 0 : i32
          %dma_wait3A_1090 = tpu.memref_slice %arg5[%mul3A_2, %dma_wait3A_1089] : memref<51200x1000xf32, #tpu.memory_space<hbm>> -> memref<16x128xf32, #tpu.memory_space<hbm>>
          %dma_wait3A_1091 = arith.constant 0 : i32
          %dma_wait3A_1092 = tpu.memref_slice %arg5[%mul3A_2, %dma_wait3A_1091] : memref<51200x1000xf32, #tpu.memory_space<hbm>> -> memref<16x128xf32, #tpu.memory_space<hbm>>
          %dma_wait3A_1093 = arith.constant 0 : i32
          %dma_wait3A_1094 = arith.constant 0 : i32
          %dma_wait3A_1095 = tpu.memref_slice %arg10[%dma_wait3A_1093, %dma_wait3A_1084, %dma_wait3A_1094] : memref<16x8x128xf32, #tpu.memory_space<vmem>> -> memref<16x1x128xf32, #tpu.memory_space<vmem>>
          %dma_wait3A_1096 = tpu.memref_squeeze %dma_wait3A_1095 : memref<16x1x128xf32, #tpu.memory_space<vmem>> -> memref<16x128xf32, #tpu.memory_space<vmem>>
          tpu.wait_dma2 semaphore(%arg20 : memref<!tpu.dma_semaphore, #tpu.memory_space<semaphore_mem>>) src(%dma_wait3A_1096 : memref<16x128xf32, #tpu.memory_space<vmem>>) dst(%dma_wait3A_1092 : memref<16x128xf32, #tpu.memory_space<hbm>>)
          %dma_wait3A_1097 = arith.constant 0 : i32
          %dma_wait3A_1098 = arith.constant 0 : i32
          %dma_wait3A_1099 = arith.constant 0 : i32
          %dma_wait3A_1100 = tpu.memref_slice %arg10[%dma_wait3A_1098, %dma_wait3A_1097, %dma_wait3A_1099] : memref<16x8x128xf32, #tpu.memory_space<vmem>> -> memref<16x1x128xf32, #tpu.memory_space<vmem>>
          %dma_wait3A_1101 = tpu.memref_squeeze %dma_wait3A_1100 : memref<16x1x128xf32, #tpu.memory_space<vmem>> -> memref<16x128xf32, #tpu.memory_space<vmem>>
          %dma_wait3A_1102 = arith.constant 0 : i32
          %dma_wait3A_1103 = tpu.memref_slice %arg5[%mul3A_2, %dma_wait3A_1102] : memref<51200x1000xf32, #tpu.memory_space<hbm>> -> memref<16x128xf32, #tpu.memory_space<hbm>>
          %dma_wait3A_1104 = arith.constant 0 : i32
          %dma_wait3A_1105 = tpu.memref_slice %arg5[%mul3A_2, %dma_wait3A_1104] : memref<51200x1000xf32, #tpu.memory_space<hbm>> -> memref<16x128xf32, #tpu.memory_space<hbm>>
          %dma_wait3A_1106 = arith.constant 0 : i32
          %dma_wait3A_1107 = arith.constant 0 : i32
          %dma_wait3A_1108 = tpu.memref_slice %arg10[%dma_wait3A_1106, %dma_wait3A_1097, %dma_wait3A_1107] : memref<16x8x128xf32, #tpu.memory_space<vmem>> -> memref<16x1x128xf32, #tpu.memory_space<vmem>>
          %dma_wait3A_1109 = tpu.memref_squeeze %dma_wait3A_1108 : memref<16x1x128xf32, #tpu.memory_space<vmem>> -> memref<16x128xf32, #tpu.memory_space<vmem>>
          tpu.wait_dma2 semaphore(%arg20 : memref<!tpu.dma_semaphore, #tpu.memory_space<semaphore_mem>>) src(%dma_wait3A_1109 : memref<16x128xf32, #tpu.memory_space<vmem>>) dst(%dma_wait3A_1105 : memref<16x128xf32, #tpu.memory_space<hbm>>)
          %dma_wait3A_1110 = arith.constant 0 : i32
          %dma_wait3A_1111 = arith.constant 0 : i32
          %dma_wait3A_1112 = arith.constant 0 : i32
          %dma_wait3A_1113 = tpu.memref_slice %arg10[%dma_wait3A_1111, %dma_wait3A_1110, %dma_wait3A_1112] : memref<16x8x128xf32, #tpu.memory_space<vmem>> -> memref<16x1x128xf32, #tpu.memory_space<vmem>>
          %dma_wait3A_1114 = tpu.memref_squeeze %dma_wait3A_1113 : memref<16x1x128xf32, #tpu.memory_space<vmem>> -> memref<16x128xf32, #tpu.memory_space<vmem>>
          %dma_wait3A_1115 = arith.constant 0 : i32
          %dma_wait3A_1116 = tpu.memref_slice %arg5[%mul3A_2, %dma_wait3A_1115] : memref<51200x1000xf32, #tpu.memory_space<hbm>> -> memref<16x128xf32, #tpu.memory_space<hbm>>
          %dma_wait3A_1117 = arith.constant 0 : i32
          %dma_wait3A_1118 = tpu.memref_slice %arg5[%mul3A_2, %dma_wait3A_1117] : memref<51200x1000xf32, #tpu.memory_space<hbm>> -> memref<16x128xf32, #tpu.memory_space<hbm>>
          %dma_wait3A_1119 = arith.constant 0 : i32
          %dma_wait3A_1120 = arith.constant 0 : i32
          %dma_wait3A_1121 = tpu.memref_slice %arg10[%dma_wait3A_1119, %dma_wait3A_1110, %dma_wait3A_1120] : memref<16x8x128xf32, #tpu.memory_space<vmem>> -> memref<16x1x128xf32, #tpu.memory_space<vmem>>
          %dma_wait3A_1122 = tpu.memref_squeeze %dma_wait3A_1121 : memref<16x1x128xf32, #tpu.memory_space<vmem>> -> memref<16x128xf32, #tpu.memory_space<vmem>>
          tpu.wait_dma2 semaphore(%arg20 : memref<!tpu.dma_semaphore, #tpu.memory_space<semaphore_mem>>) src(%dma_wait3A_1122 : memref<16x128xf32, #tpu.memory_space<vmem>>) dst(%dma_wait3A_1118 : memref<16x128xf32, #tpu.memory_space<hbm>>)
          %dma_wait3A_1123 = arith.constant 0 : i32
          %dma_wait3A_1124 = arith.constant 0 : i32
          %dma_wait3A_1125 = arith.constant 0 : i32
          %dma_wait3A_1126 = tpu.memref_slice %arg10[%dma_wait3A_1124, %dma_wait3A_1123, %dma_wait3A_1125] : memref<16x8x128xf32, #tpu.memory_space<vmem>> -> memref<16x1x128xf32, #tpu.memory_space<vmem>>
          %dma_wait3A_1127 = tpu.memref_squeeze %dma_wait3A_1126 : memref<16x1x128xf32, #tpu.memory_space<vmem>> -> memref<16x128xf32, #tpu.memory_space<vmem>>
          %dma_wait3A_1128 = arith.constant 0 : i32
          %dma_wait3A_1129 = tpu.memref_slice %arg5[%mul3A_2, %dma_wait3A_1128] : memref<51200x1000xf32, #tpu.memory_space<hbm>> -> memref<16x128xf32, #tpu.memory_space<hbm>>
          %dma_wait3A_1130 = arith.constant 0 : i32
          %dma_wait3A_1131 = tpu.memref_slice %arg5[%mul3A_2, %dma_wait3A_1130] : memref<51200x1000xf32, #tpu.memory_space<hbm>> -> memref<16x128xf32, #tpu.memory_space<hbm>>
          %dma_wait3A_1132 = arith.constant 0 : i32
          %dma_wait3A_1133 = arith.constant 0 : i32
          %dma_wait3A_1134 = tpu.memref_slice %arg10[%dma_wait3A_1132, %dma_wait3A_1123, %dma_wait3A_1133] : memref<16x8x128xf32, #tpu.memory_space<vmem>> -> memref<16x1x128xf32, #tpu.memory_space<vmem>>
          %dma_wait3A_1135 = tpu.memref_squeeze %dma_wait3A_1134 : memref<16x1x128xf32, #tpu.memory_space<vmem>> -> memref<16x128xf32, #tpu.memory_space<vmem>>
          tpu.wait_dma2 semaphore(%arg20 : memref<!tpu.dma_semaphore, #tpu.memory_space<semaphore_mem>>) src(%dma_wait3A_1135 : memref<16x128xf32, #tpu.memory_space<vmem>>) dst(%dma_wait3A_1131 : memref<16x128xf32, #tpu.memory_space<hbm>>)
          %dma_wait3A_1136 = arith.constant 0 : i32
          %dma_wait3A_1137 = arith.constant 0 : i32
          %dma_wait3A_1138 = arith.constant 0 : i32
          %dma_wait3A_1139 = tpu.memref_slice %arg10[%dma_wait3A_1137, %dma_wait3A_1136, %dma_wait3A_1138] : memref<16x8x128xf32, #tpu.memory_space<vmem>> -> memref<16x1x128xf32, #tpu.memory_space<vmem>>
          %dma_wait3A_1140 = tpu.memref_squeeze %dma_wait3A_1139 : memref<16x1x128xf32, #tpu.memory_space<vmem>> -> memref<16x128xf32, #tpu.memory_space<vmem>>
          %dma_wait3A_1141 = arith.constant 0 : i32
          %dma_wait3A_1142 = tpu.memref_slice %arg5[%mul3A_2, %dma_wait3A_1141] : memref<51200x1000xf32, #tpu.memory_space<hbm>> -> memref<16x128xf32, #tpu.memory_space<hbm>>
          %dma_wait3A_1143 = arith.constant 0 : i32
          %dma_wait3A_1144 = tpu.memref_slice %arg5[%mul3A_2, %dma_wait3A_1143] : memref<51200x1000xf32, #tpu.memory_space<hbm>> -> memref<16x128xf32, #tpu.memory_space<hbm>>
          %dma_wait3A_1145 = arith.constant 0 : i32
          %dma_wait3A_1146 = arith.constant 0 : i32
          %dma_wait3A_1147 = tpu.memref_slice %arg10[%dma_wait3A_1145, %dma_wait3A_1136, %dma_wait3A_1146] : memref<16x8x128xf32, #tpu.memory_space<vmem>> -> memref<16x1x128xf32, #tpu.memory_space<vmem>>
          %dma_wait3A_1148 = tpu.memref_squeeze %dma_wait3A_1147 : memref<16x1x128xf32, #tpu.memory_space<vmem>> -> memref<16x128xf32, #tpu.memory_space<vmem>>
          tpu.wait_dma2 semaphore(%arg20 : memref<!tpu.dma_semaphore, #tpu.memory_space<semaphore_mem>>) src(%dma_wait3A_1148 : memref<16x128xf32, #tpu.memory_space<vmem>>) dst(%dma_wait3A_1144 : memref<16x128xf32, #tpu.memory_space<hbm>>)
          %dma_wait3A_1149 = arith.constant 0 : i32
          %dma_wait3A_1150 = arith.constant 0 : i32
          %dma_wait3A_1151 = arith.constant 0 : i32
          %dma_wait3A_1152 = tpu.memref_slice %arg10[%dma_wait3A_1150, %dma_wait3A_1149, %dma_wait3A_1151] : memref<16x8x128xf32, #tpu.memory_space<vmem>> -> memref<16x1x128xf32, #tpu.memory_space<vmem>>
          %dma_wait3A_1153 = tpu.memref_squeeze %dma_wait3A_1152 : memref<16x1x128xf32, #tpu.memory_space<vmem>> -> memref<16x128xf32, #tpu.memory_space<vmem>>
          %dma_wait3A_1154 = arith.constant 0 : i32
          %dma_wait3A_1155 = tpu.memref_slice %arg5[%mul3A_2, %dma_wait3A_1154] : memref<51200x1000xf32, #tpu.memory_space<hbm>> -> memref<16x128xf32, #tpu.memory_space<hbm>>
          %dma_wait3A_1156 = arith.constant 0 : i32
          %dma_wait3A_1157 = tpu.memref_slice %arg5[%mul3A_2, %dma_wait3A_1156] : memref<51200x1000xf32, #tpu.memory_space<hbm>> -> memref<16x128xf32, #tpu.memory_space<hbm>>
          %dma_wait3A_1158 = arith.constant 0 : i32
          %dma_wait3A_1159 = arith.constant 0 : i32
          %dma_wait3A_1160 = tpu.memref_slice %arg10[%dma_wait3A_1158, %dma_wait3A_1149, %dma_wait3A_1159] : memref<16x8x128xf32, #tpu.memory_space<vmem>> -> memref<16x1x128xf32, #tpu.memory_space<vmem>>
          %dma_wait3A_1161 = tpu.memref_squeeze %dma_wait3A_1160 : memref<16x1x128xf32, #tpu.memory_space<vmem>> -> memref<16x128xf32, #tpu.memory_space<vmem>>
          tpu.wait_dma2 semaphore(%arg20 : memref<!tpu.dma_semaphore, #tpu.memory_space<semaphore_mem>>) src(%dma_wait3A_1161 : memref<16x128xf32, #tpu.memory_space<vmem>>) dst(%dma_wait3A_1157 : memref<16x128xf32, #tpu.memory_space<hbm>>)
          %dma_wait3A_1162 = arith.constant 0 : i32
          %dma_wait3A_1163 = arith.constant 0 : i32
          %dma_wait3A_1164 = arith.constant 0 : i32
          %dma_wait3A_1165 = tpu.memref_slice %arg10[%dma_wait3A_1163, %dma_wait3A_1162, %dma_wait3A_1164] : memref<16x8x128xf32, #tpu.memory_space<vmem>> -> memref<16x1x128xf32, #tpu.memory_space<vmem>>
          %dma_wait3A_1166 = tpu.memref_squeeze %dma_wait3A_1165 : memref<16x1x128xf32, #tpu.memory_space<vmem>> -> memref<16x128xf32, #tpu.memory_space<vmem>>
          %dma_wait3A_1167 = arith.constant 0 : i32
          %dma_wait3A_1168 = tpu.memref_slice %arg5[%mul3A_2, %dma_wait3A_1167] : memref<51200x1000xf32, #tpu.memory_space<hbm>> -> memref<16x128xf32, #tpu.memory_space<hbm>>
          %dma_wait3A_1169 = arith.constant 0 : i32
          %dma_wait3A_1170 = tpu.memref_slice %arg5[%mul3A_2, %dma_wait3A_1169] : memref<51200x1000xf32, #tpu.memory_space<hbm>> -> memref<16x128xf32, #tpu.memory_space<hbm>>
          %dma_wait3A_1171 = arith.constant 0 : i32
          %dma_wait3A_1172 = arith.constant 0 : i32
          %dma_wait3A_1173 = tpu.memref_slice %arg10[%dma_wait3A_1171, %dma_wait3A_1162, %dma_wait3A_1172] : memref<16x8x128xf32, #tpu.memory_space<vmem>> -> memref<16x1x128xf32, #tpu.memory_space<vmem>>
          %dma_wait3A_1174 = tpu.memref_squeeze %dma_wait3A_1173 : memref<16x1x128xf32, #tpu.memory_space<vmem>> -> memref<16x128xf32, #tpu.memory_space<vmem>>
          tpu.wait_dma2 semaphore(%arg20 : memref<!tpu.dma_semaphore, #tpu.memory_space<semaphore_mem>>) src(%dma_wait3A_1174 : memref<16x128xf32, #tpu.memory_space<vmem>>) dst(%dma_wait3A_1170 : memref<16x128xf32, #tpu.memory_space<hbm>>)
        } else {
        }
        %add3A_1062 = arith.constant 2 : i32
        %add3A_1063 = arith.addi %add3A_904, %add3A_1062 : i32
        %mul3A_1064 = arith.constant 16 : i32
        %mul3A_1065 = arith.muli %add3A_1063, %mul3A_1064 : i32
        %dma_start3A_1066 = tpu.memref_slice %arg7[%mul3A_1065] : memref<1600xi32, #tpu.memory_space<vmem>> -> memref<16xi32, #tpu.memory_space<vmem>>
        %dma_start3A_1067 = arith.constant 0 : i32
        %dma_start3A_1068 = arith.constant 0 : i32
        %dma_start3A_1069 = arith.constant 0 : i32
        %dma_start3A_1070 = tpu.memref_slice %arg2[%dma_start3A_1067, %dma_start3A_1068, %dma_start3A_1069] : memref<1000x8x128xf32, #tpu.memory_space<hbm>> -> memref<1000x8x128xf32, #tpu.memory_space<hbm>>
        tpu.enqueue_indirect_dma source(%dma_start3A_1070 : memref<1000x8x128xf32, #tpu.memory_space<hbm>>) target(%arg10 : memref<16x8x128xf32, #tpu.memory_space<vmem>>) offsets(%dma_start3A_1066 : memref<16xi32, #tpu.memory_space<vmem>>) semaphore(%arg16 : memref<!tpu.dma_semaphore, #tpu.memory_space<semaphore_mem>>)
      } else {
      }
      %iota3A_1028 = tpu.iota {dimensions = array<i32: 0>} : vector<16xi32>
      %add3A_1029 = arith.constant 0 : i32
      %add3A_1030 = vector.broadcast %add3A_1029 : i32 to vector<16xi32>
      %add3A_1031 = arith.addi %iota3A_1028, %add3A_1030 : vector<16xi32>
      %mul3A_1032 = arith.constant 16 : i32
      %mul3A_1033 = arith.muli %add3A_904, %mul3A_1032 : i32
      %add3A_1034 = arith.constant 0 : i32
      %add3A_1035 = arith.addi %mul3A_1033, %add3A_1034 : i32
      %get3A_1036 = arith.index_cast %add3A_1035 : i32 to index
      %get3A_1037 = tpu.vector_load %arg8[%get3A_1036] {strides = array<i32>} : memref<1600xi32, #tpu.memory_space<vmem>>, vector<16xi32>,
      %broadcast_in_dim3A_1038 = arith.constant 7 : i32
      %broadcast_in_dim3A_1039 = vector.broadcast %broadcast_in_dim3A_1038 : i32 to vector<16xi32>
      %broadcast_in_dim3A_1040 = arith.constant 104 : i32
      %broadcast_in_dim3A_1041 = vector.broadcast %broadcast_in_dim3A_1040 : i32 to vector<16xi32>
      %gather3A_1042 = tpu.vector_load_idx %arg12[%add3A_1031, %broadcast_in_dim3A_1039, %broadcast_in_dim3A_1041] : memref<16x8x128xf32, #tpu.memory_space<vmem>>[vector<16xi32>, vector<16xi32>, vector<16xi32>], vector<16xf32>,
      %shift_right_logical3A_1043 = arith.constant 7 : i32
      %shift_right_logical3A_1044 = vector.broadcast %shift_right_logical3A_1043 : i32 to vector<16xi32>
      %shift_right_logical3A_1045 = arith.shrui %get3A_1037, %shift_right_logical3A_1044 : vector<16xi32>
      %and3A_1046 = arith.constant 127 : i32
      %and3A_1047 = vector.broadcast %and3A_1046 : i32 to vector<16xi32>
      %and3A_1048 = arith.andi %get3A_1037, %and3A_1047 : vector<16xi32>
      %gather3A_1049 = tpu.vector_load_idx %arg12[%add3A_1031, %shift_right_logical3A_1045, %and3A_1048] : memref<16x8x128xf32, #tpu.memory_space<vmem>>[vector<16xi32>, vector<16xi32>, vector<16xi32>], vector<16xf32>,
      %get3A_1050 = arith.constant 0 : index
      %get3A_1051 = tpu.vector_load %arg14[%get3A_1050] {strides = array<i32>} : memref<16xf32, #tpu.memory_space<vmem>>, vector<16xf32>,
      %sub3A_1052 = arith.subf %gather3A_1042, %gather3A_1049 : vector<16xf32>
      %add3A_1053 = arith.addf %get3A_1051, %sub3A_1052 : vector<16xf32>
      %swap3A_1054 = arith.constant 0 : index
      %swap3A_1055 = tpu.vector_load %arg14[%swap3A_1054] {strides = array<i32>} : memref<16xf32, #tpu.memory_space<vmem>>, vector<16xf32>,
      tpu.vector_store %arg14[%swap3A_1054], %add3A_1053 {strides = array<i32>} : memref<16xf32, #tpu.memory_space<vmem>>, vector<16xf32>,
    }
    %scan3A_20 = arith.constant 25 : i32
    %dma_wait3A = arith.constant 0 : i32
    %dma_wait3A_21 = arith.constant 0 : i32
    %dma_wait3A_22 = arith.constant 0 : i32
    %dma_wait3A_23 = tpu.memref_slice %arg9[%dma_wait3A_21, %dma_wait3A, %dma_wait3A_22] : memref<16x8x128xf32, #tpu.memory_space<vmem>> -> memref<16x1x128xf32, #tpu.memory_space<vmem>>
    %dma_wait3A_24 = tpu.memref_squeeze %dma_wait3A_23 : memref<16x1x128xf32, #tpu.memory_space<vmem>> -> memref<16x128xf32, #tpu.memory_space<vmem>>
    %dma_wait3A_25 = arith.constant 0 : i32
    %dma_wait3A_26 = tpu.memref_slice %arg5[%mul3A_2, %dma_wait3A_25] : memref<51200x1000xf32, #tpu.memory_space<hbm>> -> memref<16x128xf32, #tpu.memory_space<hbm>>
    %dma_wait3A_27 = arith.constant 0 : i32
    %dma_wait3A_28 = tpu.memref_slice %arg5[%mul3A_2, %dma_wait3A_27] : memref<51200x1000xf32, #tpu.memory_space<hbm>> -> memref<16x128xf32, #tpu.memory_space<hbm>>
    %dma_wait3A_29 = arith.constant 0 : i32
    %dma_wait3A_30 = arith.constant 0 : i32
    %dma_wait3A_31 = tpu.memref_slice %arg9[%dma_wait3A_29, %dma_wait3A, %dma_wait3A_30] : memref<16x8x128xf32, #tpu.memory_space<vmem>> -> memref<16x1x128xf32, #tpu.memory_space<vmem>>
    %dma_wait3A_32 = tpu.memref_squeeze %dma_wait3A_31 : memref<16x1x128xf32, #tpu.memory_space<vmem>> -> memref<16x128xf32, #tpu.memory_space<vmem>>
    tpu.wait_dma2 semaphore(%arg19 : memref<!tpu.dma_semaphore, #tpu.memory_space<semaphore_mem>>) src(%dma_wait3A_32 : memref<16x128xf32, #tpu.memory_space<vmem>>) dst(%dma_wait3A_28 : memref<16x128xf32, #tpu.memory_space<hbm>>)
    %dma_wait3A_33 = arith.constant 0 : i32
    %dma_wait3A_34 = arith.constant 0 : i32
    %dma_wait3A_35 = arith.constant 0 : i32
    %dma_wait3A_36 = tpu.memref_slice %arg9[%dma_wait3A_34, %dma_wait3A_33, %dma_wait3A_35] : memref<16x8x128xf32, #tpu.memory_space<vmem>> -> memref<16x1x128xf32, #tpu.memory_space<vmem>>
    %dma_wait3A_37 = tpu.memref_squeeze %dma_wait3A_36 : memref<16x1x128xf32, #tpu.memory_space<vmem>> -> memref<16x128xf32, #tpu.memory_space<vmem>>
    %dma_wait3A_38 = arith.constant 0 : i32
    %dma_wait3A_39 = tpu.memref_slice %arg5[%mul3A_2, %dma_wait3A_38] : memref<51200x1000xf32, #tpu.memory_space<hbm>> -> memref<16x128xf32, #tpu.memory_space<hbm>>
    %dma_wait3A_40 = arith.constant 0 : i32
    %dma_wait3A_41 = tpu.memref_slice %arg5[%mul3A_2, %dma_wait3A_40] : memref<51200x1000xf32, #tpu.memory_space<hbm>> -> memref<16x128xf32, #tpu.memory_space<hbm>>
    %dma_wait3A_42 = arith.constant 0 : i32
    %dma_wait3A_43 = arith.constant 0 : i32
    %dma_wait3A_44 = tpu.memref_slice %arg9[%dma_wait3A_42, %dma_wait3A_33, %dma_wait3A_43] : memref<16x8x128xf32, #tpu.memory_space<vmem>> -> memref<16x1x128xf32, #tpu.memory_space<vmem>>
    %dma_wait3A_45 = tpu.memref_squeeze %dma_wait3A_44 : memref<16x1x128xf32, #tpu.memory_space<vmem>> -> memref<16x128xf32, #tpu.memory_space<vmem>>
    tpu.wait_dma2 semaphore(%arg19 : memref<!tpu.dma_semaphore, #tpu.memory_space<semaphore_mem>>) src(%dma_wait3A_45 : memref<16x128xf32, #tpu.memory_space<vmem>>) dst(%dma_wait3A_41 : memref<16x128xf32, #tpu.memory_space<hbm>>)
    %dma_wait3A_46 = arith.constant 0 : i32
    %dma_wait3A_47 = arith.constant 0 : i32
    %dma_wait3A_48 = arith.constant 0 : i32
    %dma_wait3A_49 = tpu.memref_slice %arg9[%dma_wait3A_47, %dma_wait3A_46, %dma_wait3A_48] : memref<16x8x128xf32, #tpu.memory_space<vmem>> -> memref<16x1x128xf32, #tpu.memory_space<vmem>>
    %dma_wait3A_50 = tpu.memref_squeeze %dma_wait3A_49 : memref<16x1x128xf32, #tpu.memory_space<vmem>> -> memref<16x128xf32, #tpu.memory_space<vmem>>
    %dma_wait3A_51 = arith.constant 0 : i32
    %dma_wait3A_52 = tpu.memref_slice %arg5[%mul3A_2, %dma_wait3A_51] : memref<51200x1000xf32, #tpu.memory_space<hbm>> -> memref<16x128xf32, #tpu.memory_space<hbm>>
    %dma_wait3A_53 = arith.constant 0 : i32
    %dma_wait3A_54 = tpu.memref_slice %arg5[%mul3A_2, %dma_wait3A_53] : memref<51200x1000xf32, #tpu.memory_space<hbm>> -> memref<16x128xf32, #tpu.memory_space<hbm>>
    %dma_wait3A_55 = arith.constant 0 : i32
    %dma_wait3A_56 = arith.constant 0 : i32
    %dma_wait3A_57 = tpu.memref_slice %arg9[%dma_wait3A_55, %dma_wait3A_46, %dma_wait3A_56] : memref<16x8x128xf32, #tpu.memory_space<vmem>> -> memref<16x1x128xf32, #tpu.memory_space<vmem>>
    %dma_wait3A_58 = tpu.memref_squeeze %dma_wait3A_57 : memref<16x1x128xf32, #tpu.memory_space<vmem>> -> memref<16x128xf32, #tpu.memory_space<vmem>>
    tpu.wait_dma2 semaphore(%arg19 : memref<!tpu.dma_semaphore, #tpu.memory_space<semaphore_mem>>) src(%dma_wait3A_58 : memref<16x128xf32, #tpu.memory_space<vmem>>) dst(%dma_wait3A_54 : memref<16x128xf32, #tpu.memory_space<hbm>>)
    %dma_wait3A_59 = arith.constant 0 : i32
    %dma_wait3A_60 = arith.constant 0 : i32
    %dma_wait3A_61 = arith.constant 0 : i32
    %dma_wait3A_62 = tpu.memref_slice %arg9[%dma_wait3A_60, %dma_wait3A_59, %dma_wait3A_61] : memref<16x8x128xf32, #tpu.memory_space<vmem>> -> memref<16x1x128xf32, #tpu.memory_space<vmem>>
    %dma_wait3A_63 = tpu.memref_squeeze %dma_wait3A_62 : memref<16x1x128xf32, #tpu.memory_space<vmem>> -> memref<16x128xf32, #tpu.memory_space<vmem>>
    %dma_wait3A_64 = arith.constant 0 : i32
    %dma_wait3A_65 = tpu.memref_slice %arg5[%mul3A_2, %dma_wait3A_64] : memref<51200x1000xf32, #tpu.memory_space<hbm>> -> memref<16x128xf32, #tpu.memory_space<hbm>>
    %dma_wait3A_66 = arith.constant 0 : i32
    %dma_wait3A_67 = tpu.memref_slice %arg5[%mul3A_2, %dma_wait3A_66] : memref<51200x1000xf32, #tpu.memory_space<hbm>> -> memref<16x128xf32, #tpu.memory_space<hbm>>
    %dma_wait3A_68 = arith.constant 0 : i32
    %dma_wait3A_69 = arith.constant 0 : i32
    %dma_wait3A_70 = tpu.memref_slice %arg9[%dma_wait3A_68, %dma_wait3A_59, %dma_wait3A_69] : memref<16x8x128xf32, #tpu.memory_space<vmem>> -> memref<16x1x128xf32, #tpu.memory_space<vmem>>
    %dma_wait3A_71 = tpu.memref_squeeze %dma_wait3A_70 : memref<16x1x128xf32, #tpu.memory_space<vmem>> -> memref<16x128xf32, #tpu.memory_space<vmem>>
    tpu.wait_dma2 semaphore(%arg19 : memref<!tpu.dma_semaphore, #tpu.memory_space<semaphore_mem>>) src(%dma_wait3A_71 : memref<16x128xf32, #tpu.memory_space<vmem>>) dst(%dma_wait3A_67 : memref<16x128xf32, #tpu.memory_space<hbm>>)
    %dma_wait3A_72 = arith.constant 0 : i32
    %dma_wait3A_73 = arith.constant 0 : i32
    %dma_wait3A_74 = arith.constant 0 : i32
    %dma_wait3A_75 = tpu.memref_slice %arg9[%dma_wait3A_73, %dma_wait3A_72, %dma_wait3A_74] : memref<16x8x128xf32, #tpu.memory_space<vmem>> -> memref<16x1x128xf32, #tpu.memory_space<vmem>>
    %dma_wait3A_76 = tpu.memref_squeeze %dma_wait3A_75 : memref<16x1x128xf32, #tpu.memory_space<vmem>> -> memref<16x128xf32, #tpu.memory_space<vmem>>
    %dma_wait3A_77 = arith.constant 0 : i32
    %dma_wait3A_78 = tpu.memref_slice %arg5[%mul3A_2, %dma_wait3A_77] : memref<51200x1000xf32, #tpu.memory_space<hbm>> -> memref<16x128xf32, #tpu.memory_space<hbm>>
    %dma_wait3A_79 = arith.constant 0 : i32
    %dma_wait3A_80 = tpu.memref_slice %arg5[%mul3A_2, %dma_wait3A_79] : memref<51200x1000xf32, #tpu.memory_space<hbm>> -> memref<16x128xf32, #tpu.memory_space<hbm>>
    %dma_wait3A_81 = arith.constant 0 : i32
    %dma_wait3A_82 = arith.constant 0 : i32
    %dma_wait3A_83 = tpu.memref_slice %arg9[%dma_wait3A_81, %dma_wait3A_72, %dma_wait3A_82] : memref<16x8x128xf32, #tpu.memory_space<vmem>> -> memref<16x1x128xf32, #tpu.memory_space<vmem>>
    %dma_wait3A_84 = tpu.memref_squeeze %dma_wait3A_83 : memref<16x1x128xf32, #tpu.memory_space<vmem>> -> memref<16x128xf32, #tpu.memory_space<vmem>>
    tpu.wait_dma2 semaphore(%arg19 : memref<!tpu.dma_semaphore, #tpu.memory_space<semaphore_mem>>) src(%dma_wait3A_84 : memref<16x128xf32, #tpu.memory_space<vmem>>) dst(%dma_wait3A_80 : memref<16x128xf32, #tpu.memory_space<hbm>>)
    %dma_wait3A_85 = arith.constant 0 : i32
    %dma_wait3A_86 = arith.constant 0 : i32
    %dma_wait3A_87 = arith.constant 0 : i32
    %dma_wait3A_88 = tpu.memref_slice %arg9[%dma_wait3A_86, %dma_wait3A_85, %dma_wait3A_87] : memref<16x8x128xf32, #tpu.memory_space<vmem>> -> memref<16x1x128xf32, #tpu.memory_space<vmem>>
    %dma_wait3A_89 = tpu.memref_squeeze %dma_wait3A_88 : memref<16x1x128xf32, #tpu.memory_space<vmem>> -> memref<16x128xf32, #tpu.memory_space<vmem>>
    %dma_wait3A_90 = arith.constant 0 : i32
    %dma_wait3A_91 = tpu.memref_slice %arg5[%mul3A_2, %dma_wait3A_90] : memref<51200x1000xf32, #tpu.memory_space<hbm>> -> memref<16x128xf32, #tpu.memory_space<hbm>>
    %dma_wait3A_92 = arith.constant 0 : i32
    %dma_wait3A_93 = tpu.memref_slice %arg5[%mul3A_2, %dma_wait3A_92] : memref<51200x1000xf32, #tpu.memory_space<hbm>> -> memref<16x128xf32, #tpu.memory_space<hbm>>
    %dma_wait3A_94 = arith.constant 0 : i32
    %dma_wait3A_95 = arith.constant 0 : i32
    %dma_wait3A_96 = tpu.memref_slice %arg9[%dma_wait3A_94, %dma_wait3A_85, %dma_wait3A_95] : memref<16x8x128xf32, #tpu.memory_space<vmem>> -> memref<16x1x128xf32, #tpu.memory_space<vmem>>
    %dma_wait3A_97 = tpu.memref_squeeze %dma_wait3A_96 : memref<16x1x128xf32, #tpu.memory_space<vmem>> -> memref<16x128xf32, #tpu.memory_space<vmem>>
    tpu.wait_dma2 semaphore(%arg19 : memref<!tpu.dma_semaphore, #tpu.memory_space<semaphore_mem>>) src(%dma_wait3A_97 : memref<16x128xf32, #tpu.memory_space<vmem>>) dst(%dma_wait3A_93 : memref<16x128xf32, #tpu.memory_space<hbm>>)
    %dma_wait3A_98 = arith.constant 0 : i32
    %dma_wait3A_99 = arith.constant 0 : i32
    %dma_wait3A_100 = arith.constant 0 : i32
    %dma_wait3A_101 = tpu.memref_slice %arg9[%dma_wait3A_99, %dma_wait3A_98, %dma_wait3A_100] : memref<16x8x128xf32, #tpu.memory_space<vmem>> -> memref<16x1x128xf32, #tpu.memory_space<vmem>>
    %dma_wait3A_102 = tpu.memref_squeeze %dma_wait3A_101 : memref<16x1x128xf32, #tpu.memory_space<vmem>> -> memref<16x128xf32, #tpu.memory_space<vmem>>
    %dma_wait3A_103 = arith.constant 0 : i32
    %dma_wait3A_104 = tpu.memref_slice %arg5[%mul3A_2, %dma_wait3A_103] : memref<51200x1000xf32, #tpu.memory_space<hbm>> -> memref<16x128xf32, #tpu.memory_space<hbm>>
    %dma_wait3A_105 = arith.constant 0 : i32
    %dma_wait3A_106 = tpu.memref_slice %arg5[%mul3A_2, %dma_wait3A_105] : memref<51200x1000xf32, #tpu.memory_space<hbm>> -> memref<16x128xf32, #tpu.memory_space<hbm>>
    %dma_wait3A_107 = arith.constant 0 : i32
    %dma_wait3A_108 = arith.constant 0 : i32
    %dma_wait3A_109 = tpu.memref_slice %arg9[%dma_wait3A_107, %dma_wait3A_98, %dma_wait3A_108] : memref<16x8x128xf32, #tpu.memory_space<vmem>> -> memref<16x1x128xf32, #tpu.memory_space<vmem>>
    %dma_wait3A_110 = tpu.memref_squeeze %dma_wait3A_109 : memref<16x1x128xf32, #tpu.memory_space<vmem>> -> memref<16x128xf32, #tpu.memory_space<vmem>>
    tpu.wait_dma2 semaphore(%arg19 : memref<!tpu.dma_semaphore, #tpu.memory_space<semaphore_mem>>) src(%dma_wait3A_110 : memref<16x128xf32, #tpu.memory_space<vmem>>) dst(%dma_wait3A_106 : memref<16x128xf32, #tpu.memory_space<hbm>>)
    %dma_wait3A_111 = arith.constant 0 : i32
    %dma_wait3A_112 = arith.constant 0 : i32
    %dma_wait3A_113 = arith.constant 0 : i32
    %dma_wait3A_114 = tpu.memref_slice %arg9[%dma_wait3A_112, %dma_wait3A_111, %dma_wait3A_113] : memref<16x8x128xf32, #tpu.memory_space<vmem>> -> memref<16x1x128xf32, #tpu.memory_space<vmem>>
    %dma_wait3A_115 = tpu.memref_squeeze %dma_wait3A_114 : memref<16x1x128xf32, #tpu.memory_space<vmem>> -> memref<16x128xf32, #tpu.memory_space<vmem>>
    %dma_wait3A_116 = arith.constant 0 : i32
    %dma_wait3A_117 = tpu.memref_slice %arg5[%mul3A_2, %dma_wait3A_116] : memref<51200x1000xf32, #tpu.memory_space<hbm>> -> memref<16x128xf32, #tpu.memory_space<hbm>>
    %dma_wait3A_118 = arith.constant 0 : i32
    %dma_wait3A_119 = tpu.memref_slice %arg5[%mul3A_2, %dma_wait3A_118] : memref<51200x1000xf32, #tpu.memory_space<hbm>> -> memref<16x128xf32, #tpu.memory_space<hbm>>
    %dma_wait3A_120 = arith.constant 0 : i32
    %dma_wait3A_121 = arith.constant 0 : i32
    %dma_wait3A_122 = tpu.memref_slice %arg9[%dma_wait3A_120, %dma_wait3A_111, %dma_wait3A_121] : memref<16x8x128xf32, #tpu.memory_space<vmem>> -> memref<16x1x128xf32, #tpu.memory_space<vmem>>
    %dma_wait3A_123 = tpu.memref_squeeze %dma_wait3A_122 : memref<16x1x128xf32, #tpu.memory_space<vmem>> -> memref<16x128xf32, #tpu.memory_space<vmem>>
    tpu.wait_dma2 semaphore(%arg19 : memref<!tpu.dma_semaphore, #tpu.memory_space<semaphore_mem>>) src(%dma_wait3A_123 : memref<16x128xf32, #tpu.memory_space<vmem>>) dst(%dma_wait3A_119 : memref<16x128xf32, #tpu.memory_space<hbm>>)
    %dma_wait3A_124 = arith.constant 0 : i32
    %dma_wait3A_125 = arith.constant 0 : i32
    %dma_wait3A_126 = arith.constant 0 : i32
    %dma_wait3A_127 = tpu.memref_slice %arg10[%dma_wait3A_125, %dma_wait3A_124, %dma_wait3A_126] : memref<16x8x128xf32, #tpu.memory_space<vmem>> -> memref<16x1x128xf32, #tpu.memory_space<vmem>>
    %dma_wait3A_128 = tpu.memref_squeeze %dma_wait3A_127 : memref<16x1x128xf32, #tpu.memory_space<vmem>> -> memref<16x128xf32, #tpu.memory_space<vmem>>
    %dma_wait3A_129 = arith.constant 0 : i32
    %dma_wait3A_130 = tpu.memref_slice %arg5[%mul3A_2, %dma_wait3A_129] : memref<51200x1000xf32, #tpu.memory_space<hbm>> -> memref<16x128xf32, #tpu.memory_space<hbm>>
    %dma_wait3A_131 = arith.constant 0 : i32
    %dma_wait3A_132 = tpu.memref_slice %arg5[%mul3A_2, %dma_wait3A_131] : memref<51200x1000xf32, #tpu.memory_space<hbm>> -> memref<16x128xf32, #tpu.memory_space<hbm>>
    %dma_wait3A_133 = arith.constant 0 : i32
    %dma_wait3A_134 = arith.constant 0 : i32
    %dma_wait3A_135 = tpu.memref_slice %arg10[%dma_wait3A_133, %dma_wait3A_124, %dma_wait3A_134] : memref<16x8x128xf32, #tpu.memory_space<vmem>> -> memref<16x1x128xf32, #tpu.memory_space<vmem>>
    %dma_wait3A_136 = tpu.memref_squeeze %dma_wait3A_135 : memref<16x1x128xf32, #tpu.memory_space<vmem>> -> memref<16x128xf32, #tpu.memory_space<vmem>>
    tpu.wait_dma2 semaphore(%arg20 : memref<!tpu.dma_semaphore, #tpu.memory_space<semaphore_mem>>) src(%dma_wait3A_136 : memref<16x128xf32, #tpu.memory_space<vmem>>) dst(%dma_wait3A_132 : memref<16x128xf32, #tpu.memory_space<hbm>>)
    %dma_wait3A_137 = arith.constant 0 : i32
    %dma_wait3A_138 = arith.constant 0 : i32
    %dma_wait3A_139 = arith.constant 0 : i32
    %dma_wait3A_140 = tpu.memref_slice %arg10[%dma_wait3A_138, %dma_wait3A_137, %dma_wait3A_139] : memref<16x8x128xf32, #tpu.memory_space<vmem>> -> memref<16x1x128xf32, #tpu.memory_space<vmem>>
    %dma_wait3A_141 = tpu.memref_squeeze %dma_wait3A_140 : memref<16x1x128xf32, #tpu.memory_space<vmem>> -> memref<16x128xf32, #tpu.memory_space<vmem>>
    %dma_wait3A_142 = arith.constant 0 : i32
    %dma_wait3A_143 = tpu.memref_slice %arg5[%mul3A_2, %dma_wait3A_142] : memref<51200x1000xf32, #tpu.memory_space<hbm>> -> memref<16x128xf32, #tpu.memory_space<hbm>>
    %dma_wait3A_144 = arith.constant 0 : i32
    %dma_wait3A_145 = tpu.memref_slice %arg5[%mul3A_2, %dma_wait3A_144] : memref<51200x1000xf32, #tpu.memory_space<hbm>> -> memref<16x128xf32, #tpu.memory_space<hbm>>
    %dma_wait3A_146 = arith.constant 0 : i32
    %dma_wait3A_147 = arith.constant 0 : i32
    %dma_wait3A_148 = tpu.memref_slice %arg10[%dma_wait3A_146, %dma_wait3A_137, %dma_wait3A_147] : memref<16x8x128xf32, #tpu.memory_space<vmem>> -> memref<16x1x128xf32, #tpu.memory_space<vmem>>
    %dma_wait3A_149 = tpu.memref_squeeze %dma_wait3A_148 : memref<16x1x128xf32, #tpu.memory_space<vmem>> -> memref<16x128xf32, #tpu.memory_space<vmem>>
    tpu.wait_dma2 semaphore(%arg20 : memref<!tpu.dma_semaphore, #tpu.memory_space<semaphore_mem>>) src(%dma_wait3A_149 : memref<16x128xf32, #tpu.memory_space<vmem>>) dst(%dma_wait3A_145 : memref<16x128xf32, #tpu.memory_space<hbm>>)
    %dma_wait3A_150 = arith.constant 0 : i32
    %dma_wait3A_151 = arith.constant 0 : i32
    %dma_wait3A_152 = arith.constant 0 : i32
    %dma_wait3A_153 = tpu.memref_slice %arg10[%dma_wait3A_151, %dma_wait3A_150, %dma_wait3A_152] : memref<16x8x128xf32, #tpu.memory_space<vmem>> -> memref<16x1x128xf32, #tpu.memory_space<vmem>>
    %dma_wait3A_154 = tpu.memref_squeeze %dma_wait3A_153 : memref<16x1x128xf32, #tpu.memory_space<vmem>> -> memref<16x128xf32, #tpu.memory_space<vmem>>
    %dma_wait3A_155 = arith.constant 0 : i32
    %dma_wait3A_156 = tpu.memref_slice %arg5[%mul3A_2, %dma_wait3A_155] : memref<51200x1000xf32, #tpu.memory_space<hbm>> -> memref<16x128xf32, #tpu.memory_space<hbm>>
    %dma_wait3A_157 = arith.constant 0 : i32
    %dma_wait3A_158 = tpu.memref_slice %arg5[%mul3A_2, %dma_wait3A_157] : memref<51200x1000xf32, #tpu.memory_space<hbm>> -> memref<16x128xf32, #tpu.memory_space<hbm>>
    %dma_wait3A_159 = arith.constant 0 : i32
    %dma_wait3A_160 = arith.constant 0 : i32
    %dma_wait3A_161 = tpu.memref_slice %arg10[%dma_wait3A_159, %dma_wait3A_150, %dma_wait3A_160] : memref<16x8x128xf32, #tpu.memory_space<vmem>> -> memref<16x1x128xf32, #tpu.memory_space<vmem>>
    %dma_wait3A_162 = tpu.memref_squeeze %dma_wait3A_161 : memref<16x1x128xf32, #tpu.memory_space<vmem>> -> memref<16x128xf32, #tpu.memory_space<vmem>>
    tpu.wait_dma2 semaphore(%arg20 : memref<!tpu.dma_semaphore, #tpu.memory_space<semaphore_mem>>) src(%dma_wait3A_162 : memref<16x128xf32, #tpu.memory_space<vmem>>) dst(%dma_wait3A_158 : memref<16x128xf32, #tpu.memory_space<hbm>>)
    %dma_wait3A_163 = arith.constant 0 : i32
    %dma_wait3A_164 = arith.constant 0 : i32
    %dma_wait3A_165 = arith.constant 0 : i32
    %dma_wait3A_166 = tpu.memref_slice %arg10[%dma_wait3A_164, %dma_wait3A_163, %dma_wait3A_165] : memref<16x8x128xf32, #tpu.memory_space<vmem>> -> memref<16x1x128xf32, #tpu.memory_space<vmem>>
    %dma_wait3A_167 = tpu.memref_squeeze %dma_wait3A_166 : memref<16x1x128xf32, #tpu.memory_space<vmem>> -> memref<16x128xf32, #tpu.memory_space<vmem>>
    %dma_wait3A_168 = arith.constant 0 : i32
    %dma_wait3A_169 = tpu.memref_slice %arg5[%mul3A_2, %dma_wait3A_168] : memref<51200x1000xf32, #tpu.memory_space<hbm>> -> memref<16x128xf32, #tpu.memory_space<hbm>>
    %dma_wait3A_170 = arith.constant 0 : i32
    %dma_wait3A_171 = tpu.memref_slice %arg5[%mul3A_2, %dma_wait3A_170] : memref<51200x1000xf32, #tpu.memory_space<hbm>> -> memref<16x128xf32, #tpu.memory_space<hbm>>
    %dma_wait3A_172 = arith.constant 0 : i32
    %dma_wait3A_173 = arith.constant 0 : i32
    %dma_wait3A_174 = tpu.memref_slice %arg10[%dma_wait3A_172, %dma_wait3A_163, %dma_wait3A_173] : memref<16x8x128xf32, #tpu.memory_space<vmem>> -> memref<16x1x128xf32, #tpu.memory_space<vmem>>
    %dma_wait3A_175 = tpu.memref_squeeze %dma_wait3A_174 : memref<16x1x128xf32, #tpu.memory_space<vmem>> -> memref<16x128xf32, #tpu.memory_space<vmem>>
    tpu.wait_dma2 semaphore(%arg20 : memref<!tpu.dma_semaphore, #tpu.memory_space<semaphore_mem>>) src(%dma_wait3A_175 : memref<16x128xf32, #tpu.memory_space<vmem>>) dst(%dma_wait3A_171 : memref<16x128xf32, #tpu.memory_space<hbm>>)
    %dma_wait3A_176 = arith.constant 0 : i32
    %dma_wait3A_177 = arith.constant 0 : i32
    %dma_wait3A_178 = arith.constant 0 : i32
    %dma_wait3A_179 = tpu.memref_slice %arg10[%dma_wait3A_177, %dma_wait3A_176, %dma_wait3A_178] : memref<16x8x128xf32, #tpu.memory_space<vmem>> -> memref<16x1x128xf32, #tpu.memory_space<vmem>>
    %dma_wait3A_180 = tpu.memref_squeeze %dma_wait3A_179 : memref<16x1x128xf32, #tpu.memory_space<vmem>> -> memref<16x128xf32, #tpu.memory_space<vmem>>
    %dma_wait3A_181 = arith.constant 0 : i32
    %dma_wait3A_182 = tpu.memref_slice %arg5[%mul3A_2, %dma_wait3A_181] : memref<51200x1000xf32, #tpu.memory_space<hbm>> -> memref<16x128xf32, #tpu.memory_space<hbm>>
    %dma_wait3A_183 = arith.constant 0 : i32
    %dma_wait3A_184 = tpu.memref_slice %arg5[%mul3A_2, %dma_wait3A_183] : memref<51200x1000xf32, #tpu.memory_space<hbm>> -> memref<16x128xf32, #tpu.memory_space<hbm>>
    %dma_wait3A_185 = arith.constant 0 : i32
    %dma_wait3A_186 = arith.constant 0 : i32
    %dma_wait3A_187 = tpu.memref_slice %arg10[%dma_wait3A_185, %dma_wait3A_176, %dma_wait3A_186] : memref<16x8x128xf32, #tpu.memory_space<vmem>> -> memref<16x1x128xf32, #tpu.memory_space<vmem>>
    %dma_wait3A_188 = tpu.memref_squeeze %dma_wait3A_187 : memref<16x1x128xf32, #tpu.memory_space<vmem>> -> memref<16x128xf32, #tpu.memory_space<vmem>>
    tpu.wait_dma2 semaphore(%arg20 : memref<!tpu.dma_semaphore, #tpu.memory_space<semaphore_mem>>) src(%dma_wait3A_188 : memref<16x128xf32, #tpu.memory_space<vmem>>) dst(%dma_wait3A_184 : memref<16x128xf32, #tpu.memory_space<hbm>>)
    %dma_wait3A_189 = arith.constant 0 : i32
    %dma_wait3A_190 = arith.constant 0 : i32
    %dma_wait3A_191 = arith.constant 0 : i32
    %dma_wait3A_192 = tpu.memref_slice %arg10[%dma_wait3A_190, %dma_wait3A_189, %dma_wait3A_191] : memref<16x8x128xf32, #tpu.memory_space<vmem>> -> memref<16x1x128xf32, #tpu.memory_space<vmem>>
    %dma_wait3A_193 = tpu.memref_squeeze %dma_wait3A_192 : memref<16x1x128xf32, #tpu.memory_space<vmem>> -> memref<16x128xf32, #tpu.memory_space<vmem>>
    %dma_wait3A_194 = arith.constant 0 : i32
    %dma_wait3A_195 = tpu.memref_slice %arg5[%mul3A_2, %dma_wait3A_194] : memref<51200x1000xf32, #tpu.memory_space<hbm>> -> memref<16x128xf32, #tpu.memory_space<hbm>>
    %dma_wait3A_196 = arith.constant 0 : i32
    %dma_wait3A_197 = tpu.memref_slice %arg5[%mul3A_2, %dma_wait3A_196] : memref<51200x1000xf32, #tpu.memory_space<hbm>> -> memref<16x128xf32, #tpu.memory_space<hbm>>
    %dma_wait3A_198 = arith.constant 0 : i32
    %dma_wait3A_199 = arith.constant 0 : i32
    %dma_wait3A_200 = tpu.memref_slice %arg10[%dma_wait3A_198, %dma_wait3A_189, %dma_wait3A_199] : memref<16x8x128xf32, #tpu.memory_space<vmem>> -> memref<16x1x128xf32, #tpu.memory_space<vmem>>
    %dma_wait3A_201 = tpu.memref_squeeze %dma_wait3A_200 : memref<16x1x128xf32, #tpu.memory_space<vmem>> -> memref<16x128xf32, #tpu.memory_space<vmem>>
    tpu.wait_dma2 semaphore(%arg20 : memref<!tpu.dma_semaphore, #tpu.memory_space<semaphore_mem>>) src(%dma_wait3A_201 : memref<16x128xf32, #tpu.memory_space<vmem>>) dst(%dma_wait3A_197 : memref<16x128xf32, #tpu.memory_space<hbm>>)
    %dma_wait3A_202 = arith.constant 0 : i32
    %dma_wait3A_203 = arith.constant 0 : i32
    %dma_wait3A_204 = arith.constant 0 : i32
    %dma_wait3A_205 = tpu.memref_slice %arg10[%dma_wait3A_203, %dma_wait3A_202, %dma_wait3A_204] : memref<16x8x128xf32, #tpu.memory_space<vmem>> -> memref<16x1x128xf32, #tpu.memory_space<vmem>>
    %dma_wait3A_206 = tpu.memref_squeeze %dma_wait3A_205 : memref<16x1x128xf32, #tpu.memory_space<vmem>> -> memref<16x128xf32, #tpu.memory_space<vmem>>
    %dma_wait3A_207 = arith.constant 0 : i32
    %dma_wait3A_208 = tpu.memref_slice %arg5[%mul3A_2, %dma_wait3A_207] : memref<51200x1000xf32, #tpu.memory_space<hbm>> -> memref<16x128xf32, #tpu.memory_space<hbm>>
    %dma_wait3A_209 = arith.constant 0 : i32
    %dma_wait3A_210 = tpu.memref_slice %arg5[%mul3A_2, %dma_wait3A_209] : memref<51200x1000xf32, #tpu.memory_space<hbm>> -> memref<16x128xf32, #tpu.memory_space<hbm>>
    %dma_wait3A_211 = arith.constant 0 : i32
    %dma_wait3A_212 = arith.constant 0 : i32
    %dma_wait3A_213 = tpu.memref_slice %arg10[%dma_wait3A_211, %dma_wait3A_202, %dma_wait3A_212] : memref<16x8x128xf32, #tpu.memory_space<vmem>> -> memref<16x1x128xf32, #tpu.memory_space<vmem>>
    %dma_wait3A_214 = tpu.memref_squeeze %dma_wait3A_213 : memref<16x1x128xf32, #tpu.memory_space<vmem>> -> memref<16x128xf32, #tpu.memory_space<vmem>>
    tpu.wait_dma2 semaphore(%arg20 : memref<!tpu.dma_semaphore, #tpu.memory_space<semaphore_mem>>) src(%dma_wait3A_214 : memref<16x128xf32, #tpu.memory_space<vmem>>) dst(%dma_wait3A_210 : memref<16x128xf32, #tpu.memory_space<hbm>>)
    %dma_wait3A_215 = arith.constant 0 : i32
    %dma_wait3A_216 = arith.constant 0 : i32
    %dma_wait3A_217 = arith.constant 0 : i32
    %dma_wait3A_218 = tpu.memref_slice %arg10[%dma_wait3A_216, %dma_wait3A_215, %dma_wait3A_217] : memref<16x8x128xf32, #tpu.memory_space<vmem>> -> memref<16x1x128xf32, #tpu.memory_space<vmem>>
    %dma_wait3A_219 = tpu.memref_squeeze %dma_wait3A_218 : memref<16x1x128xf32, #tpu.memory_space<vmem>> -> memref<16x128xf32, #tpu.memory_space<vmem>>
    %dma_wait3A_220 = arith.constant 0 : i32
    %dma_wait3A_221 = tpu.memref_slice %arg5[%mul3A_2, %dma_wait3A_220] : memref<51200x1000xf32, #tpu.memory_space<hbm>> -> memref<16x128xf32, #tpu.memory_space<hbm>>
    %dma_wait3A_222 = arith.constant 0 : i32
    %dma_wait3A_223 = tpu.memref_slice %arg5[%mul3A_2, %dma_wait3A_222] : memref<51200x1000xf32, #tpu.memory_space<hbm>> -> memref<16x128xf32, #tpu.memory_space<hbm>>
    %dma_wait3A_224 = arith.constant 0 : i32
    %dma_wait3A_225 = arith.constant 0 : i32
    %dma_wait3A_226 = tpu.memref_slice %arg10[%dma_wait3A_224, %dma_wait3A_215, %dma_wait3A_225] : memref<16x8x128xf32, #tpu.memory_space<vmem>> -> memref<16x1x128xf32, #tpu.memory_space<vmem>>
    %dma_wait3A_227 = tpu.memref_squeeze %dma_wait3A_226 : memref<16x1x128xf32, #tpu.memory_space<vmem>> -> memref<16x128xf32, #tpu.memory_space<vmem>>
    tpu.wait_dma2 semaphore(%arg20 : memref<!tpu.dma_semaphore, #tpu.memory_space<semaphore_mem>>) src(%dma_wait3A_227 : memref<16x128xf32, #tpu.memory_space<vmem>>) dst(%dma_wait3A_223 : memref<16x128xf32, #tpu.memory_space<hbm>>)
    %dma_wait3A_228 = arith.constant 0 : i32
    %dma_wait3A_229 = arith.constant 0 : i32
    %dma_wait3A_230 = arith.constant 0 : i32
    %dma_wait3A_231 = tpu.memref_slice %arg11[%dma_wait3A_229, %dma_wait3A_228, %dma_wait3A_230] : memref<16x8x128xf32, #tpu.memory_space<vmem>> -> memref<16x1x128xf32, #tpu.memory_space<vmem>>
    %dma_wait3A_232 = tpu.memref_squeeze %dma_wait3A_231 : memref<16x1x128xf32, #tpu.memory_space<vmem>> -> memref<16x128xf32, #tpu.memory_space<vmem>>
    %dma_wait3A_233 = arith.constant 0 : i32
    %dma_wait3A_234 = tpu.memref_slice %arg5[%mul3A_2, %dma_wait3A_233] : memref<51200x1000xf32, #tpu.memory_space<hbm>> -> memref<16x128xf32, #tpu.memory_space<hbm>>
    %dma_wait3A_235 = arith.constant 0 : i32
    %dma_wait3A_236 = tpu.memref_slice %arg5[%mul3A_2, %dma_wait3A_235] : memref<51200x1000xf32, #tpu.memory_space<hbm>> -> memref<16x128xf32, #tpu.memory_space<hbm>>
    %dma_wait3A_237 = arith.constant 0 : i32
    %dma_wait3A_238 = arith.constant 0 : i32
    %dma_wait3A_239 = tpu.memref_slice %arg11[%dma_wait3A_237, %dma_wait3A_228, %dma_wait3A_238] : memref<16x8x128xf32, #tpu.memory_space<vmem>> -> memref<16x1x128xf32, #tpu.memory_space<vmem>>
    %dma_wait3A_240 = tpu.memref_squeeze %dma_wait3A_239 : memref<16x1x128xf32, #tpu.memory_space<vmem>> -> memref<16x128xf32, #tpu.memory_space<vmem>>
    tpu.wait_dma2 semaphore(%arg21 : memref<!tpu.dma_semaphore, #tpu.memory_space<semaphore_mem>>) src(%dma_wait3A_240 : memref<16x128xf32, #tpu.memory_space<vmem>>) dst(%dma_wait3A_236 : memref<16x128xf32, #tpu.memory_space<hbm>>)
    %dma_wait3A_241 = arith.constant 0 : i32
    %dma_wait3A_242 = arith.constant 0 : i32
    %dma_wait3A_243 = arith.constant 0 : i32
    %dma_wait3A_244 = tpu.memref_slice %arg11[%dma_wait3A_242, %dma_wait3A_241, %dma_wait3A_243] : memref<16x8x128xf32, #tpu.memory_space<vmem>> -> memref<16x1x128xf32, #tpu.memory_space<vmem>>
    %dma_wait3A_245 = tpu.memref_squeeze %dma_wait3A_244 : memref<16x1x128xf32, #tpu.memory_space<vmem>> -> memref<16x128xf32, #tpu.memory_space<vmem>>
    %dma_wait3A_246 = arith.constant 0 : i32
    %dma_wait3A_247 = tpu.memref_slice %arg5[%mul3A_2, %dma_wait3A_246] : memref<51200x1000xf32, #tpu.memory_space<hbm>> -> memref<16x128xf32, #tpu.memory_space<hbm>>
    %dma_wait3A_248 = arith.constant 0 : i32
    %dma_wait3A_249 = tpu.memref_slice %arg5[%mul3A_2, %dma_wait3A_248] : memref<51200x1000xf32, #tpu.memory_space<hbm>> -> memref<16x128xf32, #tpu.memory_space<hbm>>
    %dma_wait3A_250 = arith.constant 0 : i32
    %dma_wait3A_251 = arith.constant 0 : i32
    %dma_wait3A_252 = tpu.memref_slice %arg11[%dma_wait3A_250, %dma_wait3A_241, %dma_wait3A_251] : memref<16x8x128xf32, #tpu.memory_space<vmem>> -> memref<16x1x128xf32, #tpu.memory_space<vmem>>
    %dma_wait3A_253 = tpu.memref_squeeze %dma_wait3A_252 : memref<16x1x128xf32, #tpu.memory_space<vmem>> -> memref<16x128xf32, #tpu.memory_space<vmem>>
    tpu.wait_dma2 semaphore(%arg21 : memref<!tpu.dma_semaphore, #tpu.memory_space<semaphore_mem>>) src(%dma_wait3A_253 : memref<16x128xf32, #tpu.memory_space<vmem>>) dst(%dma_wait3A_249 : memref<16x128xf32, #tpu.memory_space<hbm>>)
    %dma_wait3A_254 = arith.constant 0 : i32
    %dma_wait3A_255 = arith.constant 0 : i32
    %dma_wait3A_256 = arith.constant 0 : i32
    %dma_wait3A_257 = tpu.memref_slice %arg11[%dma_wait3A_255, %dma_wait3A_254, %dma_wait3A_256] : memref<16x8x128xf32, #tpu.memory_space<vmem>> -> memref<16x1x128xf32, #tpu.memory_space<vmem>>
    %dma_wait3A_258 = tpu.memref_squeeze %dma_wait3A_257 : memref<16x1x128xf32, #tpu.memory_space<vmem>> -> memref<16x128xf32, #tpu.memory_space<vmem>>
    %dma_wait3A_259 = arith.constant 0 : i32
    %dma_wait3A_260 = tpu.memref_slice %arg5[%mul3A_2, %dma_wait3A_259] : memref<51200x1000xf32, #tpu.memory_space<hbm>> -> memref<16x128xf32, #tpu.memory_space<hbm>>
    %dma_wait3A_261 = arith.constant 0 : i32
    %dma_wait3A_262 = tpu.memref_slice %arg5[%mul3A_2, %dma_wait3A_261] : memref<51200x1000xf32, #tpu.memory_space<hbm>> -> memref<16x128xf32, #tpu.memory_space<hbm>>
    %dma_wait3A_263 = arith.constant 0 : i32
    %dma_wait3A_264 = arith.constant 0 : i32
    %dma_wait3A_265 = tpu.memref_slice %arg11[%dma_wait3A_263, %dma_wait3A_254, %dma_wait3A_264] : memref<16x8x128xf32, #tpu.memory_space<vmem>> -> memref<16x1x128xf32, #tpu.memory_space<vmem>>
    %dma_wait3A_266 = tpu.memref_squeeze %dma_wait3A_265 : memref<16x1x128xf32, #tpu.memory_space<vmem>> -> memref<16x128xf32, #tpu.memory_space<vmem>>
    tpu.wait_dma2 semaphore(%arg21 : memref<!tpu.dma_semaphore, #tpu.memory_space<semaphore_mem>>) src(%dma_wait3A_266 : memref<16x128xf32, #tpu.memory_space<vmem>>) dst(%dma_wait3A_262 : memref<16x128xf32, #tpu.memory_space<hbm>>)
    %dma_wait3A_267 = arith.constant 0 : i32
    %dma_wait3A_268 = arith.constant 0 : i32
    %dma_wait3A_269 = arith.constant 0 : i32
    %dma_wait3A_270 = tpu.memref_slice %arg11[%dma_wait3A_268, %dma_wait3A_267, %dma_wait3A_269] : memref<16x8x128xf32, #tpu.memory_space<vmem>> -> memref<16x1x128xf32, #tpu.memory_space<vmem>>
    %dma_wait3A_271 = tpu.memref_squeeze %dma_wait3A_270 : memref<16x1x128xf32, #tpu.memory_space<vmem>> -> memref<16x128xf32, #tpu.memory_space<vmem>>
    %dma_wait3A_272 = arith.constant 0 : i32
    %dma_wait3A_273 = tpu.memref_slice %arg5[%mul3A_2, %dma_wait3A_272] : memref<51200x1000xf32, #tpu.memory_space<hbm>> -> memref<16x128xf32, #tpu.memory_space<hbm>>
    %dma_wait3A_274 = arith.constant 0 : i32
    %dma_wait3A_275 = tpu.memref_slice %arg5[%mul3A_2, %dma_wait3A_274] : memref<51200x1000xf32, #tpu.memory_space<hbm>> -> memref<16x128xf32, #tpu.memory_space<hbm>>
    %dma_wait3A_276 = arith.constant 0 : i32
    %dma_wait3A_277 = arith.constant 0 : i32
    %dma_wait3A_278 = tpu.memref_slice %arg11[%dma_wait3A_276, %dma_wait3A_267, %dma_wait3A_277] : memref<16x8x128xf32, #tpu.memory_space<vmem>> -> memref<16x1x128xf32, #tpu.memory_space<vmem>>
    %dma_wait3A_279 = tpu.memref_squeeze %dma_wait3A_278 : memref<16x1x128xf32, #tpu.memory_space<vmem>> -> memref<16x128xf32, #tpu.memory_space<vmem>>
    tpu.wait_dma2 semaphore(%arg21 : memref<!tpu.dma_semaphore, #tpu.memory_space<semaphore_mem>>) src(%dma_wait3A_279 : memref<16x128xf32, #tpu.memory_space<vmem>>) dst(%dma_wait3A_275 : memref<16x128xf32, #tpu.memory_space<hbm>>)
    %dma_wait3A_280 = arith.constant 0 : i32
    %dma_wait3A_281 = arith.constant 0 : i32
    %dma_wait3A_282 = arith.constant 0 : i32
    %dma_wait3A_283 = tpu.memref_slice %arg11[%dma_wait3A_281, %dma_wait3A_280, %dma_wait3A_282] : memref<16x8x128xf32, #tpu.memory_space<vmem>> -> memref<16x1x128xf32, #tpu.memory_space<vmem>>
    %dma_wait3A_284 = tpu.memref_squeeze %dma_wait3A_283 : memref<16x1x128xf32, #tpu.memory_space<vmem>> -> memref<16x128xf32, #tpu.memory_space<vmem>>
    %dma_wait3A_285 = arith.constant 0 : i32
    %dma_wait3A_286 = tpu.memref_slice %arg5[%mul3A_2, %dma_wait3A_285] : memref<51200x1000xf32, #tpu.memory_space<hbm>> -> memref<16x128xf32, #tpu.memory_space<hbm>>
    %dma_wait3A_287 = arith.constant 0 : i32
    %dma_wait3A_288 = tpu.memref_slice %arg5[%mul3A_2, %dma_wait3A_287] : memref<51200x1000xf32, #tpu.memory_space<hbm>> -> memref<16x128xf32, #tpu.memory_space<hbm>>
    %dma_wait3A_289 = arith.constant 0 : i32
    %dma_wait3A_290 = arith.constant 0 : i32
    %dma_wait3A_291 = tpu.memref_slice %arg11[%dma_wait3A_289, %dma_wait3A_280, %dma_wait3A_290] : memref<16x8x128xf32, #tpu.memory_space<vmem>> -> memref<16x1x128xf32, #tpu.memory_space<vmem>>
    %dma_wait3A_292 = tpu.memref_squeeze %dma_wait3A_291 : memref<16x1x128xf32, #tpu.memory_space<vmem>> -> memref<16x128xf32, #tpu.memory_space<vmem>>
    tpu.wait_dma2 semaphore(%arg21 : memref<!tpu.dma_semaphore, #tpu.memory_space<semaphore_mem>>) src(%dma_wait3A_292 : memref<16x128xf32, #tpu.memory_space<vmem>>) dst(%dma_wait3A_288 : memref<16x128xf32, #tpu.memory_space<hbm>>)
    %dma_wait3A_293 = arith.constant 0 : i32
    %dma_wait3A_294 = arith.constant 0 : i32
    %dma_wait3A_295 = arith.constant 0 : i32
    %dma_wait3A_296 = tpu.memref_slice %arg11[%dma_wait3A_294, %dma_wait3A_293, %dma_wait3A_295] : memref<16x8x128xf32, #tpu.memory_space<vmem>> -> memref<16x1x128xf32, #tpu.memory_space<vmem>>
    %dma_wait3A_297 = tpu.memref_squeeze %dma_wait3A_296 : memref<16x1x128xf32, #tpu.memory_space<vmem>> -> memref<16x128xf32, #tpu.memory_space<vmem>>
    %dma_wait3A_298 = arith.constant 0 : i32
    %dma_wait3A_299 = tpu.memref_slice %arg5[%mul3A_2, %dma_wait3A_298] : memref<51200x1000xf32, #tpu.memory_space<hbm>> -> memref<16x128xf32, #tpu.memory_space<hbm>>
    %dma_wait3A_300 = arith.constant 0 : i32
    %dma_wait3A_301 = tpu.memref_slice %arg5[%mul3A_2, %dma_wait3A_300] : memref<51200x1000xf32, #tpu.memory_space<hbm>> -> memref<16x128xf32, #tpu.memory_space<hbm>>
    %dma_wait3A_302 = arith.constant 0 : i32
    %dma_wait3A_303 = arith.constant 0 : i32
    %dma_wait3A_304 = tpu.memref_slice %arg11[%dma_wait3A_302, %dma_wait3A_293, %dma_wait3A_303] : memref<16x8x128xf32, #tpu.memory_space<vmem>> -> memref<16x1x128xf32, #tpu.memory_space<vmem>>
    %dma_wait3A_305 = tpu.memref_squeeze %dma_wait3A_304 : memref<16x1x128xf32, #tpu.memory_space<vmem>> -> memref<16x128xf32, #tpu.memory_space<vmem>>
    tpu.wait_dma2 semaphore(%arg21 : memref<!tpu.dma_semaphore, #tpu.memory_space<semaphore_mem>>) src(%dma_wait3A_305 : memref<16x128xf32, #tpu.memory_space<vmem>>) dst(%dma_wait3A_301 : memref<16x128xf32, #tpu.memory_space<hbm>>)
    %dma_wait3A_306 = arith.constant 0 : i32
    %dma_wait3A_307 = arith.constant 0 : i32
    %dma_wait3A_308 = arith.constant 0 : i32
    %dma_wait3A_309 = tpu.memref_slice %arg11[%dma_wait3A_307, %dma_wait3A_306, %dma_wait3A_308] : memref<16x8x128xf32, #tpu.memory_space<vmem>> -> memref<16x1x128xf32, #tpu.memory_space<vmem>>
    %dma_wait3A_310 = tpu.memref_squeeze %dma_wait3A_309 : memref<16x1x128xf32, #tpu.memory_space<vmem>> -> memref<16x128xf32, #tpu.memory_space<vmem>>
    %dma_wait3A_311 = arith.constant 0 : i32
    %dma_wait3A_312 = tpu.memref_slice %arg5[%mul3A_2, %dma_wait3A_311] : memref<51200x1000xf32, #tpu.memory_space<hbm>> -> memref<16x128xf32, #tpu.memory_space<hbm>>
    %dma_wait3A_313 = arith.constant 0 : i32
    %dma_wait3A_314 = tpu.memref_slice %arg5[%mul3A_2, %dma_wait3A_313] : memref<51200x1000xf32, #tpu.memory_space<hbm>> -> memref<16x128xf32, #tpu.memory_space<hbm>>
    %dma_wait3A_315 = arith.constant 0 : i32
    %dma_wait3A_316 = arith.constant 0 : i32
    %dma_wait3A_317 = tpu.memref_slice %arg11[%dma_wait3A_315, %dma_wait3A_306, %dma_wait3A_316] : memref<16x8x128xf32, #tpu.memory_space<vmem>> -> memref<16x1x128xf32, #tpu.memory_space<vmem>>
    %dma_wait3A_318 = tpu.memref_squeeze %dma_wait3A_317 : memref<16x1x128xf32, #tpu.memory_space<vmem>> -> memref<16x128xf32, #tpu.memory_space<vmem>>
    tpu.wait_dma2 semaphore(%arg21 : memref<!tpu.dma_semaphore, #tpu.memory_space<semaphore_mem>>) src(%dma_wait3A_318 : memref<16x128xf32, #tpu.memory_space<vmem>>) dst(%dma_wait3A_314 : memref<16x128xf32, #tpu.memory_space<hbm>>)
    %dma_wait3A_319 = arith.constant 0 : i32
    %dma_wait3A_320 = arith.constant 0 : i32
    %dma_wait3A_321 = arith.constant 0 : i32
    %dma_wait3A_322 = tpu.memref_slice %arg11[%dma_wait3A_320, %dma_wait3A_319, %dma_wait3A_321] : memref<16x8x128xf32, #tpu.memory_space<vmem>> -> memref<16x1x128xf32, #tpu.memory_space<vmem>>
    %dma_wait3A_323 = tpu.memref_squeeze %dma_wait3A_322 : memref<16x1x128xf32, #tpu.memory_space<vmem>> -> memref<16x128xf32, #tpu.memory_space<vmem>>
    %dma_wait3A_324 = arith.constant 0 : i32
    %dma_wait3A_325 = tpu.memref_slice %arg5[%mul3A_2, %dma_wait3A_324] : memref<51200x1000xf32, #tpu.memory_space<hbm>> -> memref<16x128xf32, #tpu.memory_space<hbm>>
    %dma_wait3A_326 = arith.constant 0 : i32
    %dma_wait3A_327 = tpu.memref_slice %arg5[%mul3A_2, %dma_wait3A_326] : memref<51200x1000xf32, #tpu.memory_space<hbm>> -> memref<16x128xf32, #tpu.memory_space<hbm>>
    %dma_wait3A_328 = arith.constant 0 : i32
    %dma_wait3A_329 = arith.constant 0 : i32
    %dma_wait3A_330 = tpu.memref_slice %arg11[%dma_wait3A_328, %dma_wait3A_319, %dma_wait3A_329] : memref<16x8x128xf32, #tpu.memory_space<vmem>> -> memref<16x1x128xf32, #tpu.memory_space<vmem>>
    %dma_wait3A_331 = tpu.memref_squeeze %dma_wait3A_330 : memref<16x1x128xf32, #tpu.memory_space<vmem>> -> memref<16x128xf32, #tpu.memory_space<vmem>>
    tpu.wait_dma2 semaphore(%arg21 : memref<!tpu.dma_semaphore, #tpu.memory_space<semaphore_mem>>) src(%dma_wait3A_331 : memref<16x128xf32, #tpu.memory_space<vmem>>) dst(%dma_wait3A_327 : memref<16x128xf32, #tpu.memory_space<hbm>>)
    %dma_wait3A_332 = arith.constant 0 : i32
    %dma_wait3A_333 = arith.constant 0 : i32
    %dma_wait3A_334 = arith.constant 0 : i32
    %dma_wait3A_335 = tpu.memref_slice %arg12[%dma_wait3A_333, %dma_wait3A_332, %dma_wait3A_334] : memref<16x8x128xf32, #tpu.memory_space<vmem>> -> memref<16x1x128xf32, #tpu.memory_space<vmem>>
    %dma_wait3A_336 = tpu.memref_squeeze %dma_wait3A_335 : memref<16x1x128xf32, #tpu.memory_space<vmem>> -> memref<16x128xf32, #tpu.memory_space<vmem>>
    %dma_wait3A_337 = arith.constant 0 : i32
    %dma_wait3A_338 = tpu.memref_slice %arg5[%mul3A_2, %dma_wait3A_337] : memref<51200x1000xf32, #tpu.memory_space<hbm>> -> memref<16x128xf32, #tpu.memory_space<hbm>>
    %dma_wait3A_339 = arith.constant 0 : i32
    %dma_wait3A_340 = tpu.memref_slice %arg5[%mul3A_2, %dma_wait3A_339] : memref<51200x1000xf32, #tpu.memory_space<hbm>> -> memref<16x128xf32, #tpu.memory_space<hbm>>
    %dma_wait3A_341 = arith.constant 0 : i32
    %dma_wait3A_342 = arith.constant 0 : i32
    %dma_wait3A_343 = tpu.memref_slice %arg12[%dma_wait3A_341, %dma_wait3A_332, %dma_wait3A_342] : memref<16x8x128xf32, #tpu.memory_space<vmem>> -> memref<16x1x128xf32, #tpu.memory_space<vmem>>
    %dma_wait3A_344 = tpu.memref_squeeze %dma_wait3A_343 : memref<16x1x128xf32, #tpu.memory_space<vmem>> -> memref<16x128xf32, #tpu.memory_space<vmem>>
    tpu.wait_dma2 semaphore(%arg22 : memref<!tpu.dma_semaphore, #tpu.memory_space<semaphore_mem>>) src(%dma_wait3A_344 : memref<16x128xf32, #tpu.memory_space<vmem>>) dst(%dma_wait3A_340 : memref<16x128xf32, #tpu.memory_space<hbm>>)
    %dma_wait3A_345 = arith.constant 0 : i32
    %dma_wait3A_346 = arith.constant 0 : i32
    %dma_wait3A_347 = arith.constant 0 : i32
    %dma_wait3A_348 = tpu.memref_slice %arg12[%dma_wait3A_346, %dma_wait3A_345, %dma_wait3A_347] : memref<16x8x128xf32, #tpu.memory_space<vmem>> -> memref<16x1x128xf32, #tpu.memory_space<vmem>>
    %dma_wait3A_349 = tpu.memref_squeeze %dma_wait3A_348 : memref<16x1x128xf32, #tpu.memory_space<vmem>> -> memref<16x128xf32, #tpu.memory_space<vmem>>
    %dma_wait3A_350 = arith.constant 0 : i32
    %dma_wait3A_351 = tpu.memref_slice %arg5[%mul3A_2, %dma_wait3A_350] : memref<51200x1000xf32, #tpu.memory_space<hbm>> -> memref<16x128xf32, #tpu.memory_space<hbm>>
    %dma_wait3A_352 = arith.constant 0 : i32
    %dma_wait3A_353 = tpu.memref_slice %arg5[%mul3A_2, %dma_wait3A_352] : memref<51200x1000xf32, #tpu.memory_space<hbm>> -> memref<16x128xf32, #tpu.memory_space<hbm>>
    %dma_wait3A_354 = arith.constant 0 : i32
    %dma_wait3A_355 = arith.constant 0 : i32
    %dma_wait3A_356 = tpu.memref_slice %arg12[%dma_wait3A_354, %dma_wait3A_345, %dma_wait3A_355] : memref<16x8x128xf32, #tpu.memory_space<vmem>> -> memref<16x1x128xf32, #tpu.memory_space<vmem>>
    %dma_wait3A_357 = tpu.memref_squeeze %dma_wait3A_356 : memref<16x1x128xf32, #tpu.memory_space<vmem>> -> memref<16x128xf32, #tpu.memory_space<vmem>>
    tpu.wait_dma2 semaphore(%arg22 : memref<!tpu.dma_semaphore, #tpu.memory_space<semaphore_mem>>) src(%dma_wait3A_357 : memref<16x128xf32, #tpu.memory_space<vmem>>) dst(%dma_wait3A_353 : memref<16x128xf32, #tpu.memory_space<hbm>>)
    %dma_wait3A_358 = arith.constant 0 : i32
    %dma_wait3A_359 = arith.constant 0 : i32
    %dma_wait3A_360 = arith.constant 0 : i32
    %dma_wait3A_361 = tpu.memref_slice %arg12[%dma_wait3A_359, %dma_wait3A_358, %dma_wait3A_360] : memref<16x8x128xf32, #tpu.memory_space<vmem>> -> memref<16x1x128xf32, #tpu.memory_space<vmem>>
    %dma_wait3A_362 = tpu.memref_squeeze %dma_wait3A_361 : memref<16x1x128xf32, #tpu.memory_space<vmem>> -> memref<16x128xf32, #tpu.memory_space<vmem>>
    %dma_wait3A_363 = arith.constant 0 : i32
    %dma_wait3A_364 = tpu.memref_slice %arg5[%mul3A_2, %dma_wait3A_363] : memref<51200x1000xf32, #tpu.memory_space<hbm>> -> memref<16x128xf32, #tpu.memory_space<hbm>>
    %dma_wait3A_365 = arith.constant 0 : i32
    %dma_wait3A_366 = tpu.memref_slice %arg5[%mul3A_2, %dma_wait3A_365] : memref<51200x1000xf32, #tpu.memory_space<hbm>> -> memref<16x128xf32, #tpu.memory_space<hbm>>
    %dma_wait3A_367 = arith.constant 0 : i32
    %dma_wait3A_368 = arith.constant 0 : i32
    %dma_wait3A_369 = tpu.memref_slice %arg12[%dma_wait3A_367, %dma_wait3A_358, %dma_wait3A_368] : memref<16x8x128xf32, #tpu.memory_space<vmem>> -> memref<16x1x128xf32, #tpu.memory_space<vmem>>
    %dma_wait3A_370 = tpu.memref_squeeze %dma_wait3A_369 : memref<16x1x128xf32, #tpu.memory_space<vmem>> -> memref<16x128xf32, #tpu.memory_space<vmem>>
    tpu.wait_dma2 semaphore(%arg22 : memref<!tpu.dma_semaphore, #tpu.memory_space<semaphore_mem>>) src(%dma_wait3A_370 : memref<16x128xf32, #tpu.memory_space<vmem>>) dst(%dma_wait3A_366 : memref<16x128xf32, #tpu.memory_space<hbm>>)
    %dma_wait3A_371 = arith.constant 0 : i32
    %dma_wait3A_372 = arith.constant 0 : i32
    %dma_wait3A_373 = arith.constant 0 : i32
    %dma_wait3A_374 = tpu.memref_slice %arg12[%dma_wait3A_372, %dma_wait3A_371, %dma_wait3A_373] : memref<16x8x128xf32, #tpu.memory_space<vmem>> -> memref<16x1x128xf32, #tpu.memory_space<vmem>>
    %dma_wait3A_375 = tpu.memref_squeeze %dma_wait3A_374 : memref<16x1x128xf32, #tpu.memory_space<vmem>> -> memref<16x128xf32, #tpu.memory_space<vmem>>
    %dma_wait3A_376 = arith.constant 0 : i32
    %dma_wait3A_377 = tpu.memref_slice %arg5[%mul3A_2, %dma_wait3A_376] : memref<51200x1000xf32, #tpu.memory_space<hbm>> -> memref<16x128xf32, #tpu.memory_space<hbm>>
    %dma_wait3A_378 = arith.constant 0 : i32
    %dma_wait3A_379 = tpu.memref_slice %arg5[%mul3A_2, %dma_wait3A_378] : memref<51200x1000xf32, #tpu.memory_space<hbm>> -> memref<16x128xf32, #tpu.memory_space<hbm>>
    %dma_wait3A_380 = arith.constant 0 : i32
    %dma_wait3A_381 = arith.constant 0 : i32
    %dma_wait3A_382 = tpu.memref_slice %arg12[%dma_wait3A_380, %dma_wait3A_371, %dma_wait3A_381] : memref<16x8x128xf32, #tpu.memory_space<vmem>> -> memref<16x1x128xf32, #tpu.memory_space<vmem>>
    %dma_wait3A_383 = tpu.memref_squeeze %dma_wait3A_382 : memref<16x1x128xf32, #tpu.memory_space<vmem>> -> memref<16x128xf32, #tpu.memory_space<vmem>>
    tpu.wait_dma2 semaphore(%arg22 : memref<!tpu.dma_semaphore, #tpu.memory_space<semaphore_mem>>) src(%dma_wait3A_383 : memref<16x128xf32, #tpu.memory_space<vmem>>) dst(%dma_wait3A_379 : memref<16x128xf32, #tpu.memory_space<hbm>>)
    %dma_wait3A_384 = arith.constant 0 : i32
    %dma_wait3A_385 = arith.constant 0 : i32
    %dma_wait3A_386 = arith.constant 0 : i32
    %dma_wait3A_387 = tpu.memref_slice %arg12[%dma_wait3A_385, %dma_wait3A_384, %dma_wait3A_386] : memref<16x8x128xf32, #tpu.memory_space<vmem>> -> memref<16x1x128xf32, #tpu.memory_space<vmem>>
    %dma_wait3A_388 = tpu.memref_squeeze %dma_wait3A_387 : memref<16x1x128xf32, #tpu.memory_space<vmem>> -> memref<16x128xf32, #tpu.memory_space<vmem>>
    %dma_wait3A_389 = arith.constant 0 : i32
    %dma_wait3A_390 = tpu.memref_slice %arg5[%mul3A_2, %dma_wait3A_389] : memref<51200x1000xf32, #tpu.memory_space<hbm>> -> memref<16x128xf32, #tpu.memory_space<hbm>>
    %dma_wait3A_391 = arith.constant 0 : i32
    %dma_wait3A_392 = tpu.memref_slice %arg5[%mul3A_2, %dma_wait3A_391] : memref<51200x1000xf32, #tpu.memory_space<hbm>> -> memref<16x128xf32, #tpu.memory_space<hbm>>
    %dma_wait3A_393 = arith.constant 0 : i32
    %dma_wait3A_394 = arith.constant 0 : i32
    %dma_wait3A_395 = tpu.memref_slice %arg12[%dma_wait3A_393, %dma_wait3A_384, %dma_wait3A_394] : memref<16x8x128xf32, #tpu.memory_space<vmem>> -> memref<16x1x128xf32, #tpu.memory_space<vmem>>
    %dma_wait3A_396 = tpu.memref_squeeze %dma_wait3A_395 : memref<16x1x128xf32, #tpu.memory_space<vmem>> -> memref<16x128xf32, #tpu.memory_space<vmem>>
    tpu.wait_dma2 semaphore(%arg22 : memref<!tpu.dma_semaphore, #tpu.memory_space<semaphore_mem>>) src(%dma_wait3A_396 : memref<16x128xf32, #tpu.memory_space<vmem>>) dst(%dma_wait3A_392 : memref<16x128xf32, #tpu.memory_space<hbm>>)
    %dma_wait3A_397 = arith.constant 0 : i32
    %dma_wait3A_398 = arith.constant 0 : i32
    %dma_wait3A_399 = arith.constant 0 : i32
    %dma_wait3A_400 = tpu.memref_slice %arg12[%dma_wait3A_398, %dma_wait3A_397, %dma_wait3A_399] : memref<16x8x128xf32, #tpu.memory_space<vmem>> -> memref<16x1x128xf32, #tpu.memory_space<vmem>>
    %dma_wait3A_401 = tpu.memref_squeeze %dma_wait3A_400 : memref<16x1x128xf32, #tpu.memory_space<vmem>> -> memref<16x128xf32, #tpu.memory_space<vmem>>
    %dma_wait3A_402 = arith.constant 0 : i32
    %dma_wait3A_403 = tpu.memref_slice %arg5[%mul3A_2, %dma_wait3A_402] : memref<51200x1000xf32, #tpu.memory_space<hbm>> -> memref<16x128xf32, #tpu.memory_space<hbm>>
    %dma_wait3A_404 = arith.constant 0 : i32
    %dma_wait3A_405 = tpu.memref_slice %arg5[%mul3A_2, %dma_wait3A_404] : memref<51200x1000xf32, #tpu.memory_space<hbm>> -> memref<16x128xf32, #tpu.memory_space<hbm>>
    %dma_wait3A_406 = arith.constant 0 : i32
    %dma_wait3A_407 = arith.constant 0 : i32
    %dma_wait3A_408 = tpu.memref_slice %arg12[%dma_wait3A_406, %dma_wait3A_397, %dma_wait3A_407] : memref<16x8x128xf32, #tpu.memory_space<vmem>> -> memref<16x1x128xf32, #tpu.memory_space<vmem>>
    %dma_wait3A_409 = tpu.memref_squeeze %dma_wait3A_408 : memref<16x1x128xf32, #tpu.memory_space<vmem>> -> memref<16x128xf32, #tpu.memory_space<vmem>>
    tpu.wait_dma2 semaphore(%arg22 : memref<!tpu.dma_semaphore, #tpu.memory_space<semaphore_mem>>) src(%dma_wait3A_409 : memref<16x128xf32, #tpu.memory_space<vmem>>) dst(%dma_wait3A_405 : memref<16x128xf32, #tpu.memory_space<hbm>>)
    %dma_wait3A_410 = arith.constant 0 : i32
    %dma_wait3A_411 = arith.constant 0 : i32
    %dma_wait3A_412 = arith.constant 0 : i32
    %dma_wait3A_413 = tpu.memref_slice %arg12[%dma_wait3A_411, %dma_wait3A_410, %dma_wait3A_412] : memref<16x8x128xf32, #tpu.memory_space<vmem>> -> memref<16x1x128xf32, #tpu.memory_space<vmem>>
    %dma_wait3A_414 = tpu.memref_squeeze %dma_wait3A_413 : memref<16x1x128xf32, #tpu.memory_space<vmem>> -> memref<16x128xf32, #tpu.memory_space<vmem>>
    %dma_wait3A_415 = arith.constant 0 : i32
    %dma_wait3A_416 = tpu.memref_slice %arg5[%mul3A_2, %dma_wait3A_415] : memref<51200x1000xf32, #tpu.memory_space<hbm>> -> memref<16x128xf32, #tpu.memory_space<hbm>>
    %dma_wait3A_417 = arith.constant 0 : i32
    %dma_wait3A_418 = tpu.memref_slice %arg5[%mul3A_2, %dma_wait3A_417] : memref<51200x1000xf32, #tpu.memory_space<hbm>> -> memref<16x128xf32, #tpu.memory_space<hbm>>
    %dma_wait3A_419 = arith.constant 0 : i32
    %dma_wait3A_420 = arith.constant 0 : i32
    %dma_wait3A_421 = tpu.memref_slice %arg12[%dma_wait3A_419, %dma_wait3A_410, %dma_wait3A_420] : memref<16x8x128xf32, #tpu.memory_space<vmem>> -> memref<16x1x128xf32, #tpu.memory_space<vmem>>
    %dma_wait3A_422 = tpu.memref_squeeze %dma_wait3A_421 : memref<16x1x128xf32, #tpu.memory_space<vmem>> -> memref<16x128xf32, #tpu.memory_space<vmem>>
    tpu.wait_dma2 semaphore(%arg22 : memref<!tpu.dma_semaphore, #tpu.memory_space<semaphore_mem>>) src(%dma_wait3A_422 : memref<16x128xf32, #tpu.memory_space<vmem>>) dst(%dma_wait3A_418 : memref<16x128xf32, #tpu.memory_space<hbm>>)
    %dma_wait3A_423 = arith.constant 0 : i32
    %dma_wait3A_424 = arith.constant 0 : i32
    %dma_wait3A_425 = arith.constant 0 : i32
    %dma_wait3A_426 = tpu.memref_slice %arg12[%dma_wait3A_424, %dma_wait3A_423, %dma_wait3A_425] : memref<16x8x128xf32, #tpu.memory_space<vmem>> -> memref<16x1x128xf32, #tpu.memory_space<vmem>>
    %dma_wait3A_427 = tpu.memref_squeeze %dma_wait3A_426 : memref<16x1x128xf32, #tpu.memory_space<vmem>> -> memref<16x128xf32, #tpu.memory_space<vmem>>
    %dma_wait3A_428 = arith.constant 0 : i32
    %dma_wait3A_429 = tpu.memref_slice %arg5[%mul3A_2, %dma_wait3A_428] : memref<51200x1000xf32, #tpu.memory_space<hbm>> -> memref<16x128xf32, #tpu.memory_space<hbm>>
    %dma_wait3A_430 = arith.constant 0 : i32
    %dma_wait3A_431 = tpu.memref_slice %arg5[%mul3A_2, %dma_wait3A_430] : memref<51200x1000xf32, #tpu.memory_space<hbm>> -> memref<16x128xf32, #tpu.memory_space<hbm>>
    %dma_wait3A_432 = arith.constant 0 : i32
    %dma_wait3A_433 = arith.constant 0 : i32
    %dma_wait3A_434 = tpu.memref_slice %arg12[%dma_wait3A_432, %dma_wait3A_423, %dma_wait3A_433] : memref<16x8x128xf32, #tpu.memory_space<vmem>> -> memref<16x1x128xf32, #tpu.memory_space<vmem>>
    %dma_wait3A_435 = tpu.memref_squeeze %dma_wait3A_434 : memref<16x1x128xf32, #tpu.memory_space<vmem>> -> memref<16x128xf32, #tpu.memory_space<vmem>>
    tpu.wait_dma2 semaphore(%arg22 : memref<!tpu.dma_semaphore, #tpu.memory_space<semaphore_mem>>) src(%dma_wait3A_435 : memref<16x128xf32, #tpu.memory_space<vmem>>) dst(%dma_wait3A_431 : memref<16x128xf32, #tpu.memory_space<hbm>>)
    %get3A = arith.constant 0 : index
    %get3A_436 = tpu.vector_load %arg14[%get3A] {strides = array<i32>} : memref<16xf32, #tpu.memory_space<vmem>>, vector<16xf32>,
    %swap3A_437 = arith.constant 0 : i32
    %swap3A_438 = arith.index_cast %swap3A_437 : i32 to index
    %swap3A_439 = arith.constant 0 : index
    %swap3A_440 = tpu.vector_load %arg13[%swap3A_438, %swap3A_439] {strides = array<i32>} : memref<8x128xf32, #tpu.memory_space<vmem>>, vector<16xf32>,
    tpu.vector_store %arg13[%swap3A_438, %swap3A_439], %get3A_436 {strides = array<i32>} : memref<8x128xf32, #tpu.memory_space<vmem>>, vector<16xf32>,
    %mul3A_441 = arith.constant 8 : i32
    %mul3A_442 = arith.muli %add3A, %mul3A_441 : i32
    "tpu.region"() ({
      %run_scoped3A = tpu.sem_alloc : memref<!tpu.dma_semaphore, #tpu.memory_space<semaphore_mem>>
      %dma_start3A_443 = arith.constant 0 : i32
      %dma_start3A_444 = tpu.memref_slice %arg6[%mul3A_442, %dma_start3A_443] : memref<256x128xf32, #tpu.memory_space<hbm>> -> memref<8x128xf32, #tpu.memory_space<hbm>>
      %dma_start3A_445 = arith.constant 0 : i32
      %dma_start3A_446 = tpu.memref_slice %arg6[%mul3A_442, %dma_start3A_445] : memref<256x128xf32, #tpu.memory_space<hbm>> -> memref<8x128xf32, #tpu.memory_space<hbm>>
      tpu.enqueue_dma source(%arg13 : memref<8x128xf32, #tpu.memory_space<vmem>>) target(%dma_start3A_446 : memref<8x128xf32, #tpu.memory_space<hbm>>) target_semaphore(%run_scoped3A : memref<!tpu.dma_semaphore, #tpu.memory_space<semaphore_mem>>)
      %dma_wait3A_447 = arith.constant 0 : i32
      %dma_wait3A_448 = tpu.memref_slice %arg6[%mul3A_442, %dma_wait3A_447] : memref<256x128xf32, #tpu.memory_space<hbm>> -> memref<8x128xf32, #tpu.memory_space<hbm>>
      %dma_wait3A_449 = arith.constant 0 : i32
      %dma_wait3A_450 = tpu.memref_slice %arg6[%mul3A_442, %dma_wait3A_449] : memref<256x128xf32, #tpu.memory_space<hbm>> -> memref<8x128xf32, #tpu.memory_space<hbm>>
      tpu.wait_dma2 semaphore(%run_scoped3A : memref<!tpu.dma_semaphore, #tpu.memory_space<semaphore_mem>>) src(%arg13 : memref<8x128xf32, #tpu.memory_space<vmem>>) dst(%dma_wait3A_450 : memref<8x128xf32, #tpu.memory_space<hbm>>)
      tpu.yield
    }) : () -> ()
    return
  }
}

module attributes {stable_mosaic.version = 14 : i64} {
  func.func @_prep_body(%arg0: memref<1000x1000xf32, #tpu.memory_space<vmem>>, %arg1: memref<1000x8x128xf32, #tpu.memory_space<vmem>>) attributes {dimension_semantics = [], scalar_prefetch = 0 : i64, scratch_operands = 0 : i64, tpu.core_type = #tpu.core_type<tc>} {
    %get3A = arith.constant 0 : index
    %get3A_0 = arith.constant 0 : index
    %get3A_1 = vector.load %arg0[%get3A, %get3A_0] : memref<1000x1000xf32, #tpu.memory_space<vmem>>, vector<1000x1000xf32>
    %reduce_max3A = arith.constant dense<0xFF800000> : vector<1000xf32>
    %reduce_max3A_2 = vector.multi_reduction <maximumf>, %get3A_1, %reduce_max3A [1] : vector<1000x1000xf32> to vector<1000xf32>
    %broadcast_in_dim3A = vector.shape_cast %reduce_max3A_2 : vector<1000xf32> to vector<1000x1xf32>
    %sub3A = vector.broadcast %broadcast_in_dim3A : vector<1000x1xf32> to vector<1000x1000xf32>
    %sub3A_3 = arith.subf %get3A_1, %sub3A : vector<1000x1000xf32>
    %exp3A = math.exp %sub3A_3 : vector<1000x1000xf32>
    %reduce_sum3A = arith.constant dense<0.000000e+00> : vector<1000xf32>
    %reduce_sum3A_4 = vector.multi_reduction <add>, %exp3A, %reduce_sum3A [1] : vector<1000x1000xf32> to vector<1000xf32>
    %broadcast_in_dim3A_5 = vector.shape_cast %reduce_sum3A_4 : vector<1000xf32> to vector<1000x1xf32>
    %log3A = math.log %broadcast_in_dim3A_5 : vector<1000x1xf32>
    %add3A = arith.addf %broadcast_in_dim3A, %log3A : vector<1000x1xf32>
    %slice3A = vector.extract_strided_slice %get3A_1 {offsets = [0, 0], sizes = [1000, 128], strides = [1, 1]} : vector<1000x1000xf32> to vector<1000x128xf32>
    %swap3A = arith.constant 0 : index
    %swap3A_6 = arith.constant 0 : index
    %swap3A_7 = arith.constant 0 : index
    %swap3A_8 = vector.load %arg1[%swap3A, %swap3A_6, %swap3A_7] : memref<1000x8x128xf32, #tpu.memory_space<vmem>>, vector<1000x1x128xf32>
    %swap3A_9 = vector.shape_cast %swap3A_8 : vector<1000x1x128xf32> to vector<1000x128xf32>
    %swap3A_10 = vector.shape_cast %slice3A : vector<1000x128xf32> to vector<1000x1x128xf32>
    tpu.vector_store %arg1[%swap3A, %swap3A_6, %swap3A_7], %swap3A_10 {strides = array<i32>} : memref<1000x8x128xf32, #tpu.memory_space<vmem>>, vector<1000x1x128xf32>,
    %slice3A_11 = vector.extract_strided_slice %get3A_1 {offsets = [0, 128], sizes = [1000, 128], strides = [1, 1]} : vector<1000x1000xf32> to vector<1000x128xf32>
    %swap3A_12 = arith.constant 0 : index
    %swap3A_13 = arith.constant 1 : index
    %swap3A_14 = arith.constant 0 : index
    %swap3A_15 = vector.load %arg1[%swap3A_12, %swap3A_13, %swap3A_14] : memref<1000x8x128xf32, #tpu.memory_space<vmem>>, vector<1000x1x128xf32>
    %swap3A_16 = vector.shape_cast %swap3A_15 : vector<1000x1x128xf32> to vector<1000x128xf32>
    %swap3A_17 = vector.shape_cast %slice3A_11 : vector<1000x128xf32> to vector<1000x1x128xf32>
    tpu.vector_store %arg1[%swap3A_12, %swap3A_13, %swap3A_14], %swap3A_17 {strides = array<i32>} : memref<1000x8x128xf32, #tpu.memory_space<vmem>>, vector<1000x1x128xf32>,
    %slice3A_18 = vector.extract_strided_slice %get3A_1 {offsets = [0, 256], sizes = [1000, 128], strides = [1, 1]} : vector<1000x1000xf32> to vector<1000x128xf32>
    %swap3A_19 = arith.constant 0 : index
    %swap3A_20 = arith.constant 2 : index
    %swap3A_21 = arith.constant 0 : index
    %swap3A_22 = vector.load %arg1[%swap3A_19, %swap3A_20, %swap3A_21] : memref<1000x8x128xf32, #tpu.memory_space<vmem>>, vector<1000x1x128xf32>
    %swap3A_23 = vector.shape_cast %swap3A_22 : vector<1000x1x128xf32> to vector<1000x128xf32>
    %swap3A_24 = vector.shape_cast %slice3A_18 : vector<1000x128xf32> to vector<1000x1x128xf32>
    tpu.vector_store %arg1[%swap3A_19, %swap3A_20, %swap3A_21], %swap3A_24 {strides = array<i32>} : memref<1000x8x128xf32, #tpu.memory_space<vmem>>, vector<1000x1x128xf32>,
    %slice3A_25 = vector.extract_strided_slice %get3A_1 {offsets = [0, 384], sizes = [1000, 128], strides = [1, 1]} : vector<1000x1000xf32> to vector<1000x128xf32>
    %swap3A_26 = arith.constant 0 : index
    %swap3A_27 = arith.constant 3 : index
    %swap3A_28 = arith.constant 0 : index
    %swap3A_29 = vector.load %arg1[%swap3A_26, %swap3A_27, %swap3A_28] : memref<1000x8x128xf32, #tpu.memory_space<vmem>>, vector<1000x1x128xf32>
    %swap3A_30 = vector.shape_cast %swap3A_29 : vector<1000x1x128xf32> to vector<1000x128xf32>
    %swap3A_31 = vector.shape_cast %slice3A_25 : vector<1000x128xf32> to vector<1000x1x128xf32>
    tpu.vector_store %arg1[%swap3A_26, %swap3A_27, %swap3A_28], %swap3A_31 {strides = array<i32>} : memref<1000x8x128xf32, #tpu.memory_space<vmem>>, vector<1000x1x128xf32>,
    %slice3A_32 = vector.extract_strided_slice %get3A_1 {offsets = [0, 512], sizes = [1000, 128], strides = [1, 1]} : vector<1000x1000xf32> to vector<1000x128xf32>
    %swap3A_33 = arith.constant 0 : index
    %swap3A_34 = arith.constant 4 : index
    %swap3A_35 = arith.constant 0 : index
    %swap3A_36 = vector.load %arg1[%swap3A_33, %swap3A_34, %swap3A_35] : memref<1000x8x128xf32, #tpu.memory_space<vmem>>, vector<1000x1x128xf32>
    %swap3A_37 = vector.shape_cast %swap3A_36 : vector<1000x1x128xf32> to vector<1000x128xf32>
    %swap3A_38 = vector.shape_cast %slice3A_32 : vector<1000x128xf32> to vector<1000x1x128xf32>
    tpu.vector_store %arg1[%swap3A_33, %swap3A_34, %swap3A_35], %swap3A_38 {strides = array<i32>} : memref<1000x8x128xf32, #tpu.memory_space<vmem>>, vector<1000x1x128xf32>,
    %slice3A_39 = vector.extract_strided_slice %get3A_1 {offsets = [0, 640], sizes = [1000, 128], strides = [1, 1]} : vector<1000x1000xf32> to vector<1000x128xf32>
    %swap3A_40 = arith.constant 0 : index
    %swap3A_41 = arith.constant 5 : index
    %swap3A_42 = arith.constant 0 : index
    %swap3A_43 = vector.load %arg1[%swap3A_40, %swap3A_41, %swap3A_42] : memref<1000x8x128xf32, #tpu.memory_space<vmem>>, vector<1000x1x128xf32>
    %swap3A_44 = vector.shape_cast %swap3A_43 : vector<1000x1x128xf32> to vector<1000x128xf32>
    %swap3A_45 = vector.shape_cast %slice3A_39 : vector<1000x128xf32> to vector<1000x1x128xf32>
    tpu.vector_store %arg1[%swap3A_40, %swap3A_41, %swap3A_42], %swap3A_45 {strides = array<i32>} : memref<1000x8x128xf32, #tpu.memory_space<vmem>>, vector<1000x1x128xf32>,
    %slice3A_46 = vector.extract_strided_slice %get3A_1 {offsets = [0, 768], sizes = [1000, 128], strides = [1, 1]} : vector<1000x1000xf32> to vector<1000x128xf32>
    %swap3A_47 = arith.constant 0 : index
    %swap3A_48 = arith.constant 6 : index
    %swap3A_49 = arith.constant 0 : index
    %swap3A_50 = vector.load %arg1[%swap3A_47, %swap3A_48, %swap3A_49] : memref<1000x8x128xf32, #tpu.memory_space<vmem>>, vector<1000x1x128xf32>
    %swap3A_51 = vector.shape_cast %swap3A_50 : vector<1000x1x128xf32> to vector<1000x128xf32>
    %swap3A_52 = vector.shape_cast %slice3A_46 : vector<1000x128xf32> to vector<1000x1x128xf32>
    tpu.vector_store %arg1[%swap3A_47, %swap3A_48, %swap3A_49], %swap3A_52 {strides = array<i32>} : memref<1000x8x128xf32, #tpu.memory_space<vmem>>, vector<1000x1x128xf32>,
    %slice3A_53 = vector.extract_strided_slice %get3A_1 {offsets = [0, 896], sizes = [1000, 104], strides = [1, 1]} : vector<1000x1000xf32> to vector<1000x104xf32>
    %swap3A_54 = arith.constant 0 : index
    %swap3A_55 = arith.constant 7 : index
    %swap3A_56 = arith.constant 0 : index
    %swap3A_57 = vector.load %arg1[%swap3A_54, %swap3A_55, %swap3A_56] : memref<1000x8x128xf32, #tpu.memory_space<vmem>>, vector<1000x1x104xf32>
    %swap3A_58 = vector.shape_cast %swap3A_57 : vector<1000x1x104xf32> to vector<1000x104xf32>
    %swap3A_59 = vector.shape_cast %slice3A_53 : vector<1000x104xf32> to vector<1000x1x104xf32>
    tpu.vector_store %arg1[%swap3A_54, %swap3A_55, %swap3A_56], %swap3A_59 {strides = array<i32>} : memref<1000x8x128xf32, #tpu.memory_space<vmem>>, vector<1000x1x104xf32>,
    %swap3A_60 = arith.constant 0 : index
    %swap3A_61 = arith.constant 7 : index
    %swap3A_62 = arith.constant 104 : index
    %swap3A_63 = vector.load %arg1[%swap3A_60, %swap3A_61, %swap3A_62] : memref<1000x8x128xf32, #tpu.memory_space<vmem>>, vector<1000x1x1xf32>
    %swap3A_64 = vector.shape_cast %swap3A_63 : vector<1000x1x1xf32> to vector<1000x1xf32>
    %swap3A_65 = vector.shape_cast %add3A : vector<1000x1xf32> to vector<1000x1x1xf32>
    tpu.vector_store %arg1[%swap3A_60, %swap3A_61, %swap3A_62], %swap3A_65 {strides = array<i32>} : memref<1000x8x128xf32, #tpu.memory_space<vmem>>, vector<1000x1x1xf32>,
    %broadcast_in_dim3A_66 = arith.constant 0.000000e+00 : f32
    %broadcast_in_dim3A_67 = vector.broadcast %broadcast_in_dim3A_66 : f32 to vector<1000x23xf32>
    %swap3A_68 = arith.constant 0 : index
    %swap3A_69 = arith.constant 7 : index
    %swap3A_70 = arith.constant 105 : index
    %swap3A_71 = vector.load %arg1[%swap3A_68, %swap3A_69, %swap3A_70] : memref<1000x8x128xf32, #tpu.memory_space<vmem>>, vector<1000x1x23xf32>
    %swap3A_72 = vector.shape_cast %swap3A_71 : vector<1000x1x23xf32> to vector<1000x23xf32>
    %swap3A_73 = vector.shape_cast %broadcast_in_dim3A_67 : vector<1000x23xf32> to vector<1000x1x23xf32>
    tpu.vector_store %arg1[%swap3A_68, %swap3A_69, %swap3A_70], %swap3A_73 {strides = array<i32>} : memref<1000x8x128xf32, #tpu.memory_space<vmem>>, vector<1000x1x23xf32>,
    return
  }
}

</mosaic_0001>

<sc_bundles>
// kernel: kernel.4.cloned.1.call-start
scs
__scs_entry_jumppad:
0x0: {  	(pc) =	sbr.rel $0x88, $3  }
0x1: {  	(tag) =	ssettag $0x0;
	lr =	simm.s32 $0x1  }
0x2: {  	[smem:$0x3F9E] =	sst lr;
	_ =	strace $0xD0000000  }
0x3: {  	_ = 	snop  }
0x4: {  	_ = 	snop  }
0x5: {  	_ = 	snop  }
0x6: {  	_ = 	snop  }
0x7: {  	_ = 	snop  }
__scs_overlays_trampoline_lowered:
0x8: {  	[smem:$0x3FAD] =	sst s0  }
0x9: {  	[smem:$0x3FAE] =	sst s1  }
0xa: {  	[smem:$0x3FAF] =	sst s2  }
0xb: {  	[smem:$0x3FB0] =	sst s3  }
0xc: {  	[smem:$0x3FB1] =	sst s4  }
0xd: {  	[smem:$0x3FB2] =	sst s5  }
0xe: {  	[smem:$0x3FB3] =	sst s6  }
0xf: {  	[smem:$0x3FB4] =	sst s7  }
0x10: {  	[smem:$0x3FB5] =	sst s8  }
0x11: {  	[smem:$0x3FB6] =	sst s9;
	s0 =	simm.s32 @!p0 $0x0  }
0x12: {  	s1 =	sld [smem:$0x3F9C];
	s0 =	simm.s32 @p0 $0x1  }
0x13: {  	[smem:$0x3FB7] =	sst s0;
	s0 =	simm.s32 @!p1 $0x0  }
0x14: {  	s2 =	sld [smem:$0x3F9B];
	s0 =	simm.s32 @p1 $0x1  }
0x15: {  	[smem:$0x3FB8] =	sst s0;
	s0 =	simm.s32 @!p2 $0x0  }
0x16: {  	s3 =	sld [smem:$0x3FDB];
	s0 =	simm.s32 @p2 $0x1  }
0x17: {  	s4 =	simm.s32 $0x1BF5;
	[smem:$0x3FBA] =	sst s0  }
0x18: {  	s0 =	sld [smem:$0x3F9D];
	_ =	swait.ge [sflag:s4], $0x0  }
0x19: {  	s7 =	sld [smem:$0x3F9E]  }
0x1a: {  	s8 =	sadd.s32 $0xFFFFE003, lr  }
0x1b: {  	s9 =	sadd.s32 $0xFFFFFEF7, lr;
	s5 =	simm.s32 $0xFFFFFFFF;
	p2 =	slt.u32 s8, $0xFFFFF086  }
0x1c: {  	p1 =	slt.u32 s9, $0xF7A;
	s5 =	simm.s32 @!p2 $0x0  }
0x1d: {  	s5 =	simm.s32 @p1 $0x1;
	p0 =	seq.s32 s7, s2  }
0x1e: {  	s7 =	smul.u32 @!p0 $0xF7A, s2;
	p2 =	seq.s32 @!p0 s5, $0x0  }
0x1f: {  	s9 =	smul.u32 $0xF7A, s1;
	s8 =	simm.s32 @!p0 $0x1BF5;
	p2 =	por !p2, p0  }
0x20: {  	[sflag:s8] =	ssyncset.s32 @!p0 $0xFFFFF086;
	s6 =	sadd.s32 @!p0 s3, s7;
	s7 =	simm.s32 @!p0 $0x108  }
0x21: {  	s3 =	sadd.s32 s3, s9;
	s6 =	sadd.s32 @!p0 $0x88, s6;
	s7 =	simm.s32 @p2 $0x1082  }
0x22: {  	[simem:s7], [sflag:s8] =	dma.local @!p0 [hbm:s6], $0xF7A  }
0x23: {  	s9 =	sor.u32 $0xD0000000, s2;
	s6 =	simm.s32 $0x108;
	_ =	swait.ge @!p0 [sflag:s8], $0x0  }
0x24: {  	s3 =	sadd.s32 $0x88, s3;
	s6 =	simm.s32 @!p1 $0x1082;
	[sflag:s4] =	ssyncset.s32 $0xFFFFF086  }
0x25: {  	[simem:s6], [sflag:s4] =	dma.local [hbm:s3], $0xF7A  }
0x26: {  	[smem:$0x3F9E] =	sst s1;
	(tag) =	ssettag s2;
	_ =	strace s9  }
0x27: {  	s1 =	sld [smem:$0x3FAE]  }
0x28: {  	s2 =	sld [smem:$0x3FAF]  }
0x29: {  	s4 =	sld [smem:$0x3FB1]  }
0x2a: {  	p0 =	seq.s32 s5, $0x0;
	s5 =	sld [smem:$0x3FB2]  }
0x2b: {  	s6 =	sld [smem:$0x3FB3]  }
0x2c: {  	s7 =	sld [smem:$0x3FB4]  }
0x2d: {  	s3 =	simm.s32 $0x108;
	s8 =	sld [smem:$0x3FB5]  }
0x2e: {  	s3 =	simm.s32 @!p0 $0x1082;
	s9 =	sld [smem:$0x3FB6]  }
0x2f: {  	lr =	sadd.s32 s0, s3;
	s0 =	sld [smem:$0x3FAD]  }
0x30: {  	s3 =	sld [smem:$0x3FB0]  }
0x31: {  	[smem:$0x3FB9] =	sst s10  }
0x32: {  	s10 =	sld [smem:$0x3FB7];
	_ =	sdelay $0x3  }
0x33: {  	p0 =	seq.s32 s10, $0x1;
	s10 =	sld [smem:$0x3FB9];
	_ =	sdelay $0x3  }
0x34: {  	[smem:$0x3FB9] =	sst s10  }
0x35: {  	s10 =	sld [smem:$0x3FB8];
	_ =	sdelay $0x3  }
0x36: {  	p1 =	seq.s32 s10, $0x1;
	s10 =	sld [smem:$0x3FB9];
	_ =	sdelay $0x3  }
0x37: {  	[smem:$0x3FB9] =	sst s10  }
0x38: {  	s10 =	sld [smem:$0x3FBA]  }
0x39: {  	_ = 	snop;
	(pc) =	sbr.ind lr, $3  }
0x3a: {  	_ = 	snop  }
0x3b: {  	_ = 	snop  }
0x3c: {  	p2 =	seq.s32 s10, $0x1;
	s10 =	sld [smem:$0x3FB9]  }
0x3d: {  	_ =	shalt  }
0x3e: {  	_ =	shalt  }
0x3f: {  	_ =	shalt  }
0x40: {  	_ =	shalt  }
0x41: {  	_ =	shalt  }
0x42: {  	_ =	shalt  }
0x43: {  	_ =	shalt  }
0x44: {  	_ =	shalt  }
0x45: {  	_ =	shalt  }
0x46: {  	_ =	shalt  }
0x47: {  	_ =	shalt  }
0x48: {  	_ =	shalt  }
0x49: {  	_ =	shalt  }
0x4a: {  	_ =	shalt  }
0x4b: {  	_ =	shalt  }
0x4c: {  	_ =	shalt  }
0x4d: {  	_ =	shalt  }
0x4e: {  	_ =	shalt  }
0x4f: {  	_ =	shalt  }
0x50: {  	_ =	shalt  }
0x51: {  	_ =	shalt  }
0x52: {  	_ =	shalt  }
0x53: {  	_ =	shalt  }
0x54: {  	_ =	shalt  }
0x55: {  	_ =	shalt  }
0x56: {  	_ =	shalt  }
0x57: {  	_ =	shalt  }
0x58: {  	_ =	shalt  }
0x59: {  	_ =	shalt  }
0x5a: {  	_ =	shalt  }
0x5b: {  	_ =	shalt  }
0x5c: {  	_ =	shalt  }
0x5d: {  	_ =	shalt  }
0x5e: {  	_ =	shalt  }
0x5f: {  	_ =	shalt  }
0x60: {  	_ =	shalt  }
0x61: {  	_ =	shalt  }
0x62: {  	_ =	shalt  }
0x63: {  	_ =	shalt  }
0x64: {  	_ =	shalt  }
0x65: {  	_ =	shalt  }
0x66: {  	_ =	shalt  }
0x67: {  	_ =	shalt  }
0x68: {  	_ =	shalt  }
0x69: {  	_ =	shalt  }
0x6a: {  	_ =	shalt  }
0x6b: {  	_ =	shalt  }
0x6c: {  	_ =	shalt  }
0x6d: {  	_ =	shalt  }
0x6e: {  	_ =	shalt  }
0x6f: {  	_ =	shalt  }
0x70: {  	_ =	shalt  }
0x71: {  	_ =	shalt  }
0x72: {  	_ =	shalt  }
0x73: {  	_ =	shalt  }
0x74: {  	_ =	shalt  }
0x75: {  	_ =	shalt  }
0x76: {  	_ =	shalt  }
0x77: {  	_ =	shalt  }
0x78: {  	_ =	shalt  }
0x79: {  	_ =	shalt  }
0x7a: {  	_ =	shalt  }
0x7b: {  	_ =	shalt  }
0x7c: {  	_ =	shalt  }
0x7d: {  	_ =	shalt  }
0x7e: {  	_ =	shalt  }
0x7f: {  	_ =	shalt  }
0x80: {  	_ =	shalt  }
0x81: {  	_ =	shalt  }
0x82: {  	_ =	shalt  }
0x83: {  	_ =	shalt  }
0x84: {  	_ =	shalt  }
0x85: {  	_ =	shalt  }
0x86: {  	_ =	shalt  }
0x87: {  	_ =	shalt  }
.Lfunc_end0:
.L_simem_size_0:
called_computation_lowered:
.L_overlay_start_0:
0x88: {  	s2 =	sld [smem:$0x3FD9]  }
0x89: {  	s3 =	sld [smem:$0x3FFE];
	_ =	sdelay $0x1  }
0x8a: {  	s1 =	srdreg.scid  }
0x8b: {  	s0 =	sand.u32 $0x1, s1  }
0x8c: {  	s14 =	sshll.u32 s0, $0xA;
	s2 =	sadd.s32 s3, s2  }
0x8d: {  	s2 =	sadd.s32 s2, s14  }
0x8e: {  	[smem:$0x3FC5] =	sst s2  }
0x8f: {  	_ = 	snop  }
0x90: {  	s2 =	sld [smem:$0x3FD0];
	_ =	sdelay $0x2  }
0x91: {  	s15 =	simm.s32 $0xA;
	s4 =	simm.s32 $0x10  }
0x92: {  	[smem:s4], [sflag:s15] =	dma.local [hbm:s2], $0x1  }
0x93: {  	_ =	swait.eq [sflag:s15], $0x1  }
0x94: {  	[sflag:s15] =	ssyncset.done $0x0  }
0x95: {  	[sflag:s15] =	ssyncadd.s32 $0xFFFFFFFF  }
0x96: {  	s16 =	sld [smem:$0x10];
	(tm) =	ssettm $0x1  }
0x97: {  	s17 =	sld [smem:$0x3FFB];
	_ =	sdelay $0x3  }
0x98: {  	_ =	strace s17  }
0x99: {  	s3 =	sld [smem:$0x3FFC];
	_ =	sdelay $0x3  }
0x9a: {  	_ =	strace s3  }
0x9b: {  	s3 =	sld [smem:$0x3FFD];
	_ =	sdelay $0x3  }
0x9c: {  	_ =	strace s3  }
0x9d: {  	_ =	strace $0x8FFFFFFF  }
0x9e: {  	s18 =	sld [smem:$0x3FDB];
	_ =	sdelay $0x1  }
0x9f: {  	s19 =	simm.s32 $_scs_section_size  }
0xa0: {  	s5 =	simm.s32 $_size__tile_overlayer_lowered;
	s6 =	simm.s32 $_tile_overlayer_lowered  }
0xa1: {  	s22 =	simm.s32 $0x1BFF;
	s21 =	sshll.u32 s6, $0x1;
	s3 =	sadd.s32 s19, s18  }
0xa2: {  	s7 =	simm.s32 $0x0;
	s20 =	sshll.u32 s5, $0x1;
	s5 =	sadd.s32 s21, s3  }
0xa3: {  	[timem:s7], [sflag:s22] =	dma.local [hbm:s5], s20  }
0xa4: {  	_ =	swait.ge [sflag:s22], s20  }
0xa5: {  	s4 =	ssub.s32 $0x0, s20;
	[sflag:s22] =	ssyncset.done $0x0  }
0xa6: {  	[sflag:s22] =	ssyncadd.s32 s4;
	_ =	sdelay $0x1  }
0xa7: {  	s23 =	simm.s32 $0x1B8B  }
0xa8: {  	_ =	swait.ge [sflag:s23], $0x1  }
0xa9: {  	[sflag:s23] =	ssyncset.done $0x0  }
0xaa: {  	s25 =	simm.s32 $0x1B8E;
	s24 =	sld [smem:$0x3FFE];
	[sflag:s23] =	ssyncadd.s32 $0xFFFFFFFF  }
0xab: {  	s26 =	simm.s32 $execute0_lowered;
	[smem:$0x3FD2] =	sst s25  }
0xac: {  	s5 =	sshll.u32 s26, $0x1;
	_ =	strace $0x80000046;
	[dreg:$0x1] =	wrdreg $0xFFFFFFFF  }
0xad: {  	s28 =	simm.s32 $_size_execute0_lowered;
	s3 =	sadd.s32 s3, s5;
	[dreg:$0x0] =	wrdreg $0x0  }
0xae: {  	s5 =	sshll.u32 s28, $0x1;
	[dreg:$0x2] =	wrdreg s3  }
0xaf: {  	[dreg:$0x3] =	wrdreg s5  }
0xb0: {  	[dreg:$0x4] =	wrdreg $0xC0  }
0xb1: {  	_ =	task [dreg:s7], $0x5FFFF  }
0xb2: {  	[dreg:$0x1] =	wrdreg $0xFFFFFFFF  }
0xb3: {  	[dreg:$0x0] =	wrdreg $0x60  }
0xb4: {  	[dreg:$0x2] =	wrdreg s16  }
0xb5: {  	[dreg:$0x3] =	wrdreg s24  }
0xb6: {  	[dreg:$0x4] =	wrdreg $0x9  }
0xb7: {  	_ =	task.clear_ibuf [dreg:s7], $0x5FFFF;
	_ =	strace $0x90000046  }
0xb8: {  	s29 =	simm.s32 $0x9;
	_ =	strace $0x80000048  }
0xb9: {  	_ =	swait.ge [sflag:s29], $0x1  }
0xba: {  	[sflag:s29] =	ssyncadd.s32 $0xFFFFFFFF  }
0xbb: {  	_ =	strace $0x90000048  }
0xbc: {  	_ =	sfence  }
0xbd: {  	s30 =	sld [smem:$0x0];
	_ =	sdelay $0x2  }
0xbe: {  	s31 =	sshll.u32 s1, $0xD;
	s1 =	sshrl.u32 s1, $0x2  }
0xbf: {  	s3 =	sand.u32 $0x4000, s31;
	s1 =	sadd.s32 s1, s30  }
0xc0: {  	s0 =	sor.u32 s3, s0;
	s1 =	sshll.u32 s1, $0x11  }
0xc1: {  	s0 =	sor.u32 s1, s0  }
0xc2: {  	s0 =	sadd.s32 $0x8F2B, s0  }
0xc3: {  	[sflag:s0] =	ssyncadd.remote.s32 $0x1  }
0xc4: {  	_ =	sfence.sel $0xFFFF  }
0xc5: {  	[dreg:$0x0] =	wrdreg $0xFFFFFFFF;
	(pc) =	sbr.abs _section_cstart, $3  }
0xc6: {  	[dreg:$0x1] =	wrdreg $0xFFFFFFFF  }
0xc7: {  	_ =	task.clear_ibuf [dreg:s7], $0x2FFFF;
	_ =	strace $0x9FFFFFFF  }
0xc8: {  	(tm) =	ssettm $0x7FFFFFFF  }
0xc9: {  	_ =	shalt  }
tec
execute0_lowered:
.L_overlay_start_1:
0x0: {  	(tag) =	ssettag $0x1  }
0x1: {  	s2 =	rddreg [dreg:$0x0]  }
0x2: {  	s5 =	rddreg [dreg:$0x1];
	s3 =	simm.s32 $0x0  }
0x3: {  	s1 =	srdreg.scid;
	s20 =	simm.s32 $0x1100;
	[smem:$0x7FF] =	sst s3  }
0x4: {  	s21 =	simm.s32 $0x1500;
	_ =	strace $0x80000047;
	[dreg:$0x4] =	wrdreg s20  }
0x5: {  	s0 =	stileid.u32;
	s22 =	simm.s32 $0x1900;
	[dreg:$0x5] =	wrdreg s21  }
0x6: {  	s23 =	simm.s32 $0x1D00;
	s24 =	simm.s32 $0x2100;
	[dreg:$0x6] =	wrdreg s22  }
0x7: {  	s4 =	sand.u32 $0x1, s1;
	s6 =	smul.u32 $0x64000, s0;
	[dreg:$0x7] =	wrdreg s23  }
0x8: {  	s25 =	simm.s32 $0x2500;
	s7 =	smul.u32 $0x32000, s4;
	[dreg:$0x8] =	wrdreg s24  }
0x9: {  	s26 =	simm.s32 $0x2900;
	[dreg:$0x9] =	wrdreg s25;
	s6 =	sadd.s32 s6, s5  }
0xa: {  	s28 =	simm.s32 $0x2D00;
	[dreg:$0xa] =	wrdreg s26;
	s6 =	sadd.s32 s7, s6  }
0xb: {  	[dreg:$0xb] =	wrdreg s28;
	s6 =	sadd.s32 $0x3C00, s6  }
0xc: {  	s29 =	simm.s32 $0x3100;
	[dreg:$0x3] =	wrdreg s6  }
0xd: {  	s30 =	simm.s32 $0x3500;
	[dreg:$0xc] =	wrdreg s29  }
0xe: {  	s31 =	simm.s32 $0x3900;
	[dreg:$0xd] =	wrdreg s30  }
0xf: {  	s1 =	simm.s32 $0x3D00;
	[dreg:$0xe] =	wrdreg s31  }
0x10: {  	s7 =	simm.s32 $0x4100;
	[dreg:$0xf] =	wrdreg s1  }
0x11: {  	s8 =	simm.s32 $0x4500;
	[dreg:$0x10] =	wrdreg s7  }
0x12: {  	s9 =	simm.s32 $0x4900;
	[dreg:$0x11] =	wrdreg s8  }
0x13: {  	s10 =	simm.s32 $0xD80;
	[dreg:$0x12] =	wrdreg s9  }
0x14: {  	s11 =	simm.s32 $0x1180;
	[dreg:$0x13] =	wrdreg s10  }
0x15: {  	s12 =	simm.s32 $0x1580;
	[dreg:$0x14] =	wrdreg s11  }
0x16: {  	s13 =	simm.s32 $0x1980;
	[dreg:$0x15] =	wrdreg s12  }
0x17: {  	s14 =	simm.s32 $0x1D80;
	[dreg:$0x16] =	wrdreg s13  }
0x18: {  	s15 =	simm.s32 $0x2180;
	[dreg:$0x17] =	wrdreg s14  }
0x19: {  	s16 =	simm.s32 $0x2580;
	[dreg:$0x18] =	wrdreg s15  }
0x1a: {  	s17 =	simm.s32 $0x2980;
	[dreg:$0x19] =	wrdreg s16  }
0x1b: {  	s18 =	simm.s32 $0x2D80;
	[dreg:$0x1a] =	wrdreg s17  }
0x1c: {  	s19 =	simm.s32 $0x3180;
	[dreg:$0x1b] =	wrdreg s18  }
0x1d: {  	s20 =	simm.s32 $0x3580;
	[dreg:$0x1c] =	wrdreg s19  }
0x1e: {  	s21 =	simm.s32 $0x3980;
	[dreg:$0x1d] =	wrdreg s20  }
0x1f: {  	s22 =	simm.s32 $0x3D80;
	[dreg:$0x1e] =	wrdreg s21  }
0x20: {  	s23 =	simm.s32 $0x4180;
	[dreg:$0x1f] =	wrdreg s22  }
0x21: {  	s24 =	simm.s32 $0x4580;
	[smem:$0x61E] =	sst s23  }
0x22: {  	s25 =	simm.s32 $0x4980;
	[smem:$0x61F] =	sst s24  }
0x23: {  	s26 =	simm.s32 $0xE00;
	[smem:$0x620] =	sst s25  }
0x24: {  	s28 =	simm.s32 $0x1200;
	[smem:$0x621] =	sst s26  }
0x25: {  	[smem:$0x622] =	sst s28;
	s29 =	simm.s32 $0x1600  }
0x26: {  	s30 =	simm.s32 $0x1A00;
	[smem:$0x623] =	sst s29  }
0x27: {  	s31 =	simm.s32 $0x1E00;
	[smem:$0x624] =	sst s30  }
0x28: {  	s1 =	simm.s32 $0x2200;
	[smem:$0x625] =	sst s31  }
0x29: {  	s7 =	simm.s32 $0x2600;
	[smem:$0x626] =	sst s1  }
0x2a: {  	s8 =	simm.s32 $0x2A00;
	[smem:$0x627] =	sst s7  }
0x2b: {  	s9 =	simm.s32 $0x2E00;
	[smem:$0x628] =	sst s8  }
0x2c: {  	s10 =	simm.s32 $0x3200;
	[smem:$0x629] =	sst s9  }
0x2d: {  	s11 =	simm.s32 $0x3600;
	[smem:$0x62A] =	sst s10  }
0x2e: {  	s12 =	simm.s32 $0x3A00;
	[smem:$0x62B] =	sst s11  }
0x2f: {  	s13 =	simm.s32 $0x3E00;
	[smem:$0x62C] =	sst s12  }
0x30: {  	s14 =	simm.s32 $0x4200;
	[smem:$0x62D] =	sst s13  }
0x31: {  	s15 =	simm.s32 $0x4600;
	[smem:$0x62E] =	sst s14  }
0x32: {  	s16 =	simm.s32 $0x4A00;
	[smem:$0x62F] =	sst s15  }
0x33: {  	s17 =	simm.s32 $0xE80;
	[smem:$0x630] =	sst s16  }
0x34: {  	s18 =	simm.s32 $0x1280;
	[smem:$0x631] =	sst s17  }
0x35: {  	s19 =	simm.s32 $0x1680;
	[smem:$0x632] =	sst s18  }
0x36: {  	s20 =	simm.s32 $0x1A80;
	[smem:$0x633] =	sst s19  }
0x37: {  	s21 =	simm.s32 $0x1E80;
	[smem:$0x634] =	sst s20  }
0x38: {  	s22 =	simm.s32 $0x2280;
	[smem:$0x635] =	sst s21  }
0x39: {  	s23 =	simm.s32 $0x2680;
	[smem:$0x636] =	sst s22  }
0x3a: {  	s24 =	simm.s32 $0x2A80;
	[smem:$0x637] =	sst s23  }
0x3b: {  	s25 =	simm.s32 $0x2E80;
	[smem:$0x638] =	sst s24  }
0x3c: {  	s26 =	simm.s32 $0x3280;
	[smem:$0x639] =	sst s25  }
0x3d: {  	s28 =	simm.s32 $0x3680;
	[smem:$0x63A] =	sst s26  }
0x3e: {  	[smem:$0x63B] =	sst s28;
	s29 =	simm.s32 $0x3A80  }
0x3f: {  	s30 =	simm.s32 $0x3E80;
	[smem:$0x63C] =	sst s29  }
0x40: {  	s31 =	simm.s32 $0x4280;
	[smem:$0x63D] =	sst s30  }
0x41: {  	s1 =	simm.s32 $0x4680;
	[smem:$0x63E] =	sst s31  }
0x42: {  	s7 =	simm.s32 $0x4A80;
	[smem:$0x63F] =	sst s1  }
0x43: {  	s8 =	simm.s32 $0xF00;
	[smem:$0x640] =	sst s7  }
0x44: {  	s9 =	simm.s32 $0x1300;
	[smem:$0x641] =	sst s8  }
0x45: {  	s10 =	simm.s32 $0x1700;
	[smem:$0x642] =	sst s9  }
0x46: {  	s11 =	simm.s32 $0x1B00;
	[smem:$0x643] =	sst s10  }
0x47: {  	s12 =	simm.s32 $0x1F00;
	[smem:$0x644] =	sst s11  }
0x48: {  	s13 =	simm.s32 $0x2300;
	[smem:$0x645] =	sst s12  }
0x49: {  	s14 =	simm.s32 $0x2700;
	[smem:$0x646] =	sst s13  }
0x4a: {  	s15 =	simm.s32 $0x2B00;
	[smem:$0x647] =	sst s14  }
0x4b: {  	s16 =	simm.s32 $0x2F00;
	[smem:$0x648] =	sst s15  }
0x4c: {  	s17 =	simm.s32 $0x3300;
	[smem:$0x649] =	sst s16  }
0x4d: {  	s18 =	simm.s32 $0x3700;
	[smem:$0x64A] =	sst s17  }
0x4e: {  	s19 =	simm.s32 $0x3B00;
	[smem:$0x64B] =	sst s18  }
0x4f: {  	s20 =	simm.s32 $0x3F00;
	[smem:$0x64C] =	sst s19  }
0x50: {  	s21 =	simm.s32 $0x4300;
	[smem:$0x64D] =	sst s20  }
0x51: {  	s22 =	simm.s32 $0x4700;
	[smem:$0x64E] =	sst s21  }
0x52: {  	s23 =	simm.s32 $0x4B00;
	[smem:$0x64F] =	sst s22  }
0x53: {  	s24 =	simm.s32 $0xF80;
	[smem:$0x650] =	sst s23  }
0x54: {  	s25 =	simm.s32 $0x1380;
	[smem:$0x651] =	sst s24  }
0x55: {  	s26 =	simm.s32 $0x1780;
	[smem:$0x652] =	sst s25  }
0x56: {  	s28 =	simm.s32 $0x1B80;
	[smem:$0x653] =	sst s26  }
0x57: {  	[smem:$0x654] =	sst s28;
	s29 =	simm.s32 $0x1F80  }
0x58: {  	s30 =	simm.s32 $0x2380;
	[smem:$0x655] =	sst s29  }
0x59: {  	s31 =	simm.s32 $0x2780;
	[smem:$0x656] =	sst s30  }
0x5a: {  	s1 =	simm.s32 $0x2B80;
	[smem:$0x657] =	sst s31  }
0x5b: {  	s7 =	simm.s32 $0x2F80;
	[smem:$0x658] =	sst s1  }
0x5c: {  	s8 =	simm.s32 $0x3380;
	[smem:$0x659] =	sst s7  }
0x5d: {  	s9 =	simm.s32 $0x3780;
	[smem:$0x65A] =	sst s8  }
0x5e: {  	s10 =	simm.s32 $0x3B80;
	[smem:$0x65B] =	sst s9  }
0x5f: {  	s11 =	simm.s32 $0x3F80;
	[smem:$0x65C] =	sst s10  }
0x60: {  	s12 =	simm.s32 $0x4380;
	[smem:$0x65D] =	sst s11  }
0x61: {  	s13 =	simm.s32 $0x4780;
	[smem:$0x65E] =	sst s12  }
0x62: {  	s14 =	simm.s32 $0x4B80;
	[smem:$0x65F] =	sst s13  }
0x63: {  	s15 =	simm.s32 $0x1000;
	[smem:$0x660] =	sst s14  }
0x64: {  	s16 =	simm.s32 $0x1400;
	[smem:$0x661] =	sst s15  }
0x65: {  	s17 =	simm.s32 $0x1800;
	[smem:$0x662] =	sst s16  }
0x66: {  	s18 =	simm.s32 $0x1C00;
	[smem:$0x663] =	sst s17  }
0x67: {  	s19 =	simm.s32 $0x2000;
	[smem:$0x664] =	sst s18  }
0x68: {  	s20 =	simm.s32 $0x2400;
	[smem:$0x665] =	sst s19  }
0x69: {  	s21 =	simm.s32 $0x2800;
	[smem:$0x666] =	sst s20  }
0x6a: {  	s22 =	simm.s32 $0x2C00;
	[smem:$0x667] =	sst s21  }
0x6b: {  	s23 =	simm.s32 $0x3000;
	[smem:$0x668] =	sst s22  }
0x6c: {  	s24 =	simm.s32 $0x3400;
	[smem:$0x669] =	sst s23  }
0x6d: {  	s25 =	simm.s32 $0x3800;
	[smem:$0x66A] =	sst s24  }
0x6e: {  	s26 =	simm.s32 $0x3C00;
	[smem:$0x66B] =	sst s25  }
0x6f: {  	s28 =	simm.s32 $0x4000;
	[smem:$0x66C] =	sst s26  }
0x70: {  	[smem:$0x66D] =	sst s28;
	s29 =	simm.s32 $0x4400  }
0x71: {  	s30 =	simm.s32 $0x4800;
	[smem:$0x66E] =	sst s29  }
0x72: {  	s31 =	simm.s32 $0x4C00;
	[smem:$0x66F] =	sst s30  }
0x73: {  	s1 =	simm.s32 $0x1080;
	[smem:$0x670] =	sst s31  }
0x74: {  	s7 =	simm.s32 $0x1480;
	[smem:$0x671] =	sst s1  }
0x75: {  	s8 =	simm.s32 $0x1880;
	[smem:$0x672] =	sst s7  }
0x76: {  	s9 =	simm.s32 $0x1C80;
	[smem:$0x673] =	sst s8  }
0x77: {  	s10 =	simm.s32 $0x2080;
	[smem:$0x674] =	sst s9  }
0x78: {  	s11 =	simm.s32 $0x2480;
	[smem:$0x675] =	sst s10  }
0x79: {  	s12 =	simm.s32 $0x2880;
	[smem:$0x676] =	sst s11  }
0x7a: {  	s13 =	simm.s32 $0x2C80;
	[smem:$0x677] =	sst s12  }
0x7b: {  	s14 =	simm.s32 $0x3080;
	[smem:$0x678] =	sst s13  }
0x7c: {  	s15 =	simm.s32 $0x3480;
	[smem:$0x679] =	sst s14  }
0x7d: {  	s16 =	simm.s32 $0x3880;
	[smem:$0x67A] =	sst s15  }
0x7e: {  	s17 =	simm.s32 $0x3C80;
	[smem:$0x67B] =	sst s16  }
0x7f: {  	s18 =	simm.s32 $0x4080;
	[smem:$0x67C] =	sst s17  }
0x80: {  	s19 =	simm.s32 $0x4480;
	[smem:$0x67D] =	sst s18  }
0x81: {  	s20 =	simm.s32 $0x4880;
	[smem:$0x67E] =	sst s19  }
0x82: {  	s21 =	simm.s32 $0x4C80;
	[smem:$0x67F] =	sst s20  }
0x83: {  	s22 =	simm.s32 $0x5100;
	[smem:$0x680] =	sst s21  }
0x84: {  	s23 =	simm.s32 $0x5500;
	[smem:$0x681] =	sst s22  }
0x85: {  	s24 =	simm.s32 $0x5900;
	[smem:$0x682] =	sst s23  }
0x86: {  	s25 =	simm.s32 $0x5D00;
	[smem:$0x683] =	sst s24  }
0x87: {  	s26 =	simm.s32 $0x6100;
	[smem:$0x684] =	sst s25  }
0x88: {  	s28 =	simm.s32 $0x6500;
	[smem:$0x685] =	sst s26  }
0x89: {  	[smem:$0x686] =	sst s28;
	s29 =	simm.s32 $0x6900  }
0x8a: {  	s30 =	simm.s32 $0x6D00;
	[smem:$0x687] =	sst s29  }
0x8b: {  	s31 =	simm.s32 $0x7100;
	[smem:$0x688] =	sst s30  }
0x8c: {  	s1 =	simm.s32 $0x7500;
	[smem:$0x689] =	sst s31  }
0x8d: {  	s7 =	simm.s32 $0x7900;
	[smem:$0x68A] =	sst s1  }
0x8e: {  	s8 =	simm.s32 $0x7D00;
	[smem:$0x68B] =	sst s7  }
0x8f: {  	s9 =	simm.s32 $0x8100;
	[smem:$0x68C] =	sst s8  }
0x90: {  	s10 =	simm.s32 $0x8500;
	[smem:$0x68D] =	sst s9  }
0x91: {  	s11 =	simm.s32 $0x8900;
	[smem:$0x68E] =	sst s10  }
0x92: {  	s12 =	simm.s32 $0x4D80;
	[smem:$0x68F] =	sst s11  }
0x93: {  	s13 =	simm.s32 $0x5180;
	[smem:$0x690] =	sst s12  }
0x94: {  	s14 =	simm.s32 $0x5580;
	[smem:$0x691] =	sst s13  }
0x95: {  	s15 =	simm.s32 $0x5980;
	[smem:$0x692] =	sst s14  }
0x96: {  	s16 =	simm.s32 $0x5D80;
	[smem:$0x693] =	sst s15  }
0x97: {  	s17 =	simm.s32 $0x6180;
	[smem:$0x694] =	sst s16  }
0x98: {  	s18 =	simm.s32 $0x6580;
	[smem:$0x695] =	sst s17  }
0x99: {  	s19 =	simm.s32 $0x6980;
	[smem:$0x696] =	sst s18  }
0x9a: {  	s20 =	simm.s32 $0x6D80;
	[smem:$0x697] =	sst s19  }
0x9b: {  	s21 =	simm.s32 $0x7180;
	[smem:$0x698] =	sst s20  }
0x9c: {  	s22 =	simm.s32 $0x7580;
	[smem:$0x699] =	sst s21  }
0x9d: {  	s23 =	simm.s32 $0x7980;
	[smem:$0x69A] =	sst s22  }
0x9e: {  	s24 =	simm.s32 $0x7D80;
	[smem:$0x69B] =	sst s23  }
0x9f: {  	s25 =	simm.s32 $0x8180;
	[smem:$0x69C] =	sst s24  }
0xa0: {  	s26 =	simm.s32 $0x8580;
	[smem:$0x69D] =	sst s25  }
0xa1: {  	s28 =	simm.s32 $0x8980;
	[smem:$0x69E] =	sst s26  }
0xa2: {  	[smem:$0x69F] =	sst s28;
	s29 =	simm.s32 $0x4E00  }
0xa3: {  	s30 =	simm.s32 $0x5200;
	[smem:$0x6A0] =	sst s29  }
0xa4: {  	s31 =	simm.s32 $0x5600;
	[smem:$0x6A1] =	sst s30  }
0xa5: {  	s1 =	simm.s32 $0x5A00;
	[smem:$0x6A2] =	sst s31  }
0xa6: {  	s7 =	simm.s32 $0x5E00;
	[smem:$0x6A3] =	sst s1  }
0xa7: {  	s8 =	simm.s32 $0x6200;
	[smem:$0x6A4] =	sst s7  }
0xa8: {  	s9 =	simm.s32 $0x6600;
	[smem:$0x6A5] =	sst s8  }
0xa9: {  	s10 =	simm.s32 $0x6A00;
	[smem:$0x6A6] =	sst s9  }
0xaa: {  	s11 =	simm.s32 $0x6E00;
	[smem:$0x6A7] =	sst s10  }
0xab: {  	s12 =	simm.s32 $0x7200;
	[smem:$0x6A8] =	sst s11  }
0xac: {  	s13 =	simm.s32 $0x7600;
	[smem:$0x6A9] =	sst s12  }
0xad: {  	s14 =	simm.s32 $0x7A00;
	[smem:$0x6AA] =	sst s13  }
0xae: {  	s15 =	simm.s32 $0x7E00;
	[smem:$0x6AB] =	sst s14  }
0xaf: {  	s16 =	simm.s32 $0x8200;
	[smem:$0x6AC] =	sst s15  }
0xb0: {  	s17 =	simm.s32 $0x8600;
	[smem:$0x6AD] =	sst s16  }
0xb1: {  	s18 =	simm.s32 $0x8A00;
	[smem:$0x6AE] =	sst s17  }
0xb2: {  	s19 =	simm.s32 $0x4E80;
	[smem:$0x6AF] =	sst s18  }
0xb3: {  	s20 =	simm.s32 $0x5280;
	[smem:$0x6B0] =	sst s19  }
0xb4: {  	s21 =	simm.s32 $0x5680;
	[smem:$0x6B1] =	sst s20  }
0xb5: {  	s22 =	simm.s32 $0x5A80;
	[smem:$0x6B2] =	sst s21  }
0xb6: {  	s23 =	simm.s32 $0x5E80;
	[smem:$0x6B3] =	sst s22  }
0xb7: {  	s24 =	simm.s32 $0x6280;
	[smem:$0x6B4] =	sst s23  }
0xb8: {  	s25 =	simm.s32 $0x6680;
	[smem:$0x6B5] =	sst s24  }
0xb9: {  	s26 =	simm.s32 $0x6A80;
	[smem:$0x6B6] =	sst s25  }
0xba: {  	s28 =	simm.s32 $0x6E80;
	[smem:$0x6B7] =	sst s26  }
0xbb: {  	[smem:$0x6B8] =	sst s28;
	s29 =	simm.s32 $0x7280  }
0xbc: {  	s30 =	simm.s32 $0x7680;
	[smem:$0x6B9] =	sst s29  }
0xbd: {  	s31 =	simm.s32 $0x7A80;
	[smem:$0x6BA] =	sst s30  }
0xbe: {  	s1 =	simm.s32 $0x7E80;
	[smem:$0x6BB] =	sst s31  }
0xbf: {  	s7 =	simm.s32 $0x8280;
	[smem:$0x6BC] =	sst s1  }
0xc0: {  	s8 =	simm.s32 $0x8680;
	[smem:$0x6BD] =	sst s7  }
0xc1: {  	s9 =	simm.s32 $0x8A80;
	[smem:$0x6BE] =	sst s8  }
0xc2: {  	s10 =	simm.s32 $0x4F00;
	[smem:$0x6BF] =	sst s9  }
0xc3: {  	s11 =	simm.s32 $0x5300;
	[smem:$0x6C0] =	sst s10  }
0xc4: {  	s12 =	simm.s32 $0x5700;
	[smem:$0x6C1] =	sst s11  }
0xc5: {  	s13 =	simm.s32 $0x5B00;
	[smem:$0x6C2] =	sst s12  }
0xc6: {  	s14 =	simm.s32 $0x5F00;
	[smem:$0x6C3] =	sst s13  }
0xc7: {  	s15 =	simm.s32 $0x6300;
	[smem:$0x6C4] =	sst s14  }
0xc8: {  	s16 =	simm.s32 $0x6700;
	[smem:$0x6C5] =	sst s15  }
0xc9: {  	s17 =	simm.s32 $0x6B00;
	[smem:$0x6C6] =	sst s16  }
0xca: {  	s18 =	simm.s32 $0x6F00;
	[smem:$0x6C7] =	sst s17  }
0xcb: {  	s19 =	simm.s32 $0x7300;
	[smem:$0x6C8] =	sst s18  }
0xcc: {  	s20 =	simm.s32 $0x7700;
	[smem:$0x6C9] =	sst s19  }
0xcd: {  	s21 =	simm.s32 $0x7B00;
	[smem:$0x6CA] =	sst s20  }
0xce: {  	s22 =	simm.s32 $0x7F00;
	[smem:$0x6CB] =	sst s21  }
0xcf: {  	s23 =	simm.s32 $0x8300;
	[smem:$0x6CC] =	sst s22  }
0xd0: {  	s24 =	simm.s32 $0x8700;
	[smem:$0x6CD] =	sst s23  }
0xd1: {  	s25 =	simm.s32 $0x8B00;
	[smem:$0x6CE] =	sst s24  }
0xd2: {  	s26 =	simm.s32 $0x4F80;
	[smem:$0x6CF] =	sst s25  }
0xd3: {  	s28 =	simm.s32 $0x5380;
	[smem:$0x6D0] =	sst s26  }
0xd4: {  	[smem:$0x6D1] =	sst s28;
	s29 =	simm.s32 $0x5780  }
0xd5: {  	s30 =	simm.s32 $0x5B80;
	[smem:$0x6D2] =	sst s29  }
0xd6: {  	s31 =	simm.s32 $0x5F80;
	[smem:$0x6D3] =	sst s30  }
0xd7: {  	s1 =	simm.s32 $0x6380;
	[smem:$0x6D4] =	sst s31  }
0xd8: {  	s7 =	simm.s32 $0x6780;
	[smem:$0x6D5] =	sst s1  }
0xd9: {  	s8 =	simm.s32 $0x6B80;
	[smem:$0x6D6] =	sst s7  }
0xda: {  	s9 =	simm.s32 $0x6F80;
	[smem:$0x6D7] =	sst s8  }
0xdb: {  	s10 =	simm.s32 $0x7380;
	[smem:$0x6D8] =	sst s9  }
0xdc: {  	s11 =	simm.s32 $0x7780;
	[smem:$0x6D9] =	sst s10  }
0xdd: {  	s12 =	simm.s32 $0x7B80;
	[smem:$0x6DA] =	sst s11  }
0xde: {  	s13 =	simm.s32 $0x7F80;
	[smem:$0x6DB] =	sst s12  }
0xdf: {  	s14 =	simm.s32 $0x8380;
	[smem:$0x6DC] =	sst s13  }
0xe0: {  	s15 =	simm.s32 $0x8780;
	[smem:$0x6DD] =	sst s14  }
0xe1: {  	s16 =	simm.s32 $0x8B80;
	[smem:$0x6DE] =	sst s15  }
0xe2: {  	s17 =	simm.s32 $0x5000;
	[smem:$0x6DF] =	sst s16  }
0xe3: {  	s18 =	simm.s32 $0x5400;
	[smem:$0x6E0] =	sst s17  }
0xe4: {  	s19 =	simm.s32 $0x5800;
	[smem:$0x6E1] =	sst s18  }
0xe5: {  	s20 =	simm.s32 $0x5C00;
	[smem:$0x6E2] =	sst s19  }
0xe6: {  	s21 =	simm.s32 $0x6000;
	[smem:$0x6E3] =	sst s20  }
0xe7: {  	s22 =	simm.s32 $0x6400;
	[smem:$0x6E4] =	sst s21  }
0xe8: {  	s23 =	simm.s32 $0x6800;
	[smem:$0x6E5] =	sst s22  }
0xe9: {  	s24 =	simm.s32 $0x6C00;
	[smem:$0x6E6] =	sst s23  }
0xea: {  	s25 =	simm.s32 $0x7000;
	[smem:$0x6E7] =	sst s24  }
0xeb: {  	s26 =	simm.s32 $0x7400;
	[smem:$0x6E8] =	sst s25  }
0xec: {  	s28 =	simm.s32 $0x7800;
	[smem:$0x6E9] =	sst s26  }
0xed: {  	[smem:$0x6EA] =	sst s28;
	s29 =	simm.s32 $0x7C00  }
0xee: {  	s30 =	simm.s32 $0x8000;
	[smem:$0x6EB] =	sst s29  }
0xef: {  	s31 =	simm.s32 $0x8400;
	[smem:$0x6EC] =	sst s30  }
0xf0: {  	s1 =	simm.s32 $0x8800;
	[smem:$0x6ED] =	sst s31  }
0xf1: {  	s7 =	simm.s32 $0x8C00;
	[smem:$0x6EE] =	sst s1  }
0xf2: {  	s8 =	simm.s32 $0x5080;
	[smem:$0x6EF] =	sst s7  }
0xf3: {  	s9 =	simm.s32 $0x5480;
	[smem:$0x6F0] =	sst s8  }
0xf4: {  	s10 =	simm.s32 $0x5880;
	[smem:$0x6F1] =	sst s9  }
0xf5: {  	s11 =	simm.s32 $0x5C80;
	[smem:$0x6F2] =	sst s10  }
0xf6: {  	s12 =	simm.s32 $0x6080;
	[smem:$0x6F3] =	sst s11  }
0xf7: {  	s13 =	simm.s32 $0x6480;
	[smem:$0x6F4] =	sst s12  }
0xf8: {  	s14 =	simm.s32 $0x6880;
	[smem:$0x6F5] =	sst s13  }
0xf9: {  	s15 =	simm.s32 $0x6C80;
	[smem:$0x6F6] =	sst s14  }
0xfa: {  	s16 =	simm.s32 $0x7080;
	[smem:$0x6F7] =	sst s15  }
0xfb: {  	s17 =	simm.s32 $0x7480;
	[smem:$0x6F8] =	sst s16  }
0xfc: {  	s18 =	simm.s32 $0x7880;
	[smem:$0x6F9] =	sst s17  }
0xfd: {  	s19 =	simm.s32 $0x7C80;
	[smem:$0x6FA] =	sst s18  }
0xfe: {  	s20 =	simm.s32 $0x8080;
	[smem:$0x6FB] =	sst s19  }
0xff: {  	s21 =	simm.s32 $0x8480;
	[smem:$0x6FC] =	sst s20  }
0x100: {  	s22 =	simm.s32 $0x8880;
	[smem:$0x6FD] =	sst s21  }
0x101: {  	s23 =	simm.s32 $0x8C80;
	[smem:$0x6FE] =	sst s22  }
0x102: {  	s24 =	simm.s32 $0x9100;
	[smem:$0x6FF] =	sst s23  }
0x103: {  	s25 =	simm.s32 $0x9500;
	[smem:$0x700] =	sst s24  }
0x104: {  	s26 =	simm.s32 $0x9900;
	[smem:$0x701] =	sst s25  }
0x105: {  	s28 =	simm.s32 $0x9D00;
	[smem:$0x702] =	sst s26  }
0x106: {  	[smem:$0x703] =	sst s28;
	s29 =	simm.s32 $0xA100  }
0x107: {  	s30 =	simm.s32 $0xA500;
	[smem:$0x704] =	sst s29  }
0x108: {  	s31 =	simm.s32 $0xA900;
	[smem:$0x705] =	sst s30  }
0x109: {  	s1 =	simm.s32 $0xAD00;
	[smem:$0x706] =	sst s31  }
0x10a: {  	s7 =	simm.s32 $0xB100;
	[smem:$0x707] =	sst s1  }
0x10b: {  	s8 =	simm.s32 $0xB500;
	[smem:$0x708] =	sst s7  }
0x10c: {  	s9 =	simm.s32 $0xB900;
	[smem:$0x709] =	sst s8  }
0x10d: {  	s10 =	simm.s32 $0xBD00;
	[smem:$0x70A] =	sst s9  }
0x10e: {  	s11 =	simm.s32 $0xC100;
	[smem:$0x70B] =	sst s10  }
0x10f: {  	s12 =	simm.s32 $0xC500;
	[smem:$0x70C] =	sst s11  }
0x110: {  	s13 =	simm.s32 $0x10080;
	[smem:$0x70D] =	sst s12  }
0x111: {  	s14 =	simm.s32 $0xFC80;
	[smem:$0x70E] =	sst s13  }
0x112: {  	s15 =	simm.s32 $0xC900;
	[smem:$0x70F] =	sst s14  }
0x113: {  	s16 =	simm.s32 $0x8D80;
	[smem:$0x710] =	sst s15  }
0x114: {  	s17 =	simm.s32 $0x9180;
	[smem:$0x711] =	sst s16  }
0x115: {  	s18 =	simm.s32 $0x9580;
	[smem:$0x712] =	sst s17  }
0x116: {  	s19 =	simm.s32 $0x9980;
	[smem:$0x713] =	sst s18  }
0x117: {  	s20 =	simm.s32 $0x9D80;
	[smem:$0x714] =	sst s19  }
0x118: {  	s21 =	simm.s32 $0xA180;
	[smem:$0x715] =	sst s20  }
0x119: {  	s22 =	simm.s32 $0xA580;
	[smem:$0x716] =	sst s21  }
0x11a: {  	s23 =	simm.s32 $0xA980;
	[smem:$0x717] =	sst s22  }
0x11b: {  	s24 =	simm.s32 $0xAD80;
	[smem:$0x718] =	sst s23  }
0x11c: {  	s25 =	simm.s32 $0xB180;
	[smem:$0x719] =	sst s24  }
0x11d: {  	s26 =	simm.s32 $0xB580;
	[smem:$0x71A] =	sst s25  }
0x11e: {  	s28 =	simm.s32 $0xB980;
	[smem:$0x71B] =	sst s26  }
0x11f: {  	[smem:$0x71C] =	sst s28;
	s29 =	simm.s32 $0xBD80  }
0x120: {  	s30 =	simm.s32 $0xC180;
	[smem:$0x71D] =	sst s29  }
0x121: {  	s31 =	simm.s32 $0xC580;
	[smem:$0x71E] =	sst s30  }
0x122: {  	s1 =	simm.s32 $0xC980;
	[smem:$0x71F] =	sst s31  }
0x123: {  	s8 =	simm.s32 $0x8E00;
	[smem:$0x720] =	sst s1  }
0x124: {  	s9 =	simm.s32 $0x9200;
	[smem:$0x721] =	sst s8  }
0x125: {  	s10 =	simm.s32 $0x9600;
	[smem:$0x722] =	sst s9  }
0x126: {  	s11 =	simm.s32 $0x9A00;
	[smem:$0x723] =	sst s10  }
0x127: {  	s12 =	simm.s32 $0x9E00;
	[smem:$0x724] =	sst s11  }
0x128: {  	s13 =	simm.s32 $0xA200;
	[smem:$0x725] =	sst s12  }
0x129: {  	s14 =	simm.s32 $0xA600;
	[smem:$0x726] =	sst s13  }
0x12a: {  	s15 =	simm.s32 $0xAA00;
	[smem:$0x727] =	sst s14  }
0x12b: {  	s16 =	simm.s32 $0xAE00;
	[smem:$0x728] =	sst s15  }
0x12c: {  	s17 =	simm.s32 $0xB200;
	[smem:$0x729] =	sst s16  }
0x12d: {  	s18 =	simm.s32 $0xB600;
	[smem:$0x72A] =	sst s17  }
0x12e: {  	s19 =	simm.s32 $0xBA00;
	[smem:$0x72B] =	sst s18  }
0x12f: {  	s20 =	simm.s32 $0xBE00;
	[smem:$0x72C] =	sst s19  }
0x130: {  	s21 =	simm.s32 $0xC200;
	[smem:$0x72D] =	sst s20  }
0x131: {  	s22 =	simm.s32 $0xC600;
	[smem:$0x72E] =	sst s21  }
0x132: {  	s23 =	simm.s32 $0xCA00;
	[smem:$0x72F] =	sst s22  }
0x133: {  	s24 =	simm.s32 $0x8E80;
	[smem:$0x730] =	sst s23  }
0x134: {  	s25 =	simm.s32 $0x9280;
	[smem:$0x731] =	sst s24  }
0x135: {  	s26 =	simm.s32 $0x9680;
	[smem:$0x732] =	sst s25  }
0x136: {  	s28 =	simm.s32 $0x9A80;
	[smem:$0x733] =	sst s26  }
0x137: {  	s7 =	simm.s32 $0x10780;
	[smem:$0x734] =	sst s28  }
0x138: {  	s29 =	simm.s32 $0x9E80;
	[smem:$0x7E1] =	sst s7  }
0x139: {  	s30 =	simm.s32 $0xA280;
	[smem:$0x735] =	sst s29  }
0x13a: {  	s31 =	simm.s32 $0xA680;
	[smem:$0x736] =	sst s30  }
0x13b: {  	s1 =	simm.s32 $0xAA80;
	[smem:$0x737] =	sst s31  }
0x13c: {  	s8 =	simm.s32 $0xAE80;
	[smem:$0x738] =	sst s1  }
0x13d: {  	s9 =	simm.s32 $0xB280;
	[smem:$0x739] =	sst s8  }
0x13e: {  	s10 =	simm.s32 $0xB680;
	[smem:$0x73A] =	sst s9  }
0x13f: {  	s11 =	simm.s32 $0xBA80;
	[smem:$0x73B] =	sst s10  }
0x140: {  	s12 =	simm.s32 $0xBE80;
	[smem:$0x73C] =	sst s11  }
0x141: {  	s13 =	simm.s32 $0xC280;
	[smem:$0x73D] =	sst s12  }
0x142: {  	s14 =	simm.s32 $0xC680;
	[smem:$0x73E] =	sst s13  }
0x143: {  	s15 =	simm.s32 $0xCA80;
	[smem:$0x73F] =	sst s14  }
0x144: {  	s16 =	simm.s32 $0x8F00;
	[smem:$0x740] =	sst s15  }
0x145: {  	s17 =	simm.s32 $0x9300;
	[smem:$0x741] =	sst s16  }
0x146: {  	s18 =	simm.s32 $0x9700;
	[smem:$0x742] =	sst s17  }
0x147: {  	s19 =	simm.s32 $0x9B00;
	[smem:$0x743] =	sst s18  }
0x148: {  	s20 =	simm.s32 $0x9F00;
	[smem:$0x744] =	sst s19  }
0x149: {  	s21 =	simm.s32 $0xA300;
	[smem:$0x745] =	sst s20  }
0x14a: {  	s22 =	simm.s32 $0xA700;
	[smem:$0x746] =	sst s21  }
0x14b: {  	s23 =	simm.s32 $0xAB00;
	[smem:$0x747] =	sst s22  }
0x14c: {  	s24 =	simm.s32 $0xAF00;
	[smem:$0x748] =	sst s23  }
0x14d: {  	s25 =	simm.s32 $0xB300;
	[smem:$0x749] =	sst s24  }
0x14e: {  	s26 =	simm.s32 $0xB700;
	[smem:$0x74A] =	sst s25  }
0x14f: {  	s28 =	simm.s32 $0xBB00;
	[smem:$0x74B] =	sst s26  }
0x150: {  	[smem:$0x74C] =	sst s28;
	s29 =	simm.s32 $0xBF00  }
0x151: {  	s30 =	simm.s32 $0xC300;
	[smem:$0x74D] =	sst s29  }
0x152: {  	s31 =	simm.s32 $0xC700;
	[smem:$0x74E] =	sst s30  }
0x153: {  	s1 =	simm.s32 $0xCB00;
	[smem:$0x74F] =	sst s31  }
0x154: {  	s8 =	simm.s32 $0x8F80;
	[smem:$0x750] =	sst s1  }
0x155: {  	s9 =	simm.s32 $0x9380;
	[smem:$0x751] =	sst s8  }
0x156: {  	s10 =	simm.s32 $0x9780;
	[smem:$0x752] =	sst s9  }
0x157: {  	s11 =	simm.s32 $0x9B80;
	[smem:$0x753] =	sst s10  }
0x158: {  	s12 =	simm.s32 $0x9F80;
	[smem:$0x754] =	sst s11  }
0x159: {  	s13 =	simm.s32 $0xA380;
	[smem:$0x755] =	sst s12  }
0x15a: {  	s14 =	simm.s32 $0xA780;
	[smem:$0x756] =	sst s13  }
0x15b: {  	s15 =	simm.s32 $0xAB80;
	[smem:$0x757] =	sst s14  }
0x15c: {  	s16 =	simm.s32 $0xAF80;
	[smem:$0x758] =	sst s15  }
0x15d: {  	s17 =	simm.s32 $0xB380;
	[smem:$0x759] =	sst s16  }
0x15e: {  	s18 =	simm.s32 $0xB780;
	[smem:$0x75A] =	sst s17  }
0x15f: {  	s19 =	simm.s32 $0xBB80;
	[smem:$0x75B] =	sst s18  }
0x160: {  	s20 =	simm.s32 $0xBF80;
	[smem:$0x75C] =	sst s19  }
0x161: {  	s21 =	simm.s32 $0xC380;
	[smem:$0x75D] =	sst s20  }
0x162: {  	s22 =	simm.s32 $0xC780;
	[smem:$0x75E] =	sst s21  }
0x163: {  	s23 =	simm.s32 $0xCB80;
	[smem:$0x75F] =	sst s22  }
0x164: {  	s24 =	simm.s32 $0x9000;
	[smem:$0x760] =	sst s23  }
0x165: {  	s25 =	simm.s32 $0x9400;
	[smem:$0x761] =	sst s24  }
0x166: {  	s26 =	simm.s32 $0x9800;
	[smem:$0x762] =	sst s25  }
0x167: {  	s28 =	simm.s32 $0x9C00;
	[smem:$0x763] =	sst s26  }
0x168: {  	[smem:$0x764] =	sst s28;
	s29 =	simm.s32 $0xA000  }
0x169: {  	s30 =	simm.s32 $0xA400;
	[smem:$0x765] =	sst s29  }
0x16a: {  	s31 =	simm.s32 $0xA800;
	[smem:$0x766] =	sst s30  }
0x16b: {  	s1 =	simm.s32 $0xAC00;
	[smem:$0x767] =	sst s31  }
0x16c: {  	s8 =	simm.s32 $0xB000;
	[smem:$0x768] =	sst s1  }
0x16d: {  	s9 =	simm.s32 $0xB400;
	[smem:$0x769] =	sst s8  }
0x16e: {  	s10 =	simm.s32 $0xB800;
	[smem:$0x76A] =	sst s9  }
0x16f: {  	s11 =	simm.s32 $0xBC00;
	[smem:$0x76B] =	sst s10  }
0x170: {  	s12 =	simm.s32 $0xC000;
	[smem:$0x76C] =	sst s11  }
0x171: {  	s13 =	simm.s32 $0xC400;
	[smem:$0x76D] =	sst s12  }
0x172: {  	s14 =	simm.s32 $0xC800;
	[smem:$0x76E] =	sst s13  }
0x173: {  	s15 =	simm.s32 $0xCC00;
	[smem:$0x76F] =	sst s14  }
0x174: {  	s16 =	simm.s32 $0x9080;
	[smem:$0x770] =	sst s15  }
0x175: {  	s17 =	simm.s32 $0x9480;
	[smem:$0x771] =	sst s16  }
0x176: {  	s18 =	simm.s32 $0x9880;
	[smem:$0x772] =	sst s17  }
0x177: {  	s19 =	simm.s32 $0x9C80;
	[smem:$0x773] =	sst s18  }
0x178: {  	s20 =	simm.s32 $0xA080;
	[smem:$0x774] =	sst s19  }
0x179: {  	s21 =	simm.s32 $0xA480;
	[smem:$0x775] =	sst s20  }
0x17a: {  	s22 =	simm.s32 $0xA880;
	[smem:$0x776] =	sst s21  }
0x17b: {  	s23 =	simm.s32 $0xAC80;
	[smem:$0x777] =	sst s22  }
0x17c: {  	s24 =	simm.s32 $0xB080;
	[smem:$0x778] =	sst s23  }
0x17d: {  	s25 =	simm.s32 $0xB480;
	[smem:$0x779] =	sst s24  }
0x17e: {  	s26 =	simm.s32 $0xB880;
	[smem:$0x77A] =	sst s25  }
0x17f: {  	s28 =	simm.s32 $0xBC80;
	[smem:$0x77B] =	sst s26  }
0x180: {  	[smem:$0x77C] =	sst s28;
	s29 =	simm.s32 $0xC080  }
0x181: {  	s30 =	simm.s32 $0xC480;
	[smem:$0x77D] =	sst s29  }
0x182: {  	s31 =	simm.s32 $0xC880;
	[smem:$0x77E] =	sst s30  }
0x183: {  	s1 =	simm.s32 $0xCC80;
	[smem:$0x77F] =	sst s31  }
0x184: {  	s8 =	simm.s32 $0xD100;
	[smem:$0x780] =	sst s1  }
0x185: {  	s9 =	simm.s32 $0xD500;
	[smem:$0x781] =	sst s8  }
0x186: {  	s10 =	simm.s32 $0xD900;
	[smem:$0x782] =	sst s9  }
0x187: {  	s11 =	simm.s32 $0xDD00;
	[smem:$0x783] =	sst s10  }
0x188: {  	s12 =	simm.s32 $0xE100;
	[smem:$0x784] =	sst s11  }
0x189: {  	s13 =	simm.s32 $0xE500;
	[smem:$0x785] =	sst s12  }
0x18a: {  	s14 =	simm.s32 $0xE900;
	[smem:$0x786] =	sst s13  }
0x18b: {  	s15 =	simm.s32 $0xED00;
	[smem:$0x787] =	sst s14  }
0x18c: {  	s16 =	simm.s32 $0xF100;
	[smem:$0x788] =	sst s15  }
0x18d: {  	s17 =	simm.s32 $0xF500;
	[smem:$0x789] =	sst s16  }
0x18e: {  	s18 =	simm.s32 $0xF900;
	[smem:$0x78A] =	sst s17  }
0x18f: {  	s19 =	simm.s32 $0xFD00;
	[smem:$0x78B] =	sst s18  }
0x190: {  	s20 =	simm.s32 $0x10100;
	[smem:$0x78C] =	sst s19  }
0x191: {  	s21 =	simm.s32 $0x10500;
	[smem:$0x78D] =	sst s20  }
0x192: {  	s22 =	simm.s32 $0xF880;
	[smem:$0x78E] =	sst s21  }
0x193: {  	s23 =	simm.s32 $0xF480;
	[smem:$0x78F] =	sst s22  }
0x194: {  	s24 =	simm.s32 $0xF080;
	[smem:$0x790] =	sst s23  }
0x195: {  	s25 =	simm.s32 $0x10900;
	[smem:$0x791] =	sst s24  }
0x196: {  	s26 =	simm.s32 $0xCD80;
	[smem:$0x792] =	sst s25  }
0x197: {  	s28 =	simm.s32 $0xD180;
	[smem:$0x793] =	sst s26  }
0x198: {  	[smem:$0x794] =	sst s28;
	s29 =	simm.s32 $0xD580  }
0x199: {  	s30 =	simm.s32 $0xD980;
	[smem:$0x795] =	sst s29  }
0x19a: {  	s31 =	simm.s32 $0xDD80;
	[smem:$0x796] =	sst s30  }
0x19b: {  	s1 =	simm.s32 $0xE180;
	[smem:$0x797] =	sst s31  }
0x19c: {  	s8 =	simm.s32 $0xE580;
	[smem:$0x798] =	sst s1  }
0x19d: {  	s9 =	simm.s32 $0xE980;
	[smem:$0x799] =	sst s8  }
0x19e: {  	s10 =	simm.s32 $0xED80;
	[smem:$0x79A] =	sst s9  }
0x19f: {  	s11 =	simm.s32 $0xF180;
	[smem:$0x79B] =	sst s10  }
0x1a0: {  	s12 =	simm.s32 $0xF580;
	[smem:$0x79C] =	sst s11  }
0x1a1: {  	s13 =	simm.s32 $0xF980;
	[smem:$0x79D] =	sst s12  }
0x1a2: {  	s14 =	simm.s32 $0xFD80;
	[smem:$0x79E] =	sst s13  }
0x1a3: {  	s15 =	simm.s32 $0x10180;
	[smem:$0x79F] =	sst s14  }
0x1a4: {  	s16 =	simm.s32 $0x10580;
	[smem:$0x7A0] =	sst s15  }
0x1a5: {  	s17 =	simm.s32 $0x10980;
	[smem:$0x7A1] =	sst s16  }
0x1a6: {  	s18 =	simm.s32 $0xCE00;
	[smem:$0x7A2] =	sst s17  }
0x1a7: {  	s19 =	simm.s32 $0xD200;
	[smem:$0x7A3] =	sst s18  }
0x1a8: {  	s20 =	simm.s32 $0xD600;
	[smem:$0x7A4] =	sst s19  }
0x1a9: {  	s21 =	simm.s32 $0xDA00;
	[smem:$0x7A5] =	sst s20  }
0x1aa: {  	s22 =	simm.s32 $0xDE00;
	[smem:$0x7A6] =	sst s21  }
0x1ab: {  	s23 =	simm.s32 $0xE200;
	[smem:$0x7A7] =	sst s22  }
0x1ac: {  	s24 =	simm.s32 $0xE600;
	[smem:$0x7A8] =	sst s23  }
0x1ad: {  	s25 =	simm.s32 $0xEA00;
	[smem:$0x7A9] =	sst s24  }
0x1ae: {  	s26 =	simm.s32 $0xEE00;
	[smem:$0x7AA] =	sst s25  }
0x1af: {  	s28 =	simm.s32 $0xF200;
	[smem:$0x7AB] =	sst s26  }
0x1b0: {  	[smem:$0x7AC] =	sst s28;
	s29 =	simm.s32 $0xF600  }
0x1b1: {  	s30 =	simm.s32 $0xFA00;
	[smem:$0x7AD] =	sst s29  }
0x1b2: {  	s31 =	simm.s32 $0xFE00;
	[smem:$0x7AE] =	sst s30  }
0x1b3: {  	s1 =	simm.s32 $0x10200;
	[smem:$0x7AF] =	sst s31  }
0x1b4: {  	s8 =	simm.s32 $0x10600;
	[smem:$0x7B0] =	sst s1  }
0x1b5: {  	s9 =	simm.s32 $0x10A00;
	[smem:$0x7B1] =	sst s8  }
0x1b6: {  	s10 =	simm.s32 $0xCE80;
	[smem:$0x7B2] =	sst s9  }
0x1b7: {  	s11 =	simm.s32 $0xD280;
	[smem:$0x7B3] =	sst s10  }
0x1b8: {  	s12 =	simm.s32 $0xD680;
	[smem:$0x7B4] =	sst s11  }
0x1b9: {  	s13 =	simm.s32 $0xDA80;
	[smem:$0x7B5] =	sst s12  }
0x1ba: {  	s14 =	simm.s32 $0xDE80;
	[smem:$0x7B6] =	sst s13  }
0x1bb: {  	s15 =	simm.s32 $0xE280;
	[smem:$0x7B7] =	sst s14  }
0x1bc: {  	s16 =	simm.s32 $0xE680;
	[smem:$0x7B8] =	sst s15  }
0x1bd: {  	s17 =	simm.s32 $0xEA80;
	[smem:$0x7B9] =	sst s16  }
0x1be: {  	s18 =	simm.s32 $0xEE80;
	[smem:$0x7BA] =	sst s17  }
0x1bf: {  	s19 =	simm.s32 $0xF280;
	[smem:$0x7BB] =	sst s18  }
0x1c0: {  	s20 =	simm.s32 $0xF680;
	[smem:$0x7BC] =	sst s19  }
0x1c1: {  	s21 =	simm.s32 $0xFA80;
	[smem:$0x7BD] =	sst s20  }
0x1c2: {  	s22 =	simm.s32 $0xFE80;
	[smem:$0x7BE] =	sst s21  }
0x1c3: {  	s23 =	simm.s32 $0x10280;
	[smem:$0x7BF] =	sst s22  }
0x1c4: {  	s24 =	simm.s32 $0x10680;
	[smem:$0x7C0] =	sst s23  }
0x1c5: {  	s25 =	simm.s32 $0x10A80;
	[smem:$0x7C1] =	sst s24  }
0x1c6: {  	s26 =	simm.s32 $0xCF00;
	[smem:$0x7C2] =	sst s25  }
0x1c7: {  	s28 =	simm.s32 $0xD300;
	[smem:$0x7C3] =	sst s26  }
0x1c8: {  	[smem:$0x7C4] =	sst s28;
	s29 =	simm.s32 $0xD700  }
0x1c9: {  	s30 =	simm.s32 $0xDB00;
	[smem:$0x7C5] =	sst s29  }
0x1ca: {  	s31 =	simm.s32 $0xDF00;
	[smem:$0x7C6] =	sst s30  }
0x1cb: {  	s1 =	simm.s32 $0xE300;
	[smem:$0x7C7] =	sst s31  }
0x1cc: {  	s8 =	simm.s32 $0xE700;
	[smem:$0x7C8] =	sst s1  }
0x1cd: {  	s9 =	simm.s32 $0xEB00;
	[smem:$0x7C9] =	sst s8  }
0x1ce: {  	s10 =	simm.s32 $0xEF00;
	[smem:$0x7CA] =	sst s9  }
0x1cf: {  	s11 =	simm.s32 $0xF300;
	[smem:$0x7CB] =	sst s10  }
0x1d0: {  	s12 =	simm.s32 $0xF700;
	[smem:$0x7CC] =	sst s11  }
0x1d1: {  	s13 =	simm.s32 $0xFB00;
	[smem:$0x7CD] =	sst s12  }
0x1d2: {  	s14 =	simm.s32 $0xFF00;
	[smem:$0x7CE] =	sst s13  }
0x1d3: {  	s15 =	simm.s32 $0x10300;
	[smem:$0x7CF] =	sst s14  }
0x1d4: {  	s16 =	simm.s32 $0x10700;
	[smem:$0x7D0] =	sst s15  }
0x1d5: {  	s17 =	simm.s32 $0x10B00;
	[smem:$0x7D1] =	sst s16  }
0x1d6: {  	s18 =	simm.s32 $0xCF80;
	[smem:$0x7D2] =	sst s17  }
0x1d7: {  	s19 =	simm.s32 $0xD380;
	[smem:$0x7D3] =	sst s18  }
0x1d8: {  	s20 =	simm.s32 $0xD780;
	[smem:$0x7D4] =	sst s19  }
0x1d9: {  	s21 =	simm.s32 $0xDB80;
	[smem:$0x7D5] =	sst s20  }
0x1da: {  	s22 =	simm.s32 $0xDF80;
	[smem:$0x7D6] =	sst s21  }
0x1db: {  	s23 =	simm.s32 $0xE380;
	[smem:$0x7D7] =	sst s22  }
0x1dc: {  	s24 =	simm.s32 $0xE780;
	[smem:$0x7D8] =	sst s23  }
0x1dd: {  	s25 =	simm.s32 $0xEB80;
	[smem:$0x7D9] =	sst s24  }
0x1de: {  	s26 =	simm.s32 $0xEF80;
	[smem:$0x7DA] =	sst s25  }
0x1df: {  	s28 =	simm.s32 $0xF380;
	[smem:$0x7DB] =	sst s26  }
0x1e0: {  	[smem:$0x7DC] =	sst s28;
	s29 =	simm.s32 $0xF780  }
0x1e1: {  	s30 =	simm.s32 $0xFB80;
	[smem:$0x7DD] =	sst s29  }
0x1e2: {  	s31 =	simm.s32 $0xFF80;
	[smem:$0x7DE] =	sst s30  }
0x1e3: {  	s1 =	simm.s32 $0x10380;
	[smem:$0x7DF] =	sst s31  }
0x1e4: {  	s8 =	simm.s32 $0x10B80;
	[smem:$0x7E0] =	sst s1  }
0x1e5: {  	s9 =	simm.s32 $0xD000;
	[smem:$0x7E2] =	sst s8  }
0x1e6: {  	s10 =	simm.s32 $0xD400;
	[smem:$0x7E3] =	sst s9  }
0x1e7: {  	s11 =	simm.s32 $0xD800;
	[smem:$0x7E4] =	sst s10  }
0x1e8: {  	s14 =	simm.s32 $0xE000;
	[smem:$0x7E5] =	sst s11  }
0x1e9: {  	s16 =	simm.s32 $0xE800;
	[smem:$0x7E7] =	sst s14  }
0x1ea: {  	s17 =	simm.s32 $0xEC00;
	[smem:$0x7E9] =	sst s16  }
0x1eb: {  	s19 =	simm.s32 $0xF000;
	[smem:$0x7EA] =	sst s17  }
0x1ec: {  	s20 =	simm.s32 $0xF400;
	[smem:$0x7EB] =	sst s19  }
0x1ed: {  	s21 =	simm.s32 $0xF800;
	[smem:$0x7EC] =	sst s20  }
0x1ee: {  	s22 =	simm.s32 $0xFC00;
	[smem:$0x7ED] =	sst s21  }
0x1ef: {  	s12 =	sshll.u32 s0, $0x1;
	s24 =	simm.s32 $0x10000;
	[smem:$0x7EE] =	sst s22  }
0x1f0: {  	s26 =	simm.s32 $0x10400;
	s28 =	simm.s32 $0x10800;
	[smem:$0x7EF] =	sst s24  }
0x1f1: {  	s8 =	simm.s32 $0xDC00;
	s13 =	sor.u32 s4, s12;
	[smem:$0x7F0] =	sst s26  }
0x1f2: {  	s9 =	simm.s32 $0xE400;
	s4 =	ssub.s32 $0x2, s4;
	[smem:$0x7F1] =	sst s28  }
0x1f3: {  	s29 =	simm.s32 $0x10C00;
	s30 =	simm.s32 $0xD080;
	s31 =	simm.s32 $0xD480  }
0x1f4: {  	s10 =	simm.s32 $0xD880;
	s11 =	simm.s32 $0xDC80;
	[smem:$0x7E6] =	sst s8  }
0x1f5: {  	s12 =	simm.s32 $0xE080;
	s14 =	simm.s32 $0xE880;
	[smem:$0x7E8] =	sst s9  }
0x1f6: {  	s16 =	simm.s32 $0x10480;
	s17 =	simm.s32 $0x10880;
	[smem:$0x7F2] =	sst s29  }
0x1f7: {  	s19 =	simm.s32 $0x10C80;
	s20 =	simm.s32 $0x6;
	[smem:$0x7F3] =	sst s30  }
0x1f8: {  	s21 =	simm.s32 $0x7;
	s22 =	simm.s32 $0x8;
	[smem:$0x7F4] =	sst s31  }
0x1f9: {  	s24 =	simm.s32 $0x0;
	s15 =	smul.u32 $0x640, s13;
	[smem:$0x7F5] =	sst s10  }
0x1fa: {  	s6 =	sshll.u32 s13, $0x7;
	s23 =	sshrl.u32 s4, $0x1;
	[smem:$0x7F6] =	sst s11  }
0x1fb: {  	s9 =	simm.s32 $0x680;
	s10 =	simm.s32 $0x10;
	[smem:$0x7F7] =	sst s12  }
0x1fc: {  	s11 =	simm.s32 $0xD00;
	s13 =	simm.s32 $0xE480;
	[smem:$0x7F9] =	sst s14  }
0x1fd: {  	s12 =	simm.s32 $0x4D00;
	s14 =	simm.s32 $0x8D00;
	[smem:$0x7FB] =	sst s16  }
0x1fe: {  	s16 =	simm.s32 $0xCD00;
	[smem:$0x7FC] =	sst s17;
	s17 =	simm.s32 $0x3  }
0x1ff: {  	[smem:$0x7FD] =	sst s19;
	s19 =	simm.s32 $0x5;
	s6 =	sadd.s32 s6, s5  }
0x200: {  	s25 =	ssub.s32 s4, s23;
	[smem:$0x7F8] =	sst s13;
	s13 =	simm.s32 $0x1  }
0x201: {  	v0 =	vlaneseq.u32;
	s23 =	simm.s32 $0x10D00;
	s8 =	sshrl.u32 s15, $0x3;
	s6 =	sadd.s32 $0x643C00, s6  }
0x202: {  	v0 =	vmul.u32 $0x400, v0;
	s7 =	smax.u32 s25, $0x1;
	s15 =	simm.s32 $0xEC80;
	s18 =	sadd.s32 s8, s5  }
0x203: {  	s8 =	simm.s32 $0x9;
	[smem:$0x7FA] =	sst s15;
	s15 =	simm.s32 $0x2  }
0x204: {  	v1 =	vimm.f32 $0.0e+00;
	v2 =	vor.u32 $0x3E8, v0;
	s4 =	sadd.s32 $0x800, s18;
	s5 =	sadd.s32 $0x2200, s18;
	s18 =	simm.s32 $0x4  }
.LBB2_1:
0x205: {  	[tilespmem:s3], [sflag:$0x9] =	stream.linear.gather [hbm4b:s4+s3], $0x640, $0x38;
	[tilespmem:$0x11180] =	vst v63  }
0x206: {  	_ =	swait.ge [sflag:s8], $0x640  }
0x207: {  	[sflag:s8] =	ssyncset.done $0x0  }
0x208: {  	[sflag:s8] =	ssyncadd.s32 $0xFFFFF9C0  }
0x209: {  	[tilespmem:s9], [sflag:$0x9] =	stream.linear.gather [hbm4b:s5+s3], $0x640, $0x38;
	[tilespmem:$0x11180] =	vst v63  }
0x20a: {  	_ =	swait.ge [sflag:s8], $0x640  }
0x20b: {  	[sflag:s8] =	ssyncset.done $0x0  }
0x20c: {  	[sflag:s8] =	ssyncadd.s32 $0xFFFFF9C0  }
0x20d: {  	[tilespmem:$0x11100] =	vst v1  }
0x20e: {  	[tilespmem:s11], [sflag:$0x1] =	stream.indirect.gather [hbm4b:s2+s10], $0x400, s3, s10, $0xb8;
	[tilespmem:$0x11180] =	vst v63  }
0x20f: {  	s25 =	simm.s32 $0x50;
	s26 =	simm.s32 $0x6A0;
	s28 =	simm.s32 $0x0  }
0x210: {  	[tilespmem:s12], [sflag:$0x2] =	stream.indirect.gather [hbm4b:s2+s10], $0x400, s10, s10, $0xb8;
	[tilespmem:$0x11180] =	vst v63  }
.LBB2_2:
0x211: {  	_ =	swait.ge [sflag:s13], $0x4000  }
0x212: {  	s29 =	rddreg [dreg:$0x3];
	[sflag:s13] =	ssyncset.done $0x0  }
0x213: {  	s30 =	rddreg [dreg:$0x4];
	[sflag:s13] =	ssyncadd.s32 $0xFFFFC000;
	s29 =	sadd.s32 s28, s29  }
0x214: {  	[hbm4b:s29+s3] =	stream.linear.scatter [tilespmem:s11], [sflag:$0x5], $0x80, $0x38;
	[tilespmem:$0x11180] =	vst v63  }
0x215: {  	s1 =	rddreg [dreg:$0x5];
	s31 =	sadd.s32 $0x10, s29  }
0x216: {  	[hbm4b:s31+s3] =	stream.linear.scatter [tilespmem:s30], [sflag:$0x5], $0x80, $0x38;
	[tilespmem:$0x11180] =	vst v63  }
0x217: {  	s0 =	sadd.s32 $0x20, s29;
	s31 =	rddreg [dreg:$0x6]  }
0x218: {  	[hbm4b:s0+s3] =	stream.linear.scatter [tilespmem:s1], [sflag:$0x5], $0x80, $0x38;
	[tilespmem:$0x11180] =	vst v63  }
0x219: {  	s30 =	rddreg [dreg:$0x7];
	s0 =	sadd.s32 $0x30, s29  }
0x21a: {  	[hbm4b:s0+s3] =	stream.linear.scatter [tilespmem:s31], [sflag:$0x5], $0x80, $0x38;
	[tilespmem:$0x11180] =	vst v63  }
0x21b: {  	s0 =	sadd.s32 $0x40, s29;
	s31 =	rddreg [dreg:$0x8]  }
0x21c: {  	[hbm4b:s0+s3] =	stream.linear.scatter [tilespmem:s30], [sflag:$0x5], $0x80, $0x38;
	[tilespmem:$0x11180] =	vst v63  }
0x21d: {  	s0 =	sadd.s32 $0x50, s29;
	s30 =	rddreg [dreg:$0x9]  }
0x21e: {  	[hbm4b:s0+s3] =	stream.linear.scatter [tilespmem:s31], [sflag:$0x5], $0x80, $0x38;
	[tilespmem:$0x11180] =	vst v63  }
0x21f: {  	s0 =	sadd.s32 $0x60, s29;
	s31 =	rddreg [dreg:$0xa]  }
0x220: {  	[hbm4b:s0+s3] =	stream.linear.scatter [tilespmem:s30], [sflag:$0x5], $0x80, $0x38;
	[tilespmem:$0x11180] =	vst v63  }
0x221: {  	s0 =	sadd.s32 $0x70, s29;
	s30 =	rddreg [dreg:$0xb]  }
0x222: {  	[hbm4b:s0+s3] =	stream.linear.scatter [tilespmem:s31], [sflag:$0x5], $0x80, $0x38;
	[tilespmem:$0x11180] =	vst v63  }
0x223: {  	s0 =	sadd.s32 $0x400, s29;
	s31 =	rddreg [dreg:$0xc]  }
0x224: {  	[hbm4b:s0+s3] =	stream.linear.scatter [tilespmem:s30], [sflag:$0x5], $0x80, $0x38;
	[tilespmem:$0x11180] =	vst v63  }
0x225: {  	s0 =	sadd.s32 $0x410, s29;
	s30 =	rddreg [dreg:$0xd]  }
0x226: {  	[hbm4b:s0+s3] =	stream.linear.scatter [tilespmem:s31], [sflag:$0x5], $0x80, $0x38;
	[tilespmem:$0x11180] =	vst v63  }
0x227: {  	s0 =	sadd.s32 $0x420, s29;
	s31 =	rddreg [dreg:$0xe]  }
0x228: {  	[hbm4b:s0+s3] =	stream.linear.scatter [tilespmem:s30], [sflag:$0x5], $0x80, $0x38;
	[tilespmem:$0x11180] =	vst v63  }
0x229: {  	s0 =	sadd.s32 $0x430, s29;
	s30 =	rddreg [dreg:$0xf]  }
0x22a: {  	[hbm4b:s0+s3] =	stream.linear.scatter [tilespmem:s31], [sflag:$0x5], $0x80, $0x38;
	[tilespmem:$0x11180] =	vst v63  }
0x22b: {  	s0 =	sadd.s32 $0x440, s29;
	s31 =	rddreg [dreg:$0x10]  }
0x22c: {  	[hbm4b:s0+s3] =	stream.linear.scatter [tilespmem:s30], [sflag:$0x5], $0x80, $0x38;
	[tilespmem:$0x11180] =	vst v63  }
0x22d: {  	s0 =	sadd.s32 $0x450, s29;
	s30 =	rddreg [dreg:$0x11]  }
0x22e: {  	[hbm4b:s0+s3] =	stream.linear.scatter [tilespmem:s31], [sflag:$0x5], $0x80, $0x38;
	[tilespmem:$0x11180] =	vst v63  }
0x22f: {  	s0 =	sadd.s32 $0x460, s29;
	s31 =	rddreg [dreg:$0x12]  }
0x230: {  	[hbm4b:s0+s3] =	stream.linear.scatter [tilespmem:s30], [sflag:$0x5], $0x80, $0x38;
	[tilespmem:$0x11180] =	vst v63  }
0x231: {  	s0 =	sadd.s32 $0x470, s29;
	s30 =	rddreg [dreg:$0x13]  }
0x232: {  	[hbm4b:s0+s3] =	stream.linear.scatter [tilespmem:s31], [sflag:$0x5], $0x80, $0x38;
	[tilespmem:$0x11180] =	vst v63  }
0x233: {  	s0 =	sadd.s32 $0x80, s29;
	s31 =	rddreg [dreg:$0x14]  }
0x234: {  	[hbm4b:s0+s3] =	stream.linear.scatter [tilespmem:s30], [sflag:$0x5], $0x80, $0x38;
	[tilespmem:$0x11180] =	vst v63  }
0x235: {  	s0 =	sadd.s32 $0x90, s29;
	s30 =	rddreg [dreg:$0x15]  }
0x236: {  	[hbm4b:s0+s3] =	stream.linear.scatter [tilespmem:s31], [sflag:$0x5], $0x80, $0x38;
	[tilespmem:$0x11180] =	vst v63  }
0x237: {  	s0 =	sadd.s32 $0xA0, s29;
	s31 =	rddreg [dreg:$0x16]  }
0x238: {  	[hbm4b:s0+s3] =	stream.linear.scatter [tilespmem:s30], [sflag:$0x5], $0x80, $0x38;
	[tilespmem:$0x11180] =	vst v63  }
0x239: {  	s0 =	sadd.s32 $0xB0, s29;
	s30 =	rddreg [dreg:$0x17]  }
0x23a: {  	[hbm4b:s0+s3] =	stream.linear.scatter [tilespmem:s31], [sflag:$0x5], $0x80, $0x38;
	[tilespmem:$0x11180] =	vst v63  }
0x23b: {  	s0 =	sadd.s32 $0xC0, s29;
	s31 =	rddreg [dreg:$0x18]  }
0x23c: {  	[hbm4b:s0+s3] =	stream.linear.scatter [tilespmem:s30], [sflag:$0x5], $0x80, $0x38;
	[tilespmem:$0x11180] =	vst v63  }
0x23d: {  	s0 =	sadd.s32 $0xD0, s29;
	s30 =	rddreg [dreg:$0x19]  }
0x23e: {  	[hbm4b:s0+s3] =	stream.linear.scatter [tilespmem:s31], [sflag:$0x5], $0x80, $0x38;
	[tilespmem:$0x11180] =	vst v63  }
0x23f: {  	s0 =	sadd.s32 $0xE0, s29;
	s31 =	rddreg [dreg:$0x1a]  }
0x240: {  	[hbm4b:s0+s3] =	stream.linear.scatter [tilespmem:s30], [sflag:$0x5], $0x80, $0x38;
	[tilespmem:$0x11180] =	vst v63  }
0x241: {  	s0 =	sadd.s32 $0xF0, s29;
	s30 =	rddreg [dreg:$0x1b]  }
0x242: {  	[hbm4b:s0+s3] =	stream.linear.scatter [tilespmem:s31], [sflag:$0x5], $0x80, $0x38;
	[tilespmem:$0x11180] =	vst v63  }
0x243: {  	s0 =	sadd.s32 $0x480, s29;
	s31 =	rddreg [dreg:$0x1c]  }
0x244: {  	[hbm4b:s0+s3] =	stream.linear.scatter [tilespmem:s30], [sflag:$0x5], $0x80, $0x38;
	[tilespmem:$0x11180] =	vst v63  }
0x245: {  	s0 =	sadd.s32 $0x490, s29;
	s30 =	rddreg [dreg:$0x1d]  }
0x246: {  	[hbm4b:s0+s3] =	stream.linear.scatter [tilespmem:s31], [sflag:$0x5], $0x80, $0x38;
	[tilespmem:$0x11180] =	vst v63  }
0x247: {  	s0 =	sadd.s32 $0x4A0, s29;
	s31 =	rddreg [dreg:$0x1e]  }
0x248: {  	[hbm4b:s0+s3] =	stream.linear.scatter [tilespmem:s30], [sflag:$0x5], $0x80, $0x38;
	[tilespmem:$0x11180] =	vst v63  }
0x249: {  	s0 =	sadd.s32 $0x4B0, s29;
	s30 =	rddreg [dreg:$0x1f]  }
0x24a: {  	[hbm4b:s0+s3] =	stream.linear.scatter [tilespmem:s31], [sflag:$0x5], $0x80, $0x38;
	[tilespmem:$0x11180] =	vst v63  }
0x24b: {  	s0 =	sadd.s32 $0x4C0, s29;
	s31 =	sld [smem:$0x61E]  }
0x24c: {  	[hbm4b:s0+s3] =	stream.linear.scatter [tilespmem:s30], [sflag:$0x5], $0x80, $0x38;
	[tilespmem:$0x11180] =	vst v63  }
0x24d: {  	s0 =	sadd.s32 $0x4D0, s29;
	s30 =	sld [smem:$0x61F]  }
0x24e: {  	[hbm4b:s0+s3] =	stream.linear.scatter [tilespmem:s31], [sflag:$0x5], $0x80, $0x38;
	[tilespmem:$0x11180] =	vst v63  }
0x24f: {  	s0 =	sadd.s32 $0x4E0, s29;
	s31 =	sld [smem:$0x620]  }
0x250: {  	[hbm4b:s0+s3] =	stream.linear.scatter [tilespmem:s30], [sflag:$0x5], $0x80, $0x38;
	[tilespmem:$0x11180] =	vst v63  }
0x251: {  	s0 =	sadd.s32 $0x4F0, s29;
	s30 =	sld [smem:$0x621]  }
0x252: {  	[hbm4b:s0+s3] =	stream.linear.scatter [tilespmem:s31], [sflag:$0x5], $0x80, $0x38;
	[tilespmem:$0x11180] =	vst v63  }
0x253: {  	s0 =	sadd.s32 $0x100, s29;
	s31 =	sld [smem:$0x622]  }
0x254: {  	[hbm4b:s0+s3] =	stream.linear.scatter [tilespmem:s30], [sflag:$0x5], $0x80, $0x38;
	[tilespmem:$0x11180] =	vst v63  }
0x255: {  	s0 =	sadd.s32 $0x110, s29;
	s30 =	sld [smem:$0x623]  }
0x256: {  	[hbm4b:s0+s3] =	stream.linear.scatter [tilespmem:s31], [sflag:$0x5], $0x80, $0x38;
	[tilespmem:$0x11180] =	vst v63  }
0x257: {  	s0 =	sadd.s32 $0x120, s29;
	s31 =	sld [smem:$0x624]  }
0x258: {  	[hbm4b:s0+s3] =	stream.linear.scatter [tilespmem:s30], [sflag:$0x5], $0x80, $0x38;
	[tilespmem:$0x11180] =	vst v63  }
0x259: {  	s0 =	sadd.s32 $0x130, s29;
	s30 =	sld [smem:$0x625]  }
0x25a: {  	[hbm4b:s0+s3] =	stream.linear.scatter [tilespmem:s31], [sflag:$0x5], $0x80, $0x38;
	[tilespmem:$0x11180] =	vst v63  }
0x25b: {  	s0 =	sadd.s32 $0x140, s29;
	s31 =	sld [smem:$0x626]  }
0x25c: {  	[hbm4b:s0+s3] =	stream.linear.scatter [tilespmem:s30], [sflag:$0x5], $0x80, $0x38;
	[tilespmem:$0x11180] =	vst v63  }
0x25d: {  	s0 =	sadd.s32 $0x150, s29;
	s30 =	sld [smem:$0x627]  }
0x25e: {  	[hbm4b:s0+s3] =	stream.linear.scatter [tilespmem:s31], [sflag:$0x5], $0x80, $0x38;
	[tilespmem:$0x11180] =	vst v63  }
0x25f: {  	s0 =	sadd.s32 $0x160, s29;
	s31 =	sld [smem:$0x628]  }
0x260: {  	[hbm4b:s0+s3] =	stream.linear.scatter [tilespmem:s30], [sflag:$0x5], $0x80, $0x38;
	[tilespmem:$0x11180] =	vst v63  }
0x261: {  	s0 =	sadd.s32 $0x170, s29;
	s30 =	sld [smem:$0x629]  }
0x262: {  	[hbm4b:s0+s3] =	stream.linear.scatter [tilespmem:s31], [sflag:$0x5], $0x80, $0x38;
	[tilespmem:$0x11180] =	vst v63  }
0x263: {  	s0 =	sadd.s32 $0x500, s29;
	s31 =	sld [smem:$0x62A]  }
0x264: {  	[hbm4b:s0+s3] =	stream.linear.scatter [tilespmem:s30], [sflag:$0x5], $0x80, $0x38;
	[tilespmem:$0x11180] =	vst v63  }
0x265: {  	s0 =	sadd.s32 $0x510, s29;
	s30 =	sld [smem:$0x62B]  }
0x266: {  	[hbm4b:s0+s3] =	stream.linear.scatter [tilespmem:s31], [sflag:$0x5], $0x80, $0x38;
	[tilespmem:$0x11180] =	vst v63  }
0x267: {  	s0 =	sadd.s32 $0x520, s29;
	s31 =	sld [smem:$0x62C]  }
0x268: {  	[hbm4b:s0+s3] =	stream.linear.scatter [tilespmem:s30], [sflag:$0x5], $0x80, $0x38;
	[tilespmem:$0x11180] =	vst v63  }
0x269: {  	s0 =	sadd.s32 $0x530, s29;
	s30 =	sld [smem:$0x62D]  }
0x26a: {  	[hbm4b:s0+s3] =	stream.linear.scatter [tilespmem:s31], [sflag:$0x5], $0x80, $0x38;
	[tilespmem:$0x11180] =	vst v63  }
0x26b: {  	s0 =	sadd.s32 $0x540, s29;
	s31 =	sld [smem:$0x62E]  }
0x26c: {  	[hbm4b:s0+s3] =	stream.linear.scatter [tilespmem:s30], [sflag:$0x5], $0x80, $0x38;
	[tilespmem:$0x11180] =	vst v63  }
0x26d: {  	s0 =	sadd.s32 $0x550, s29;
	s30 =	sld [smem:$0x62F]  }
0x26e: {  	[hbm4b:s0+s3] =	stream.linear.scatter [tilespmem:s31], [sflag:$0x5], $0x80, $0x38;
	[tilespmem:$0x11180] =	vst v63  }
0x26f: {  	s0 =	sadd.s32 $0x560, s29;
	s31 =	sld [smem:$0x630]  }
0x270: {  	[hbm4b:s0+s3] =	stream.linear.scatter [tilespmem:s30], [sflag:$0x5], $0x80, $0x38;
	[tilespmem:$0x11180] =	vst v63  }
0x271: {  	s0 =	sadd.s32 $0x570, s29;
	s30 =	sld [smem:$0x631]  }
0x272: {  	[hbm4b:s0+s3] =	stream.linear.scatter [tilespmem:s31], [sflag:$0x5], $0x80, $0x38;
	[tilespmem:$0x11180] =	vst v63  }
0x273: {  	s0 =	sadd.s32 $0x180, s29;
	s31 =	sld [smem:$0x632]  }
0x274: {  	[hbm4b:s0+s3] =	stream.linear.scatter [tilespmem:s30], [sflag:$0x5], $0x80, $0x38;
	[tilespmem:$0x11180] =	vst v63  }
0x275: {  	s0 =	sadd.s32 $0x190, s29;
	s30 =	sld [smem:$0x633]  }
0x276: {  	[hbm4b:s0+s3] =	stream.linear.scatter [tilespmem:s31], [sflag:$0x5], $0x80, $0x38;
	[tilespmem:$0x11180] =	vst v63  }
0x277: {  	s0 =	sadd.s32 $0x1A0, s29;
	s31 =	sld [smem:$0x634]  }
0x278: {  	[hbm4b:s0+s3] =	stream.linear.scatter [tilespmem:s30], [sflag:$0x5], $0x80, $0x38;
	[tilespmem:$0x11180] =	vst v63  }
0x279: {  	s0 =	sadd.s32 $0x1B0, s29;
	s30 =	sld [smem:$0x635]  }
0x27a: {  	[hbm4b:s0+s3] =	stream.linear.scatter [tilespmem:s31], [sflag:$0x5], $0x80, $0x38;
	[tilespmem:$0x11180] =	vst v63  }
0x27b: {  	s0 =	sadd.s32 $0x1C0, s29;
	s31 =	sld [smem:$0x636]  }
0x27c: {  	[hbm4b:s0+s3] =	stream.linear.scatter [tilespmem:s30], [sflag:$0x5], $0x80, $0x38;
	[tilespmem:$0x11180] =	vst v63  }
0x27d: {  	s0 =	sadd.s32 $0x1D0, s29;
	s30 =	sld [smem:$0x637]  }
0x27e: {  	[hbm4b:s0+s3] =	stream.linear.scatter [tilespmem:s31], [sflag:$0x5], $0x80, $0x38;
	[tilespmem:$0x11180] =	vst v63  }
0x27f: {  	s0 =	sadd.s32 $0x1E0, s29;
	s31 =	sld [smem:$0x638]  }
0x280: {  	[hbm4b:s0+s3] =	stream.linear.scatter [tilespmem:s30], [sflag:$0x5], $0x80, $0x38;
	[tilespmem:$0x11180] =	vst v63  }
0x281: {  	s0 =	sadd.s32 $0x1F0, s29;
	s30 =	sld [smem:$0x639]  }
0x282: {  	[hbm4b:s0+s3] =	stream.linear.scatter [tilespmem:s31], [sflag:$0x5], $0x80, $0x38;
	[tilespmem:$0x11180] =	vst v63  }
0x283: {  	s1 =	sadd.s32 $0x580, s29;
	s0 =	sld [smem:$0x63A]  }
0x284: {  	[hbm4b:s1+s3] =	stream.linear.scatter [tilespmem:s30], [sflag:$0x5], $0x80, $0x38;
	[tilespmem:$0x11180] =	vst v63  }
0x285: {  	s30 =	sadd.s32 $0x590, s29  }
0x286: {  	[hbm4b:s30+s3] =	stream.linear.scatter [tilespmem:s0], [sflag:$0x5], $0x80, $0x38;
	[tilespmem:$0x11180] =	vst v63  }
0x287: {  	s1 =	sld [smem:$0x63B];
	_ =	sdelay $0x1  }
0x288: {  	s0 =	sadd.s32 $0x5A0, s29;
	s31 =	sld [smem:$0x63C]  }
0x289: {  	[hbm4b:s0+s3] =	stream.linear.scatter [tilespmem:s1], [sflag:$0x5], $0x80, $0x38;
	[tilespmem:$0x11180] =	vst v63  }
0x28a: {  	s30 =	sld [smem:$0x63D];
	s0 =	sadd.s32 $0x5B0, s29  }
0x28b: {  	[hbm4b:s0+s3] =	stream.linear.scatter [tilespmem:s31], [sflag:$0x5], $0x80, $0x38;
	[tilespmem:$0x11180] =	vst v63  }
0x28c: {  	s0 =	sadd.s32 $0x5C0, s29;
	s31 =	sld [smem:$0x63E]  }
0x28d: {  	[hbm4b:s0+s3] =	stream.linear.scatter [tilespmem:s30], [sflag:$0x5], $0x80, $0x38;
	[tilespmem:$0x11180] =	vst v63  }
0x28e: {  	s0 =	sadd.s32 $0x5D0, s29;
	s30 =	sld [smem:$0x63F]  }
0x28f: {  	[hbm4b:s0+s3] =	stream.linear.scatter [tilespmem:s31], [sflag:$0x5], $0x80, $0x38;
	[tilespmem:$0x11180] =	vst v63  }
0x290: {  	s0 =	sadd.s32 $0x5E0, s29;
	s31 =	sld [smem:$0x640]  }
0x291: {  	[hbm4b:s0+s3] =	stream.linear.scatter [tilespmem:s30], [sflag:$0x5], $0x80, $0x38;
	[tilespmem:$0x11180] =	vst v63  }
0x292: {  	s0 =	sadd.s32 $0x5F0, s29;
	s30 =	sld [smem:$0x641]  }
0x293: {  	[hbm4b:s0+s3] =	stream.linear.scatter [tilespmem:s31], [sflag:$0x5], $0x80, $0x38;
	[tilespmem:$0x11180] =	vst v63  }
0x294: {  	s0 =	sadd.s32 $0x200, s29;
	s31 =	sld [smem:$0x642]  }
0x295: {  	[hbm4b:s0+s3] =	stream.linear.scatter [tilespmem:s30], [sflag:$0x5], $0x80, $0x38;
	[tilespmem:$0x11180] =	vst v63  }
0x296: {  	s0 =	sadd.s32 $0x210, s29;
	s30 =	sld [smem:$0x643]  }
0x297: {  	[hbm4b:s0+s3] =	stream.linear.scatter [tilespmem:s31], [sflag:$0x5], $0x80, $0x38;
	[tilespmem:$0x11180] =	vst v63  }
0x298: {  	s0 =	sadd.s32 $0x220, s29;
	s31 =	sld [smem:$0x644]  }
0x299: {  	[hbm4b:s0+s3] =	stream.linear.scatter [tilespmem:s30], [sflag:$0x5], $0x80, $0x38;
	[tilespmem:$0x11180] =	vst v63  }
0x29a: {  	s0 =	sadd.s32 $0x230, s29;
	s30 =	sld [smem:$0x645]  }
0x29b: {  	[hbm4b:s0+s3] =	stream.linear.scatter [tilespmem:s31], [sflag:$0x5], $0x80, $0x38;
	[tilespmem:$0x11180] =	vst v63  }
0x29c: {  	s0 =	sadd.s32 $0x240, s29;
	s31 =	sld [smem:$0x646]  }
0x29d: {  	[hbm4b:s0+s3] =	stream.linear.scatter [tilespmem:s30], [sflag:$0x5], $0x80, $0x38;
	[tilespmem:$0x11180] =	vst v63  }
0x29e: {  	s0 =	sadd.s32 $0x250, s29;
	s30 =	sld [smem:$0x647]  }
0x29f: {  	[hbm4b:s0+s3] =	stream.linear.scatter [tilespmem:s31], [sflag:$0x5], $0x80, $0x38;
	[tilespmem:$0x11180] =	vst v63  }
0x2a0: {  	s0 =	sadd.s32 $0x260, s29;
	s31 =	sld [smem:$0x648]  }
0x2a1: {  	[hbm4b:s0+s3] =	stream.linear.scatter [tilespmem:s30], [sflag:$0x5], $0x80, $0x38;
	[tilespmem:$0x11180] =	vst v63  }
0x2a2: {  	s0 =	sadd.s32 $0x270, s29;
	s30 =	sld [smem:$0x649]  }
0x2a3: {  	[hbm4b:s0+s3] =	stream.linear.scatter [tilespmem:s31], [sflag:$0x5], $0x80, $0x38;
	[tilespmem:$0x11180] =	vst v63  }
0x2a4: {  	s0 =	sadd.s32 $0x600, s29;
	s31 =	sld [smem:$0x64A]  }
0x2a5: {  	[hbm4b:s0+s3] =	stream.linear.scatter [tilespmem:s30], [sflag:$0x5], $0x80, $0x38;
	[tilespmem:$0x11180] =	vst v63  }
0x2a6: {  	s0 =	sadd.s32 $0x610, s29;
	s30 =	sld [smem:$0x64B]  }
0x2a7: {  	[hbm4b:s0+s3] =	stream.linear.scatter [tilespmem:s31], [sflag:$0x5], $0x80, $0x38;
	[tilespmem:$0x11180] =	vst v63  }
0x2a8: {  	s0 =	sadd.s32 $0x620, s29;
	s31 =	sld [smem:$0x64C]  }
0x2a9: {  	[hbm4b:s0+s3] =	stream.linear.scatter [tilespmem:s30], [sflag:$0x5], $0x80, $0x38;
	[tilespmem:$0x11180] =	vst v63  }
0x2aa: {  	s0 =	sadd.s32 $0x630, s29;
	s30 =	sld [smem:$0x64D]  }
0x2ab: {  	[hbm4b:s0+s3] =	stream.linear.scatter [tilespmem:s31], [sflag:$0x5], $0x80, $0x38;
	[tilespmem:$0x11180] =	vst v63  }
0x2ac: {  	s0 =	sadd.s32 $0x640, s29;
	s31 =	sld [smem:$0x64E]  }
0x2ad: {  	[hbm4b:s0+s3] =	stream.linear.scatter [tilespmem:s30], [sflag:$0x5], $0x80, $0x38;
	[tilespmem:$0x11180] =	vst v63  }
0x2ae: {  	s0 =	sadd.s32 $0x650, s29;
	s30 =	sld [smem:$0x64F]  }
0x2af: {  	[hbm4b:s0+s3] =	stream.linear.scatter [tilespmem:s31], [sflag:$0x5], $0x80, $0x38;
	[tilespmem:$0x11180] =	vst v63  }
0x2b0: {  	s0 =	sadd.s32 $0x660, s29;
	s31 =	sld [smem:$0x650]  }
0x2b1: {  	[hbm4b:s0+s3] =	stream.linear.scatter [tilespmem:s30], [sflag:$0x5], $0x80, $0x38;
	[tilespmem:$0x11180] =	vst v63  }
0x2b2: {  	s0 =	sadd.s32 $0x670, s29;
	s30 =	sld [smem:$0x651]  }
0x2b3: {  	[hbm4b:s0+s3] =	stream.linear.scatter [tilespmem:s31], [sflag:$0x5], $0x80, $0x38;
	[tilespmem:$0x11180] =	vst v63  }
0x2b4: {  	s0 =	sadd.s32 $0x280, s29;
	s31 =	sld [smem:$0x652]  }
0x2b5: {  	[hbm4b:s0+s3] =	stream.linear.scatter [tilespmem:s30], [sflag:$0x5], $0x80, $0x38;
	[tilespmem:$0x11180] =	vst v63  }
0x2b6: {  	s0 =	sadd.s32 $0x290, s29;
	s30 =	sld [smem:$0x653]  }
0x2b7: {  	[hbm4b:s0+s3] =	stream.linear.scatter [tilespmem:s31], [sflag:$0x5], $0x80, $0x38;
	[tilespmem:$0x11180] =	vst v63  }
0x2b8: {  	s0 =	sadd.s32 $0x2A0, s29;
	s31 =	sld [smem:$0x654]  }
0x2b9: {  	[hbm4b:s0+s3] =	stream.linear.scatter [tilespmem:s30], [sflag:$0x5], $0x80, $0x38;
	[tilespmem:$0x11180] =	vst v63  }
0x2ba: {  	s0 =	sadd.s32 $0x2B0, s29;
	s30 =	sld [smem:$0x655]  }
0x2bb: {  	[hbm4b:s0+s3] =	stream.linear.scatter [tilespmem:s31], [sflag:$0x5], $0x80, $0x38;
	[tilespmem:$0x11180] =	vst v63  }
0x2bc: {  	s0 =	sadd.s32 $0x2C0, s29;
	s31 =	sld [smem:$0x656]  }
0x2bd: {  	[hbm4b:s0+s3] =	stream.linear.scatter [tilespmem:s30], [sflag:$0x5], $0x80, $0x38;
	[tilespmem:$0x11180] =	vst v63  }
0x2be: {  	s0 =	sadd.s32 $0x2D0, s29;
	s30 =	sld [smem:$0x657]  }
0x2bf: {  	[hbm4b:s0+s3] =	stream.linear.scatter [tilespmem:s31], [sflag:$0x5], $0x80, $0x38;
	[tilespmem:$0x11180] =	vst v63  }
0x2c0: {  	s0 =	sadd.s32 $0x2E0, s29;
	s31 =	sld [smem:$0x658]  }
0x2c1: {  	[hbm4b:s0+s3] =	stream.linear.scatter [tilespmem:s30], [sflag:$0x5], $0x80, $0x38;
	[tilespmem:$0x11180] =	vst v63  }
0x2c2: {  	s0 =	sadd.s32 $0x2F0, s29;
	s30 =	sld [smem:$0x659]  }
0x2c3: {  	[hbm4b:s0+s3] =	stream.linear.scatter [tilespmem:s31], [sflag:$0x5], $0x80, $0x38;
	[tilespmem:$0x11180] =	vst v63  }
0x2c4: {  	s0 =	sadd.s32 $0x680, s29;
	s31 =	sld [smem:$0x65A]  }
0x2c5: {  	[hbm4b:s0+s3] =	stream.linear.scatter [tilespmem:s30], [sflag:$0x5], $0x80, $0x38;
	[tilespmem:$0x11180] =	vst v63  }
0x2c6: {  	s0 =	sadd.s32 $0x690, s29;
	s30 =	sld [smem:$0x65B]  }
0x2c7: {  	[hbm4b:s0+s3] =	stream.linear.scatter [tilespmem:s31], [sflag:$0x5], $0x80, $0x38;
	[tilespmem:$0x11180] =	vst v63  }
0x2c8: {  	s0 =	sadd.s32 $0x6A0, s29;
	s31 =	sld [smem:$0x65C]  }
0x2c9: {  	[hbm4b:s0+s3] =	stream.linear.scatter [tilespmem:s30], [sflag:$0x5], $0x80, $0x38;
	[tilespmem:$0x11180] =	vst v63  }
0x2ca: {  	s0 =	sadd.s32 $0x6B0, s29;
	s30 =	sld [smem:$0x65D]  }
0x2cb: {  	[hbm4b:s0+s3] =	stream.linear.scatter [tilespmem:s31], [sflag:$0x5], $0x80, $0x38;
	[tilespmem:$0x11180] =	vst v63  }
0x2cc: {  	s0 =	sadd.s32 $0x6C0, s29;
	s31 =	sld [smem:$0x65E]  }
0x2cd: {  	[hbm4b:s0+s3] =	stream.linear.scatter [tilespmem:s30], [sflag:$0x5], $0x80, $0x38;
	[tilespmem:$0x11180] =	vst v63  }
0x2ce: {  	s0 =	sadd.s32 $0x6D0, s29;
	s30 =	sld [smem:$0x65F]  }
0x2cf: {  	[hbm4b:s0+s3] =	stream.linear.scatter [tilespmem:s31], [sflag:$0x5], $0x80, $0x38;
	[tilespmem:$0x11180] =	vst v63  }
0x2d0: {  	s0 =	sadd.s32 $0x6E0, s29;
	s31 =	sld [smem:$0x660]  }
0x2d1: {  	[hbm4b:s0+s3] =	stream.linear.scatter [tilespmem:s30], [sflag:$0x5], $0x80, $0x38;
	[tilespmem:$0x11180] =	vst v63  }
0x2d2: {  	s0 =	sadd.s32 $0x6F0, s29;
	s30 =	sld [smem:$0x661]  }
0x2d3: {  	[hbm4b:s0+s3] =	stream.linear.scatter [tilespmem:s31], [sflag:$0x5], $0x80, $0x38;
	[tilespmem:$0x11180] =	vst v63  }
0x2d4: {  	s0 =	sadd.s32 $0x300, s29;
	s31 =	sld [smem:$0x662]  }
0x2d5: {  	[hbm4b:s0+s3] =	stream.linear.scatter [tilespmem:s30], [sflag:$0x5], $0x80, $0x38;
	[tilespmem:$0x11180] =	vst v63  }
0x2d6: {  	s0 =	sadd.s32 $0x310, s29;
	s30 =	sld [smem:$0x663]  }
0x2d7: {  	[hbm4b:s0+s3] =	stream.linear.scatter [tilespmem:s31], [sflag:$0x5], $0x80, $0x38;
	[tilespmem:$0x11180] =	vst v63  }
0x2d8: {  	s0 =	sadd.s32 $0x320, s29;
	s31 =	sld [smem:$0x664]  }
0x2d9: {  	[hbm4b:s0+s3] =	stream.linear.scatter [tilespmem:s30], [sflag:$0x5], $0x80, $0x38;
	[tilespmem:$0x11180] =	vst v63  }
0x2da: {  	s0 =	sadd.s32 $0x330, s29;
	s30 =	sld [smem:$0x665]  }
0x2db: {  	[hbm4b:s0+s3] =	stream.linear.scatter [tilespmem:s31], [sflag:$0x5], $0x80, $0x38;
	[tilespmem:$0x11180] =	vst v63  }
0x2dc: {  	s0 =	sadd.s32 $0x340, s29;
	s31 =	sld [smem:$0x666]  }
0x2dd: {  	[hbm4b:s0+s3] =	stream.linear.scatter [tilespmem:s30], [sflag:$0x5], $0x80, $0x38;
	[tilespmem:$0x11180] =	vst v63  }
0x2de: {  	s0 =	sadd.s32 $0x350, s29;
	s30 =	sld [smem:$0x667]  }
0x2df: {  	[hbm4b:s0+s3] =	stream.linear.scatter [tilespmem:s31], [sflag:$0x5], $0x80, $0x38;
	[tilespmem:$0x11180] =	vst v63  }
0x2e0: {  	s0 =	sadd.s32 $0x360, s29;
	s31 =	sld [smem:$0x668]  }
0x2e1: {  	[hbm4b:s0+s3] =	stream.linear.scatter [tilespmem:s30], [sflag:$0x5], $0x80, $0x38;
	[tilespmem:$0x11180] =	vst v63  }
0x2e2: {  	s0 =	sadd.s32 $0x370, s29;
	s30 =	sld [smem:$0x669]  }
0x2e3: {  	[hbm4b:s0+s3] =	stream.linear.scatter [tilespmem:s31], [sflag:$0x5], $0x80, $0x38;
	[tilespmem:$0x11180] =	vst v63  }
0x2e4: {  	s0 =	sadd.s32 $0x700, s29;
	s31 =	sld [smem:$0x66A]  }
0x2e5: {  	[hbm4b:s0+s3] =	stream.linear.scatter [tilespmem:s30], [sflag:$0x5], $0x80, $0x38;
	[tilespmem:$0x11180] =	vst v63  }
0x2e6: {  	s0 =	sadd.s32 $0x710, s29;
	s30 =	sld [smem:$0x66B]  }
0x2e7: {  	[hbm4b:s0+s3] =	stream.linear.scatter [tilespmem:s31], [sflag:$0x5], $0x80, $0x38;
	[tilespmem:$0x11180] =	vst v63  }
0x2e8: {  	s0 =	sadd.s32 $0x720, s29;
	s31 =	sld [smem:$0x66C]  }
0x2e9: {  	[hbm4b:s0+s3] =	stream.linear.scatter [tilespmem:s30], [sflag:$0x5], $0x80, $0x38;
	[tilespmem:$0x11180] =	vst v63  }
0x2ea: {  	s0 =	sadd.s32 $0x730, s29;
	s30 =	sld [smem:$0x66D]  }
0x2eb: {  	[hbm4b:s0+s3] =	stream.linear.scatter [tilespmem:s31], [sflag:$0x5], $0x80, $0x38;
	[tilespmem:$0x11180] =	vst v63  }
0x2ec: {  	s0 =	sadd.s32 $0x740, s29;
	s31 =	sld [smem:$0x66E]  }
0x2ed: {  	[hbm4b:s0+s3] =	stream.linear.scatter [tilespmem:s30], [sflag:$0x5], $0x80, $0x38;
	[tilespmem:$0x11180] =	vst v63  }
0x2ee: {  	s0 =	sadd.s32 $0x750, s29;
	s30 =	sld [smem:$0x66F]  }
0x2ef: {  	[hbm4b:s0+s3] =	stream.linear.scatter [tilespmem:s31], [sflag:$0x5], $0x80, $0x38;
	[tilespmem:$0x11180] =	vst v63  }
0x2f0: {  	s0 =	sadd.s32 $0x760, s29;
	s31 =	sld [smem:$0x670]  }
0x2f1: {  	[hbm4b:s0+s3] =	stream.linear.scatter [tilespmem:s30], [sflag:$0x5], $0x80, $0x38;
	[tilespmem:$0x11180] =	vst v63  }
0x2f2: {  	s0 =	sadd.s32 $0x770, s29;
	s30 =	sld [smem:$0x671]  }
0x2f3: {  	[hbm4b:s0+s3] =	stream.linear.scatter [tilespmem:s31], [sflag:$0x5], $0x80, $0x38;
	[tilespmem:$0x11180] =	vst v63  }
0x2f4: {  	s0 =	sadd.s32 $0x380, s29;
	s31 =	sld [smem:$0x672]  }
0x2f5: {  	[hbm4b:s0+s3] =	stream.linear.scatter [tilespmem:s30], [sflag:$0x5], $0x80, $0x38;
	[tilespmem:$0x11180] =	vst v63  }
0x2f6: {  	s0 =	sadd.s32 $0x390, s29;
	s30 =	sld [smem:$0x673]  }
0x2f7: {  	[hbm4b:s0+s3] =	stream.linear.scatter [tilespmem:s31], [sflag:$0x5], $0x80, $0x38;
	[tilespmem:$0x11180] =	vst v63  }
0x2f8: {  	s0 =	sadd.s32 $0x3A0, s29;
	s31 =	sld [smem:$0x674]  }
0x2f9: {  	[hbm4b:s0+s3] =	stream.linear.scatter [tilespmem:s30], [sflag:$0x5], $0x80, $0x38;
	[tilespmem:$0x11180] =	vst v63  }
0x2fa: {  	s0 =	sadd.s32 $0x3B0, s29;
	s30 =	sld [smem:$0x675]  }
0x2fb: {  	[hbm4b:s0+s3] =	stream.linear.scatter [tilespmem:s31], [sflag:$0x5], $0x80, $0x38;
	[tilespmem:$0x11180] =	vst v63  }
0x2fc: {  	s0 =	sadd.s32 $0x3C0, s29;
	s31 =	sld [smem:$0x676]  }
0x2fd: {  	[hbm4b:s0+s3] =	stream.linear.scatter [tilespmem:s30], [sflag:$0x5], $0x80, $0x38;
	[tilespmem:$0x11180] =	vst v63  }
0x2fe: {  	s0 =	sadd.s32 $0x3D0, s29;
	s30 =	sld [smem:$0x677]  }
0x2ff: {  	[hbm4b:s0+s3] =	stream.linear.scatter [tilespmem:s31], [sflag:$0x5], $0x80, $0x38;
	[tilespmem:$0x11180] =	vst v63  }
0x300: {  	s0 =	sadd.s32 $0x3E0, s29;
	s31 =	sld [smem:$0x678]  }
0x301: {  	[hbm4b:s0+s3] =	stream.linear.scatter [tilespmem:s30], [sflag:$0x5], $0x80, $0x38;
	[tilespmem:$0x11180] =	vst v63  }
0x302: {  	s0 =	sadd.s32 $0x3F0, s29;
	s30 =	sld [smem:$0x679]  }
0x303: {  	[hbm4b:s0+s3] =	stream.linear.scatter [tilespmem:s31], [sflag:$0x5], $0x80, $0x38;
	[tilespmem:$0x11180] =	vst v63  }
0x304: {  	s0 =	sadd.s32 $0x780, s29;
	s31 =	sld [smem:$0x67A]  }
0x305: {  	[hbm4b:s0+s3] =	stream.linear.scatter [tilespmem:s30], [sflag:$0x5], $0x80, $0x38;
	[tilespmem:$0x11180] =	vst v63  }
0x306: {  	s0 =	sadd.s32 $0x790, s29;
	s30 =	sld [smem:$0x67B]  }
0x307: {  	[hbm4b:s0+s3] =	stream.linear.scatter [tilespmem:s31], [sflag:$0x5], $0x80, $0x38;
	[tilespmem:$0x11180] =	vst v63  }
0x308: {  	s0 =	sadd.s32 $0x7A0, s29;
	s31 =	sld [smem:$0x67C]  }
0x309: {  	[hbm4b:s0+s3] =	stream.linear.scatter [tilespmem:s30], [sflag:$0x5], $0x80, $0x38;
	[tilespmem:$0x11180] =	vst v63  }
0x30a: {  	s0 =	sadd.s32 $0x7B0, s29;
	s30 =	sld [smem:$0x67D]  }
0x30b: {  	[hbm4b:s0+s3] =	stream.linear.scatter [tilespmem:s31], [sflag:$0x5], $0x80, $0x38;
	[tilespmem:$0x11180] =	vst v63  }
0x30c: {  	s0 =	sadd.s32 $0x7C0, s29;
	s31 =	sld [smem:$0x67E]  }
0x30d: {  	[hbm4b:s0+s3] =	stream.linear.scatter [tilespmem:s30], [sflag:$0x5], $0x80, $0x38;
	[tilespmem:$0x11180] =	vst v63  }
0x30e: {  	s0 =	sadd.s32 $0x7D0, s29;
	s30 =	sld [smem:$0x67F]  }
0x30f: {  	[hbm4b:s0+s3] =	stream.linear.scatter [tilespmem:s31], [sflag:$0x5], $0x80, $0x38;
	[tilespmem:$0x11180] =	vst v63  }
0x310: {  	p0 =	seq.s32 s28, $0x0;
	s0 =	sadd.s32 $0x7E0, s29;
	s31 =	sld [smem:$0x680]  }
0x311: {  	[hbm4b:s0+s3] =	stream.linear.scatter [tilespmem:s30], [sflag:$0x5], $0x80, $0x38;
	[tilespmem:$0x11180] =	vst v63  }
0x312: {  	s1 =	simm.s32 @!p0 $0x7;
	s0 =	sadd.s32 $0x7F0, s29  }
0x313: {  	[hbm4b:s0+s3] =	stream.linear.scatter [tilespmem:s31], [sflag:$0x5], $0x80, $0x38;
	[tilespmem:$0x11180] =	vst v63  }
0x314: {  	_ =	swait.ge @!p0 [sflag:s1], $0x800  }
0x315: {  	[sflag:s1] =	ssyncset.done @!p0 $0x0  }
0x316: {  	[sflag:s1] =	ssyncadd.s32 @!p0 $0xFFFFF800  }
0x317: {  	_ =	swait.ge @!p0 [sflag:s1], $0x800  }
0x318: {  	[sflag:s1] =	ssyncset.done @!p0 $0x0  }
0x319: {  	[sflag:s1] =	ssyncadd.s32 @!p0 $0xFFFFF800  }
0x31a: {  	_ =	swait.ge @!p0 [sflag:s1], $0x800  }
0x31b: {  	[sflag:s1] =	ssyncset.done @!p0 $0x0  }
0x31c: {  	[sflag:s1] =	ssyncadd.s32 @!p0 $0xFFFFF800  }
0x31d: {  	_ =	swait.ge @!p0 [sflag:s1], $0x800  }
0x31e: {  	[sflag:s1] =	ssyncset.done @!p0 $0x0  }
0x31f: {  	[sflag:s1] =	ssyncadd.s32 @!p0 $0xFFFFF800  }
0x320: {  	_ =	swait.ge @!p0 [sflag:s1], $0x800  }
0x321: {  	[sflag:s1] =	ssyncset.done @!p0 $0x0  }
0x322: {  	[sflag:s1] =	ssyncadd.s32 @!p0 $0xFFFFF800  }
0x323: {  	_ =	swait.ge @!p0 [sflag:s1], $0x800  }
0x324: {  	[sflag:s1] =	ssyncset.done @!p0 $0x0  }
0x325: {  	[sflag:s1] =	ssyncadd.s32 @!p0 $0xFFFFF800  }
0x326: {  	_ =	swait.ge @!p0 [sflag:s1], $0x800  }
0x327: {  	[sflag:s1] =	ssyncset.done @!p0 $0x0  }
0x328: {  	[sflag:s1] =	ssyncadd.s32 @!p0 $0xFFFFF800  }
0x329: {  	_ =	swait.ge @!p0 [sflag:s1], $0x800  }
0x32a: {  	[sflag:s1] =	ssyncset.done @!p0 $0x0  }
0x32b: {  	s30 =	sadd.s32 $0xFFFFFFD0, s25;
	[sflag:s1] =	ssyncadd.s32 @!p0 $0xFFFFF800  }
0x32c: {  	[tilespmem:s14], [sflag:$0x3] =	stream.indirect.gather [hbm4b:s2+s10], $0x400, s30, s10, $0xb8;
	[tilespmem:$0x11180] =	vst v63  }
0x32d: {  	v3 =	vld [tilespmem:s26+$0xFFFFFFE0];
	_ =	sdelay $0x4  }
0x32e: {  	v3 =	vadd.s32 v0, v3;
	_ =	sdelay $0x3  }
0x32f: {  	v4 =	vld.idx.msk [tilespmem:v2+s11+$0x0], $0xffff  }
0x330: {  	v3 =	vld.idx.msk [tilespmem:v3+s11+$0x0], $0xffff;
	_ =	sdelay $0x1  }
0x331: {  	v5 =	vld [tilespmem:$0x11100];
	_ =	sdelay $0x2  }
0x332: {  	v3 =	vsub.f32 v4, v3;
	_ =	sdelay $0x1  }
0x333: {  	v3 =	vadd.f32 v3, v5;
	_ =	sdelay $0x1  }
0x334: {  	[tilespmem:$0x11100] =	vst v3  }
0x335: {  	_ =	swait.ge [sflag:s15], $0x4000  }
0x336: {  	[sflag:s15] =	ssyncset.done $0x0  }
0x337: {  	s31 =	sadd.s32 $0x800, s29;
	s30 =	sld [smem:$0x681];
	[sflag:s15] =	ssyncadd.s32 $0xFFFFC000  }
0x338: {  	[hbm4b:s31+s3] =	stream.linear.scatter [tilespmem:s12], [sflag:$0x6], $0x80, $0x38;
	[tilespmem:$0x11180] =	vst v63  }
0x339: {  	s0 =	sadd.s32 $0x810, s29;
	s31 =	sld [smem:$0x682]  }
0x33a: {  	[hbm4b:s0+s3] =	stream.linear.scatter [tilespmem:s30], [sflag:$0x6], $0x80, $0x38;
	[tilespmem:$0x11180] =	vst v63  }
0x33b: {  	s0 =	sadd.s32 $0x820, s29;
	s30 =	sld [smem:$0x683]  }
0x33c: {  	[hbm4b:s0+s3] =	stream.linear.scatter [tilespmem:s31], [sflag:$0x6], $0x80, $0x38;
	[tilespmem:$0x11180] =	vst v63  }
0x33d: {  	s0 =	sadd.s32 $0x830, s29;
	s31 =	sld [smem:$0x684]  }
0x33e: {  	[hbm4b:s0+s3] =	stream.linear.scatter [tilespmem:s30], [sflag:$0x6], $0x80, $0x38;
	[tilespmem:$0x11180] =	vst v63  }
0x33f: {  	s0 =	sadd.s32 $0x840, s29;
	s30 =	sld [smem:$0x685]  }
0x340: {  	[hbm4b:s0+s3] =	stream.linear.scatter [tilespmem:s31], [sflag:$0x6], $0x80, $0x38;
	[tilespmem:$0x11180] =	vst v63  }
0x341: {  	s0 =	sadd.s32 $0x850, s29;
	s31 =	sld [smem:$0x686]  }
0x342: {  	[hbm4b:s0+s3] =	stream.linear.scatter [tilespmem:s30], [sflag:$0x6], $0x80, $0x38;
	[tilespmem:$0x11180] =	vst v63  }
0x343: {  	s0 =	sadd.s32 $0x860, s29;
	s30 =	sld [smem:$0x687]  }
0x344: {  	[hbm4b:s0+s3] =	stream.linear.scatter [tilespmem:s31], [sflag:$0x6], $0x80, $0x38;
	[tilespmem:$0x11180] =	vst v63  }
0x345: {  	s0 =	sadd.s32 $0x870, s29;
	s31 =	sld [smem:$0x688]  }
0x346: {  	[hbm4b:s0+s3] =	stream.linear.scatter [tilespmem:s30], [sflag:$0x6], $0x80, $0x38;
	[tilespmem:$0x11180] =	vst v63  }
0x347: {  	s0 =	sadd.s32 $0xC00, s29;
	s30 =	sld [smem:$0x689]  }
0x348: {  	[hbm4b:s0+s3] =	stream.linear.scatter [tilespmem:s31], [sflag:$0x6], $0x80, $0x38;
	[tilespmem:$0x11180] =	vst v63  }
0x349: {  	s0 =	sadd.s32 $0xC10, s29;
	s31 =	sld [smem:$0x68A]  }
0x34a: {  	[hbm4b:s0+s3] =	stream.linear.scatter [tilespmem:s30], [sflag:$0x6], $0x80, $0x38;
	[tilespmem:$0x11180] =	vst v63  }
0x34b: {  	s0 =	sadd.s32 $0xC20, s29;
	s30 =	sld [smem:$0x68B]  }
0x34c: {  	[hbm4b:s0+s3] =	stream.linear.scatter [tilespmem:s31], [sflag:$0x6], $0x80, $0x38;
	[tilespmem:$0x11180] =	vst v63  }
0x34d: {  	s0 =	sadd.s32 $0xC30, s29;
	s31 =	sld [smem:$0x68C]  }
0x34e: {  	[hbm4b:s0+s3] =	stream.linear.scatter [tilespmem:s30], [sflag:$0x6], $0x80, $0x38;
	[tilespmem:$0x11180] =	vst v63  }
0x34f: {  	s0 =	sadd.s32 $0xC40, s29;
	s30 =	sld [smem:$0x68D]  }
0x350: {  	[hbm4b:s0+s3] =	stream.linear.scatter [tilespmem:s31], [sflag:$0x6], $0x80, $0x38;
	[tilespmem:$0x11180] =	vst v63  }
0x351: {  	s0 =	sadd.s32 $0xC50, s29;
	s31 =	sld [smem:$0x68E]  }
0x352: {  	[hbm4b:s0+s3] =	stream.linear.scatter [tilespmem:s30], [sflag:$0x6], $0x80, $0x38;
	[tilespmem:$0x11180] =	vst v63  }
0x353: {  	s0 =	sadd.s32 $0xC60, s29;
	s30 =	sld [smem:$0x68F]  }
0x354: {  	[hbm4b:s0+s3] =	stream.linear.scatter [tilespmem:s31], [sflag:$0x6], $0x80, $0x38;
	[tilespmem:$0x11180] =	vst v63  }
0x355: {  	s0 =	sadd.s32 $0xC70, s29;
	s31 =	sld [smem:$0x690]  }
0x356: {  	[hbm4b:s0+s3] =	stream.linear.scatter [tilespmem:s30], [sflag:$0x6], $0x80, $0x38;
	[tilespmem:$0x11180] =	vst v63  }
0x357: {  	s0 =	sadd.s32 $0x880, s29;
	s30 =	sld [smem:$0x691]  }
0x358: {  	[hbm4b:s0+s3] =	stream.linear.scatter [tilespmem:s31], [sflag:$0x6], $0x80, $0x38;
	[tilespmem:$0x11180] =	vst v63  }
0x359: {  	s0 =	sadd.s32 $0x890, s29;
	s31 =	sld [smem:$0x692]  }
0x35a: {  	[hbm4b:s0+s3] =	stream.linear.scatter [tilespmem:s30], [sflag:$0x6], $0x80, $0x38;
	[tilespmem:$0x11180] =	vst v63  }
0x35b: {  	s0 =	sadd.s32 $0x8A0, s29;
	s30 =	sld [smem:$0x693]  }
0x35c: {  	[hbm4b:s0+s3] =	stream.linear.scatter [tilespmem:s31], [sflag:$0x6], $0x80, $0x38;
	[tilespmem:$0x11180] =	vst v63  }
0x35d: {  	s0 =	sadd.s32 $0x8B0, s29;
	s31 =	sld [smem:$0x694]  }
0x35e: {  	[hbm4b:s0+s3] =	stream.linear.scatter [tilespmem:s30], [sflag:$0x6], $0x80, $0x38;
	[tilespmem:$0x11180] =	vst v63  }
0x35f: {  	s0 =	sadd.s32 $0x8C0, s29;
	s30 =	sld [smem:$0x695]  }
0x360: {  	[hbm4b:s0+s3] =	stream.linear.scatter [tilespmem:s31], [sflag:$0x6], $0x80, $0x38;
	[tilespmem:$0x11180] =	vst v63  }
0x361: {  	s0 =	sadd.s32 $0x8D0, s29;
	s31 =	sld [smem:$0x696]  }
0x362: {  	[hbm4b:s0+s3] =	stream.linear.scatter [tilespmem:s30], [sflag:$0x6], $0x80, $0x38;
	[tilespmem:$0x11180] =	vst v63  }
0x363: {  	s0 =	sadd.s32 $0x8E0, s29;
	s30 =	sld [smem:$0x697]  }
0x364: {  	[hbm4b:s0+s3] =	stream.linear.scatter [tilespmem:s31], [sflag:$0x6], $0x80, $0x38;
	[tilespmem:$0x11180] =	vst v63  }
0x365: {  	s0 =	sadd.s32 $0x8F0, s29;
	s31 =	sld [smem:$0x698]  }
0x366: {  	[hbm4b:s0+s3] =	stream.linear.scatter [tilespmem:s30], [sflag:$0x6], $0x80, $0x38;
	[tilespmem:$0x11180] =	vst v63  }
0x367: {  	s0 =	sadd.s32 $0xC80, s29;
	s30 =	sld [smem:$0x699]  }
0x368: {  	[hbm4b:s0+s3] =	stream.linear.scatter [tilespmem:s31], [sflag:$0x6], $0x80, $0x38;
	[tilespmem:$0x11180] =	vst v63  }
0x369: {  	s0 =	sadd.s32 $0xC90, s29;
	s31 =	sld [smem:$0x69A]  }
0x36a: {  	[hbm4b:s0+s3] =	stream.linear.scatter [tilespmem:s30], [sflag:$0x6], $0x80, $0x38;
	[tilespmem:$0x11180] =	vst v63  }
0x36b: {  	s0 =	sadd.s32 $0xCA0, s29;
	s30 =	sld [smem:$0x69B]  }
0x36c: {  	[hbm4b:s0+s3] =	stream.linear.scatter [tilespmem:s31], [sflag:$0x6], $0x80, $0x38;
	[tilespmem:$0x11180] =	vst v63  }
0x36d: {  	s0 =	sadd.s32 $0xCB0, s29;
	s31 =	sld [smem:$0x69C]  }
0x36e: {  	[hbm4b:s0+s3] =	stream.linear.scatter [tilespmem:s30], [sflag:$0x6], $0x80, $0x38;
	[tilespmem:$0x11180] =	vst v63  }
0x36f: {  	s0 =	sadd.s32 $0xCC0, s29;
	s30 =	sld [smem:$0x69D]  }
0x370: {  	[hbm4b:s0+s3] =	stream.linear.scatter [tilespmem:s31], [sflag:$0x6], $0x80, $0x38;
	[tilespmem:$0x11180] =	vst v63  }
0x371: {  	s0 =	sadd.s32 $0xCD0, s29;
	s31 =	sld [smem:$0x69E]  }
0x372: {  	[hbm4b:s0+s3] =	stream.linear.scatter [tilespmem:s30], [sflag:$0x6], $0x80, $0x38;
	[tilespmem:$0x11180] =	vst v63  }
0x373: {  	s0 =	sadd.s32 $0xCE0, s29;
	s30 =	sld [smem:$0x69F]  }
0x374: {  	[hbm4b:s0+s3] =	stream.linear.scatter [tilespmem:s31], [sflag:$0x6], $0x80, $0x38;
	[tilespmem:$0x11180] =	vst v63  }
0x375: {  	s0 =	sadd.s32 $0xCF0, s29;
	s31 =	sld [smem:$0x6A0]  }
0x376: {  	[hbm4b:s0+s3] =	stream.linear.scatter [tilespmem:s30], [sflag:$0x6], $0x80, $0x38;
	[tilespmem:$0x11180] =	vst v63  }
0x377: {  	s0 =	sadd.s32 $0x900, s29;
	s30 =	sld [smem:$0x6A1]  }
0x378: {  	[hbm4b:s0+s3] =	stream.linear.scatter [tilespmem:s31], [sflag:$0x6], $0x80, $0x38;
	[tilespmem:$0x11180] =	vst v63  }
0x379: {  	s0 =	sadd.s32 $0x910, s29;
	s31 =	sld [smem:$0x6A2]  }
0x37a: {  	[hbm4b:s0+s3] =	stream.linear.scatter [tilespmem:s30], [sflag:$0x6], $0x80, $0x38;
	[tilespmem:$0x11180] =	vst v63  }
0x37b: {  	s0 =	sadd.s32 $0x920, s29;
	s30 =	sld [smem:$0x6A3]  }
0x37c: {  	[hbm4b:s0+s3] =	stream.linear.scatter [tilespmem:s31], [sflag:$0x6], $0x80, $0x38;
	[tilespmem:$0x11180] =	vst v63  }
0x37d: {  	s0 =	sadd.s32 $0x930, s29;
	s31 =	sld [smem:$0x6A4]  }
0x37e: {  	[hbm4b:s0+s3] =	stream.linear.scatter [tilespmem:s30], [sflag:$0x6], $0x80, $0x38;
	[tilespmem:$0x11180] =	vst v63  }
0x37f: {  	s0 =	sadd.s32 $0x940, s29;
	s30 =	sld [smem:$0x6A5]  }
0x380: {  	[hbm4b:s0+s3] =	stream.linear.scatter [tilespmem:s31], [sflag:$0x6], $0x80, $0x38;
	[tilespmem:$0x11180] =	vst v63  }
0x381: {  	s0 =	sadd.s32 $0x950, s29;
	s31 =	sld [smem:$0x6A6]  }
0x382: {  	[hbm4b:s0+s3] =	stream.linear.scatter [tilespmem:s30], [sflag:$0x6], $0x80, $0x38;
	[tilespmem:$0x11180] =	vst v63  }
0x383: {  	s0 =	sadd.s32 $0x960, s29;
	s30 =	sld [smem:$0x6A7]  }
0x384: {  	[hbm4b:s0+s3] =	stream.linear.scatter [tilespmem:s31], [sflag:$0x6], $0x80, $0x38;
	[tilespmem:$0x11180] =	vst v63  }
0x385: {  	s0 =	sadd.s32 $0x970, s29;
	s31 =	sld [smem:$0x6A8]  }
0x386: {  	[hbm4b:s0+s3] =	stream.linear.scatter [tilespmem:s30], [sflag:$0x6], $0x80, $0x38;
	[tilespmem:$0x11180] =	vst v63  }
0x387: {  	s0 =	sadd.s32 $0xD00, s29;
	s30 =	sld [smem:$0x6A9]  }
0x388: {  	[hbm4b:s0+s3] =	stream.linear.scatter [tilespmem:s31], [sflag:$0x6], $0x80, $0x38;
	[tilespmem:$0x11180] =	vst v63  }
0x389: {  	s0 =	sadd.s32 $0xD10, s29;
	s31 =	sld [smem:$0x6AA]  }
0x38a: {  	[hbm4b:s0+s3] =	stream.linear.scatter [tilespmem:s30], [sflag:$0x6], $0x80, $0x38;
	[tilespmem:$0x11180] =	vst v63  }
0x38b: {  	s0 =	sadd.s32 $0xD20, s29;
	s30 =	sld [smem:$0x6AB]  }
0x38c: {  	[hbm4b:s0+s3] =	stream.linear.scatter [tilespmem:s31], [sflag:$0x6], $0x80, $0x38;
	[tilespmem:$0x11180] =	vst v63  }
0x38d: {  	s0 =	sadd.s32 $0xD30, s29;
	s31 =	sld [smem:$0x6AC]  }
0x38e: {  	[hbm4b:s0+s3] =	stream.linear.scatter [tilespmem:s30], [sflag:$0x6], $0x80, $0x38;
	[tilespmem:$0x11180] =	vst v63  }
0x38f: {  	s0 =	sadd.s32 $0xD40, s29;
	s30 =	sld [smem:$0x6AD]  }
0x390: {  	[hbm4b:s0+s3] =	stream.linear.scatter [tilespmem:s31], [sflag:$0x6], $0x80, $0x38;
	[tilespmem:$0x11180] =	vst v63  }
0x391: {  	s0 =	sadd.s32 $0xD50, s29;
	s31 =	sld [smem:$0x6AE]  }
0x392: {  	[hbm4b:s0+s3] =	stream.linear.scatter [tilespmem:s30], [sflag:$0x6], $0x80, $0x38;
	[tilespmem:$0x11180] =	vst v63  }
0x393: {  	s0 =	sadd.s32 $0xD60, s29;
	s30 =	sld [smem:$0x6AF]  }
0x394: {  	[hbm4b:s0+s3] =	stream.linear.scatter [tilespmem:s31], [sflag:$0x6], $0x80, $0x38;
	[tilespmem:$0x11180] =	vst v63  }
0x395: {  	s0 =	sadd.s32 $0xD70, s29;
	s31 =	sld [smem:$0x6B0]  }
0x396: {  	[hbm4b:s0+s3] =	stream.linear.scatter [tilespmem:s30], [sflag:$0x6], $0x80, $0x38;
	[tilespmem:$0x11180] =	vst v63  }
0x397: {  	s0 =	sadd.s32 $0x980, s29;
	s30 =	sld [smem:$0x6B1]  }
0x398: {  	[hbm4b:s0+s3] =	stream.linear.scatter [tilespmem:s31], [sflag:$0x6], $0x80, $0x38;
	[tilespmem:$0x11180] =	vst v63  }
0x399: {  	s0 =	sadd.s32 $0x990, s29;
	s31 =	sld [smem:$0x6B2]  }
0x39a: {  	[hbm4b:s0+s3] =	stream.linear.scatter [tilespmem:s30], [sflag:$0x6], $0x80, $0x38;
	[tilespmem:$0x11180] =	vst v63  }
0x39b: {  	s0 =	sadd.s32 $0x9A0, s29;
	s30 =	sld [smem:$0x6B3]  }
0x39c: {  	[hbm4b:s0+s3] =	stream.linear.scatter [tilespmem:s31], [sflag:$0x6], $0x80, $0x38;
	[tilespmem:$0x11180] =	vst v63  }
0x39d: {  	s0 =	sadd.s32 $0x9B0, s29;
	s31 =	sld [smem:$0x6B4]  }
0x39e: {  	[hbm4b:s0+s3] =	stream.linear.scatter [tilespmem:s30], [sflag:$0x6], $0x80, $0x38;
	[tilespmem:$0x11180] =	vst v63  }
0x39f: {  	s0 =	sadd.s32 $0x9C0, s29;
	s30 =	sld [smem:$0x6B5]  }
0x3a0: {  	[hbm4b:s0+s3] =	stream.linear.scatter [tilespmem:s31], [sflag:$0x6], $0x80, $0x38;
	[tilespmem:$0x11180] =	vst v63  }
0x3a1: {  	s0 =	sadd.s32 $0x9D0, s29;
	s31 =	sld [smem:$0x6B6]  }
0x3a2: {  	[hbm4b:s0+s3] =	stream.linear.scatter [tilespmem:s30], [sflag:$0x6], $0x80, $0x38;
	[tilespmem:$0x11180] =	vst v63  }
0x3a3: {  	s0 =	sadd.s32 $0x9E0, s29;
	s30 =	sld [smem:$0x6B7]  }
0x3a4: {  	[hbm4b:s0+s3] =	stream.linear.scatter [tilespmem:s31], [sflag:$0x6], $0x80, $0x38;
	[tilespmem:$0x11180] =	vst v63  }
0x3a5: {  	s0 =	sadd.s32 $0x9F0, s29;
	s31 =	sld [smem:$0x6B8]  }
0x3a6: {  	[hbm4b:s0+s3] =	stream.linear.scatter [tilespmem:s30], [sflag:$0x6], $0x80, $0x38;
	[tilespmem:$0x11180] =	vst v63  }
0x3a7: {  	s0 =	sadd.s32 $0xD80, s29;
	s30 =	sld [smem:$0x6B9]  }
0x3a8: {  	[hbm4b:s0+s3] =	stream.linear.scatter [tilespmem:s31], [sflag:$0x6], $0x80, $0x38;
	[tilespmem:$0x11180] =	vst v63  }
0x3a9: {  	s0 =	sadd.s32 $0xD90, s29;
	s31 =	sld [smem:$0x6BA]  }
0x3aa: {  	[hbm4b:s0+s3] =	stream.linear.scatter [tilespmem:s30], [sflag:$0x6], $0x80, $0x38;
	[tilespmem:$0x11180] =	vst v63  }
0x3ab: {  	s0 =	sadd.s32 $0xDA0, s29;
	s30 =	sld [smem:$0x6BB]  }
0x3ac: {  	[hbm4b:s0+s3] =	stream.linear.scatter [tilespmem:s31], [sflag:$0x6], $0x80, $0x38;
	[tilespmem:$0x11180] =	vst v63  }
0x3ad: {  	s0 =	sadd.s32 $0xDB0, s29;
	s31 =	sld [smem:$0x6BC]  }
0x3ae: {  	[hbm4b:s0+s3] =	stream.linear.scatter [tilespmem:s30], [sflag:$0x6], $0x80, $0x38;
	[tilespmem:$0x11180] =	vst v63  }
0x3af: {  	s0 =	sadd.s32 $0xDC0, s29;
	s30 =	sld [smem:$0x6BD]  }
0x3b0: {  	[hbm4b:s0+s3] =	stream.linear.scatter [tilespmem:s31], [sflag:$0x6], $0x80, $0x38;
	[tilespmem:$0x11180] =	vst v63  }
0x3b1: {  	s0 =	sadd.s32 $0xDD0, s29;
	s31 =	sld [smem:$0x6BE]  }
0x3b2: {  	[hbm4b:s0+s3] =	stream.linear.scatter [tilespmem:s30], [sflag:$0x6], $0x80, $0x38;
	[tilespmem:$0x11180] =	vst v63  }
0x3b3: {  	s0 =	sadd.s32 $0xDE0, s29;
	s30 =	sld [smem:$0x6BF]  }
0x3b4: {  	[hbm4b:s0+s3] =	stream.linear.scatter [tilespmem:s31], [sflag:$0x6], $0x80, $0x38;
	[tilespmem:$0x11180] =	vst v63  }
0x3b5: {  	s0 =	sadd.s32 $0xDF0, s29;
	s31 =	sld [smem:$0x6C0]  }
0x3b6: {  	[hbm4b:s0+s3] =	stream.linear.scatter [tilespmem:s30], [sflag:$0x6], $0x80, $0x38;
	[tilespmem:$0x11180] =	vst v63  }
0x3b7: {  	s0 =	sadd.s32 $0xA00, s29;
	s30 =	sld [smem:$0x6C1]  }
0x3b8: {  	[hbm4b:s0+s3] =	stream.linear.scatter [tilespmem:s31], [sflag:$0x6], $0x80, $0x38;
	[tilespmem:$0x11180] =	vst v63  }
0x3b9: {  	s0 =	sadd.s32 $0xA10, s29;
	s31 =	sld [smem:$0x6C2]  }
0x3ba: {  	[hbm4b:s0+s3] =	stream.linear.scatter [tilespmem:s30], [sflag:$0x6], $0x80, $0x38;
	[tilespmem:$0x11180] =	vst v63  }
0x3bb: {  	s0 =	sadd.s32 $0xA20, s29;
	s30 =	sld [smem:$0x6C3]  }
0x3bc: {  	[hbm4b:s0+s3] =	stream.linear.scatter [tilespmem:s31], [sflag:$0x6], $0x80, $0x38;
	[tilespmem:$0x11180] =	vst v63  }
0x3bd: {  	s0 =	sadd.s32 $0xA30, s29;
	s31 =	sld [smem:$0x6C4]  }
0x3be: {  	[hbm4b:s0+s3] =	stream.linear.scatter [tilespmem:s30], [sflag:$0x6], $0x80, $0x38;
	[tilespmem:$0x11180] =	vst v63  }
0x3bf: {  	s0 =	sadd.s32 $0xA40, s29;
	s30 =	sld [smem:$0x6C5]  }
0x3c0: {  	[hbm4b:s0+s3] =	stream.linear.scatter [tilespmem:s31], [sflag:$0x6], $0x80, $0x38;
	[tilespmem:$0x11180] =	vst v63  }
0x3c1: {  	s0 =	sadd.s32 $0xA50, s29;
	s31 =	sld [smem:$0x6C6]  }
0x3c2: {  	[hbm4b:s0+s3] =	stream.linear.scatter [tilespmem:s30], [sflag:$0x6], $0x80, $0x38;
	[tilespmem:$0x11180] =	vst v63  }
0x3c3: {  	s0 =	sadd.s32 $0xA60, s29;
	s30 =	sld [smem:$0x6C7]  }
0x3c4: {  	[hbm4b:s0+s3] =	stream.linear.scatter [tilespmem:s31], [sflag:$0x6], $0x80, $0x38;
	[tilespmem:$0x11180] =	vst v63  }
0x3c5: {  	s0 =	sadd.s32 $0xA70, s29;
	s31 =	sld [smem:$0x6C8]  }
0x3c6: {  	[hbm4b:s0+s3] =	stream.linear.scatter [tilespmem:s30], [sflag:$0x6], $0x80, $0x38;
	[tilespmem:$0x11180] =	vst v63  }
0x3c7: {  	s0 =	sadd.s32 $0xE00, s29;
	s30 =	sld [smem:$0x6C9]  }
0x3c8: {  	[hbm4b:s0+s3] =	stream.linear.scatter [tilespmem:s31], [sflag:$0x6], $0x80, $0x38;
	[tilespmem:$0x11180] =	vst v63  }
0x3c9: {  	s0 =	sadd.s32 $0xE10, s29;
	s31 =	sld [smem:$0x6CA]  }
0x3ca: {  	[hbm4b:s0+s3] =	stream.linear.scatter [tilespmem:s30], [sflag:$0x6], $0x80, $0x38;
	[tilespmem:$0x11180] =	vst v63  }
0x3cb: {  	s0 =	sadd.s32 $0xE20, s29;
	s30 =	sld [smem:$0x6CB]  }
0x3cc: {  	[hbm4b:s0+s3] =	stream.linear.scatter [tilespmem:s31], [sflag:$0x6], $0x80, $0x38;
	[tilespmem:$0x11180] =	vst v63  }
0x3cd: {  	s0 =	sadd.s32 $0xE30, s29;
	s31 =	sld [smem:$0x6CC]  }
0x3ce: {  	[hbm4b:s0+s3] =	stream.linear.scatter [tilespmem:s30], [sflag:$0x6], $0x80, $0x38;
	[tilespmem:$0x11180] =	vst v63  }
0x3cf: {  	s0 =	sadd.s32 $0xE40, s29;
	s30 =	sld [smem:$0x6CD]  }
0x3d0: {  	[hbm4b:s0+s3] =	stream.linear.scatter [tilespmem:s31], [sflag:$0x6], $0x80, $0x38;
	[tilespmem:$0x11180] =	vst v63  }
0x3d1: {  	s0 =	sadd.s32 $0xE50, s29;
	s31 =	sld [smem:$0x6CE]  }
0x3d2: {  	[hbm4b:s0+s3] =	stream.linear.scatter [tilespmem:s30], [sflag:$0x6], $0x80, $0x38;
	[tilespmem:$0x11180] =	vst v63  }
0x3d3: {  	s0 =	sadd.s32 $0xE60, s29;
	s30 =	sld [smem:$0x6CF]  }
0x3d4: {  	[hbm4b:s0+s3] =	stream.linear.scatter [tilespmem:s31], [sflag:$0x6], $0x80, $0x38;
	[tilespmem:$0x11180] =	vst v63  }
0x3d5: {  	s0 =	sadd.s32 $0xE70, s29;
	s31 =	sld [smem:$0x6D0]  }
0x3d6: {  	[hbm4b:s0+s3] =	stream.linear.scatter [tilespmem:s30], [sflag:$0x6], $0x80, $0x38;
	[tilespmem:$0x11180] =	vst v63  }
0x3d7: {  	s0 =	sadd.s32 $0xA80, s29;
	s30 =	sld [smem:$0x6D1]  }
0x3d8: {  	[hbm4b:s0+s3] =	stream.linear.scatter [tilespmem:s31], [sflag:$0x6], $0x80, $0x38;
	[tilespmem:$0x11180] =	vst v63  }
0x3d9: {  	s0 =	sadd.s32 $0xA90, s29;
	s31 =	sld [smem:$0x6D2]  }
0x3da: {  	[hbm4b:s0+s3] =	stream.linear.scatter [tilespmem:s30], [sflag:$0x6], $0x80, $0x38;
	[tilespmem:$0x11180] =	vst v63  }
0x3db: {  	s0 =	sadd.s32 $0xAA0, s29;
	s30 =	sld [smem:$0x6D3]  }
0x3dc: {  	[hbm4b:s0+s3] =	stream.linear.scatter [tilespmem:s31], [sflag:$0x6], $0x80, $0x38;
	[tilespmem:$0x11180] =	vst v63  }
0x3dd: {  	s0 =	sadd.s32 $0xAB0, s29;
	s31 =	sld [smem:$0x6D4]  }
0x3de: {  	[hbm4b:s0+s3] =	stream.linear.scatter [tilespmem:s30], [sflag:$0x6], $0x80, $0x38;
	[tilespmem:$0x11180] =	vst v63  }
0x3df: {  	s0 =	sadd.s32 $0xAC0, s29;
	s30 =	sld [smem:$0x6D5]  }
0x3e0: {  	[hbm4b:s0+s3] =	stream.linear.scatter [tilespmem:s31], [sflag:$0x6], $0x80, $0x38;
	[tilespmem:$0x11180] =	vst v63  }
0x3e1: {  	s0 =	sadd.s32 $0xAD0, s29;
	s31 =	sld [smem:$0x6D6]  }
0x3e2: {  	[hbm4b:s0+s3] =	stream.linear.scatter [tilespmem:s30], [sflag:$0x6], $0x80, $0x38;
	[tilespmem:$0x11180] =	vst v63  }
0x3e3: {  	s0 =	sadd.s32 $0xAE0, s29;
	s30 =	sld [smem:$0x6D7]  }
0x3e4: {  	[hbm4b:s0+s3] =	stream.linear.scatter [tilespmem:s31], [sflag:$0x6], $0x80, $0x38;
	[tilespmem:$0x11180] =	vst v63  }
0x3e5: {  	s0 =	sadd.s32 $0xAF0, s29;
	s31 =	sld [smem:$0x6D8]  }
0x3e6: {  	[hbm4b:s0+s3] =	stream.linear.scatter [tilespmem:s30], [sflag:$0x6], $0x80, $0x38;
	[tilespmem:$0x11180] =	vst v63  }
0x3e7: {  	s0 =	sadd.s32 $0xE80, s29;
	s30 =	sld [smem:$0x6D9]  }
0x3e8: {  	[hbm4b:s0+s3] =	stream.linear.scatter [tilespmem:s31], [sflag:$0x6], $0x80, $0x38;
	[tilespmem:$0x11180] =	vst v63  }
0x3e9: {  	s0 =	sadd.s32 $0xE90, s29;
	s31 =	sld [smem:$0x6DA]  }
0x3ea: {  	[hbm4b:s0+s3] =	stream.linear.scatter [tilespmem:s30], [sflag:$0x6], $0x80, $0x38;
	[tilespmem:$0x11180] =	vst v63  }
0x3eb: {  	s0 =	sadd.s32 $0xEA0, s29;
	s30 =	sld [smem:$0x6DB]  }
0x3ec: {  	[hbm4b:s0+s3] =	stream.linear.scatter [tilespmem:s31], [sflag:$0x6], $0x80, $0x38;
	[tilespmem:$0x11180] =	vst v63  }
0x3ed: {  	s0 =	sadd.s32 $0xEB0, s29;
	s31 =	sld [smem:$0x6DC]  }
0x3ee: {  	[hbm4b:s0+s3] =	stream.linear.scatter [tilespmem:s30], [sflag:$0x6], $0x80, $0x38;
	[tilespmem:$0x11180] =	vst v63  }
0x3ef: {  	s0 =	sadd.s32 $0xEC0, s29;
	s30 =	sld [smem:$0x6DD]  }
0x3f0: {  	[hbm4b:s0+s3] =	stream.linear.scatter [tilespmem:s31], [sflag:$0x6], $0x80, $0x38;
	[tilespmem:$0x11180] =	vst v63  }
0x3f1: {  	s0 =	sadd.s32 $0xED0, s29;
	s31 =	sld [smem:$0x6DE]  }
0x3f2: {  	[hbm4b:s0+s3] =	stream.linear.scatter [tilespmem:s30], [sflag:$0x6], $0x80, $0x38;
	[tilespmem:$0x11180] =	vst v63  }
0x3f3: {  	s0 =	sadd.s32 $0xEE0, s29;
	s30 =	sld [smem:$0x6DF]  }
0x3f4: {  	[hbm4b:s0+s3] =	stream.linear.scatter [tilespmem:s31], [sflag:$0x6], $0x80, $0x38;
	[tilespmem:$0x11180] =	vst v63  }
0x3f5: {  	s0 =	sadd.s32 $0xEF0, s29;
	s31 =	sld [smem:$0x6E0]  }
0x3f6: {  	[hbm4b:s0+s3] =	stream.linear.scatter [tilespmem:s30], [sflag:$0x6], $0x80, $0x38;
	[tilespmem:$0x11180] =	vst v63  }
0x3f7: {  	s0 =	sadd.s32 $0xB00, s29;
	s30 =	sld [smem:$0x6E1]  }
0x3f8: {  	[hbm4b:s0+s3] =	stream.linear.scatter [tilespmem:s31], [sflag:$0x6], $0x80, $0x38;
	[tilespmem:$0x11180] =	vst v63  }
0x3f9: {  	s0 =	sadd.s32 $0xB10, s29;
	s31 =	sld [smem:$0x6E2]  }
0x3fa: {  	[hbm4b:s0+s3] =	stream.linear.scatter [tilespmem:s30], [sflag:$0x6], $0x80, $0x38;
	[tilespmem:$0x11180] =	vst v63  }
0x3fb: {  	s0 =	sadd.s32 $0xB20, s29;
	s30 =	sld [smem:$0x6E3]  }
0x3fc: {  	[hbm4b:s0+s3] =	stream.linear.scatter [tilespmem:s31], [sflag:$0x6], $0x80, $0x38;
	[tilespmem:$0x11180] =	vst v63  }
0x3fd: {  	s0 =	sadd.s32 $0xB30, s29;
	s31 =	sld [smem:$0x6E4]  }
0x3fe: {  	[hbm4b:s0+s3] =	stream.linear.scatter [tilespmem:s30], [sflag:$0x6], $0x80, $0x38;
	[tilespmem:$0x11180] =	vst v63  }
0x3ff: {  	s0 =	sadd.s32 $0xB40, s29;
	s30 =	sld [smem:$0x6E5]  }
0x400: {  	[hbm4b:s0+s3] =	stream.linear.scatter [tilespmem:s31], [sflag:$0x6], $0x80, $0x38;
	[tilespmem:$0x11180] =	vst v63  }
0x401: {  	s0 =	sadd.s32 $0xB50, s29;
	s31 =	sld [smem:$0x6E6]  }
0x402: {  	[hbm4b:s0+s3] =	stream.linear.scatter [tilespmem:s30], [sflag:$0x6], $0x80, $0x38;
	[tilespmem:$0x11180] =	vst v63  }
0x403: {  	s0 =	sadd.s32 $0xB60, s29;
	s30 =	sld [smem:$0x6E7]  }
0x404: {  	[hbm4b:s0+s3] =	stream.linear.scatter [tilespmem:s31], [sflag:$0x6], $0x80, $0x38;
	[tilespmem:$0x11180] =	vst v63  }
0x405: {  	s0 =	sadd.s32 $0xB70, s29;
	s31 =	sld [smem:$0x6E8]  }
0x406: {  	[hbm4b:s0+s3] =	stream.linear.scatter [tilespmem:s30], [sflag:$0x6], $0x80, $0x38;
	[tilespmem:$0x11180] =	vst v63  }
0x407: {  	s0 =	sadd.s32 $0xF00, s29;
	s30 =	sld [smem:$0x6E9]  }
0x408: {  	[hbm4b:s0+s3] =	stream.linear.scatter [tilespmem:s31], [sflag:$0x6], $0x80, $0x38;
	[tilespmem:$0x11180] =	vst v63  }
0x409: {  	s0 =	sadd.s32 $0xF10, s29;
	s31 =	sld [smem:$0x6EA]  }
0x40a: {  	[hbm4b:s0+s3] =	stream.linear.scatter [tilespmem:s30], [sflag:$0x6], $0x80, $0x38;
	[tilespmem:$0x11180] =	vst v63  }
0x40b: {  	s0 =	sadd.s32 $0xF20, s29;
	s30 =	sld [smem:$0x6EB]  }
0x40c: {  	[hbm4b:s0+s3] =	stream.linear.scatter [tilespmem:s31], [sflag:$0x6], $0x80, $0x38;
	[tilespmem:$0x11180] =	vst v63  }
0x40d: {  	s0 =	sadd.s32 $0xF30, s29;
	s31 =	sld [smem:$0x6EC]  }
0x40e: {  	[hbm4b:s0+s3] =	stream.linear.scatter [tilespmem:s30], [sflag:$0x6], $0x80, $0x38;
	[tilespmem:$0x11180] =	vst v63  }
0x40f: {  	s0 =	sadd.s32 $0xF40, s29;
	s30 =	sld [smem:$0x6ED]  }
0x410: {  	[hbm4b:s0+s3] =	stream.linear.scatter [tilespmem:s31], [sflag:$0x6], $0x80, $0x38;
	[tilespmem:$0x11180] =	vst v63  }
0x411: {  	s0 =	sadd.s32 $0xF50, s29;
	s31 =	sld [smem:$0x6EE]  }
0x412: {  	[hbm4b:s0+s3] =	stream.linear.scatter [tilespmem:s30], [sflag:$0x6], $0x80, $0x38;
	[tilespmem:$0x11180] =	vst v63  }
0x413: {  	s0 =	sadd.s32 $0xF60, s29;
	s30 =	sld [smem:$0x6EF]  }
0x414: {  	[hbm4b:s0+s3] =	stream.linear.scatter [tilespmem:s31], [sflag:$0x6], $0x80, $0x38;
	[tilespmem:$0x11180] =	vst v63  }
0x415: {  	s0 =	sadd.s32 $0xF70, s29;
	s31 =	sld [smem:$0x6F0]  }
0x416: {  	[hbm4b:s0+s3] =	stream.linear.scatter [tilespmem:s30], [sflag:$0x6], $0x80, $0x38;
	[tilespmem:$0x11180] =	vst v63  }
0x417: {  	s0 =	sadd.s32 $0xB80, s29;
	s30 =	sld [smem:$0x6F1]  }
0x418: {  	[hbm4b:s0+s3] =	stream.linear.scatter [tilespmem:s31], [sflag:$0x6], $0x80, $0x38;
	[tilespmem:$0x11180] =	vst v63  }
0x419: {  	s0 =	sadd.s32 $0xB90, s29;
	s31 =	sld [smem:$0x6F2]  }
0x41a: {  	[hbm4b:s0+s3] =	stream.linear.scatter [tilespmem:s30], [sflag:$0x6], $0x80, $0x38;
	[tilespmem:$0x11180] =	vst v63  }
0x41b: {  	s0 =	sadd.s32 $0xBA0, s29;
	s30 =	sld [smem:$0x6F3]  }
0x41c: {  	[hbm4b:s0+s3] =	stream.linear.scatter [tilespmem:s31], [sflag:$0x6], $0x80, $0x38;
	[tilespmem:$0x11180] =	vst v63  }
0x41d: {  	s0 =	sadd.s32 $0xBB0, s29;
	s31 =	sld [smem:$0x6F4]  }
0x41e: {  	[hbm4b:s0+s3] =	stream.linear.scatter [tilespmem:s30], [sflag:$0x6], $0x80, $0x38;
	[tilespmem:$0x11180] =	vst v63  }
0x41f: {  	s0 =	sadd.s32 $0xBC0, s29;
	s30 =	sld [smem:$0x6F5]  }
0x420: {  	[hbm4b:s0+s3] =	stream.linear.scatter [tilespmem:s31], [sflag:$0x6], $0x80, $0x38;
	[tilespmem:$0x11180] =	vst v63  }
0x421: {  	s0 =	sadd.s32 $0xBD0, s29;
	s31 =	sld [smem:$0x6F6]  }
0x422: {  	[hbm4b:s0+s3] =	stream.linear.scatter [tilespmem:s30], [sflag:$0x6], $0x80, $0x38;
	[tilespmem:$0x11180] =	vst v63  }
0x423: {  	s0 =	sadd.s32 $0xBE0, s29;
	s30 =	sld [smem:$0x6F7]  }
0x424: {  	[hbm4b:s0+s3] =	stream.linear.scatter [tilespmem:s31], [sflag:$0x6], $0x80, $0x38;
	[tilespmem:$0x11180] =	vst v63  }
0x425: {  	s0 =	sadd.s32 $0xBF0, s29;
	s31 =	sld [smem:$0x6F8]  }
0x426: {  	[hbm4b:s0+s3] =	stream.linear.scatter [tilespmem:s30], [sflag:$0x6], $0x80, $0x38;
	[tilespmem:$0x11180] =	vst v63  }
0x427: {  	s0 =	sadd.s32 $0xF80, s29;
	s30 =	sld [smem:$0x6F9]  }
0x428: {  	[hbm4b:s0+s3] =	stream.linear.scatter [tilespmem:s31], [sflag:$0x6], $0x80, $0x38;
	[tilespmem:$0x11180] =	vst v63  }
0x429: {  	s0 =	sadd.s32 $0xF90, s29;
	s31 =	sld [smem:$0x6FA]  }
0x42a: {  	[hbm4b:s0+s3] =	stream.linear.scatter [tilespmem:s30], [sflag:$0x6], $0x80, $0x38;
	[tilespmem:$0x11180] =	vst v63  }
0x42b: {  	s0 =	sadd.s32 $0xFA0, s29;
	s30 =	sld [smem:$0x6FB]  }
0x42c: {  	[hbm4b:s0+s3] =	stream.linear.scatter [tilespmem:s31], [sflag:$0x6], $0x80, $0x38;
	[tilespmem:$0x11180] =	vst v63  }
0x42d: {  	s0 =	sadd.s32 $0xFB0, s29;
	s31 =	sld [smem:$0x6FC]  }
0x42e: {  	[hbm4b:s0+s3] =	stream.linear.scatter [tilespmem:s30], [sflag:$0x6], $0x80, $0x38;
	[tilespmem:$0x11180] =	vst v63  }
0x42f: {  	s0 =	sadd.s32 $0xFC0, s29;
	s30 =	sld [smem:$0x6FD]  }
0x430: {  	[hbm4b:s0+s3] =	stream.linear.scatter [tilespmem:s31], [sflag:$0x6], $0x80, $0x38;
	[tilespmem:$0x11180] =	vst v63  }
0x431: {  	s0 =	sadd.s32 $0xFD0, s29;
	s31 =	sld [smem:$0x6FE]  }
0x432: {  	[hbm4b:s0+s3] =	stream.linear.scatter [tilespmem:s30], [sflag:$0x6], $0x80, $0x38;
	[tilespmem:$0x11180] =	vst v63  }
0x433: {  	s0 =	sadd.s32 $0xFE0, s29;
	s30 =	sld [smem:$0x6FF]  }
0x434: {  	[hbm4b:s0+s3] =	stream.linear.scatter [tilespmem:s31], [sflag:$0x6], $0x80, $0x38;
	[tilespmem:$0x11180] =	vst v63  }
0x435: {  	s1 =	simm.s32 @!p0 $0x8;
	s0 =	sadd.s32 $0xFF0, s29  }
0x436: {  	[hbm4b:s0+s3] =	stream.linear.scatter [tilespmem:s30], [sflag:$0x6], $0x80, $0x38;
	[tilespmem:$0x11180] =	vst v63  }
0x437: {  	_ =	swait.ge @!p0 [sflag:s1], $0x800  }
0x438: {  	[sflag:s1] =	ssyncset.done @!p0 $0x0  }
0x439: {  	[sflag:s1] =	ssyncadd.s32 @!p0 $0xFFFFF800  }
0x43a: {  	_ =	swait.ge @!p0 [sflag:s1], $0x800  }
0x43b: {  	[sflag:s1] =	ssyncset.done @!p0 $0x0  }
0x43c: {  	[sflag:s1] =	ssyncadd.s32 @!p0 $0xFFFFF800  }
0x43d: {  	_ =	swait.ge @!p0 [sflag:s1], $0x800  }
0x43e: {  	[sflag:s1] =	ssyncset.done @!p0 $0x0  }
0x43f: {  	[sflag:s1] =	ssyncadd.s32 @!p0 $0xFFFFF800  }
0x440: {  	_ =	swait.ge @!p0 [sflag:s1], $0x800  }
0x441: {  	[sflag:s1] =	ssyncset.done @!p0 $0x0  }
0x442: {  	[sflag:s1] =	ssyncadd.s32 @!p0 $0xFFFFF800  }
0x443: {  	_ =	swait.ge @!p0 [sflag:s1], $0x800  }
0x444: {  	[sflag:s1] =	ssyncset.done @!p0 $0x0  }
0x445: {  	[sflag:s1] =	ssyncadd.s32 @!p0 $0xFFFFF800  }
0x446: {  	_ =	swait.ge @!p0 [sflag:s1], $0x800  }
0x447: {  	[sflag:s1] =	ssyncset.done @!p0 $0x0  }
0x448: {  	[sflag:s1] =	ssyncadd.s32 @!p0 $0xFFFFF800  }
0x449: {  	_ =	swait.ge @!p0 [sflag:s1], $0x800  }
0x44a: {  	[sflag:s1] =	ssyncset.done @!p0 $0x0  }
0x44b: {  	[sflag:s1] =	ssyncadd.s32 @!p0 $0xFFFFF800  }
0x44c: {  	_ =	swait.ge @!p0 [sflag:s1], $0x800  }
0x44d: {  	[sflag:s1] =	ssyncset.done @!p0 $0x0  }
0x44e: {  	s30 =	sadd.s32 $0xFFFFFFE0, s25;
	[sflag:s1] =	ssyncadd.s32 @!p0 $0xFFFFF800  }
0x44f: {  	[tilespmem:s16], [sflag:$0x4] =	stream.indirect.gather [hbm4b:s2+s10], $0x400, s30, s10, $0xb8;
	[tilespmem:$0x11180] =	vst v63  }
0x450: {  	v3 =	vld [tilespmem:s26+$0xFFFFFFF0];
	_ =	sdelay $0x4  }
0x451: {  	v3 =	vadd.s32 v0, v3;
	_ =	sdelay $0x3  }
0x452: {  	v4 =	vld.idx.msk [tilespmem:v2+s12+$0x0], $0xffff  }
0x453: {  	v3 =	vld.idx.msk [tilespmem:v3+s12+$0x0], $0xffff;
	_ =	sdelay $0x1  }
0x454: {  	v5 =	vld [tilespmem:$0x11100];
	_ =	sdelay $0x2  }
0x455: {  	v3 =	vsub.f32 v4, v3;
	_ =	sdelay $0x1  }
0x456: {  	v3 =	vadd.f32 v3, v5;
	_ =	sdelay $0x1  }
0x457: {  	[tilespmem:$0x11100] =	vst v3  }
0x458: {  	_ =	swait.ge [sflag:s17], $0x4000  }
0x459: {  	[sflag:s17] =	ssyncset.done $0x0  }
0x45a: {  	s31 =	sadd.s32 $0x1000, s29;
	s30 =	sld [smem:$0x700];
	[sflag:s17] =	ssyncadd.s32 $0xFFFFC000  }
0x45b: {  	[hbm4b:s31+s3] =	stream.linear.scatter [tilespmem:s14], [sflag:$0x7], $0x80, $0x38;
	[tilespmem:$0x11180] =	vst v63  }
0x45c: {  	s0 =	sadd.s32 $0x1010, s29;
	s31 =	sld [smem:$0x701]  }
0x45d: {  	[hbm4b:s0+s3] =	stream.linear.scatter [tilespmem:s30], [sflag:$0x7], $0x80, $0x38;
	[tilespmem:$0x11180] =	vst v63  }
0x45e: {  	s0 =	sadd.s32 $0x1020, s29;
	s30 =	sld [smem:$0x702]  }
0x45f: {  	[hbm4b:s0+s3] =	stream.linear.scatter [tilespmem:s31], [sflag:$0x7], $0x80, $0x38;
	[tilespmem:$0x11180] =	vst v63  }
0x460: {  	s0 =	sadd.s32 $0x1030, s29;
	s31 =	sld [smem:$0x703]  }
0x461: {  	[hbm4b:s0+s3] =	stream.linear.scatter [tilespmem:s30], [sflag:$0x7], $0x80, $0x38;
	[tilespmem:$0x11180] =	vst v63  }
0x462: {  	s0 =	sadd.s32 $0x1040, s29;
	s30 =	sld [smem:$0x704]  }
0x463: {  	[hbm4b:s0+s3] =	stream.linear.scatter [tilespmem:s31], [sflag:$0x7], $0x80, $0x38;
	[tilespmem:$0x11180] =	vst v63  }
0x464: {  	s0 =	sadd.s32 $0x1050, s29;
	s31 =	sld [smem:$0x705]  }
0x465: {  	[hbm4b:s0+s3] =	stream.linear.scatter [tilespmem:s30], [sflag:$0x7], $0x80, $0x38;
	[tilespmem:$0x11180] =	vst v63  }
0x466: {  	s0 =	sadd.s32 $0x1060, s29;
	s30 =	sld [smem:$0x706]  }
0x467: {  	[hbm4b:s0+s3] =	stream.linear.scatter [tilespmem:s31], [sflag:$0x7], $0x80, $0x38;
	[tilespmem:$0x11180] =	vst v63  }
0x468: {  	s0 =	sadd.s32 $0x1070, s29;
	s31 =	sld [smem:$0x707]  }
0x469: {  	[hbm4b:s0+s3] =	stream.linear.scatter [tilespmem:s30], [sflag:$0x7], $0x80, $0x38;
	[tilespmem:$0x11180] =	vst v63  }
0x46a: {  	s0 =	sadd.s32 $0x1400, s29;
	s30 =	sld [smem:$0x708]  }
0x46b: {  	[hbm4b:s0+s3] =	stream.linear.scatter [tilespmem:s31], [sflag:$0x7], $0x80, $0x38;
	[tilespmem:$0x11180] =	vst v63  }
0x46c: {  	s0 =	sadd.s32 $0x1410, s29;
	s31 =	sld [smem:$0x709]  }
0x46d: {  	[hbm4b:s0+s3] =	stream.linear.scatter [tilespmem:s30], [sflag:$0x7], $0x80, $0x38;
	[tilespmem:$0x11180] =	vst v63  }
0x46e: {  	s0 =	sadd.s32 $0x1420, s29;
	s30 =	sld [smem:$0x70A]  }
0x46f: {  	[hbm4b:s0+s3] =	stream.linear.scatter [tilespmem:s31], [sflag:$0x7], $0x80, $0x38;
	[tilespmem:$0x11180] =	vst v63  }
0x470: {  	s0 =	sadd.s32 $0x1430, s29;
	s31 =	sld [smem:$0x70B]  }
0x471: {  	[hbm4b:s0+s3] =	stream.linear.scatter [tilespmem:s30], [sflag:$0x7], $0x80, $0x38;
	[tilespmem:$0x11180] =	vst v63  }
0x472: {  	s0 =	sadd.s32 $0x1440, s29;
	s30 =	sld [smem:$0x70C]  }
0x473: {  	[hbm4b:s0+s3] =	stream.linear.scatter [tilespmem:s31], [sflag:$0x7], $0x80, $0x38;
	[tilespmem:$0x11180] =	vst v63  }
0x474: {  	s0 =	sadd.s32 $0x1450, s29;
	s31 =	sld [smem:$0x70D]  }
0x475: {  	[hbm4b:s0+s3] =	stream.linear.scatter [tilespmem:s30], [sflag:$0x7], $0x80, $0x38;
	[tilespmem:$0x11180] =	vst v63  }
0x476: {  	s0 =	sadd.s32 $0x1460, s29;
	s30 =	sld [smem:$0x710]  }
0x477: {  	[hbm4b:s0+s3] =	stream.linear.scatter [tilespmem:s31], [sflag:$0x7], $0x80, $0x38;
	[tilespmem:$0x11180] =	vst v63  }
0x478: {  	s0 =	sadd.s32 $0x1470, s29;
	s31 =	sld [smem:$0x711]  }
0x479: {  	[hbm4b:s0+s3] =	stream.linear.scatter [tilespmem:s30], [sflag:$0x7], $0x80, $0x38;
	[tilespmem:$0x11180] =	vst v63  }
0x47a: {  	s0 =	sadd.s32 $0x1080, s29;
	s30 =	sld [smem:$0x712]  }
0x47b: {  	[hbm4b:s0+s3] =	stream.linear.scatter [tilespmem:s31], [sflag:$0x7], $0x80, $0x38;
	[tilespmem:$0x11180] =	vst v63  }
0x47c: {  	s0 =	sadd.s32 $0x1090, s29;
	s31 =	sld [smem:$0x713]  }
0x47d: {  	[hbm4b:s0+s3] =	stream.linear.scatter [tilespmem:s30], [sflag:$0x7], $0x80, $0x38;
	[tilespmem:$0x11180] =	vst v63  }
0x47e: {  	s0 =	sadd.s32 $0x10A0, s29;
	s30 =	sld [smem:$0x714]  }
0x47f: {  	[hbm4b:s0+s3] =	stream.linear.scatter [tilespmem:s31], [sflag:$0x7], $0x80, $0x38;
	[tilespmem:$0x11180] =	vst v63  }
0x480: {  	s0 =	sadd.s32 $0x10B0, s29;
	s31 =	sld [smem:$0x715]  }
0x481: {  	[hbm4b:s0+s3] =	stream.linear.scatter [tilespmem:s30], [sflag:$0x7], $0x80, $0x38;
	[tilespmem:$0x11180] =	vst v63  }
0x482: {  	s0 =	sadd.s32 $0x10C0, s29;
	s30 =	sld [smem:$0x716]  }
0x483: {  	[hbm4b:s0+s3] =	stream.linear.scatter [tilespmem:s31], [sflag:$0x7], $0x80, $0x38;
	[tilespmem:$0x11180] =	vst v63  }
0x484: {  	s0 =	sadd.s32 $0x10D0, s29;
	s31 =	sld [smem:$0x717]  }
0x485: {  	[hbm4b:s0+s3] =	stream.linear.scatter [tilespmem:s30], [sflag:$0x7], $0x80, $0x38;
	[tilespmem:$0x11180] =	vst v63  }
0x486: {  	s0 =	sadd.s32 $0x10E0, s29;
	s30 =	sld [smem:$0x718]  }
0x487: {  	[hbm4b:s0+s3] =	stream.linear.scatter [tilespmem:s31], [sflag:$0x7], $0x80, $0x38;
	[tilespmem:$0x11180] =	vst v63  }
0x488: {  	s0 =	sadd.s32 $0x10F0, s29;
	s31 =	sld [smem:$0x719]  }
0x489: {  	[hbm4b:s0+s3] =	stream.linear.scatter [tilespmem:s30], [sflag:$0x7], $0x80, $0x38;
	[tilespmem:$0x11180] =	vst v63  }
0x48a: {  	s0 =	sadd.s32 $0x1480, s29;
	s30 =	sld [smem:$0x71A]  }
0x48b: {  	[hbm4b:s0+s3] =	stream.linear.scatter [tilespmem:s31], [sflag:$0x7], $0x80, $0x38;
	[tilespmem:$0x11180] =	vst v63  }
0x48c: {  	s0 =	sadd.s32 $0x1490, s29;
	s31 =	sld [smem:$0x71B]  }
0x48d: {  	[hbm4b:s0+s3] =	stream.linear.scatter [tilespmem:s30], [sflag:$0x7], $0x80, $0x38;
	[tilespmem:$0x11180] =	vst v63  }
0x48e: {  	s0 =	sadd.s32 $0x14A0, s29;
	s30 =	sld [smem:$0x71C]  }
0x48f: {  	[hbm4b:s0+s3] =	stream.linear.scatter [tilespmem:s31], [sflag:$0x7], $0x80, $0x38;
	[tilespmem:$0x11180] =	vst v63  }
0x490: {  	s1 =	sadd.s32 $0x14B0, s29;
	s0 =	sld [smem:$0x71D]  }
0x491: {  	[hbm4b:s1+s3] =	stream.linear.scatter [tilespmem:s30], [sflag:$0x7], $0x80, $0x38;
	[tilespmem:$0x11180] =	vst v63  }
0x492: {  	s30 =	sadd.s32 $0x14C0, s29  }
0x493: {  	[hbm4b:s30+s3] =	stream.linear.scatter [tilespmem:s0], [sflag:$0x7], $0x80, $0x38;
	[tilespmem:$0x11180] =	vst v63  }
0x494: {  	s1 =	sld [smem:$0x71E];
	_ =	sdelay $0x1  }
0x495: {  	s0 =	sadd.s32 $0x14D0, s29;
	s31 =	sld [smem:$0x71F]  }
0x496: {  	[hbm4b:s0+s3] =	stream.linear.scatter [tilespmem:s1], [sflag:$0x7], $0x80, $0x38;
	[tilespmem:$0x11180] =	vst v63  }
0x497: {  	s30 =	sld [smem:$0x720];
	s0 =	sadd.s32 $0x14E0, s29  }
0x498: {  	[hbm4b:s0+s3] =	stream.linear.scatter [tilespmem:s31], [sflag:$0x7], $0x80, $0x38;
	[tilespmem:$0x11180] =	vst v63  }
0x499: {  	s0 =	sadd.s32 $0x14F0, s29;
	s31 =	sld [smem:$0x721]  }
0x49a: {  	[hbm4b:s0+s3] =	stream.linear.scatter [tilespmem:s30], [sflag:$0x7], $0x80, $0x38;
	[tilespmem:$0x11180] =	vst v63  }
0x49b: {  	s0 =	sadd.s32 $0x1100, s29;
	s30 =	sld [smem:$0x722]  }
0x49c: {  	[hbm4b:s0+s3] =	stream.linear.scatter [tilespmem:s31], [sflag:$0x7], $0x80, $0x38;
	[tilespmem:$0x11180] =	vst v63  }
0x49d: {  	s0 =	sadd.s32 $0x1110, s29;
	s31 =	sld [smem:$0x723]  }
0x49e: {  	[hbm4b:s0+s3] =	stream.linear.scatter [tilespmem:s30], [sflag:$0x7], $0x80, $0x38;
	[tilespmem:$0x11180] =	vst v63  }
0x49f: {  	s0 =	sadd.s32 $0x1120, s29;
	s30 =	sld [smem:$0x724]  }
0x4a0: {  	[hbm4b:s0+s3] =	stream.linear.scatter [tilespmem:s31], [sflag:$0x7], $0x80, $0x38;
	[tilespmem:$0x11180] =	vst v63  }
0x4a1: {  	s0 =	sadd.s32 $0x1130, s29;
	s31 =	sld [smem:$0x725]  }
0x4a2: {  	[hbm4b:s0+s3] =	stream.linear.scatter [tilespmem:s30], [sflag:$0x7], $0x80, $0x38;
	[tilespmem:$0x11180] =	vst v63  }
0x4a3: {  	s0 =	sadd.s32 $0x1140, s29;
	s30 =	sld [smem:$0x726]  }
0x4a4: {  	[hbm4b:s0+s3] =	stream.linear.scatter [tilespmem:s31], [sflag:$0x7], $0x80, $0x38;
	[tilespmem:$0x11180] =	vst v63  }
0x4a5: {  	s0 =	sadd.s32 $0x1150, s29;
	s31 =	sld [smem:$0x727]  }
0x4a6: {  	[hbm4b:s0+s3] =	stream.linear.scatter [tilespmem:s30], [sflag:$0x7], $0x80, $0x38;
	[tilespmem:$0x11180] =	vst v63  }
0x4a7: {  	s0 =	sadd.s32 $0x1160, s29;
	s30 =	sld [smem:$0x728]  }
0x4a8: {  	[hbm4b:s0+s3] =	stream.linear.scatter [tilespmem:s31], [sflag:$0x7], $0x80, $0x38;
	[tilespmem:$0x11180] =	vst v63  }
0x4a9: {  	s0 =	sadd.s32 $0x1170, s29;
	s31 =	sld [smem:$0x729]  }
0x4aa: {  	[hbm4b:s0+s3] =	stream.linear.scatter [tilespmem:s30], [sflag:$0x7], $0x80, $0x38;
	[tilespmem:$0x11180] =	vst v63  }
0x4ab: {  	s0 =	sadd.s32 $0x1500, s29;
	s30 =	sld [smem:$0x72A]  }
0x4ac: {  	[hbm4b:s0+s3] =	stream.linear.scatter [tilespmem:s31], [sflag:$0x7], $0x80, $0x38;
	[tilespmem:$0x11180] =	vst v63  }
0x4ad: {  	s0 =	sadd.s32 $0x1510, s29;
	s31 =	sld [smem:$0x72B]  }
0x4ae: {  	[hbm4b:s0+s3] =	stream.linear.scatter [tilespmem:s30], [sflag:$0x7], $0x80, $0x38;
	[tilespmem:$0x11180] =	vst v63  }
0x4af: {  	s0 =	sadd.s32 $0x1520, s29;
	s30 =	sld [smem:$0x72C]  }
0x4b0: {  	[hbm4b:s0+s3] =	stream.linear.scatter [tilespmem:s31], [sflag:$0x7], $0x80, $0x38;
	[tilespmem:$0x11180] =	vst v63  }
0x4b1: {  	s0 =	sadd.s32 $0x1530, s29;
	s31 =	sld [smem:$0x72D]  }
0x4b2: {  	[hbm4b:s0+s3] =	stream.linear.scatter [tilespmem:s30], [sflag:$0x7], $0x80, $0x38;
	[tilespmem:$0x11180] =	vst v63  }
0x4b3: {  	s0 =	sadd.s32 $0x1540, s29;
	s30 =	sld [smem:$0x72E]  }
0x4b4: {  	[hbm4b:s0+s3] =	stream.linear.scatter [tilespmem:s31], [sflag:$0x7], $0x80, $0x38;
	[tilespmem:$0x11180] =	vst v63  }
0x4b5: {  	s0 =	sadd.s32 $0x1550, s29;
	s31 =	sld [smem:$0x72F]  }
0x4b6: {  	[hbm4b:s0+s3] =	stream.linear.scatter [tilespmem:s30], [sflag:$0x7], $0x80, $0x38;
	[tilespmem:$0x11180] =	vst v63  }
0x4b7: {  	s0 =	sadd.s32 $0x1560, s29;
	s30 =	sld [smem:$0x730]  }
0x4b8: {  	[hbm4b:s0+s3] =	stream.linear.scatter [tilespmem:s31], [sflag:$0x7], $0x80, $0x38;
	[tilespmem:$0x11180] =	vst v63  }
0x4b9: {  	s0 =	sadd.s32 $0x1570, s29;
	s31 =	sld [smem:$0x731]  }
0x4ba: {  	[hbm4b:s0+s3] =	stream.linear.scatter [tilespmem:s30], [sflag:$0x7], $0x80, $0x38;
	[tilespmem:$0x11180] =	vst v63  }
0x4bb: {  	s0 =	sadd.s32 $0x1180, s29;
	s30 =	sld [smem:$0x732]  }
0x4bc: {  	[hbm4b:s0+s3] =	stream.linear.scatter [tilespmem:s31], [sflag:$0x7], $0x80, $0x38;
	[tilespmem:$0x11180] =	vst v63  }
0x4bd: {  	s0 =	sadd.s32 $0x1190, s29;
	s31 =	sld [smem:$0x733]  }
0x4be: {  	[hbm4b:s0+s3] =	stream.linear.scatter [tilespmem:s30], [sflag:$0x7], $0x80, $0x38;
	[tilespmem:$0x11180] =	vst v63  }
0x4bf: {  	s0 =	sadd.s32 $0x11A0, s29;
	s30 =	sld [smem:$0x734]  }
0x4c0: {  	[hbm4b:s0+s3] =	stream.linear.scatter [tilespmem:s31], [sflag:$0x7], $0x80, $0x38;
	[tilespmem:$0x11180] =	vst v63  }
0x4c1: {  	s0 =	sadd.s32 $0x11B0, s29;
	s31 =	sld [smem:$0x735]  }
0x4c2: {  	[hbm4b:s0+s3] =	stream.linear.scatter [tilespmem:s30], [sflag:$0x7], $0x80, $0x38;
	[tilespmem:$0x11180] =	vst v63  }
0x4c3: {  	s0 =	sadd.s32 $0x11C0, s29;
	s30 =	sld [smem:$0x736]  }
0x4c4: {  	[hbm4b:s0+s3] =	stream.linear.scatter [tilespmem:s31], [sflag:$0x7], $0x80, $0x38;
	[tilespmem:$0x11180] =	vst v63  }
0x4c5: {  	s0 =	sadd.s32 $0x11D0, s29;
	s31 =	sld [smem:$0x737]  }
0x4c6: {  	[hbm4b:s0+s3] =	stream.linear.scatter [tilespmem:s30], [sflag:$0x7], $0x80, $0x38;
	[tilespmem:$0x11180] =	vst v63  }
0x4c7: {  	s0 =	sadd.s32 $0x11E0, s29;
	s30 =	sld [smem:$0x738]  }
0x4c8: {  	[hbm4b:s0+s3] =	stream.linear.scatter [tilespmem:s31], [sflag:$0x7], $0x80, $0x38;
	[tilespmem:$0x11180] =	vst v63  }
0x4c9: {  	s0 =	sadd.s32 $0x11F0, s29;
	s31 =	sld [smem:$0x739]  }
0x4ca: {  	[hbm4b:s0+s3] =	stream.linear.scatter [tilespmem:s30], [sflag:$0x7], $0x80, $0x38;
	[tilespmem:$0x11180] =	vst v63  }
0x4cb: {  	s0 =	sadd.s32 $0x1580, s29;
	s30 =	sld [smem:$0x73A]  }
0x4cc: {  	[hbm4b:s0+s3] =	stream.linear.scatter [tilespmem:s31], [sflag:$0x7], $0x80, $0x38;
	[tilespmem:$0x11180] =	vst v63  }
0x4cd: {  	s0 =	sadd.s32 $0x1590, s29;
	s31 =	sld [smem:$0x73B]  }
0x4ce: {  	[hbm4b:s0+s3] =	stream.linear.scatter [tilespmem:s30], [sflag:$0x7], $0x80, $0x38;
	[tilespmem:$0x11180] =	vst v63  }
0x4cf: {  	s0 =	sadd.s32 $0x15A0, s29;
	s30 =	sld [smem:$0x73C]  }
0x4d0: {  	[hbm4b:s0+s3] =	stream.linear.scatter [tilespmem:s31], [sflag:$0x7], $0x80, $0x38;
	[tilespmem:$0x11180] =	vst v63  }
0x4d1: {  	s0 =	sadd.s32 $0x15B0, s29;
	s31 =	sld [smem:$0x73D]  }
0x4d2: {  	[hbm4b:s0+s3] =	stream.linear.scatter [tilespmem:s30], [sflag:$0x7], $0x80, $0x38;
	[tilespmem:$0x11180] =	vst v63  }
0x4d3: {  	s0 =	sadd.s32 $0x15C0, s29;
	s30 =	sld [smem:$0x73E]  }
0x4d4: {  	[hbm4b:s0+s3] =	stream.linear.scatter [tilespmem:s31], [sflag:$0x7], $0x80, $0x38;
	[tilespmem:$0x11180] =	vst v63  }
0x4d5: {  	s0 =	sadd.s32 $0x15D0, s29;
	s31 =	sld [smem:$0x73F]  }
0x4d6: {  	[hbm4b:s0+s3] =	stream.linear.scatter [tilespmem:s30], [sflag:$0x7], $0x80, $0x38;
	[tilespmem:$0x11180] =	vst v63  }
0x4d7: {  	s0 =	sadd.s32 $0x15E0, s29;
	s30 =	sld [smem:$0x740]  }
0x4d8: {  	[hbm4b:s0+s3] =	stream.linear.scatter [tilespmem:s31], [sflag:$0x7], $0x80, $0x38;
	[tilespmem:$0x11180] =	vst v63  }
0x4d9: {  	s0 =	sadd.s32 $0x15F0, s29;
	s31 =	sld [smem:$0x741]  }
0x4da: {  	[hbm4b:s0+s3] =	stream.linear.scatter [tilespmem:s30], [sflag:$0x7], $0x80, $0x38;
	[tilespmem:$0x11180] =	vst v63  }
0x4db: {  	s0 =	sadd.s32 $0x1200, s29;
	s30 =	sld [smem:$0x742]  }
0x4dc: {  	[hbm4b:s0+s3] =	stream.linear.scatter [tilespmem:s31], [sflag:$0x7], $0x80, $0x38;
	[tilespmem:$0x11180] =	vst v63  }
0x4dd: {  	s0 =	sadd.s32 $0x1210, s29;
	s31 =	sld [smem:$0x743]  }
0x4de: {  	[hbm4b:s0+s3] =	stream.linear.scatter [tilespmem:s30], [sflag:$0x7], $0x80, $0x38;
	[tilespmem:$0x11180] =	vst v63  }
0x4df: {  	s0 =	sadd.s32 $0x1220, s29;
	s30 =	sld [smem:$0x744]  }
0x4e0: {  	[hbm4b:s0+s3] =	stream.linear.scatter [tilespmem:s31], [sflag:$0x7], $0x80, $0x38;
	[tilespmem:$0x11180] =	vst v63  }
0x4e1: {  	s0 =	sadd.s32 $0x1230, s29;
	s31 =	sld [smem:$0x745]  }
0x4e2: {  	[hbm4b:s0+s3] =	stream.linear.scatter [tilespmem:s30], [sflag:$0x7], $0x80, $0x38;
	[tilespmem:$0x11180] =	vst v63  }
0x4e3: {  	s0 =	sadd.s32 $0x1240, s29;
	s30 =	sld [smem:$0x746]  }
0x4e4: {  	[hbm4b:s0+s3] =	stream.linear.scatter [tilespmem:s31], [sflag:$0x7], $0x80, $0x38;
	[tilespmem:$0x11180] =	vst v63  }
0x4e5: {  	s0 =	sadd.s32 $0x1250, s29;
	s31 =	sld [smem:$0x747]  }
0x4e6: {  	[hbm4b:s0+s3] =	stream.linear.scatter [tilespmem:s30], [sflag:$0x7], $0x80, $0x38;
	[tilespmem:$0x11180] =	vst v63  }
0x4e7: {  	s0 =	sadd.s32 $0x1260, s29;
	s30 =	sld [smem:$0x748]  }
0x4e8: {  	[hbm4b:s0+s3] =	stream.linear.scatter [tilespmem:s31], [sflag:$0x7], $0x80, $0x38;
	[tilespmem:$0x11180] =	vst v63  }
0x4e9: {  	s0 =	sadd.s32 $0x1270, s29;
	s31 =	sld [smem:$0x749]  }
0x4ea: {  	[hbm4b:s0+s3] =	stream.linear.scatter [tilespmem:s30], [sflag:$0x7], $0x80, $0x38;
	[tilespmem:$0x11180] =	vst v63  }
0x4eb: {  	s0 =	sadd.s32 $0x1600, s29;
	s30 =	sld [smem:$0x74A]  }
0x4ec: {  	[hbm4b:s0+s3] =	stream.linear.scatter [tilespmem:s31], [sflag:$0x7], $0x80, $0x38;
	[tilespmem:$0x11180] =	vst v63  }
0x4ed: {  	s0 =	sadd.s32 $0x1610, s29;
	s31 =	sld [smem:$0x74B]  }
0x4ee: {  	[hbm4b:s0+s3] =	stream.linear.scatter [tilespmem:s30], [sflag:$0x7], $0x80, $0x38;
	[tilespmem:$0x11180] =	vst v63  }
0x4ef: {  	s0 =	sadd.s32 $0x1620, s29;
	s30 =	sld [smem:$0x74C]  }
0x4f0: {  	[hbm4b:s0+s3] =	stream.linear.scatter [tilespmem:s31], [sflag:$0x7], $0x80, $0x38;
	[tilespmem:$0x11180] =	vst v63  }
0x4f1: {  	s0 =	sadd.s32 $0x1630, s29;
	s31 =	sld [smem:$0x74D]  }
0x4f2: {  	[hbm4b:s0+s3] =	stream.linear.scatter [tilespmem:s30], [sflag:$0x7], $0x80, $0x38;
	[tilespmem:$0x11180] =	vst v63  }
0x4f3: {  	s0 =	sadd.s32 $0x1640, s29;
	s30 =	sld [smem:$0x74E]  }
0x4f4: {  	[hbm4b:s0+s3] =	stream.linear.scatter [tilespmem:s31], [sflag:$0x7], $0x80, $0x38;
	[tilespmem:$0x11180] =	vst v63  }
0x4f5: {  	s0 =	sadd.s32 $0x1650, s29;
	s31 =	sld [smem:$0x74F]  }
0x4f6: {  	[hbm4b:s0+s3] =	stream.linear.scatter [tilespmem:s30], [sflag:$0x7], $0x80, $0x38;
	[tilespmem:$0x11180] =	vst v63  }
0x4f7: {  	s0 =	sadd.s32 $0x1660, s29;
	s30 =	sld [smem:$0x750]  }
0x4f8: {  	[hbm4b:s0+s3] =	stream.linear.scatter [tilespmem:s31], [sflag:$0x7], $0x80, $0x38;
	[tilespmem:$0x11180] =	vst v63  }
0x4f9: {  	s0 =	sadd.s32 $0x1670, s29;
	s31 =	sld [smem:$0x751]  }
0x4fa: {  	[hbm4b:s0+s3] =	stream.linear.scatter [tilespmem:s30], [sflag:$0x7], $0x80, $0x38;
	[tilespmem:$0x11180] =	vst v63  }
0x4fb: {  	s0 =	sadd.s32 $0x1280, s29;
	s30 =	sld [smem:$0x752]  }
0x4fc: {  	[hbm4b:s0+s3] =	stream.linear.scatter [tilespmem:s31], [sflag:$0x7], $0x80, $0x38;
	[tilespmem:$0x11180] =	vst v63  }
0x4fd: {  	s0 =	sadd.s32 $0x1290, s29;
	s31 =	sld [smem:$0x753]  }
0x4fe: {  	[hbm4b:s0+s3] =	stream.linear.scatter [tilespmem:s30], [sflag:$0x7], $0x80, $0x38;
	[tilespmem:$0x11180] =	vst v63  }
0x4ff: {  	s0 =	sadd.s32 $0x12A0, s29;
	s30 =	sld [smem:$0x754]  }
0x500: {  	[hbm4b:s0+s3] =	stream.linear.scatter [tilespmem:s31], [sflag:$0x7], $0x80, $0x38;
	[tilespmem:$0x11180] =	vst v63  }
0x501: {  	s0 =	sadd.s32 $0x12B0, s29;
	s31 =	sld [smem:$0x755]  }
0x502: {  	[hbm4b:s0+s3] =	stream.linear.scatter [tilespmem:s30], [sflag:$0x7], $0x80, $0x38;
	[tilespmem:$0x11180] =	vst v63  }
0x503: {  	s0 =	sadd.s32 $0x12C0, s29;
	s30 =	sld [smem:$0x756]  }
0x504: {  	[hbm4b:s0+s3] =	stream.linear.scatter [tilespmem:s31], [sflag:$0x7], $0x80, $0x38;
	[tilespmem:$0x11180] =	vst v63  }
0x505: {  	s0 =	sadd.s32 $0x12D0, s29;
	s31 =	sld [smem:$0x757]  }
0x506: {  	[hbm4b:s0+s3] =	stream.linear.scatter [tilespmem:s30], [sflag:$0x7], $0x80, $0x38;
	[tilespmem:$0x11180] =	vst v63  }
0x507: {  	s0 =	sadd.s32 $0x12E0, s29;
	s30 =	sld [smem:$0x758]  }
0x508: {  	[hbm4b:s0+s3] =	stream.linear.scatter [tilespmem:s31], [sflag:$0x7], $0x80, $0x38;
	[tilespmem:$0x11180] =	vst v63  }
0x509: {  	s0 =	sadd.s32 $0x12F0, s29;
	s31 =	sld [smem:$0x759]  }
0x50a: {  	[hbm4b:s0+s3] =	stream.linear.scatter [tilespmem:s30], [sflag:$0x7], $0x80, $0x38;
	[tilespmem:$0x11180] =	vst v63  }
0x50b: {  	s0 =	sadd.s32 $0x1680, s29;
	s30 =	sld [smem:$0x75A]  }
0x50c: {  	[hbm4b:s0+s3] =	stream.linear.scatter [tilespmem:s31], [sflag:$0x7], $0x80, $0x38;
	[tilespmem:$0x11180] =	vst v63  }
0x50d: {  	s0 =	sadd.s32 $0x1690, s29;
	s31 =	sld [smem:$0x75B]  }
0x50e: {  	[hbm4b:s0+s3] =	stream.linear.scatter [tilespmem:s30], [sflag:$0x7], $0x80, $0x38;
	[tilespmem:$0x11180] =	vst v63  }
0x50f: {  	s0 =	sadd.s32 $0x16A0, s29;
	s30 =	sld [smem:$0x75C]  }
0x510: {  	[hbm4b:s0+s3] =	stream.linear.scatter [tilespmem:s31], [sflag:$0x7], $0x80, $0x38;
	[tilespmem:$0x11180] =	vst v63  }
0x511: {  	s0 =	sadd.s32 $0x16B0, s29;
	s31 =	sld [smem:$0x75D]  }
0x512: {  	[hbm4b:s0+s3] =	stream.linear.scatter [tilespmem:s30], [sflag:$0x7], $0x80, $0x38;
	[tilespmem:$0x11180] =	vst v63  }
0x513: {  	s0 =	sadd.s32 $0x16C0, s29;
	s30 =	sld [smem:$0x75E]  }
0x514: {  	[hbm4b:s0+s3] =	stream.linear.scatter [tilespmem:s31], [sflag:$0x7], $0x80, $0x38;
	[tilespmem:$0x11180] =	vst v63  }
0x515: {  	s0 =	sadd.s32 $0x16D0, s29;
	s31 =	sld [smem:$0x75F]  }
0x516: {  	[hbm4b:s0+s3] =	stream.linear.scatter [tilespmem:s30], [sflag:$0x7], $0x80, $0x38;
	[tilespmem:$0x11180] =	vst v63  }
0x517: {  	s0 =	sadd.s32 $0x16E0, s29;
	s30 =	sld [smem:$0x760]  }
0x518: {  	[hbm4b:s0+s3] =	stream.linear.scatter [tilespmem:s31], [sflag:$0x7], $0x80, $0x38;
	[tilespmem:$0x11180] =	vst v63  }
0x519: {  	s0 =	sadd.s32 $0x16F0, s29;
	s31 =	sld [smem:$0x761]  }
0x51a: {  	[hbm4b:s0+s3] =	stream.linear.scatter [tilespmem:s30], [sflag:$0x7], $0x80, $0x38;
	[tilespmem:$0x11180] =	vst v63  }
0x51b: {  	s0 =	sadd.s32 $0x1300, s29;
	s30 =	sld [smem:$0x762]  }
0x51c: {  	[hbm4b:s0+s3] =	stream.linear.scatter [tilespmem:s31], [sflag:$0x7], $0x80, $0x38;
	[tilespmem:$0x11180] =	vst v63  }
0x51d: {  	s0 =	sadd.s32 $0x1310, s29;
	s31 =	sld [smem:$0x763]  }
0x51e: {  	[hbm4b:s0+s3] =	stream.linear.scatter [tilespmem:s30], [sflag:$0x7], $0x80, $0x38;
	[tilespmem:$0x11180] =	vst v63  }
0x51f: {  	s0 =	sadd.s32 $0x1320, s29;
	s30 =	sld [smem:$0x764]  }
0x520: {  	[hbm4b:s0+s3] =	stream.linear.scatter [tilespmem:s31], [sflag:$0x7], $0x80, $0x38;
	[tilespmem:$0x11180] =	vst v63  }
0x521: {  	s0 =	sadd.s32 $0x1330, s29;
	s31 =	sld [smem:$0x765]  }
0x522: {  	[hbm4b:s0+s3] =	stream.linear.scatter [tilespmem:s30], [sflag:$0x7], $0x80, $0x38;
	[tilespmem:$0x11180] =	vst v63  }
0x523: {  	s0 =	sadd.s32 $0x1340, s29;
	s30 =	sld [smem:$0x766]  }
0x524: {  	[hbm4b:s0+s3] =	stream.linear.scatter [tilespmem:s31], [sflag:$0x7], $0x80, $0x38;
	[tilespmem:$0x11180] =	vst v63  }
0x525: {  	s0 =	sadd.s32 $0x1350, s29;
	s31 =	sld [smem:$0x767]  }
0x526: {  	[hbm4b:s0+s3] =	stream.linear.scatter [tilespmem:s30], [sflag:$0x7], $0x80, $0x38;
	[tilespmem:$0x11180] =	vst v63  }
0x527: {  	s0 =	sadd.s32 $0x1360, s29;
	s30 =	sld [smem:$0x768]  }
0x528: {  	[hbm4b:s0+s3] =	stream.linear.scatter [tilespmem:s31], [sflag:$0x7], $0x80, $0x38;
	[tilespmem:$0x11180] =	vst v63  }
0x529: {  	s0 =	sadd.s32 $0x1370, s29;
	s31 =	sld [smem:$0x769]  }
0x52a: {  	[hbm4b:s0+s3] =	stream.linear.scatter [tilespmem:s30], [sflag:$0x7], $0x80, $0x38;
	[tilespmem:$0x11180] =	vst v63  }
0x52b: {  	s0 =	sadd.s32 $0x1700, s29;
	s30 =	sld [smem:$0x76A]  }
0x52c: {  	[hbm4b:s0+s3] =	stream.linear.scatter [tilespmem:s31], [sflag:$0x7], $0x80, $0x38;
	[tilespmem:$0x11180] =	vst v63  }
0x52d: {  	s0 =	sadd.s32 $0x1710, s29;
	s31 =	sld [smem:$0x76B]  }
0x52e: {  	[hbm4b:s0+s3] =	stream.linear.scatter [tilespmem:s30], [sflag:$0x7], $0x80, $0x38;
	[tilespmem:$0x11180] =	vst v63  }
0x52f: {  	s0 =	sadd.s32 $0x1720, s29;
	s30 =	sld [smem:$0x76C]  }
0x530: {  	[hbm4b:s0+s3] =	stream.linear.scatter [tilespmem:s31], [sflag:$0x7], $0x80, $0x38;
	[tilespmem:$0x11180] =	vst v63  }
0x531: {  	s0 =	sadd.s32 $0x1730, s29;
	s31 =	sld [smem:$0x76D]  }
0x532: {  	[hbm4b:s0+s3] =	stream.linear.scatter [tilespmem:s30], [sflag:$0x7], $0x80, $0x38;
	[tilespmem:$0x11180] =	vst v63  }
0x533: {  	s0 =	sadd.s32 $0x1740, s29;
	s30 =	sld [smem:$0x76E]  }
0x534: {  	[hbm4b:s0+s3] =	stream.linear.scatter [tilespmem:s31], [sflag:$0x7], $0x80, $0x38;
	[tilespmem:$0x11180] =	vst v63  }
0x535: {  	s0 =	sadd.s32 $0x1750, s29;
	s31 =	sld [smem:$0x76F]  }
0x536: {  	[hbm4b:s0+s3] =	stream.linear.scatter [tilespmem:s30], [sflag:$0x7], $0x80, $0x38;
	[tilespmem:$0x11180] =	vst v63  }
0x537: {  	s0 =	sadd.s32 $0x1760, s29;
	s30 =	sld [smem:$0x770]  }
0x538: {  	[hbm4b:s0+s3] =	stream.linear.scatter [tilespmem:s31], [sflag:$0x7], $0x80, $0x38;
	[tilespmem:$0x11180] =	vst v63  }
0x539: {  	s0 =	sadd.s32 $0x1770, s29;
	s31 =	sld [smem:$0x771]  }
0x53a: {  	[hbm4b:s0+s3] =	stream.linear.scatter [tilespmem:s30], [sflag:$0x7], $0x80, $0x38;
	[tilespmem:$0x11180] =	vst v63  }
0x53b: {  	s0 =	sadd.s32 $0x1380, s29;
	s30 =	sld [smem:$0x772]  }
0x53c: {  	[hbm4b:s0+s3] =	stream.linear.scatter [tilespmem:s31], [sflag:$0x7], $0x80, $0x38;
	[tilespmem:$0x11180] =	vst v63  }
0x53d: {  	s0 =	sadd.s32 $0x1390, s29;
	s31 =	sld [smem:$0x773]  }
0x53e: {  	[hbm4b:s0+s3] =	stream.linear.scatter [tilespmem:s30], [sflag:$0x7], $0x80, $0x38;
	[tilespmem:$0x11180] =	vst v63  }
0x53f: {  	s0 =	sadd.s32 $0x13A0, s29;
	s30 =	sld [smem:$0x774]  }
0x540: {  	[hbm4b:s0+s3] =	stream.linear.scatter [tilespmem:s31], [sflag:$0x7], $0x80, $0x38;
	[tilespmem:$0x11180] =	vst v63  }
0x541: {  	s0 =	sadd.s32 $0x13B0, s29;
	s31 =	sld [smem:$0x775]  }
0x542: {  	[hbm4b:s0+s3] =	stream.linear.scatter [tilespmem:s30], [sflag:$0x7], $0x80, $0x38;
	[tilespmem:$0x11180] =	vst v63  }
0x543: {  	s0 =	sadd.s32 $0x13C0, s29;
	s30 =	sld [smem:$0x776]  }
0x544: {  	[hbm4b:s0+s3] =	stream.linear.scatter [tilespmem:s31], [sflag:$0x7], $0x80, $0x38;
	[tilespmem:$0x11180] =	vst v63  }
0x545: {  	s0 =	sadd.s32 $0x13D0, s29;
	s31 =	sld [smem:$0x777]  }
0x546: {  	[hbm4b:s0+s3] =	stream.linear.scatter [tilespmem:s30], [sflag:$0x7], $0x80, $0x38;
	[tilespmem:$0x11180] =	vst v63  }
0x547: {  	s0 =	sadd.s32 $0x13E0, s29;
	s30 =	sld [smem:$0x778]  }
0x548: {  	[hbm4b:s0+s3] =	stream.linear.scatter [tilespmem:s31], [sflag:$0x7], $0x80, $0x38;
	[tilespmem:$0x11180] =	vst v63  }
0x549: {  	s0 =	sadd.s32 $0x13F0, s29;
	s31 =	sld [smem:$0x779]  }
0x54a: {  	[hbm4b:s0+s3] =	stream.linear.scatter [tilespmem:s30], [sflag:$0x7], $0x80, $0x38;
	[tilespmem:$0x11180] =	vst v63  }
0x54b: {  	s0 =	sadd.s32 $0x1780, s29;
	s30 =	sld [smem:$0x77A]  }
0x54c: {  	[hbm4b:s0+s3] =	stream.linear.scatter [tilespmem:s31], [sflag:$0x7], $0x80, $0x38;
	[tilespmem:$0x11180] =	vst v63  }
0x54d: {  	s0 =	sadd.s32 $0x1790, s29;
	s31 =	sld [smem:$0x77B]  }
0x54e: {  	[hbm4b:s0+s3] =	stream.linear.scatter [tilespmem:s30], [sflag:$0x7], $0x80, $0x38;
	[tilespmem:$0x11180] =	vst v63  }
0x54f: {  	s0 =	sadd.s32 $0x17A0, s29;
	s30 =	sld [smem:$0x77C]  }
0x550: {  	[hbm4b:s0+s3] =	stream.linear.scatter [tilespmem:s31], [sflag:$0x7], $0x80, $0x38;
	[tilespmem:$0x11180] =	vst v63  }
0x551: {  	s0 =	sadd.s32 $0x17B0, s29;
	s31 =	sld [smem:$0x77D]  }
0x552: {  	[hbm4b:s0+s3] =	stream.linear.scatter [tilespmem:s30], [sflag:$0x7], $0x80, $0x38;
	[tilespmem:$0x11180] =	vst v63  }
0x553: {  	s0 =	sadd.s32 $0x17C0, s29;
	s30 =	sld [smem:$0x77E]  }
0x554: {  	[hbm4b:s0+s3] =	stream.linear.scatter [tilespmem:s31], [sflag:$0x7], $0x80, $0x38;
	[tilespmem:$0x11180] =	vst v63  }
0x555: {  	s0 =	sadd.s32 $0x17D0, s29;
	s31 =	sld [smem:$0x77F]  }
0x556: {  	[hbm4b:s0+s3] =	stream.linear.scatter [tilespmem:s30], [sflag:$0x7], $0x80, $0x38;
	[tilespmem:$0x11180] =	vst v63  }
0x557: {  	p0 =	seq.s32 s28, $0x30000;
	s1 =	sadd.s32 $0x17E0, s29;
	s0 =	sld [smem:$0x780]  }
0x558: {  	[hbm4b:s1+s3] =	stream.linear.scatter [tilespmem:s31], [sflag:$0x7], $0x80, $0x38;
	[tilespmem:$0x11180] =	vst v63  }
0x559: {  	s31 =	sadd.s32 $0x17F0, s29;
	s1 =	simm.s32 @!p0 $0x5  }
0x55a: {  	[hbm4b:s31+s3] =	stream.linear.scatter [tilespmem:s0], [sflag:$0x7], $0x80, $0x38;
	[tilespmem:$0x11180] =	vst v63  }
0x55b: {  	_ =	swait.ge @!p0 [sflag:s1], $0x800  }
0x55c: {  	[sflag:s1] =	ssyncset.done @!p0 $0x0  }
0x55d: {  	[sflag:s1] =	ssyncadd.s32 @!p0 $0xFFFFF800  }
0x55e: {  	_ =	swait.ge @!p0 [sflag:s1], $0x800  }
0x55f: {  	[sflag:s1] =	ssyncset.done @!p0 $0x0  }
0x560: {  	[sflag:s1] =	ssyncadd.s32 @!p0 $0xFFFFF800  }
0x561: {  	_ =	swait.ge @!p0 [sflag:s1], $0x800  }
0x562: {  	[sflag:s1] =	ssyncset.done @!p0 $0x0  }
0x563: {  	[sflag:s1] =	ssyncadd.s32 @!p0 $0xFFFFF800  }
0x564: {  	_ =	swait.ge @!p0 [sflag:s1], $0x800  }
0x565: {  	[sflag:s1] =	ssyncset.done @!p0 $0x0  }
0x566: {  	[sflag:s1] =	ssyncadd.s32 @!p0 $0xFFFFF800  }
0x567: {  	_ =	swait.ge @!p0 [sflag:s1], $0x800  }
0x568: {  	[sflag:s1] =	ssyncset.done @!p0 $0x0  }
0x569: {  	[sflag:s1] =	ssyncadd.s32 @!p0 $0xFFFFF800  }
0x56a: {  	_ =	swait.ge @!p0 [sflag:s1], $0x800  }
0x56b: {  	[sflag:s1] =	ssyncset.done @!p0 $0x0  }
0x56c: {  	[sflag:s1] =	ssyncadd.s32 @!p0 $0xFFFFF800  }
0x56d: {  	_ =	swait.ge @!p0 [sflag:s1], $0x800  }
0x56e: {  	[sflag:s1] =	ssyncset.done @!p0 $0x0  }
0x56f: {  	[sflag:s1] =	ssyncadd.s32 @!p0 $0xFFFFF800  }
0x570: {  	_ =	swait.ge @!p0 [sflag:s1], $0x800  }
0x571: {  	s30 =	simm.s32 @!p0 $0x10;
	[sflag:s1] =	ssyncset.done @!p0 $0x0  }
0x572: {  	s31 =	simm.s32 @!p0 $0xD00;
	[sflag:s1] =	ssyncadd.s32 @!p0 $0xFFFFF800;
	s1 =	sadd.s32 @!p0 $0xFFFFFFF0, s25  }
0x573: {  	[tilespmem:s31], [sflag:$0x1] =	stream.indirect.gather @!p0 [hbm4b:s2+s30], $0x400, s1, s30, $0xb8;
	[tilespmem:$0x11180] =	vst v63  }
0x574: {  	v3 =	vld [tilespmem:s26+$0x0];
	_ =	sdelay $0x4  }
0x575: {  	v3 =	vadd.s32 v0, v3;
	_ =	sdelay $0x3  }
0x576: {  	v4 =	vld.idx.msk [tilespmem:v2+s14+$0x0], $0xffff  }
0x577: {  	v3 =	vld.idx.msk [tilespmem:v3+s14+$0x0], $0xffff;
	_ =	sdelay $0x1  }
0x578: {  	v5 =	vld [tilespmem:$0x11100];
	_ =	sdelay $0x2  }
0x579: {  	v3 =	vsub.f32 v4, v3;
	_ =	sdelay $0x1  }
0x57a: {  	v3 =	vadd.f32 v3, v5;
	_ =	sdelay $0x1  }
0x57b: {  	[tilespmem:$0x11100] =	vst v3  }
0x57c: {  	_ =	swait.ge [sflag:s18], $0x4000  }
0x57d: {  	[sflag:s18] =	ssyncset.done $0x0  }
0x57e: {  	s0 =	sadd.s32 $0x1800, s29;
	s31 =	sld [smem:$0x781];
	[sflag:s18] =	ssyncadd.s32 $0xFFFFC000  }
0x57f: {  	[hbm4b:s0+s3] =	stream.linear.scatter [tilespmem:s16], [sflag:$0x8], $0x80, $0x38;
	[tilespmem:$0x11180] =	vst v63  }
0x580: {  	s1 =	sadd.s32 $0x1810, s29;
	s0 =	sld [smem:$0x782]  }
0x581: {  	[hbm4b:s1+s3] =	stream.linear.scatter [tilespmem:s31], [sflag:$0x8], $0x80, $0x38;
	[tilespmem:$0x11180] =	vst v63  }
0x582: {  	s1 =	sadd.s32 $0x1820, s29;
	s31 =	sld [smem:$0x783]  }
0x583: {  	[hbm4b:s1+s3] =	stream.linear.scatter [tilespmem:s0], [sflag:$0x8], $0x80, $0x38;
	[tilespmem:$0x11180] =	vst v63  }
0x584: {  	s0 =	sadd.s32 $0x1830, s29;
	s1 =	sld [smem:$0x784]  }
0x585: {  	[hbm4b:s0+s3] =	stream.linear.scatter [tilespmem:s31], [sflag:$0x8], $0x80, $0x38;
	[tilespmem:$0x11180] =	vst v63  }
0x586: {  	s0 =	sadd.s32 $0x1840, s29;
	s31 =	sld [smem:$0x785]  }
0x587: {  	[hbm4b:s0+s3] =	stream.linear.scatter [tilespmem:s1], [sflag:$0x8], $0x80, $0x38;
	[tilespmem:$0x11180] =	vst v63  }
0x588: {  	s0 =	sadd.s32 $0x1850, s29;
	s1 =	sld [smem:$0x786]  }
0x589: {  	[hbm4b:s0+s3] =	stream.linear.scatter [tilespmem:s31], [sflag:$0x8], $0x80, $0x38;
	[tilespmem:$0x11180] =	vst v63  }
0x58a: {  	s0 =	sadd.s32 $0x1860, s29;
	s31 =	sld [smem:$0x787]  }
0x58b: {  	[hbm4b:s0+s3] =	stream.linear.scatter [tilespmem:s1], [sflag:$0x8], $0x80, $0x38;
	[tilespmem:$0x11180] =	vst v63  }
0x58c: {  	s0 =	sadd.s32 $0x1870, s29;
	s1 =	sld [smem:$0x788]  }
0x58d: {  	[hbm4b:s0+s3] =	stream.linear.scatter [tilespmem:s31], [sflag:$0x8], $0x80, $0x38;
	[tilespmem:$0x11180] =	vst v63  }
0x58e: {  	s0 =	sadd.s32 $0x1C00, s29;
	s31 =	sld [smem:$0x789]  }
0x58f: {  	[hbm4b:s0+s3] =	stream.linear.scatter [tilespmem:s1], [sflag:$0x8], $0x80, $0x38;
	[tilespmem:$0x11180] =	vst v63  }
0x590: {  	s0 =	sadd.s32 $0x1C10, s29;
	s1 =	sld [smem:$0x78A]  }
0x591: {  	[hbm4b:s0+s3] =	stream.linear.scatter [tilespmem:s31], [sflag:$0x8], $0x80, $0x38;
	[tilespmem:$0x11180] =	vst v63  }
0x592: {  	s0 =	sadd.s32 $0x1C20, s29;
	s31 =	sld [smem:$0x78B]  }
0x593: {  	[hbm4b:s0+s3] =	stream.linear.scatter [tilespmem:s1], [sflag:$0x8], $0x80, $0x38;
	[tilespmem:$0x11180] =	vst v63  }
0x594: {  	s0 =	sadd.s32 $0x1C30, s29;
	s1 =	sld [smem:$0x78C]  }
0x595: {  	[hbm4b:s0+s3] =	stream.linear.scatter [tilespmem:s31], [sflag:$0x8], $0x80, $0x38;
	[tilespmem:$0x11180] =	vst v63  }
0x596: {  	s0 =	sadd.s32 $0x1C40, s29;
	s31 =	sld [smem:$0x78D]  }
0x597: {  	[hbm4b:s0+s3] =	stream.linear.scatter [tilespmem:s1], [sflag:$0x8], $0x80, $0x38;
	[tilespmem:$0x11180] =	vst v63  }
0x598: {  	s0 =	sadd.s32 $0x1C50, s29;
	s1 =	sld [smem:$0x78E]  }
0x599: {  	[hbm4b:s0+s3] =	stream.linear.scatter [tilespmem:s31], [sflag:$0x8], $0x80, $0x38;
	[tilespmem:$0x11180] =	vst v63  }
0x59a: {  	s0 =	sadd.s32 $0x1C60, s29;
	s31 =	sld [smem:$0x792]  }
0x59b: {  	[hbm4b:s0+s3] =	stream.linear.scatter [tilespmem:s1], [sflag:$0x8], $0x80, $0x38;
	[tilespmem:$0x11180] =	vst v63  }
0x59c: {  	s0 =	sadd.s32 $0x1C70, s29;
	s1 =	sld [smem:$0x793]  }
0x59d: {  	[hbm4b:s0+s3] =	stream.linear.scatter [tilespmem:s31], [sflag:$0x8], $0x80, $0x38;
	[tilespmem:$0x11180] =	vst v63  }
0x59e: {  	s0 =	sadd.s32 $0x1880, s29;
	s31 =	sld [smem:$0x794]  }
0x59f: {  	[hbm4b:s0+s3] =	stream.linear.scatter [tilespmem:s1], [sflag:$0x8], $0x80, $0x38;
	[tilespmem:$0x11180] =	vst v63  }
0x5a0: {  	s0 =	sadd.s32 $0x1890, s29;
	s1 =	sld [smem:$0x795]  }
0x5a1: {  	[hbm4b:s0+s3] =	stream.linear.scatter [tilespmem:s31], [sflag:$0x8], $0x80, $0x38;
	[tilespmem:$0x11180] =	vst v63  }
0x5a2: {  	s0 =	sadd.s32 $0x18A0, s29;
	s31 =	sld [smem:$0x796]  }
0x5a3: {  	[hbm4b:s0+s3] =	stream.linear.scatter [tilespmem:s1], [sflag:$0x8], $0x80, $0x38;
	[tilespmem:$0x11180] =	vst v63  }
0x5a4: {  	s0 =	sadd.s32 $0x18B0, s29;
	s1 =	sld [smem:$0x797]  }
0x5a5: {  	[hbm4b:s0+s3] =	stream.linear.scatter [tilespmem:s31], [sflag:$0x8], $0x80, $0x38;
	[tilespmem:$0x11180] =	vst v63  }
0x5a6: {  	s0 =	sadd.s32 $0x18C0, s29;
	s31 =	sld [smem:$0x798]  }
0x5a7: {  	[hbm4b:s0+s3] =	stream.linear.scatter [tilespmem:s1], [sflag:$0x8], $0x80, $0x38;
	[tilespmem:$0x11180] =	vst v63  }
0x5a8: {  	s0 =	sadd.s32 $0x18D0, s29;
	s1 =	sld [smem:$0x799]  }
0x5a9: {  	[hbm4b:s0+s3] =	stream.linear.scatter [tilespmem:s31], [sflag:$0x8], $0x80, $0x38;
	[tilespmem:$0x11180] =	vst v63  }
0x5aa: {  	s0 =	sadd.s32 $0x18E0, s29;
	s31 =	sld [smem:$0x79A]  }
0x5ab: {  	[hbm4b:s0+s3] =	stream.linear.scatter [tilespmem:s1], [sflag:$0x8], $0x80, $0x38;
	[tilespmem:$0x11180] =	vst v63  }
0x5ac: {  	s0 =	sadd.s32 $0x18F0, s29;
	s1 =	sld [smem:$0x79B]  }
0x5ad: {  	[hbm4b:s0+s3] =	stream.linear.scatter [tilespmem:s31], [sflag:$0x8], $0x80, $0x38;
	[tilespmem:$0x11180] =	vst v63  }
0x5ae: {  	s0 =	sadd.s32 $0x1C80, s29;
	s31 =	sld [smem:$0x79C]  }
0x5af: {  	[hbm4b:s0+s3] =	stream.linear.scatter [tilespmem:s1], [sflag:$0x8], $0x80, $0x38;
	[tilespmem:$0x11180] =	vst v63  }
0x5b0: {  	s0 =	sadd.s32 $0x1C90, s29;
	s1 =	sld [smem:$0x79D]  }
0x5b1: {  	[hbm4b:s0+s3] =	stream.linear.scatter [tilespmem:s31], [sflag:$0x8], $0x80, $0x38;
	[tilespmem:$0x11180] =	vst v63  }
0x5b2: {  	s0 =	sadd.s32 $0x1CA0, s29;
	s31 =	sld [smem:$0x79E]  }
0x5b3: {  	[hbm4b:s0+s3] =	stream.linear.scatter [tilespmem:s1], [sflag:$0x8], $0x80, $0x38;
	[tilespmem:$0x11180] =	vst v63  }
0x5b4: {  	s0 =	sadd.s32 $0x1CB0, s29;
	s1 =	sld [smem:$0x79F]  }
0x5b5: {  	[hbm4b:s0+s3] =	stream.linear.scatter [tilespmem:s31], [sflag:$0x8], $0x80, $0x38;
	[tilespmem:$0x11180] =	vst v63  }
0x5b6: {  	s0 =	sadd.s32 $0x1CC0, s29;
	s31 =	sld [smem:$0x7A0]  }
0x5b7: {  	[hbm4b:s0+s3] =	stream.linear.scatter [tilespmem:s1], [sflag:$0x8], $0x80, $0x38;
	[tilespmem:$0x11180] =	vst v63  }
0x5b8: {  	s0 =	sadd.s32 $0x1CD0, s29;
	s1 =	sld [smem:$0x7A1]  }
0x5b9: {  	[hbm4b:s0+s3] =	stream.linear.scatter [tilespmem:s31], [sflag:$0x8], $0x80, $0x38;
	[tilespmem:$0x11180] =	vst v63  }
0x5ba: {  	s0 =	sadd.s32 $0x1CE0, s29;
	s31 =	sld [smem:$0x7A2]  }
0x5bb: {  	[hbm4b:s0+s3] =	stream.linear.scatter [tilespmem:s1], [sflag:$0x8], $0x80, $0x38;
	[tilespmem:$0x11180] =	vst v63  }
0x5bc: {  	s0 =	sadd.s32 $0x1CF0, s29;
	s1 =	sld [smem:$0x7A3]  }
0x5bd: {  	[hbm4b:s0+s3] =	stream.linear.scatter [tilespmem:s31], [sflag:$0x8], $0x80, $0x38;
	[tilespmem:$0x11180] =	vst v63  }
0x5be: {  	s0 =	sadd.s32 $0x1900, s29;
	s31 =	sld [smem:$0x7A4]  }
0x5bf: {  	[hbm4b:s0+s3] =	stream.linear.scatter [tilespmem:s1], [sflag:$0x8], $0x80, $0x38;
	[tilespmem:$0x11180] =	vst v63  }
0x5c0: {  	s0 =	sadd.s32 $0x1910, s29;
	s1 =	sld [smem:$0x7A5]  }
0x5c1: {  	[hbm4b:s0+s3] =	stream.linear.scatter [tilespmem:s31], [sflag:$0x8], $0x80, $0x38;
	[tilespmem:$0x11180] =	vst v63  }
0x5c2: {  	s0 =	sadd.s32 $0x1920, s29;
	s31 =	sld [smem:$0x7A6]  }
0x5c3: {  	[hbm4b:s0+s3] =	stream.linear.scatter [tilespmem:s1], [sflag:$0x8], $0x80, $0x38;
	[tilespmem:$0x11180] =	vst v63  }
0x5c4: {  	s0 =	sadd.s32 $0x1930, s29;
	s1 =	sld [smem:$0x7A7]  }
0x5c5: {  	[hbm4b:s0+s3] =	stream.linear.scatter [tilespmem:s31], [sflag:$0x8], $0x80, $0x38;
	[tilespmem:$0x11180] =	vst v63  }
0x5c6: {  	s0 =	sadd.s32 $0x1940, s29;
	s31 =	sld [smem:$0x7A8]  }
0x5c7: {  	[hbm4b:s0+s3] =	stream.linear.scatter [tilespmem:s1], [sflag:$0x8], $0x80, $0x38;
	[tilespmem:$0x11180] =	vst v63  }
0x5c8: {  	s0 =	sadd.s32 $0x1950, s29;
	s1 =	sld [smem:$0x7A9]  }
0x5c9: {  	[hbm4b:s0+s3] =	stream.linear.scatter [tilespmem:s31], [sflag:$0x8], $0x80, $0x38;
	[tilespmem:$0x11180] =	vst v63  }
0x5ca: {  	s0 =	sadd.s32 $0x1960, s29;
	s31 =	sld [smem:$0x7AA]  }
0x5cb: {  	[hbm4b:s0+s3] =	stream.linear.scatter [tilespmem:s1], [sflag:$0x8], $0x80, $0x38;
	[tilespmem:$0x11180] =	vst v63  }
0x5cc: {  	s0 =	sadd.s32 $0x1970, s29;
	s1 =	sld [smem:$0x7AB]  }
0x5cd: {  	[hbm4b:s0+s3] =	stream.linear.scatter [tilespmem:s31], [sflag:$0x8], $0x80, $0x38;
	[tilespmem:$0x11180] =	vst v63  }
0x5ce: {  	s0 =	sadd.s32 $0x1D00, s29;
	s31 =	sld [smem:$0x7AC]  }
0x5cf: {  	[hbm4b:s0+s3] =	stream.linear.scatter [tilespmem:s1], [sflag:$0x8], $0x80, $0x38;
	[tilespmem:$0x11180] =	vst v63  }
0x5d0: {  	s0 =	sadd.s32 $0x1D10, s29;
	s1 =	sld [smem:$0x7AD]  }
0x5d1: {  	[hbm4b:s0+s3] =	stream.linear.scatter [tilespmem:s31], [sflag:$0x8], $0x80, $0x38;
	[tilespmem:$0x11180] =	vst v63  }
0x5d2: {  	s0 =	sadd.s32 $0x1D20, s29;
	s31 =	sld [smem:$0x7AE]  }
0x5d3: {  	[hbm4b:s0+s3] =	stream.linear.scatter [tilespmem:s1], [sflag:$0x8], $0x80, $0x38;
	[tilespmem:$0x11180] =	vst v63  }
0x5d4: {  	s0 =	sadd.s32 $0x1D30, s29;
	s1 =	sld [smem:$0x7AF]  }
0x5d5: {  	[hbm4b:s0+s3] =	stream.linear.scatter [tilespmem:s31], [sflag:$0x8], $0x80, $0x38;
	[tilespmem:$0x11180] =	vst v63  }
0x5d6: {  	s0 =	sadd.s32 $0x1D40, s29;
	s31 =	sld [smem:$0x7B0]  }
0x5d7: {  	[hbm4b:s0+s3] =	stream.linear.scatter [tilespmem:s1], [sflag:$0x8], $0x80, $0x38;
	[tilespmem:$0x11180] =	vst v63  }
0x5d8: {  	s0 =	sadd.s32 $0x1D50, s29;
	s1 =	sld [smem:$0x7B1]  }
0x5d9: {  	[hbm4b:s0+s3] =	stream.linear.scatter [tilespmem:s31], [sflag:$0x8], $0x80, $0x38;
	[tilespmem:$0x11180] =	vst v63  }
0x5da: {  	s0 =	sadd.s32 $0x1D60, s29;
	s31 =	sld [smem:$0x7B2]  }
0x5db: {  	[hbm4b:s0+s3] =	stream.linear.scatter [tilespmem:s1], [sflag:$0x8], $0x80, $0x38;
	[tilespmem:$0x11180] =	vst v63  }
0x5dc: {  	s0 =	sadd.s32 $0x1D70, s29;
	s1 =	sld [smem:$0x7B3]  }
0x5dd: {  	[hbm4b:s0+s3] =	stream.linear.scatter [tilespmem:s31], [sflag:$0x8], $0x80, $0x38;
	[tilespmem:$0x11180] =	vst v63  }
0x5de: {  	s0 =	sadd.s32 $0x1980, s29;
	s31 =	sld [smem:$0x7B4]  }
0x5df: {  	[hbm4b:s0+s3] =	stream.linear.scatter [tilespmem:s1], [sflag:$0x8], $0x80, $0x38;
	[tilespmem:$0x11180] =	vst v63  }
0x5e0: {  	s0 =	sadd.s32 $0x1990, s29;
	s1 =	sld [smem:$0x7B5]  }
0x5e1: {  	[hbm4b:s0+s3] =	stream.linear.scatter [tilespmem:s31], [sflag:$0x8], $0x80, $0x38;
	[tilespmem:$0x11180] =	vst v63  }
0x5e2: {  	s0 =	sadd.s32 $0x19A0, s29;
	s31 =	sld [smem:$0x7B6]  }
0x5e3: {  	[hbm4b:s0+s3] =	stream.linear.scatter [tilespmem:s1], [sflag:$0x8], $0x80, $0x38;
	[tilespmem:$0x11180] =	vst v63  }
0x5e4: {  	s0 =	sadd.s32 $0x19B0, s29;
	s1 =	sld [smem:$0x7B7]  }
0x5e5: {  	[hbm4b:s0+s3] =	stream.linear.scatter [tilespmem:s31], [sflag:$0x8], $0x80, $0x38;
	[tilespmem:$0x11180] =	vst v63  }
0x5e6: {  	s0 =	sadd.s32 $0x19C0, s29;
	s31 =	sld [smem:$0x7B8]  }
0x5e7: {  	[hbm4b:s0+s3] =	stream.linear.scatter [tilespmem:s1], [sflag:$0x8], $0x80, $0x38;
	[tilespmem:$0x11180] =	vst v63  }
0x5e8: {  	s0 =	sadd.s32 $0x19D0, s29;
	s1 =	sld [smem:$0x7B9]  }
0x5e9: {  	[hbm4b:s0+s3] =	stream.linear.scatter [tilespmem:s31], [sflag:$0x8], $0x80, $0x38;
	[tilespmem:$0x11180] =	vst v63  }
0x5ea: {  	s0 =	sadd.s32 $0x19E0, s29;
	s31 =	sld [smem:$0x7BA]  }
0x5eb: {  	[hbm4b:s0+s3] =	stream.linear.scatter [tilespmem:s1], [sflag:$0x8], $0x80, $0x38;
	[tilespmem:$0x11180] =	vst v63  }
0x5ec: {  	s0 =	sadd.s32 $0x19F0, s29;
	s1 =	sld [smem:$0x7BB]  }
0x5ed: {  	[hbm4b:s0+s3] =	stream.linear.scatter [tilespmem:s31], [sflag:$0x8], $0x80, $0x38;
	[tilespmem:$0x11180] =	vst v63  }
0x5ee: {  	s0 =	sadd.s32 $0x1D80, s29;
	s31 =	sld [smem:$0x7BC]  }
0x5ef: {  	[hbm4b:s0+s3] =	stream.linear.scatter [tilespmem:s1], [sflag:$0x8], $0x80, $0x38;
	[tilespmem:$0x11180] =	vst v63  }
0x5f0: {  	s0 =	sadd.s32 $0x1D90, s29;
	s1 =	sld [smem:$0x7BD]  }
0x5f1: {  	[hbm4b:s0+s3] =	stream.linear.scatter [tilespmem:s31], [sflag:$0x8], $0x80, $0x38;
	[tilespmem:$0x11180] =	vst v63  }
0x5f2: {  	s0 =	sadd.s32 $0x1DA0, s29;
	s31 =	sld [smem:$0x7BE]  }
0x5f3: {  	[hbm4b:s0+s3] =	stream.linear.scatter [tilespmem:s1], [sflag:$0x8], $0x80, $0x38;
	[tilespmem:$0x11180] =	vst v63  }
0x5f4: {  	s0 =	sadd.s32 $0x1DB0, s29;
	s1 =	sld [smem:$0x7BF]  }
0x5f5: {  	[hbm4b:s0+s3] =	stream.linear.scatter [tilespmem:s31], [sflag:$0x8], $0x80, $0x38;
	[tilespmem:$0x11180] =	vst v63  }
0x5f6: {  	s0 =	sadd.s32 $0x1DC0, s29;
	s31 =	sld [smem:$0x7C0]  }
0x5f7: {  	[hbm4b:s0+s3] =	stream.linear.scatter [tilespmem:s1], [sflag:$0x8], $0x80, $0x38;
	[tilespmem:$0x11180] =	vst v63  }
0x5f8: {  	s0 =	sadd.s32 $0x1DD0, s29;
	s1 =	sld [smem:$0x7C1]  }
0x5f9: {  	[hbm4b:s0+s3] =	stream.linear.scatter [tilespmem:s31], [sflag:$0x8], $0x80, $0x38;
	[tilespmem:$0x11180] =	vst v63  }
0x5fa: {  	s0 =	sadd.s32 $0x1DE0, s29;
	s31 =	sld [smem:$0x7C2]  }
0x5fb: {  	[hbm4b:s0+s3] =	stream.linear.scatter [tilespmem:s1], [sflag:$0x8], $0x80, $0x38;
	[tilespmem:$0x11180] =	vst v63  }
0x5fc: {  	s0 =	sadd.s32 $0x1DF0, s29;
	s1 =	sld [smem:$0x7C3]  }
0x5fd: {  	[hbm4b:s0+s3] =	stream.linear.scatter [tilespmem:s31], [sflag:$0x8], $0x80, $0x38;
	[tilespmem:$0x11180] =	vst v63  }
0x5fe: {  	s0 =	sadd.s32 $0x1A00, s29;
	s31 =	sld [smem:$0x7C4]  }
0x5ff: {  	[hbm4b:s0+s3] =	stream.linear.scatter [tilespmem:s1], [sflag:$0x8], $0x80, $0x38;
	[tilespmem:$0x11180] =	vst v63  }
0x600: {  	s0 =	sadd.s32 $0x1A10, s29;
	s1 =	sld [smem:$0x7C5]  }
0x601: {  	[hbm4b:s0+s3] =	stream.linear.scatter [tilespmem:s31], [sflag:$0x8], $0x80, $0x38;
	[tilespmem:$0x11180] =	vst v63  }
0x602: {  	s0 =	sadd.s32 $0x1A20, s29;
	s31 =	sld [smem:$0x7C6]  }
0x603: {  	[hbm4b:s0+s3] =	stream.linear.scatter [tilespmem:s1], [sflag:$0x8], $0x80, $0x38;
	[tilespmem:$0x11180] =	vst v63  }
0x604: {  	s0 =	sadd.s32 $0x1A30, s29;
	s1 =	sld [smem:$0x7C7]  }
0x605: {  	[hbm4b:s0+s3] =	stream.linear.scatter [tilespmem:s31], [sflag:$0x8], $0x80, $0x38;
	[tilespmem:$0x11180] =	vst v63  }
0x606: {  	s0 =	sadd.s32 $0x1A40, s29;
	s31 =	sld [smem:$0x7C8]  }
0x607: {  	[hbm4b:s0+s3] =	stream.linear.scatter [tilespmem:s1], [sflag:$0x8], $0x80, $0x38;
	[tilespmem:$0x11180] =	vst v63  }
0x608: {  	s0 =	sadd.s32 $0x1A50, s29;
	s1 =	sld [smem:$0x7C9]  }
0x609: {  	[hbm4b:s0+s3] =	stream.linear.scatter [tilespmem:s31], [sflag:$0x8], $0x80, $0x38;
	[tilespmem:$0x11180] =	vst v63  }
0x60a: {  	s0 =	sadd.s32 $0x1A60, s29;
	s31 =	sld [smem:$0x7CA]  }
0x60b: {  	[hbm4b:s0+s3] =	stream.linear.scatter [tilespmem:s1], [sflag:$0x8], $0x80, $0x38;
	[tilespmem:$0x11180] =	vst v63  }
0x60c: {  	s0 =	sadd.s32 $0x1A70, s29;
	s1 =	sld [smem:$0x7CB]  }
0x60d: {  	[hbm4b:s0+s3] =	stream.linear.scatter [tilespmem:s31], [sflag:$0x8], $0x80, $0x38;
	[tilespmem:$0x11180] =	vst v63  }
0x60e: {  	s0 =	sadd.s32 $0x1E00, s29;
	s31 =	sld [smem:$0x7CC]  }
0x60f: {  	[hbm4b:s0+s3] =	stream.linear.scatter [tilespmem:s1], [sflag:$0x8], $0x80, $0x38;
	[tilespmem:$0x11180] =	vst v63  }
0x610: {  	s0 =	sadd.s32 $0x1E10, s29;
	s1 =	sld [smem:$0x7CD]  }
0x611: {  	[hbm4b:s0+s3] =	stream.linear.scatter [tilespmem:s31], [sflag:$0x8], $0x80, $0x38;
	[tilespmem:$0x11180] =	vst v63  }
0x612: {  	s0 =	sadd.s32 $0x1E20, s29;
	s31 =	sld [smem:$0x7CE]  }
0x613: {  	[hbm4b:s0+s3] =	stream.linear.scatter [tilespmem:s1], [sflag:$0x8], $0x80, $0x38;
	[tilespmem:$0x11180] =	vst v63  }
0x614: {  	s0 =	sadd.s32 $0x1E30, s29;
	s1 =	sld [smem:$0x7CF]  }
0x615: {  	[hbm4b:s0+s3] =	stream.linear.scatter [tilespmem:s31], [sflag:$0x8], $0x80, $0x38;
	[tilespmem:$0x11180] =	vst v63  }
0x616: {  	s0 =	sadd.s32 $0x1E40, s29;
	s31 =	sld [smem:$0x7D0]  }
0x617: {  	[hbm4b:s0+s3] =	stream.linear.scatter [tilespmem:s1], [sflag:$0x8], $0x80, $0x38;
	[tilespmem:$0x11180] =	vst v63  }
0x618: {  	s0 =	sadd.s32 $0x1E50, s29;
	s1 =	sld [smem:$0x7D1]  }
0x619: {  	[hbm4b:s0+s3] =	stream.linear.scatter [tilespmem:s31], [sflag:$0x8], $0x80, $0x38;
	[tilespmem:$0x11180] =	vst v63  }
0x61a: {  	s0 =	sadd.s32 $0x1E60, s29;
	s31 =	sld [smem:$0x7D2]  }
0x61b: {  	[hbm4b:s0+s3] =	stream.linear.scatter [tilespmem:s1], [sflag:$0x8], $0x80, $0x38;
	[tilespmem:$0x11180] =	vst v63  }
0x61c: {  	s0 =	sadd.s32 $0x1E70, s29;
	s1 =	sld [smem:$0x7D3]  }
0x61d: {  	[hbm4b:s0+s3] =	stream.linear.scatter [tilespmem:s31], [sflag:$0x8], $0x80, $0x38;
	[tilespmem:$0x11180] =	vst v63  }
0x61e: {  	s0 =	sadd.s32 $0x1A80, s29;
	s31 =	sld [smem:$0x7D4]  }
0x61f: {  	[hbm4b:s0+s3] =	stream.linear.scatter [tilespmem:s1], [sflag:$0x8], $0x80, $0x38;
	[tilespmem:$0x11180] =	vst v63  }
0x620: {  	s0 =	sadd.s32 $0x1A90, s29;
	s1 =	sld [smem:$0x7D5]  }
0x621: {  	[hbm4b:s0+s3] =	stream.linear.scatter [tilespmem:s31], [sflag:$0x8], $0x80, $0x38;
	[tilespmem:$0x11180] =	vst v63  }
0x622: {  	s0 =	sadd.s32 $0x1AA0, s29;
	s31 =	sld [smem:$0x7D6]  }
0x623: {  	[hbm4b:s0+s3] =	stream.linear.scatter [tilespmem:s1], [sflag:$0x8], $0x80, $0x38;
	[tilespmem:$0x11180] =	vst v63  }
0x624: {  	s0 =	sadd.s32 $0x1AB0, s29;
	s1 =	sld [smem:$0x7D7]  }
0x625: {  	[hbm4b:s0+s3] =	stream.linear.scatter [tilespmem:s31], [sflag:$0x8], $0x80, $0x38;
	[tilespmem:$0x11180] =	vst v63  }
0x626: {  	s0 =	sadd.s32 $0x1AC0, s29;
	s31 =	sld [smem:$0x7D8]  }
0x627: {  	[hbm4b:s0+s3] =	stream.linear.scatter [tilespmem:s1], [sflag:$0x8], $0x80, $0x38;
	[tilespmem:$0x11180] =	vst v63  }
0x628: {  	s0 =	sadd.s32 $0x1AD0, s29;
	s1 =	sld [smem:$0x7D9]  }
0x629: {  	[hbm4b:s0+s3] =	stream.linear.scatter [tilespmem:s31], [sflag:$0x8], $0x80, $0x38;
	[tilespmem:$0x11180] =	vst v63  }
0x62a: {  	s0 =	sadd.s32 $0x1AE0, s29;
	s31 =	sld [smem:$0x7DA]  }
0x62b: {  	[hbm4b:s0+s3] =	stream.linear.scatter [tilespmem:s1], [sflag:$0x8], $0x80, $0x38;
	[tilespmem:$0x11180] =	vst v63  }
0x62c: {  	s0 =	sadd.s32 $0x1AF0, s29;
	s1 =	sld [smem:$0x7DB]  }
0x62d: {  	[hbm4b:s0+s3] =	stream.linear.scatter [tilespmem:s31], [sflag:$0x8], $0x80, $0x38;
	[tilespmem:$0x11180] =	vst v63  }
0x62e: {  	s0 =	sadd.s32 $0x1E80, s29;
	s31 =	sld [smem:$0x7DC]  }
0x62f: {  	[hbm4b:s0+s3] =	stream.linear.scatter [tilespmem:s1], [sflag:$0x8], $0x80, $0x38;
	[tilespmem:$0x11180] =	vst v63  }
0x630: {  	s0 =	sadd.s32 $0x1E90, s29;
	s1 =	sld [smem:$0x7DD]  }
0x631: {  	[hbm4b:s0+s3] =	stream.linear.scatter [tilespmem:s31], [sflag:$0x8], $0x80, $0x38;
	[tilespmem:$0x11180] =	vst v63  }
0x632: {  	s0 =	sadd.s32 $0x1EA0, s29;
	s31 =	sld [smem:$0x7DE]  }
0x633: {  	[hbm4b:s0+s3] =	stream.linear.scatter [tilespmem:s1], [sflag:$0x8], $0x80, $0x38;
	[tilespmem:$0x11180] =	vst v63  }
0x634: {  	s0 =	sadd.s32 $0x1EB0, s29;
	s1 =	sld [smem:$0x7DF]  }
0x635: {  	[hbm4b:s0+s3] =	stream.linear.scatter [tilespmem:s31], [sflag:$0x8], $0x80, $0x38;
	[tilespmem:$0x11180] =	vst v63  }
0x636: {  	s0 =	sadd.s32 $0x1EC0, s29;
	s31 =	sld [smem:$0x7E0]  }
0x637: {  	[hbm4b:s0+s3] =	stream.linear.scatter [tilespmem:s1], [sflag:$0x8], $0x80, $0x38;
	[tilespmem:$0x11180] =	vst v63  }
0x638: {  	s0 =	sadd.s32 $0x1ED0, s29;
	s1 =	sld [smem:$0x7E1]  }
0x639: {  	[hbm4b:s0+s3] =	stream.linear.scatter [tilespmem:s31], [sflag:$0x8], $0x80, $0x38;
	[tilespmem:$0x11180] =	vst v63  }
0x63a: {  	s0 =	sadd.s32 $0x1EE0, s29;
	s31 =	sld [smem:$0x7E2]  }
0x63b: {  	[hbm4b:s0+s3] =	stream.linear.scatter [tilespmem:s1], [sflag:$0x8], $0x80, $0x38;
	[tilespmem:$0x11180] =	vst v63  }
0x63c: {  	s0 =	sadd.s32 $0x1EF0, s29;
	s1 =	sld [smem:$0x7E3]  }
0x63d: {  	[hbm4b:s0+s3] =	stream.linear.scatter [tilespmem:s31], [sflag:$0x8], $0x80, $0x38;
	[tilespmem:$0x11180] =	vst v63  }
0x63e: {  	s0 =	sadd.s32 $0x1B00, s29;
	s31 =	sld [smem:$0x7E4]  }
0x63f: {  	[hbm4b:s0+s3] =	stream.linear.scatter [tilespmem:s1], [sflag:$0x8], $0x80, $0x38;
	[tilespmem:$0x11180] =	vst v63  }
0x640: {  	s0 =	sadd.s32 $0x1B10, s29;
	s1 =	sld [smem:$0x7E5]  }
0x641: {  	[hbm4b:s0+s3] =	stream.linear.scatter [tilespmem:s31], [sflag:$0x8], $0x80, $0x38;
	[tilespmem:$0x11180] =	vst v63  }
0x642: {  	s0 =	sadd.s32 $0x1B20, s29;
	s31 =	sld [smem:$0x7E6]  }
0x643: {  	[hbm4b:s0+s3] =	stream.linear.scatter [tilespmem:s1], [sflag:$0x8], $0x80, $0x38;
	[tilespmem:$0x11180] =	vst v63  }
0x644: {  	s0 =	sadd.s32 $0x1B30, s29;
	s1 =	sld [smem:$0x7E7]  }
0x645: {  	[hbm4b:s0+s3] =	stream.linear.scatter [tilespmem:s31], [sflag:$0x8], $0x80, $0x38;
	[tilespmem:$0x11180] =	vst v63  }
0x646: {  	s0 =	sadd.s32 $0x1B40, s29;
	s31 =	sld [smem:$0x7E8]  }
0x647: {  	[hbm4b:s0+s3] =	stream.linear.scatter [tilespmem:s1], [sflag:$0x8], $0x80, $0x38;
	[tilespmem:$0x11180] =	vst v63  }
0x648: {  	s0 =	sadd.s32 $0x1B50, s29;
	s1 =	sld [smem:$0x7E9]  }
0x649: {  	[hbm4b:s0+s3] =	stream.linear.scatter [tilespmem:s31], [sflag:$0x8], $0x80, $0x38;
	[tilespmem:$0x11180] =	vst v63  }
0x64a: {  	s0 =	sadd.s32 $0x1B60, s29;
	s31 =	sld [smem:$0x7EA]  }
0x64b: {  	[hbm4b:s0+s3] =	stream.linear.scatter [tilespmem:s1], [sflag:$0x8], $0x80, $0x38;
	[tilespmem:$0x11180] =	vst v63  }
0x64c: {  	s0 =	sadd.s32 $0x1B70, s29;
	s1 =	sld [smem:$0x7EB]  }
0x64d: {  	[hbm4b:s0+s3] =	stream.linear.scatter [tilespmem:s31], [sflag:$0x8], $0x80, $0x38;
	[tilespmem:$0x11180] =	vst v63  }
0x64e: {  	s0 =	sadd.s32 $0x1F00, s29;
	s31 =	sld [smem:$0x7EC]  }
0x64f: {  	[hbm4b:s0+s3] =	stream.linear.scatter [tilespmem:s1], [sflag:$0x8], $0x80, $0x38;
	[tilespmem:$0x11180] =	vst v63  }
0x650: {  	s0 =	sadd.s32 $0x1F10, s29;
	s1 =	sld [smem:$0x7ED]  }
0x651: {  	[hbm4b:s0+s3] =	stream.linear.scatter [tilespmem:s31], [sflag:$0x8], $0x80, $0x38;
	[tilespmem:$0x11180] =	vst v63  }
0x652: {  	s0 =	sadd.s32 $0x1F20, s29;
	s31 =	sld [smem:$0x7EE]  }
0x653: {  	[hbm4b:s0+s3] =	stream.linear.scatter [tilespmem:s1], [sflag:$0x8], $0x80, $0x38;
	[tilespmem:$0x11180] =	vst v63  }
0x654: {  	s0 =	sadd.s32 $0x1F30, s29;
	s1 =	sld [smem:$0x7EF]  }
0x655: {  	[hbm4b:s0+s3] =	stream.linear.scatter [tilespmem:s31], [sflag:$0x8], $0x80, $0x38;
	[tilespmem:$0x11180] =	vst v63  }
0x656: {  	s0 =	sadd.s32 $0x1F40, s29;
	s31 =	sld [smem:$0x7F0]  }
0x657: {  	[hbm4b:s0+s3] =	stream.linear.scatter [tilespmem:s1], [sflag:$0x8], $0x80, $0x38;
	[tilespmem:$0x11180] =	vst v63  }
0x658: {  	s0 =	sadd.s32 $0x1F50, s29;
	s1 =	sld [smem:$0x7F1]  }
0x659: {  	[hbm4b:s0+s3] =	stream.linear.scatter [tilespmem:s31], [sflag:$0x8], $0x80, $0x38;
	[tilespmem:$0x11180] =	vst v63  }
0x65a: {  	s0 =	sadd.s32 $0x1F60, s29;
	s31 =	sld [smem:$0x7F2]  }
0x65b: {  	[hbm4b:s0+s3] =	stream.linear.scatter [tilespmem:s1], [sflag:$0x8], $0x80, $0x38;
	[tilespmem:$0x11180] =	vst v63  }
0x65c: {  	s0 =	sadd.s32 $0x1F70, s29;
	s1 =	sld [smem:$0x7F3]  }
0x65d: {  	[hbm4b:s0+s3] =	stream.linear.scatter [tilespmem:s31], [sflag:$0x8], $0x80, $0x38;
	[tilespmem:$0x11180] =	vst v63  }
0x65e: {  	s0 =	sadd.s32 $0x1B80, s29;
	s31 =	sld [smem:$0x7F4]  }
0x65f: {  	[hbm4b:s0+s3] =	stream.linear.scatter [tilespmem:s1], [sflag:$0x8], $0x80, $0x38;
	[tilespmem:$0x11180] =	vst v63  }
0x660: {  	s0 =	sadd.s32 $0x1B90, s29;
	s1 =	sld [smem:$0x7F5]  }
0x661: {  	[hbm4b:s0+s3] =	stream.linear.scatter [tilespmem:s31], [sflag:$0x8], $0x80, $0x38;
	[tilespmem:$0x11180] =	vst v63  }
0x662: {  	s0 =	sadd.s32 $0x1BA0, s29;
	s31 =	sld [smem:$0x7F6]  }
0x663: {  	[hbm4b:s0+s3] =	stream.linear.scatter [tilespmem:s1], [sflag:$0x8], $0x80, $0x38;
	[tilespmem:$0x11180] =	vst v63  }
0x664: {  	s0 =	sadd.s32 $0x1BB0, s29;
	s1 =	sld [smem:$0x7F7]  }
0x665: {  	[hbm4b:s0+s3] =	stream.linear.scatter [tilespmem:s31], [sflag:$0x8], $0x80, $0x38;
	[tilespmem:$0x11180] =	vst v63  }
0x666: {  	s0 =	sadd.s32 $0x1BC0, s29;
	s31 =	sld [smem:$0x7F8]  }
0x667: {  	[hbm4b:s0+s3] =	stream.linear.scatter [tilespmem:s1], [sflag:$0x8], $0x80, $0x38;
	[tilespmem:$0x11180] =	vst v63  }
0x668: {  	s0 =	sadd.s32 $0x1BD0, s29;
	s1 =	sld [smem:$0x7F9]  }
0x669: {  	[hbm4b:s0+s3] =	stream.linear.scatter [tilespmem:s31], [sflag:$0x8], $0x80, $0x38;
	[tilespmem:$0x11180] =	vst v63  }
0x66a: {  	s0 =	sadd.s32 $0x1BE0, s29;
	s31 =	sld [smem:$0x7FA]  }
0x66b: {  	[hbm4b:s0+s3] =	stream.linear.scatter [tilespmem:s1], [sflag:$0x8], $0x80, $0x38;
	[tilespmem:$0x11180] =	vst v63  }
0x66c: {  	s0 =	sadd.s32 $0x1BF0, s29;
	s1 =	sld [smem:$0x791]  }
0x66d: {  	[hbm4b:s0+s3] =	stream.linear.scatter [tilespmem:s31], [sflag:$0x8], $0x80, $0x38;
	[tilespmem:$0x11180] =	vst v63  }
0x66e: {  	s0 =	sadd.s32 $0x1F80, s29;
	s31 =	sld [smem:$0x790]  }
0x66f: {  	[hbm4b:s0+s3] =	stream.linear.scatter [tilespmem:s1], [sflag:$0x8], $0x80, $0x38;
	[tilespmem:$0x11180] =	vst v63  }
0x670: {  	s0 =	sadd.s32 $0x1F90, s29;
	s1 =	sld [smem:$0x78F]  }
0x671: {  	[hbm4b:s0+s3] =	stream.linear.scatter [tilespmem:s31], [sflag:$0x8], $0x80, $0x38;
	[tilespmem:$0x11180] =	vst v63  }
0x672: {  	s0 =	sadd.s32 $0x1FA0, s29;
	s31 =	sld [smem:$0x70F]  }
0x673: {  	[hbm4b:s0+s3] =	stream.linear.scatter [tilespmem:s1], [sflag:$0x8], $0x80, $0x38;
	[tilespmem:$0x11180] =	vst v63  }
0x674: {  	s0 =	sadd.s32 $0x1FB0, s29;
	s1 =	sld [smem:$0x70E]  }
0x675: {  	[hbm4b:s0+s3] =	stream.linear.scatter [tilespmem:s31], [sflag:$0x8], $0x80, $0x38;
	[tilespmem:$0x11180] =	vst v63  }
0x676: {  	s0 =	sadd.s32 $0x1FC0, s29;
	s31 =	sld [smem:$0x7FB]  }
0x677: {  	[hbm4b:s0+s3] =	stream.linear.scatter [tilespmem:s1], [sflag:$0x8], $0x80, $0x38;
	[tilespmem:$0x11180] =	vst v63  }
0x678: {  	s0 =	sadd.s32 $0x1FD0, s29;
	s1 =	sld [smem:$0x7FC]  }
0x679: {  	[hbm4b:s0+s3] =	stream.linear.scatter [tilespmem:s31], [sflag:$0x8], $0x80, $0x38;
	[tilespmem:$0x11180] =	vst v63  }
0x67a: {  	s0 =	sadd.s32 $0x1FE0, s29;
	s31 =	sld [smem:$0x7FD]  }
0x67b: {  	[hbm4b:s0+s3] =	stream.linear.scatter [tilespmem:s1], [sflag:$0x8], $0x80, $0x38;
	[tilespmem:$0x11180] =	vst v63  }
0x67c: {  	s29 =	sadd.s32 $0x1FF0, s29;
	s0 =	simm.s32 @!p0 $0x6  }
0x67d: {  	[hbm4b:s29+s3] =	stream.linear.scatter [tilespmem:s31], [sflag:$0x8], $0x80, $0x38;
	[tilespmem:$0x11180] =	vst v63  }
0x67e: {  	_ =	swait.ge @!p0 [sflag:s0], $0x800  }
0x67f: {  	[sflag:s0] =	ssyncset.done @!p0 $0x0  }
0x680: {  	[sflag:s0] =	ssyncadd.s32 @!p0 $0xFFFFF800  }
0x681: {  	_ =	swait.ge @!p0 [sflag:s0], $0x800  }
0x682: {  	[sflag:s0] =	ssyncset.done @!p0 $0x0  }
0x683: {  	[sflag:s0] =	ssyncadd.s32 @!p0 $0xFFFFF800  }
0x684: {  	_ =	swait.ge @!p0 [sflag:s0], $0x800  }
0x685: {  	[sflag:s0] =	ssyncset.done @!p0 $0x0  }
0x686: {  	[sflag:s0] =	ssyncadd.s32 @!p0 $0xFFFFF800  }
0x687: {  	_ =	swait.ge @!p0 [sflag:s0], $0x800  }
0x688: {  	[sflag:s0] =	ssyncset.done @!p0 $0x0  }
0x689: {  	[sflag:s0] =	ssyncadd.s32 @!p0 $0xFFFFF800  }
0x68a: {  	_ =	swait.ge @!p0 [sflag:s0], $0x800  }
0x68b: {  	[sflag:s0] =	ssyncset.done @!p0 $0x0  }
0x68c: {  	[sflag:s0] =	ssyncadd.s32 @!p0 $0xFFFFF800  }
0x68d: {  	_ =	swait.ge @!p0 [sflag:s0], $0x800  }
0x68e: {  	[sflag:s0] =	ssyncset.done @!p0 $0x0  }
0x68f: {  	[sflag:s0] =	ssyncadd.s32 @!p0 $0xFFFFF800  }
0x690: {  	_ =	swait.ge @!p0 [sflag:s0], $0x800  }
0x691: {  	[sflag:s0] =	ssyncset.done @!p0 $0x0  }
0x692: {  	[sflag:s0] =	ssyncadd.s32 @!p0 $0xFFFFF800  }
0x693: {  	_ =	swait.ge @!p0 [sflag:s0], $0x800  }
0x694: {  	[sflag:s0] =	ssyncset.done @!p0 $0x0  }
0x695: {  	[sflag:s0] =	ssyncadd.s32 @!p0 $0xFFFFF800;
	s0 =	simm.s32 @!p0 $0x4D00  }
0x696: {  	[tilespmem:s0], [sflag:$0x2] =	stream.indirect.gather @!p0 [hbm4b:s2+s30], $0x400, s25, s30, $0xb8;
	[tilespmem:$0x11180] =	vst v63  }
0x697: {  	v3 =	vld [tilespmem:s26+$0x10];
	_ =	sdelay $0x4  }
0x698: {  	v3 =	vadd.s32 v0, v3;
	_ =	sdelay $0x3  }
0x699: {  	v4 =	vld.idx.msk [tilespmem:v2+s16+$0x0], $0xffff  }
0x69a: {  	v3 =	vld.idx.msk [tilespmem:v3+s16+$0x0], $0xffff;
	_ =	sdelay $0x1  }
0x69b: {  	v5 =	vld [tilespmem:$0x11100]  }
0x69c: {  	s28 =	sadd.s32 $0x2000, s28  }
0x69d: {  	p0 =	sne.s32 s28, $0x32000  }
.Ltmp0:
0x69e: {  	v3 =	vsub.f32 v4, v3;
	(pc) =	sbr.rel @p0 .LBB2_2-.Ltmp0, $3  }
0x69f: {  	_ = 	snop  }
0x6a0: {  	v3 =	vadd.f32 v3, v5;
	_ =	sdelay $0x1  }
0x6a1: {  	s25 =	sadd.s32 $0x40, s25;
	s26 =	sadd.s32 $0x40, s26;
	[tilespmem:$0x11100] =	vst v3  }
0x6a2: {  	_ =	swait.ge [sflag:s19], $0x800  }
0x6a3: {  	[sflag:s19] =	ssyncset.done $0x0  }
0x6a4: {  	[sflag:s19] =	ssyncadd.s32 $0xFFFFF800  }
0x6a5: {  	_ =	swait.ge [sflag:s19], $0x800  }
0x6a6: {  	[sflag:s19] =	ssyncset.done $0x0  }
0x6a7: {  	[sflag:s19] =	ssyncadd.s32 $0xFFFFF800  }
0x6a8: {  	_ =	swait.ge [sflag:s19], $0x800  }
0x6a9: {  	[sflag:s19] =	ssyncset.done $0x0  }
0x6aa: {  	[sflag:s19] =	ssyncadd.s32 $0xFFFFF800  }
0x6ab: {  	_ =	swait.ge [sflag:s19], $0x800  }
0x6ac: {  	[sflag:s19] =	ssyncset.done $0x0  }
0x6ad: {  	[sflag:s19] =	ssyncadd.s32 $0xFFFFF800  }
0x6ae: {  	_ =	swait.ge [sflag:s19], $0x800  }
0x6af: {  	[sflag:s19] =	ssyncset.done $0x0  }
0x6b0: {  	[sflag:s19] =	ssyncadd.s32 $0xFFFFF800  }
0x6b1: {  	_ =	swait.ge [sflag:s19], $0x800  }
0x6b2: {  	[sflag:s19] =	ssyncset.done $0x0  }
0x6b3: {  	[sflag:s19] =	ssyncadd.s32 $0xFFFFF800  }
0x6b4: {  	_ =	swait.ge [sflag:s19], $0x800  }
0x6b5: {  	[sflag:s19] =	ssyncset.done $0x0  }
0x6b6: {  	[sflag:s19] =	ssyncadd.s32 $0xFFFFF800  }
0x6b7: {  	_ =	swait.ge [sflag:s19], $0x800  }
0x6b8: {  	[sflag:s19] =	ssyncset.done $0x0  }
0x6b9: {  	[sflag:s19] =	ssyncadd.s32 $0xFFFFF800  }
0x6ba: {  	_ =	swait.ge [sflag:s20], $0x800  }
0x6bb: {  	[sflag:s20] =	ssyncset.done $0x0  }
0x6bc: {  	[sflag:s20] =	ssyncadd.s32 $0xFFFFF800  }
0x6bd: {  	_ =	swait.ge [sflag:s20], $0x800  }
0x6be: {  	[sflag:s20] =	ssyncset.done $0x0  }
0x6bf: {  	[sflag:s20] =	ssyncadd.s32 $0xFFFFF800  }
0x6c0: {  	_ =	swait.ge [sflag:s20], $0x800  }
0x6c1: {  	[sflag:s20] =	ssyncset.done $0x0  }
0x6c2: {  	[sflag:s20] =	ssyncadd.s32 $0xFFFFF800  }
0x6c3: {  	_ =	swait.ge [sflag:s20], $0x800  }
0x6c4: {  	[sflag:s20] =	ssyncset.done $0x0  }
0x6c5: {  	[sflag:s20] =	ssyncadd.s32 $0xFFFFF800  }
0x6c6: {  	_ =	swait.ge [sflag:s20], $0x800  }
0x6c7: {  	[sflag:s20] =	ssyncset.done $0x0  }
0x6c8: {  	[sflag:s20] =	ssyncadd.s32 $0xFFFFF800  }
0x6c9: {  	_ =	swait.ge [sflag:s20], $0x800  }
0x6ca: {  	[sflag:s20] =	ssyncset.done $0x0  }
0x6cb: {  	[sflag:s20] =	ssyncadd.s32 $0xFFFFF800  }
0x6cc: {  	_ =	swait.ge [sflag:s20], $0x800  }
0x6cd: {  	[sflag:s20] =	ssyncset.done $0x0  }
0x6ce: {  	[sflag:s20] =	ssyncadd.s32 $0xFFFFF800  }
0x6cf: {  	_ =	swait.ge [sflag:s20], $0x800  }
0x6d0: {  	[sflag:s20] =	ssyncset.done $0x0  }
0x6d1: {  	[sflag:s20] =	ssyncadd.s32 $0xFFFFF800  }
0x6d2: {  	_ =	swait.ge [sflag:s21], $0x800  }
0x6d3: {  	[sflag:s21] =	ssyncset.done $0x0  }
0x6d4: {  	[sflag:s21] =	ssyncadd.s32 $0xFFFFF800  }
0x6d5: {  	_ =	swait.ge [sflag:s21], $0x800  }
0x6d6: {  	[sflag:s21] =	ssyncset.done $0x0  }
0x6d7: {  	[sflag:s21] =	ssyncadd.s32 $0xFFFFF800  }
0x6d8: {  	_ =	swait.ge [sflag:s21], $0x800  }
0x6d9: {  	[sflag:s21] =	ssyncset.done $0x0  }
0x6da: {  	[sflag:s21] =	ssyncadd.s32 $0xFFFFF800  }
0x6db: {  	_ =	swait.ge [sflag:s21], $0x800  }
0x6dc: {  	[sflag:s21] =	ssyncset.done $0x0  }
0x6dd: {  	[sflag:s21] =	ssyncadd.s32 $0xFFFFF800  }
0x6de: {  	_ =	swait.ge [sflag:s21], $0x800  }
0x6df: {  	[sflag:s21] =	ssyncset.done $0x0  }
0x6e0: {  	[sflag:s21] =	ssyncadd.s32 $0xFFFFF800  }
0x6e1: {  	_ =	swait.ge [sflag:s21], $0x800  }
0x6e2: {  	[sflag:s21] =	ssyncset.done $0x0  }
0x6e3: {  	[sflag:s21] =	ssyncadd.s32 $0xFFFFF800  }
0x6e4: {  	_ =	swait.ge [sflag:s21], $0x800  }
0x6e5: {  	[sflag:s21] =	ssyncset.done $0x0  }
0x6e6: {  	[sflag:s21] =	ssyncadd.s32 $0xFFFFF800  }
0x6e7: {  	_ =	swait.ge [sflag:s21], $0x800  }
0x6e8: {  	[sflag:s21] =	ssyncset.done $0x0  }
0x6e9: {  	[sflag:s21] =	ssyncadd.s32 $0xFFFFF800  }
0x6ea: {  	_ =	swait.ge [sflag:s22], $0x800  }
0x6eb: {  	[sflag:s22] =	ssyncset.done $0x0  }
0x6ec: {  	[sflag:s22] =	ssyncadd.s32 $0xFFFFF800  }
0x6ed: {  	_ =	swait.ge [sflag:s22], $0x800  }
0x6ee: {  	[sflag:s22] =	ssyncset.done $0x0  }
0x6ef: {  	[sflag:s22] =	ssyncadd.s32 $0xFFFFF800  }
0x6f0: {  	_ =	swait.ge [sflag:s22], $0x800  }
0x6f1: {  	[sflag:s22] =	ssyncset.done $0x0  }
0x6f2: {  	[sflag:s22] =	ssyncadd.s32 $0xFFFFF800  }
0x6f3: {  	_ =	swait.ge [sflag:s22], $0x800  }
0x6f4: {  	[sflag:s22] =	ssyncset.done $0x0  }
0x6f5: {  	[sflag:s22] =	ssyncadd.s32 $0xFFFFF800  }
0x6f6: {  	_ =	swait.ge [sflag:s22], $0x800  }
0x6f7: {  	[sflag:s22] =	ssyncset.done $0x0  }
0x6f8: {  	[sflag:s22] =	ssyncadd.s32 $0xFFFFF800  }
0x6f9: {  	_ =	swait.ge [sflag:s22], $0x800  }
0x6fa: {  	[sflag:s22] =	ssyncset.done $0x0  }
0x6fb: {  	[sflag:s22] =	ssyncadd.s32 $0xFFFFF800  }
0x6fc: {  	_ =	swait.ge [sflag:s22], $0x800  }
0x6fd: {  	[sflag:s22] =	ssyncset.done $0x0  }
0x6fe: {  	[sflag:s22] =	ssyncadd.s32 $0xFFFFF800  }
0x6ff: {  	_ =	swait.ge [sflag:s22], $0x800  }
0x700: {  	s24 =	sadd.s32 $0x1, s24;
	[sflag:s22] =	ssyncset.done $0x0  }
0x701: {  	p0 =	sne.s32 s24, s7;
	[sflag:s22] =	ssyncadd.s32 $0xFFFFF800  }
.Ltmp1:
0x702: {  	[tilespmem:$0x10D00] =	vst v3;
	(pc) =	sbr.rel @p0 .LBB2_1-.Ltmp1, $4  }
0x703: {  	[hbm4b:s6+s3] =	stream.linear.scatter [tilespmem:s23], [sflag:$0x9], $0x400, $0x38;
	[tilespmem:$0x11180] =	vst v63  }
0x704: {  	_ =	swait.ge [sflag:s8], $0x400  }
0x705: {  	[sflag:s8] =	ssyncset.done $0x0  }
0x706: {  	[sflag:s8] =	ssyncadd.s32 $0xFFFFFC00  }
0x707: {  	_ =	sfence.sel $0x180000  }
0x708: {  	[bflag:$0x0] =	sbarrier.arrive $0xFFFF  }
0x709: {  	_ =	strace $0x90000047  }
0x70a: {  	s0 =	stileid.u32;
	[bflag:$0x2] =	sbarrier.arrive $0xFFFF  }
0x70b: {  	p0 =	sne.s32 s0, $0x0;
	s0 =	rddreg [dreg:$0x2]  }
0x70c: {  	s0 =	sadd.s32 @!p0 $0x100000, s0  }
0x70d: {  	[sflag:s0] =	ssyncadd.tile.s32 @!p0 $0x1;
	_ =	shalt  }
.Lfunc_end2:
_tile_overlayer_lowered:
.L_overlay_start_2:
0x70e: {  	(tag) =	ssettag $0x2  }
0x70f: {  	s0 =	rddreg [dreg:$0x0];
	s2 =	stileid.u32  }
0x710: {  	s1 =	rddreg [dreg:$0x1];
	p0 =	sne.s32 s2, $0x0  }
0x711: {  	s3 =	rddreg [dreg:$0x2];
	[bflag:$0x3] =	sbarrier.arrive $0xFFFF;
	s2 =	simm.s32 @!p0 $0x1C09  }
0x712: {  	[timem:s3], [sflag:s2] =	dma.local @!p0 [hbm:s0], s1  }
0x713: {  	s0 =	simm.s32 @!p0 $0x9  }
0x714: {  	_ =	swait.ge @!p0 [sflag:s0], s1  }
0x715: {  	s1 =	ssub.s32 @!p0 $0x0, s1;
	[sflag:s0] =	ssyncset.done @!p0 $0x0  }
0x716: {  	[sflag:s0] =	ssyncadd.s32 @!p0 s1  }
0x717: {  	[bflag:$0x3] =	sbarrier.arrive $0xFFFF  }
0x718: {  	_ =	shalt  }

</sc_bundles>
